<compile_context>
chip_gen: v7x
topology: tpu7x:2x2x1
jax: 0.10.2.dev20260603
libtpu: 0.0.44.dev20260713+nightly
codegen_flags: <defaults>
</compile_context>

<pallas_src>
import functools

import jax
import jax.numpy as jnp
from jax import lax
from jax.experimental import pallas as pl
from jax.experimental.pallas import tpu as pltpu
from jax.experimental.pallas import tpu_sc as plsc

_NC = 2
_NS = 16
_NW = _NC * _NS
_ROW = 1024


def _seg_sum_sc(n_acc, n_blocks, width, with_ea):
  zrows = n_acc // _NS
  span = n_blocks * _ROW

  mesh = plsc.VectorSubcoreMesh(
      core_axis_name="c", subcore_axis_name="s",
      num_cores=_NC, num_subcores=_NS)

  out_type = [jax.ShapeDtypeStruct((_NC, n_acc, width), jnp.float32)]
  scratch = [
      pltpu.VMEM((span,), jnp.int32),
      pltpu.VMEM((span,), jnp.int32),
      pltpu.VMEM((2, _ROW, width), jnp.float32),
      pltpu.VMEM_SHARED((n_acc, width), jnp.float32),
      pltpu.VMEM_SHARED((n_acc, width), jnp.float32),
      [pltpu.SemaphoreType.DMA] * 2,
      [pltpu.SemaphoreType.DMA] * 2,
  ]
  if with_ea:
    out_type.append(jax.ShapeDtypeStruct((_NC, n_acc, 16), jnp.float32))
    scratch.append(pltpu.VMEM((2, _ROW, 16), jnp.float32))
    scratch.append(pltpu.VMEM((3, 2, _ROW), jnp.float32))
    scratch.append(pltpu.VMEM_SHARED((n_acc, 16), jnp.float32))
    scratch.append([pltpu.SemaphoreType.DMA] * 2)
    scratch.append([pltpu.SemaphoreType.DMA] * 2)

  def body(*refs):
    if with_ea:
      (table, srcr, dstr, ea0r, ea1r, ea2r, z_s, s_out, a_out,
       src_v, dst_v, rows_v, acc_s, tab_sp, sem_g, sem_s,
       ea_v, eac_v, acc_a, sem_e, sem_a) = refs
      ear = (ea0r, ea1r, ea2r)
    else:
      (table, srcr, dstr, z_s, s_out,
       src_v, dst_v, rows_v, acc_s, tab_sp, sem_g, sem_s) = refs

    cid = lax.axis_index("c")
    sid = lax.axis_index("s")
    wid = sid * _NC + cid

    z0 = sid * zrows
    pltpu.sync_copy(table.at[pl.ds(z0, zrows)], tab_sp.at[pl.ds(z0, zrows)])
    pltpu.sync_copy(z_s.at[pl.ds(z0, zrows)], acc_s.at[pl.ds(z0, zrows)])
    if with_ea:
      pltpu.sync_copy(z_s.at[pl.ds(z0, zrows)], acc_a.at[pl.ds(z0, zrows)])
      tmpl = jnp.where(lax.iota(jnp.int32, 16) == 3, 1.0, 0.0)
      for p in range(2):
        @pl.loop(0, _ROW)
        def _init(r, p=p):
          ea_v[p, r] = tmpl
    plsc.subcore_barrier()

    e0 = wid * span
    pltpu.sync_copy(srcr.at[pl.ds(e0, span)], src_v)
    pltpu.sync_copy(dstr.at[pl.ds(e0, span)], dst_v)

    def fire_gather(b):
      return pltpu.async_copy(tab_sp.at[src_v.at[pl.ds(b * _ROW, _ROW)]],
                              rows_v.at[b % 2], sem_g[b % 2])

    def fire_ea_loads(b):
      return [pltpu.async_copy(ear[c].at[pl.ds(e0 + b * _ROW, _ROW)],
                               eac_v.at[c, b % 2], sem_e[b % 2])
              for c in range(3)]

    def build_ea_rows(b):
      p = b % 2
      pidx = jnp.full((16,), p, jnp.int32)
      iota = lax.iota(jnp.int32, 16)

      @pl.loop(0, _ROW // 16)
      def _grp(g):
        ridx = iota + g * 16
        for c in range(3):
          vals = eac_v[c, p, pl.ds(g * 16, 16)]
          plsc.store_scatter(
              ea_v, [pidx, ridx, jnp.full((16,), c, jnp.int32)], vals)

    gd = [None] * n_blocks
    sd = [None] * n_blocks
    ed = [None] * n_blocks
    ad = [None] * n_blocks
    gd[0] = fire_gather(0)
    if with_ea:
      ed[0] = fire_ea_loads(0)
    for b in range(n_blocks):
      if b + 1 < n_blocks:
        if b >= 1:
          sd[b - 1].wait()
          if with_ea:
            ad[b - 1].wait()
        gd[b + 1] = fire_gather(b + 1)
        if with_ea:
          ed[b + 1] = fire_ea_loads(b + 1)
      gd[b].wait()
      sd[b] = pltpu.async_copy(rows_v.at[b % 2],
                               acc_s.at[dst_v.at[pl.ds(b * _ROW, _ROW)]],
                               sem_s[b % 2], add=True)
      if with_ea:
        for d in ed[b]:
          d.wait()
        build_ea_rows(b)
        ad[b] = pltpu.async_copy(ea_v.at[b % 2],
                                 acc_a.at[dst_v.at[pl.ds(b * _ROW, _ROW)]],
                                 sem_a[b % 2], add=True)
    for b in range(max(n_blocks - 2, 0), n_blocks):
      sd[b].wait()
      if with_ea:
        ad[b].wait()

    plsc.subcore_barrier()

    pltpu.sync_copy(acc_s.at[pl.ds(z0, zrows)],
                    s_out.at[cid, pl.ds(z0, zrows)])
    if with_ea:
      pltpu.sync_copy(acc_a.at[pl.ds(z0, zrows)],
                      a_out.at[cid, pl.ds(z0, zrows)])

  return pl.kernel(
      body, out_type=out_type, mesh=mesh, scratch_types=scratch,
      compiler_params=pltpu.CompilerParams(use_tc_tiling_on_sc=False,
                                           needs_layout_passes=False))


def _pre_tc(x8_ref, wl8_ref, wr8_ref, wl_ref, we_ref, be_ref,
            xl_ref, xr_ref, m1_ref, c1_ref):
  xv = x8_ref[...]
  xl_ref[...] = jnp.dot(xv, wl8_ref[...], preferred_element_type=jnp.float32)
  xr_ref[...] = jnp.dot(xv, wr8_ref[...], preferred_element_type=jnp.float32)
  wl = wl_ref[...]
  m1_ref[...] = jnp.dot(we_ref[...], wl, preferred_element_type=jnp.float32)
  c1_ref[...] = jnp.dot(be_ref[...], wl, preferred_element_type=jnp.float32)


def _mid_tc(s1a_ref, s1b_ref, a4a_ref, a4b_ref, xr_ref, cb1_ref, bb_ref,
            b1_ref, h_ref):
  nr = h_ref.shape[0]
  a4 = a4a_ref[:nr, :] + a4b_ref[:nr, :]
  amat = jnp.dot(a4, cb1_ref[...], preferred_element_type=jnp.float32)
  cntb = jnp.dot(a4, bb_ref[...], preferred_element_type=jnp.float32)
  s1 = s1a_ref[:nr, :] + s1b_ref[:nr, :]
  num = s1 + amat
  h_ref[...] = jnp.maximum(
      num / jnp.maximum(cntb, 1.0) + xr_ref[...] + b1_ref[...], 0.0)


def _out_tc(s2a_ref, s2b_ref, a4a_ref, a4b_ref, h_ref, cb2_ref, bb_ref,
            wl2k_ref, wr2k_ref, b2_ref, o_ref):
  nr = o_ref.shape[0]
  a4 = a4a_ref[:nr, :] + a4b_ref[:nr, :]
  t = (s2a_ref[:nr, :] + s2b_ref[:nr, :]
       + jnp.dot(a4, cb2_ref[...], preferred_element_type=jnp.float32))
  cntb = jnp.dot(a4, bb_ref[...], preferred_element_type=jnp.float32)
  agg = t / jnp.maximum(cntb, 1.0)
  o_ref[...] = (jnp.dot(agg, wl2k_ref[...], preferred_element_type=jnp.float32)
                + jnp.dot(h_ref[...], wr2k_ref[...],
                          preferred_element_type=jnp.float32)
                + b2_ref[...])


def kernel(x, edge_index, edge_attr, W_e1, b_e1, W_l1, b_l1, W_r1, b_r1,
           W_e2, b_e2, W_l2, b_l2, W_r2, b_r2):
  n, d_in = x.shape
  e = edge_index.shape[1]
  h_dim = W_l1.shape[1]
  d_out = W_l2.shape[1]

  blk = _NW * _ROW
  e_pad = -(-e // blk) * blk
  pad = e_pad - e
  n_blocks = e_pad // blk
  n_acc = -(-(n + 1) // (_NS * 8)) * (_NS * 8)

  src = edge_index[0]
  dst = edge_index[1]
  ea0 = edge_attr[:, 0]
  ea1 = edge_attr[:, 1]
  ea2 = edge_attr[:, 2]
  if pad:
    src = jnp.concatenate([src, jnp.zeros((pad,), jnp.int32)])
    dst = jnp.concatenate([dst, jnp.full((pad,), n, jnp.int32)])
    zpad = jnp.zeros((pad,), jnp.float32)
    ea0 = jnp.concatenate([ea0, zpad])
    ea1 = jnp.concatenate([ea1, zpad])
    ea2 = jnp.concatenate([ea2, zpad])

  z16 = jnp.zeros((n_acc, h_dim), jnp.float32)

  eye8 = jnp.eye(8, dtype=jnp.float32)
  wl8 = jnp.kron(eye8, W_l1)
  wr8 = jnp.kron(eye8, W_r1)
  e3 = jnp.zeros((h_dim, h_dim), jnp.float32).at[3, :].set(1.0)
  bb = jnp.kron(eye8, e3)
  wl2k = jnp.kron(eye8, W_l2)
  wr2k = jnp.kron(eye8, W_r2)
  x8 = x.reshape(n // 8, 8 * d_in)
  nrow = n * h_dim // 128

  xl_p, xr_p, m1, c1 = pl.pallas_call(
      _pre_tc,
      out_shape=[
          jax.ShapeDtypeStruct((nrow, 128), jnp.float32),
          jax.ShapeDtypeStruct((nrow, 128), jnp.float32),
          jax.ShapeDtypeStruct((W_e1.shape[0], h_dim), jnp.float32),
          jax.ShapeDtypeStruct((1, h_dim), jnp.float32),
      ],
  )(x8, wl8, wr8, W_l1, W_e1, b_e1.reshape(1, d_in))
  prow = n_acc * h_dim // 128
  padrows = prow - n * h_dim // 128
  xl = jnp.concatenate(
      [xl_p, jnp.zeros((padrows, 128), jnp.float32)]).reshape(n_acc, h_dim)

  seg1 = _seg_sum_sc(n_acc, n_blocks, h_dim, with_ea=True)
  s1p, a4p = seg1(xl, src, dst, ea0, ea1, ea2, z16)
  s1p = s1p.reshape(2, prow, 128)
  a4p = a4p.reshape(2, prow, 128)

  blk16 = jnp.concatenate(
      [m1, c1, jnp.zeros((h_dim - m1.shape[0] - 1, h_dim), jnp.float32)])
  cb1 = jnp.kron(eye8, blk16)
  blk16b = jnp.concatenate(
      [W_e2, b_e2.reshape(1, h_dim),
       jnp.zeros((h_dim - W_e2.shape[0] - 1, h_dim), jnp.float32)])
  cb2 = jnp.kron(eye8, blk16b)
  b1t = jnp.tile(b_l1 + b_r1, 8).reshape(1, 128)
  b2t = jnp.tile(b_l2 + b_r2, 8).reshape(1, 8 * d_out)

  h_p = pl.pallas_call(
      _mid_tc,
      out_shape=jax.ShapeDtypeStruct((nrow, 128), jnp.float32),
  )(s1p[0], s1p[1], a4p[0], a4p[1], xr_p, cb1, bb, b1t)
  h = jnp.concatenate(
      [h_p, jnp.zeros((padrows, 128), jnp.float32)]).reshape(n_acc, h_dim)

  seg2 = _seg_sum_sc(n_acc, n_blocks, h_dim, with_ea=False)
  (s2p,) = seg2(h, src, dst, z16)
  s2p = s2p.reshape(2, prow, 128)

  out_p = pl.pallas_call(
      _out_tc,
      out_shape=jax.ShapeDtypeStruct((n // 8, 8 * d_out), jnp.float32),
  )(s2p[0], s2p[1], a4p[0], a4p[1], h_p, cb2, bb, wl2k, wr2k, b2t)
  return out_p.reshape(n, d_out)

# --- scband reference (transcript-rebuilt; emitter-appended) ---
"""Pipeline reference for scband-graph-sagenet-67353677136305 (READ-ONLY COPY).

The authoritative reference and input builder live on the scoring server;
editing this copy changes nothing except your own understanding.
"""

import jax, jax.numpy as jnp
import numpy as np


def sage_conv(x, src, dst, edge_attr, W_e, b_e, W_l, b_l, W_r, b_r):
    # SAGEConv with edge features: message = x_j + lin_edge(edge_attr),
    # mean aggregation over destination nodes, then
    # out = lin_l(aggr) + lin_r(x_i)
    n = x.shape[0]
    msg = x[src] + edge_attr @ W_e + b_e
    agg = jax.ops.segment_sum(msg, dst, num_segments=n)
    cnt = jax.ops.segment_sum(jnp.ones((src.shape[0],), x.dtype), dst, num_segments=n)
    agg = agg / jnp.clip(cnt, 1.0)[:, None]
    return agg @ W_l + b_l + x @ W_r + b_r


def setup_inputs(seed: int = 0) -> dict:
    key = jax.random.key(seed)
    ks = jax.random.split(key, 16)
    N, E, D_IN, H, D_OUT, D_EDGE = 10000, 320000, 128, 16, 128, 3
    inp = {}
    inp["x"] = jax.random.normal(ks[0], (N, D_IN), dtype=jnp.float32)
    inp["edge_index"] = jax.random.randint(ks[1], (2, E), 0, N, dtype=jnp.int32)
    inp["edge_attr"] = jax.random.normal(ks[2], (E, D_EDGE), dtype=jnp.float32)
    # conv1 params (in=128 -> 16, edge_dim=3)
    inp["W_e1"] = jax.random.normal(ks[3], (D_EDGE, D_IN), dtype=jnp.float32) * 0.1
    inp["b_e1"] = jnp.zeros((D_IN,), jnp.float32)
    inp["W_l1"] = jax.random.normal(ks[4], (D_IN, H), dtype=jnp.float32) * (1.0 / np.sqrt(D_IN))
    inp["b_l1"] = jnp.zeros((H,), jnp.float32)
    inp["W_r1"] = jax.random.normal(ks[5], (D_IN, H), dtype=jnp.float32) * (1.0 / np.sqrt(D_IN))
    inp["b_r1"] = jnp.zeros((H,), jnp.float32)
    # conv2 params (16 -> out=128, edge_dim=3)
    inp["W_e2"] = jax.random.normal(ks[6], (D_EDGE, H), dtype=jnp.float32) * 0.1
    inp["b_e2"] = jnp.zeros((H,), jnp.float32)
    inp["W_l2"] = jax.random.normal(ks[7], (H, D_OUT), dtype=jnp.float32) * (1.0 / np.sqrt(H))
    inp["b_l2"] = jnp.zeros((D_OUT,), jnp.float32)
    inp["W_r2"] = jax.random.normal(ks[8], (H, D_OUT), dtype=jnp.float32) * (1.0 / np.sqrt(H))
    inp["b_r2"] = jnp.zeros((D_OUT,), jnp.float32)
    return inp


def reference(x, edge_index, edge_attr, W_e1, b_e1, W_l1, b_l1, W_r1, b_r1, W_e2, b_e2, W_l2, b_l2, W_r2, b_r2):
    src, dst = edge_index[0], edge_index[1]
    h = jax.nn.relu(sage_conv(x, src, dst, edge_attr, W_e1, b_e1, W_l1, b_l1, W_r1, b_r1))
    # F.dropout(training=self.training): identity in eval mode
    out = sage_conv(h, src, dst, edge_attr, W_e2, b_e2, W_l2, b_l2, W_r2, b_r2)
    return out

if __name__ == "__main__":
    import jax
    _d = setup_inputs()
    print(jax.jit(kernel)(*tuple(_d.values())))

</pallas_src>

<mosaic_0001>
#map = affine_map<(d0, d1) -> (0, 0)>
#map1 = affine_map<(d0, d1) -> (0)>
#map2 = affine_map<(d0, d1) -> (0, 0, 0)>
module attributes {stable_mosaic.version = 14 : i64} {
  func.func @body(%arg0: i32, %arg1: i32, %arg2: memref<10112x16xf32, #tpu.memory_space<hbm>>, %arg3: memref<327680xi32, #tpu.memory_space<hbm>>, %arg4: memref<327680xi32, #tpu.memory_space<hbm>>, %arg5: memref<327680xf32, #tpu.memory_space<hbm>>, %arg6: memref<327680xf32, #tpu.memory_space<hbm>>, %arg7: memref<327680xf32, #tpu.memory_space<hbm>>, %arg8: memref<10112x16xf32, #tpu.memory_space<hbm>>, %arg9: memref<2x10112x16xf32, #tpu.memory_space<hbm>>, %arg10: memref<2x10112x16xf32, #tpu.memory_space<hbm>>, %arg11: memref<10240xi32, #tpu.memory_space<vmem>>, %arg12: memref<10240xi32, #tpu.memory_space<vmem>>, %arg13: memref<2x1024x16xf32, #tpu.memory_space<vmem>>, %arg14: memref<10112x16xf32, #tpu.memory_space<vmem_shared>>, %arg15: memref<10112x16xf32, #tpu.memory_space<vmem_shared>>, %arg16: memref<!tpu.dma_semaphore, #tpu.memory_space<semaphore_mem>>, %arg17: memref<!tpu.dma_semaphore, #tpu.memory_space<semaphore_mem>>, %arg18: memref<!tpu.dma_semaphore, #tpu.memory_space<semaphore_mem>>, %arg19: memref<!tpu.dma_semaphore, #tpu.memory_space<semaphore_mem>>, %arg20: memref<2x1024x16xf32, #tpu.memory_space<vmem>>, %arg21: memref<3x2x1024xf32, #tpu.memory_space<vmem>>, %arg22: memref<10112x16xf32, #tpu.memory_space<vmem_shared>>, %arg23: memref<!tpu.dma_semaphore, #tpu.memory_space<semaphore_mem>>, %arg24: memref<!tpu.dma_semaphore, #tpu.memory_space<semaphore_mem>>, %arg25: memref<!tpu.dma_semaphore, #tpu.memory_space<semaphore_mem>>, %arg26: memref<!tpu.dma_semaphore, #tpu.memory_space<semaphore_mem>>) attributes {dimension_semantics = [#tpu.dimension_semantics<core_parallel>, #tpu.dimension_semantics<subcore_parallel>], iteration_bounds = array<i64: 2, 16>, scalar_prefetch = 0 : i64, scratch_operands = 16 : i64, tpu.core_type = #tpu.core_type<sc_vector_subcore>, window_params = [{transform_indices = #map}, {transform_indices = #map1}, {transform_indices = #map1}, {transform_indices = #map1}, {transform_indices = #map1}, {transform_indices = #map1}, {transform_indices = #map}, {transform_indices = #map2}, {transform_indices = #map2}]} {
    %mul3A = arith.constant 2 : i32
    %mul3A_0 = arith.muli %arg1, %mul3A : i32
    %add3A = arith.addi %mul3A_0, %arg0 : i32
    %mul3A_1 = arith.constant 632 : i32
    %mul3A_2 = arith.muli %arg1, %mul3A_1 : i32
    "tpu.region"() ({
      %run_scoped3A = tpu.sem_alloc : memref<!tpu.dma_semaphore, #tpu.memory_space<semaphore_mem>>
      %dma_start3A_1357 = arith.constant 0 : i32
      %dma_start3A_1358 = tpu.memref_slice %arg15[%mul3A_2, %dma_start3A_1357] : memref<10112x16xf32, #tpu.memory_space<vmem_shared>> -> memref<632x16xf32, #tpu.memory_space<vmem_shared>>
      %dma_start3A_1359 = arith.constant 0 : i32
      %dma_start3A_1360 = tpu.memref_slice %arg2[%mul3A_2, %dma_start3A_1359] : memref<10112x16xf32, #tpu.memory_space<hbm>> -> memref<632x16xf32, #tpu.memory_space<hbm>>
      tpu.enqueue_dma source(%dma_start3A_1360 : memref<632x16xf32, #tpu.memory_space<hbm>>) target(%dma_start3A_1358 : memref<632x16xf32, #tpu.memory_space<vmem_shared>>) target_semaphore(%run_scoped3A : memref<!tpu.dma_semaphore, #tpu.memory_space<semaphore_mem>>)
      %dma_wait3A_1361 = arith.constant 0 : i32
      %dma_wait3A_1362 = tpu.memref_slice %arg15[%mul3A_2, %dma_wait3A_1361] : memref<10112x16xf32, #tpu.memory_space<vmem_shared>> -> memref<632x16xf32, #tpu.memory_space<vmem_shared>>
      %dma_wait3A_1363 = arith.constant 0 : i32
      %dma_wait3A_1364 = tpu.memref_slice %arg2[%mul3A_2, %dma_wait3A_1363] : memref<10112x16xf32, #tpu.memory_space<hbm>> -> memref<632x16xf32, #tpu.memory_space<hbm>>
      tpu.wait_dma2 semaphore(%run_scoped3A : memref<!tpu.dma_semaphore, #tpu.memory_space<semaphore_mem>>) src(%dma_wait3A_1364 : memref<632x16xf32, #tpu.memory_space<hbm>>) dst(%dma_wait3A_1362 : memref<632x16xf32, #tpu.memory_space<vmem_shared>>)
      tpu.yield
    }) : () -> ()
    "tpu.region"() ({
      %run_scoped3A = tpu.sem_alloc : memref<!tpu.dma_semaphore, #tpu.memory_space<semaphore_mem>>
      %dma_start3A_1357 = arith.constant 0 : i32
      %dma_start3A_1358 = tpu.memref_slice %arg14[%mul3A_2, %dma_start3A_1357] : memref<10112x16xf32, #tpu.memory_space<vmem_shared>> -> memref<632x16xf32, #tpu.memory_space<vmem_shared>>
      %dma_start3A_1359 = arith.constant 0 : i32
      %dma_start3A_1360 = tpu.memref_slice %arg8[%mul3A_2, %dma_start3A_1359] : memref<10112x16xf32, #tpu.memory_space<hbm>> -> memref<632x16xf32, #tpu.memory_space<hbm>>
      tpu.enqueue_dma source(%dma_start3A_1360 : memref<632x16xf32, #tpu.memory_space<hbm>>) target(%dma_start3A_1358 : memref<632x16xf32, #tpu.memory_space<vmem_shared>>) target_semaphore(%run_scoped3A : memref<!tpu.dma_semaphore, #tpu.memory_space<semaphore_mem>>)
      %dma_wait3A_1361 = arith.constant 0 : i32
      %dma_wait3A_1362 = tpu.memref_slice %arg14[%mul3A_2, %dma_wait3A_1361] : memref<10112x16xf32, #tpu.memory_space<vmem_shared>> -> memref<632x16xf32, #tpu.memory_space<vmem_shared>>
      %dma_wait3A_1363 = arith.constant 0 : i32
      %dma_wait3A_1364 = tpu.memref_slice %arg8[%mul3A_2, %dma_wait3A_1363] : memref<10112x16xf32, #tpu.memory_space<hbm>> -> memref<632x16xf32, #tpu.memory_space<hbm>>
      tpu.wait_dma2 semaphore(%run_scoped3A : memref<!tpu.dma_semaphore, #tpu.memory_space<semaphore_mem>>) src(%dma_wait3A_1364 : memref<632x16xf32, #tpu.memory_space<hbm>>) dst(%dma_wait3A_1362 : memref<632x16xf32, #tpu.memory_space<vmem_shared>>)
      tpu.yield
    }) : () -> ()
    "tpu.region"() ({
      %run_scoped3A = tpu.sem_alloc : memref<!tpu.dma_semaphore, #tpu.memory_space<semaphore_mem>>
      %dma_start3A_1357 = arith.constant 0 : i32
      %dma_start3A_1358 = tpu.memref_slice %arg22[%mul3A_2, %dma_start3A_1357] : memref<10112x16xf32, #tpu.memory_space<vmem_shared>> -> memref<632x16xf32, #tpu.memory_space<vmem_shared>>
      %dma_start3A_1359 = arith.constant 0 : i32
      %dma_start3A_1360 = tpu.memref_slice %arg8[%mul3A_2, %dma_start3A_1359] : memref<10112x16xf32, #tpu.memory_space<hbm>> -> memref<632x16xf32, #tpu.memory_space<hbm>>
      tpu.enqueue_dma source(%dma_start3A_1360 : memref<632x16xf32, #tpu.memory_space<hbm>>) target(%dma_start3A_1358 : memref<632x16xf32, #tpu.memory_space<vmem_shared>>) target_semaphore(%run_scoped3A : memref<!tpu.dma_semaphore, #tpu.memory_space<semaphore_mem>>)
      %dma_wait3A_1361 = arith.constant 0 : i32
      %dma_wait3A_1362 = tpu.memref_slice %arg22[%mul3A_2, %dma_wait3A_1361] : memref<10112x16xf32, #tpu.memory_space<vmem_shared>> -> memref<632x16xf32, #tpu.memory_space<vmem_shared>>
      %dma_wait3A_1363 = arith.constant 0 : i32
      %dma_wait3A_1364 = tpu.memref_slice %arg8[%mul3A_2, %dma_wait3A_1363] : memref<10112x16xf32, #tpu.memory_space<hbm>> -> memref<632x16xf32, #tpu.memory_space<hbm>>
      tpu.wait_dma2 semaphore(%run_scoped3A : memref<!tpu.dma_semaphore, #tpu.memory_space<semaphore_mem>>) src(%dma_wait3A_1364 : memref<632x16xf32, #tpu.memory_space<hbm>>) dst(%dma_wait3A_1362 : memref<632x16xf32, #tpu.memory_space<vmem_shared>>)
      tpu.yield
    }) : () -> ()
    %iota3A = tpu.iota {dimensions = array<i32: 0>} : vector<16xi32>
    %eq3A = arith.constant 3 : i32
    %eq3A_3 = vector.broadcast %eq3A : i32 to vector<16xi32>
    %eq3A_4 = arith.cmpi eq, %iota3A, %eq3A_3 : vector<16xi32>
    %jit3A = arith.constant 1.000000e+00 : f32
    %jit3A_5 = arith.constant 0.000000e+00 : f32
    %broadcast_in_dim3A = vector.broadcast %jit3A : f32 to vector<16xf32>
    %broadcast_in_dim3A_6 = vector.broadcast %jit3A_5 : f32 to vector<16xf32>
    %select_n3A = arith.select %eq3A_4, %broadcast_in_dim3A, %broadcast_in_dim3A_6 : vector<16xi1>, vector<16xf32>
    %scan3A = arith.constant 0 : i32
    %scan3A_7 = arith.constant 1024 : i32
    %scan3A_8 = arith.addi %scan3A, %scan3A_7 : i32
    %scan3A_9 = arith.constant 1 : i32
    scf.for %scan3A_1357 = %scan3A to %scan3A_8 step %scan3A_9  : i32 {
      %mul3A_1358 = arith.constant 1 : i32
      %mul3A_1359 = arith.muli %scan3A_1357, %mul3A_1358 : i32
      %add3A_1360 = arith.constant 0 : i32
      %add3A_1361 = arith.addi %add3A_1360, %mul3A_1359 : i32
      %swap3A = arith.constant 0 : i32
      %swap3A_1362 = arith.index_cast %swap3A : i32 to index
      %swap3A_1363 = arith.index_cast %add3A_1361 : i32 to index
      %swap3A_1364 = arith.constant 0 : index
      %swap3A_1365 = tpu.vector_load %arg20[%swap3A_1362, %swap3A_1363, %swap3A_1364] {strides = array<i32>} : memref<2x1024x16xf32, #tpu.memory_space<vmem>>, vector<16xf32>,
      tpu.vector_store %arg20[%swap3A_1362, %swap3A_1363, %swap3A_1364], %select_n3A {strides = array<i32>} : memref<2x1024x16xf32, #tpu.memory_space<vmem>>, vector<16xf32>,
    }
    %scan3A_10 = arith.constant 1024 : i32
    %scan3A_11 = arith.constant 0 : i32
    %scan3A_12 = arith.constant 1024 : i32
    %scan3A_13 = arith.addi %scan3A_11, %scan3A_12 : i32
    %scan3A_14 = arith.constant 1 : i32
    scf.for %scan3A_1357 = %scan3A_11 to %scan3A_13 step %scan3A_14  : i32 {
      %mul3A_1358 = arith.constant 1 : i32
      %mul3A_1359 = arith.muli %scan3A_1357, %mul3A_1358 : i32
      %add3A_1360 = arith.constant 0 : i32
      %add3A_1361 = arith.addi %add3A_1360, %mul3A_1359 : i32
      %swap3A = arith.constant 1 : i32
      %swap3A_1362 = arith.index_cast %swap3A : i32 to index
      %swap3A_1363 = arith.index_cast %add3A_1361 : i32 to index
      %swap3A_1364 = arith.constant 0 : index
      %swap3A_1365 = tpu.vector_load %arg20[%swap3A_1362, %swap3A_1363, %swap3A_1364] {strides = array<i32>} : memref<2x1024x16xf32, #tpu.memory_space<vmem>>, vector<16xf32>,
      tpu.vector_store %arg20[%swap3A_1362, %swap3A_1363, %swap3A_1364], %select_n3A {strides = array<i32>} : memref<2x1024x16xf32, #tpu.memory_space<vmem>>, vector<16xf32>,
    }
    %scan3A_15 = arith.constant 1024 : i32
    %barrier3A = arith.constant 0 : index
    tpu.barrier barrier_id(%barrier3A)
    %mul3A_16 = arith.constant 10240 : i32
    %mul3A_17 = arith.muli %add3A, %mul3A_16 : i32
    "tpu.region"() ({
      %run_scoped3A = tpu.sem_alloc : memref<!tpu.dma_semaphore, #tpu.memory_space<semaphore_mem>>
      %dma_start3A_1357 = tpu.memref_slice %arg3[%mul3A_17] : memref<327680xi32, #tpu.memory_space<hbm>> -> memref<10240xi32, #tpu.memory_space<hbm>>
      %dma_start3A_1358 = tpu.memref_slice %arg3[%mul3A_17] : memref<327680xi32, #tpu.memory_space<hbm>> -> memref<10240xi32, #tpu.memory_space<hbm>>
      tpu.enqueue_dma source(%dma_start3A_1358 : memref<10240xi32, #tpu.memory_space<hbm>>) target(%arg11 : memref<10240xi32, #tpu.memory_space<vmem>>) target_semaphore(%run_scoped3A : memref<!tpu.dma_semaphore, #tpu.memory_space<semaphore_mem>>)
      %dma_wait3A_1359 = tpu.memref_slice %arg3[%mul3A_17] : memref<327680xi32, #tpu.memory_space<hbm>> -> memref<10240xi32, #tpu.memory_space<hbm>>
      %dma_wait3A_1360 = tpu.memref_slice %arg3[%mul3A_17] : memref<327680xi32, #tpu.memory_space<hbm>> -> memref<10240xi32, #tpu.memory_space<hbm>>
      tpu.wait_dma2 semaphore(%run_scoped3A : memref<!tpu.dma_semaphore, #tpu.memory_space<semaphore_mem>>) src(%dma_wait3A_1360 : memref<10240xi32, #tpu.memory_space<hbm>>) dst(%arg11 : memref<10240xi32, #tpu.memory_space<vmem>>)
      tpu.yield
    }) : () -> ()
    "tpu.region"() ({
      %run_scoped3A = tpu.sem_alloc : memref<!tpu.dma_semaphore, #tpu.memory_space<semaphore_mem>>
      %dma_start3A_1357 = tpu.memref_slice %arg4[%mul3A_17] : memref<327680xi32, #tpu.memory_space<hbm>> -> memref<10240xi32, #tpu.memory_space<hbm>>
      %dma_start3A_1358 = tpu.memref_slice %arg4[%mul3A_17] : memref<327680xi32, #tpu.memory_space<hbm>> -> memref<10240xi32, #tpu.memory_space<hbm>>
      tpu.enqueue_dma source(%dma_start3A_1358 : memref<10240xi32, #tpu.memory_space<hbm>>) target(%arg12 : memref<10240xi32, #tpu.memory_space<vmem>>) target_semaphore(%run_scoped3A : memref<!tpu.dma_semaphore, #tpu.memory_space<semaphore_mem>>)
      %dma_wait3A_1359 = tpu.memref_slice %arg4[%mul3A_17] : memref<327680xi32, #tpu.memory_space<hbm>> -> memref<10240xi32, #tpu.memory_space<hbm>>
      %dma_wait3A_1360 = tpu.memref_slice %arg4[%mul3A_17] : memref<327680xi32, #tpu.memory_space<hbm>> -> memref<10240xi32, #tpu.memory_space<hbm>>
      tpu.wait_dma2 semaphore(%run_scoped3A : memref<!tpu.dma_semaphore, #tpu.memory_space<semaphore_mem>>) src(%dma_wait3A_1360 : memref<10240xi32, #tpu.memory_space<hbm>>) dst(%arg12 : memref<10240xi32, #tpu.memory_space<vmem>>)
      tpu.yield
    }) : () -> ()
    %dma_start3A = arith.constant 0 : i32
    %dma_start3A_18 = arith.constant 0 : i32
    %dma_start3A_19 = arith.constant 0 : i32
    %dma_start3A_20 = tpu.memref_slice %arg13[%dma_start3A, %dma_start3A_18, %dma_start3A_19] : memref<2x1024x16xf32, #tpu.memory_space<vmem>> -> memref<1x1024x16xf32, #tpu.memory_space<vmem>>
    %dma_start3A_21 = tpu.memref_squeeze %dma_start3A_20 : memref<1x1024x16xf32, #tpu.memory_space<vmem>> -> memref<1024x16xf32, #tpu.memory_space<vmem>>
    %dma_start3A_22 = arith.constant 0 : i32
    %dma_start3A_23 = tpu.memref_slice %arg11[%dma_start3A_22] : memref<10240xi32, #tpu.memory_space<vmem>> -> memref<1024xi32, #tpu.memory_space<vmem>>
    %dma_start3A_24 = arith.constant 0 : i32
    %dma_start3A_25 = arith.constant 0 : i32
    %dma_start3A_26 = tpu.memref_slice %arg15[%dma_start3A_24, %dma_start3A_25] : memref<10112x16xf32, #tpu.memory_space<vmem_shared>> -> memref<10112x16xf32, #tpu.memory_space<vmem_shared>>
    tpu.enqueue_indirect_dma source(%dma_start3A_26 : memref<10112x16xf32, #tpu.memory_space<vmem_shared>>) target(%dma_start3A_21 : memref<1024x16xf32, #tpu.memory_space<vmem>>) offsets(%dma_start3A_23 : memref<1024xi32, #tpu.memory_space<vmem>>) semaphore(%arg16 : memref<!tpu.dma_semaphore, #tpu.memory_space<semaphore_mem>>)
    %add3A_27 = arith.constant 0 : i32
    %add3A_28 = arith.addi %mul3A_17, %add3A_27 : i32
    %dma_start3A_29 = arith.constant 0 : i32
    %dma_start3A_30 = arith.constant 0 : i32
    %dma_start3A_31 = arith.constant 0 : i32
    %dma_start3A_32 = tpu.memref_slice %arg21[%dma_start3A_29, %dma_start3A_30, %dma_start3A_31] : memref<3x2x1024xf32, #tpu.memory_space<vmem>> -> memref<1x1x1024xf32, #tpu.memory_space<vmem>>
    %dma_start3A_33 = tpu.memref_squeeze %dma_start3A_32 : memref<1x1x1024xf32, #tpu.memory_space<vmem>> -> memref<1024xf32, #tpu.memory_space<vmem>>
    %dma_start3A_34 = tpu.memref_slice %arg5[%add3A_28] : memref<327680xf32, #tpu.memory_space<hbm>> -> memref<1024xf32, #tpu.memory_space<hbm>>
    %dma_start3A_35 = arith.constant 0 : i32
    %dma_start3A_36 = tpu.memref_slice %arg21[%dma_start3A_29, %dma_start3A_30, %dma_start3A_35] : memref<3x2x1024xf32, #tpu.memory_space<vmem>> -> memref<1x1x1024xf32, #tpu.memory_space<vmem>>
    %dma_start3A_37 = tpu.memref_squeeze %dma_start3A_36 : memref<1x1x1024xf32, #tpu.memory_space<vmem>> -> memref<1024xf32, #tpu.memory_space<vmem>>
    %dma_start3A_38 = tpu.memref_slice %arg5[%add3A_28] : memref<327680xf32, #tpu.memory_space<hbm>> -> memref<1024xf32, #tpu.memory_space<hbm>>
    tpu.enqueue_dma source(%dma_start3A_38 : memref<1024xf32, #tpu.memory_space<hbm>>) target(%dma_start3A_37 : memref<1024xf32, #tpu.memory_space<vmem>>) target_semaphore(%arg23 : memref<!tpu.dma_semaphore, #tpu.memory_space<semaphore_mem>>)
    %add3A_39 = arith.constant 0 : i32
    %add3A_40 = arith.addi %mul3A_17, %add3A_39 : i32
    %dma_start3A_41 = arith.constant 1 : i32
    %dma_start3A_42 = arith.constant 0 : i32
    %dma_start3A_43 = arith.constant 0 : i32
    %dma_start3A_44 = tpu.memref_slice %arg21[%dma_start3A_41, %dma_start3A_42, %dma_start3A_43] : memref<3x2x1024xf32, #tpu.memory_space<vmem>> -> memref<1x1x1024xf32, #tpu.memory_space<vmem>>
    %dma_start3A_45 = tpu.memref_squeeze %dma_start3A_44 : memref<1x1x1024xf32, #tpu.memory_space<vmem>> -> memref<1024xf32, #tpu.memory_space<vmem>>
    %dma_start3A_46 = tpu.memref_slice %arg6[%add3A_40] : memref<327680xf32, #tpu.memory_space<hbm>> -> memref<1024xf32, #tpu.memory_space<hbm>>
    %dma_start3A_47 = arith.constant 0 : i32
    %dma_start3A_48 = tpu.memref_slice %arg21[%dma_start3A_41, %dma_start3A_42, %dma_start3A_47] : memref<3x2x1024xf32, #tpu.memory_space<vmem>> -> memref<1x1x1024xf32, #tpu.memory_space<vmem>>
    %dma_start3A_49 = tpu.memref_squeeze %dma_start3A_48 : memref<1x1x1024xf32, #tpu.memory_space<vmem>> -> memref<1024xf32, #tpu.memory_space<vmem>>
    %dma_start3A_50 = tpu.memref_slice %arg6[%add3A_40] : memref<327680xf32, #tpu.memory_space<hbm>> -> memref<1024xf32, #tpu.memory_space<hbm>>
    tpu.enqueue_dma source(%dma_start3A_50 : memref<1024xf32, #tpu.memory_space<hbm>>) target(%dma_start3A_49 : memref<1024xf32, #tpu.memory_space<vmem>>) target_semaphore(%arg23 : memref<!tpu.dma_semaphore, #tpu.memory_space<semaphore_mem>>)
    %add3A_51 = arith.constant 0 : i32
    %add3A_52 = arith.addi %mul3A_17, %add3A_51 : i32
    %dma_start3A_53 = arith.constant 2 : i32
    %dma_start3A_54 = arith.constant 0 : i32
    %dma_start3A_55 = arith.constant 0 : i32
    %dma_start3A_56 = tpu.memref_slice %arg21[%dma_start3A_53, %dma_start3A_54, %dma_start3A_55] : memref<3x2x1024xf32, #tpu.memory_space<vmem>> -> memref<1x1x1024xf32, #tpu.memory_space<vmem>>
    %dma_start3A_57 = tpu.memref_squeeze %dma_start3A_56 : memref<1x1x1024xf32, #tpu.memory_space<vmem>> -> memref<1024xf32, #tpu.memory_space<vmem>>
    %dma_start3A_58 = tpu.memref_slice %arg7[%add3A_52] : memref<327680xf32, #tpu.memory_space<hbm>> -> memref<1024xf32, #tpu.memory_space<hbm>>
    %dma_start3A_59 = arith.constant 0 : i32
    %dma_start3A_60 = tpu.memref_slice %arg21[%dma_start3A_53, %dma_start3A_54, %dma_start3A_59] : memref<3x2x1024xf32, #tpu.memory_space<vmem>> -> memref<1x1x1024xf32, #tpu.memory_space<vmem>>
    %dma_start3A_61 = tpu.memref_squeeze %dma_start3A_60 : memref<1x1x1024xf32, #tpu.memory_space<vmem>> -> memref<1024xf32, #tpu.memory_space<vmem>>
    %dma_start3A_62 = tpu.memref_slice %arg7[%add3A_52] : memref<327680xf32, #tpu.memory_space<hbm>> -> memref<1024xf32, #tpu.memory_space<hbm>>
    tpu.enqueue_dma source(%dma_start3A_62 : memref<1024xf32, #tpu.memory_space<hbm>>) target(%dma_start3A_61 : memref<1024xf32, #tpu.memory_space<vmem>>) target_semaphore(%arg23 : memref<!tpu.dma_semaphore, #tpu.memory_space<semaphore_mem>>)
    %dma_start3A_63 = arith.constant 1 : i32
    %dma_start3A_64 = arith.constant 0 : i32
    %dma_start3A_65 = arith.constant 0 : i32
    %dma_start3A_66 = tpu.memref_slice %arg13[%dma_start3A_63, %dma_start3A_64, %dma_start3A_65] : memref<2x1024x16xf32, #tpu.memory_space<vmem>> -> memref<1x1024x16xf32, #tpu.memory_space<vmem>>
    %dma_start3A_67 = tpu.memref_squeeze %dma_start3A_66 : memref<1x1024x16xf32, #tpu.memory_space<vmem>> -> memref<1024x16xf32, #tpu.memory_space<vmem>>
    %dma_start3A_68 = arith.constant 1024 : i32
    %dma_start3A_69 = tpu.memref_slice %arg11[%dma_start3A_68] : memref<10240xi32, #tpu.memory_space<vmem>> -> memref<1024xi32, #tpu.memory_space<vmem>>
    %dma_start3A_70 = arith.constant 0 : i32
    %dma_start3A_71 = arith.constant 0 : i32
    %dma_start3A_72 = tpu.memref_slice %arg15[%dma_start3A_70, %dma_start3A_71] : memref<10112x16xf32, #tpu.memory_space<vmem_shared>> -> memref<10112x16xf32, #tpu.memory_space<vmem_shared>>
    tpu.enqueue_indirect_dma source(%dma_start3A_72 : memref<10112x16xf32, #tpu.memory_space<vmem_shared>>) target(%dma_start3A_67 : memref<1024x16xf32, #tpu.memory_space<vmem>>) offsets(%dma_start3A_69 : memref<1024xi32, #tpu.memory_space<vmem>>) semaphore(%arg17 : memref<!tpu.dma_semaphore, #tpu.memory_space<semaphore_mem>>)
    %add3A_73 = arith.constant 1024 : i32
    %add3A_74 = arith.addi %mul3A_17, %add3A_73 : i32
    %dma_start3A_75 = arith.constant 0 : i32
    %dma_start3A_76 = arith.constant 1 : i32
    %dma_start3A_77 = arith.constant 0 : i32
    %dma_start3A_78 = tpu.memref_slice %arg21[%dma_start3A_75, %dma_start3A_76, %dma_start3A_77] : memref<3x2x1024xf32, #tpu.memory_space<vmem>> -> memref<1x1x1024xf32, #tpu.memory_space<vmem>>
    %dma_start3A_79 = tpu.memref_squeeze %dma_start3A_78 : memref<1x1x1024xf32, #tpu.memory_space<vmem>> -> memref<1024xf32, #tpu.memory_space<vmem>>
    %dma_start3A_80 = tpu.memref_slice %arg5[%add3A_74] : memref<327680xf32, #tpu.memory_space<hbm>> -> memref<1024xf32, #tpu.memory_space<hbm>>
    %dma_start3A_81 = arith.constant 0 : i32
    %dma_start3A_82 = tpu.memref_slice %arg21[%dma_start3A_75, %dma_start3A_76, %dma_start3A_81] : memref<3x2x1024xf32, #tpu.memory_space<vmem>> -> memref<1x1x1024xf32, #tpu.memory_space<vmem>>
    %dma_start3A_83 = tpu.memref_squeeze %dma_start3A_82 : memref<1x1x1024xf32, #tpu.memory_space<vmem>> -> memref<1024xf32, #tpu.memory_space<vmem>>
    %dma_start3A_84 = tpu.memref_slice %arg5[%add3A_74] : memref<327680xf32, #tpu.memory_space<hbm>> -> memref<1024xf32, #tpu.memory_space<hbm>>
    tpu.enqueue_dma source(%dma_start3A_84 : memref<1024xf32, #tpu.memory_space<hbm>>) target(%dma_start3A_83 : memref<1024xf32, #tpu.memory_space<vmem>>) target_semaphore(%arg24 : memref<!tpu.dma_semaphore, #tpu.memory_space<semaphore_mem>>)
    %add3A_85 = arith.constant 1024 : i32
    %add3A_86 = arith.addi %mul3A_17, %add3A_85 : i32
    %dma_start3A_87 = arith.constant 1 : i32
    %dma_start3A_88 = arith.constant 1 : i32
    %dma_start3A_89 = arith.constant 0 : i32
    %dma_start3A_90 = tpu.memref_slice %arg21[%dma_start3A_87, %dma_start3A_88, %dma_start3A_89] : memref<3x2x1024xf32, #tpu.memory_space<vmem>> -> memref<1x1x1024xf32, #tpu.memory_space<vmem>>
    %dma_start3A_91 = tpu.memref_squeeze %dma_start3A_90 : memref<1x1x1024xf32, #tpu.memory_space<vmem>> -> memref<1024xf32, #tpu.memory_space<vmem>>
    %dma_start3A_92 = tpu.memref_slice %arg6[%add3A_86] : memref<327680xf32, #tpu.memory_space<hbm>> -> memref<1024xf32, #tpu.memory_space<hbm>>
    %dma_start3A_93 = arith.constant 0 : i32
    %dma_start3A_94 = tpu.memref_slice %arg21[%dma_start3A_87, %dma_start3A_88, %dma_start3A_93] : memref<3x2x1024xf32, #tpu.memory_space<vmem>> -> memref<1x1x1024xf32, #tpu.memory_space<vmem>>
    %dma_start3A_95 = tpu.memref_squeeze %dma_start3A_94 : memref<1x1x1024xf32, #tpu.memory_space<vmem>> -> memref<1024xf32, #tpu.memory_space<vmem>>
    %dma_start3A_96 = tpu.memref_slice %arg6[%add3A_86] : memref<327680xf32, #tpu.memory_space<hbm>> -> memref<1024xf32, #tpu.memory_space<hbm>>
    tpu.enqueue_dma source(%dma_start3A_96 : memref<1024xf32, #tpu.memory_space<hbm>>) target(%dma_start3A_95 : memref<1024xf32, #tpu.memory_space<vmem>>) target_semaphore(%arg24 : memref<!tpu.dma_semaphore, #tpu.memory_space<semaphore_mem>>)
    %add3A_97 = arith.constant 1024 : i32
    %add3A_98 = arith.addi %mul3A_17, %add3A_97 : i32
    %dma_start3A_99 = arith.constant 2 : i32
    %dma_start3A_100 = arith.constant 1 : i32
    %dma_start3A_101 = arith.constant 0 : i32
    %dma_start3A_102 = tpu.memref_slice %arg21[%dma_start3A_99, %dma_start3A_100, %dma_start3A_101] : memref<3x2x1024xf32, #tpu.memory_space<vmem>> -> memref<1x1x1024xf32, #tpu.memory_space<vmem>>
    %dma_start3A_103 = tpu.memref_squeeze %dma_start3A_102 : memref<1x1x1024xf32, #tpu.memory_space<vmem>> -> memref<1024xf32, #tpu.memory_space<vmem>>
    %dma_start3A_104 = tpu.memref_slice %arg7[%add3A_98] : memref<327680xf32, #tpu.memory_space<hbm>> -> memref<1024xf32, #tpu.memory_space<hbm>>
    %dma_start3A_105 = arith.constant 0 : i32
    %dma_start3A_106 = tpu.memref_slice %arg21[%dma_start3A_99, %dma_start3A_100, %dma_start3A_105] : memref<3x2x1024xf32, #tpu.memory_space<vmem>> -> memref<1x1x1024xf32, #tpu.memory_space<vmem>>
    %dma_start3A_107 = tpu.memref_squeeze %dma_start3A_106 : memref<1x1x1024xf32, #tpu.memory_space<vmem>> -> memref<1024xf32, #tpu.memory_space<vmem>>
    %dma_start3A_108 = tpu.memref_slice %arg7[%add3A_98] : memref<327680xf32, #tpu.memory_space<hbm>> -> memref<1024xf32, #tpu.memory_space<hbm>>
    tpu.enqueue_dma source(%dma_start3A_108 : memref<1024xf32, #tpu.memory_space<hbm>>) target(%dma_start3A_107 : memref<1024xf32, #tpu.memory_space<vmem>>) target_semaphore(%arg24 : memref<!tpu.dma_semaphore, #tpu.memory_space<semaphore_mem>>)
    %dma_wait3A = arith.constant 0 : i32
    %dma_wait3A_109 = arith.constant 0 : i32
    %dma_wait3A_110 = arith.constant 0 : i32
    %dma_wait3A_111 = tpu.memref_slice %arg13[%dma_wait3A, %dma_wait3A_109, %dma_wait3A_110] : memref<2x1024x16xf32, #tpu.memory_space<vmem>> -> memref<1x1024x16xf32, #tpu.memory_space<vmem>>
    %dma_wait3A_112 = tpu.memref_squeeze %dma_wait3A_111 : memref<1x1024x16xf32, #tpu.memory_space<vmem>> -> memref<1024x16xf32, #tpu.memory_space<vmem>>
    %dma_wait3A_113 = arith.constant 0 : i32
    %dma_wait3A_114 = tpu.memref_slice %arg11[%dma_wait3A_113] : memref<10240xi32, #tpu.memory_space<vmem>> -> memref<1024xi32, #tpu.memory_space<vmem>>
    %dma_wait3A_115 = arith.constant 0 : i32
    %dma_wait3A_116 = arith.constant 0 : i32
    %dma_wait3A_117 = tpu.memref_slice %arg15[%dma_wait3A_115, %dma_wait3A_116] : memref<10112x16xf32, #tpu.memory_space<vmem_shared>> -> memref<10112x16xf32, #tpu.memory_space<vmem_shared>>
    tpu.wait_indirect_dma semaphore(%arg16 : memref<!tpu.dma_semaphore, #tpu.memory_space<semaphore_mem>>) src(%dma_wait3A_117 : memref<10112x16xf32, #tpu.memory_space<vmem_shared>>) dst(%dma_wait3A_112 : memref<1024x16xf32, #tpu.memory_space<vmem>>)
    %dma_start3A_118 = arith.constant 0 : i32
    %dma_start3A_119 = arith.constant 0 : i32
    %dma_start3A_120 = arith.constant 0 : i32
    %dma_start3A_121 = tpu.memref_slice %arg13[%dma_start3A_118, %dma_start3A_119, %dma_start3A_120] : memref<2x1024x16xf32, #tpu.memory_space<vmem>> -> memref<1x1024x16xf32, #tpu.memory_space<vmem>>
    %dma_start3A_122 = tpu.memref_squeeze %dma_start3A_121 : memref<1x1024x16xf32, #tpu.memory_space<vmem>> -> memref<1024x16xf32, #tpu.memory_space<vmem>>
    %dma_start3A_123 = arith.constant 0 : i32
    %dma_start3A_124 = tpu.memref_slice %arg12[%dma_start3A_123] : memref<10240xi32, #tpu.memory_space<vmem>> -> memref<1024xi32, #tpu.memory_space<vmem>>
    %dma_start3A_125 = arith.constant 0 : i32
    %dma_start3A_126 = arith.constant 0 : i32
    %dma_start3A_127 = tpu.memref_slice %arg14[%dma_start3A_125, %dma_start3A_126] : memref<10112x16xf32, #tpu.memory_space<vmem_shared>> -> memref<10112x16xf32, #tpu.memory_space<vmem_shared>>
    tpu.enqueue_indirect_dma source(%dma_start3A_122 : memref<1024x16xf32, #tpu.memory_space<vmem>>) target(%dma_start3A_127 : memref<10112x16xf32, #tpu.memory_space<vmem_shared>>) offsets(%dma_start3A_124 : memref<1024xi32, #tpu.memory_space<vmem>>) semaphore(%arg18 : memref<!tpu.dma_semaphore, #tpu.memory_space<semaphore_mem>>) {add = true}
    %dma_wait3A_128 = arith.constant 0 : i32
    %dma_wait3A_129 = arith.constant 0 : i32
    %dma_wait3A_130 = arith.constant 0 : i32
    %dma_wait3A_131 = tpu.memref_slice %arg21[%dma_wait3A_128, %dma_wait3A_129, %dma_wait3A_130] : memref<3x2x1024xf32, #tpu.memory_space<vmem>> -> memref<1x1x1024xf32, #tpu.memory_space<vmem>>
    %dma_wait3A_132 = tpu.memref_squeeze %dma_wait3A_131 : memref<1x1x1024xf32, #tpu.memory_space<vmem>> -> memref<1024xf32, #tpu.memory_space<vmem>>
    %dma_wait3A_133 = tpu.memref_slice %arg5[%add3A_28] : memref<327680xf32, #tpu.memory_space<hbm>> -> memref<1024xf32, #tpu.memory_space<hbm>>
    %dma_wait3A_134 = arith.constant 0 : i32
    %dma_wait3A_135 = tpu.memref_slice %arg21[%dma_wait3A_128, %dma_wait3A_129, %dma_wait3A_134] : memref<3x2x1024xf32, #tpu.memory_space<vmem>> -> memref<1x1x1024xf32, #tpu.memory_space<vmem>>
    %dma_wait3A_136 = tpu.memref_squeeze %dma_wait3A_135 : memref<1x1x1024xf32, #tpu.memory_space<vmem>> -> memref<1024xf32, #tpu.memory_space<vmem>>
    %dma_wait3A_137 = tpu.memref_slice %arg5[%add3A_28] : memref<327680xf32, #tpu.memory_space<hbm>> -> memref<1024xf32, #tpu.memory_space<hbm>>
    tpu.wait_dma2 semaphore(%arg23 : memref<!tpu.dma_semaphore, #tpu.memory_space<semaphore_mem>>) src(%dma_wait3A_137 : memref<1024xf32, #tpu.memory_space<hbm>>) dst(%dma_wait3A_136 : memref<1024xf32, #tpu.memory_space<vmem>>)
    %dma_wait3A_138 = arith.constant 1 : i32
    %dma_wait3A_139 = arith.constant 0 : i32
    %dma_wait3A_140 = arith.constant 0 : i32
    %dma_wait3A_141 = tpu.memref_slice %arg21[%dma_wait3A_138, %dma_wait3A_139, %dma_wait3A_140] : memref<3x2x1024xf32, #tpu.memory_space<vmem>> -> memref<1x1x1024xf32, #tpu.memory_space<vmem>>
    %dma_wait3A_142 = tpu.memref_squeeze %dma_wait3A_141 : memref<1x1x1024xf32, #tpu.memory_space<vmem>> -> memref<1024xf32, #tpu.memory_space<vmem>>
    %dma_wait3A_143 = tpu.memref_slice %arg6[%add3A_40] : memref<327680xf32, #tpu.memory_space<hbm>> -> memref<1024xf32, #tpu.memory_space<hbm>>
    %dma_wait3A_144 = arith.constant 0 : i32
    %dma_wait3A_145 = tpu.memref_slice %arg21[%dma_wait3A_138, %dma_wait3A_139, %dma_wait3A_144] : memref<3x2x1024xf32, #tpu.memory_space<vmem>> -> memref<1x1x1024xf32, #tpu.memory_space<vmem>>
    %dma_wait3A_146 = tpu.memref_squeeze %dma_wait3A_145 : memref<1x1x1024xf32, #tpu.memory_space<vmem>> -> memref<1024xf32, #tpu.memory_space<vmem>>
    %dma_wait3A_147 = tpu.memref_slice %arg6[%add3A_40] : memref<327680xf32, #tpu.memory_space<hbm>> -> memref<1024xf32, #tpu.memory_space<hbm>>
    tpu.wait_dma2 semaphore(%arg23 : memref<!tpu.dma_semaphore, #tpu.memory_space<semaphore_mem>>) src(%dma_wait3A_147 : memref<1024xf32, #tpu.memory_space<hbm>>) dst(%dma_wait3A_146 : memref<1024xf32, #tpu.memory_space<vmem>>)
    %dma_wait3A_148 = arith.constant 2 : i32
    %dma_wait3A_149 = arith.constant 0 : i32
    %dma_wait3A_150 = arith.constant 0 : i32
    %dma_wait3A_151 = tpu.memref_slice %arg21[%dma_wait3A_148, %dma_wait3A_149, %dma_wait3A_150] : memref<3x2x1024xf32, #tpu.memory_space<vmem>> -> memref<1x1x1024xf32, #tpu.memory_space<vmem>>
    %dma_wait3A_152 = tpu.memref_squeeze %dma_wait3A_151 : memref<1x1x1024xf32, #tpu.memory_space<vmem>> -> memref<1024xf32, #tpu.memory_space<vmem>>
    %dma_wait3A_153 = tpu.memref_slice %arg7[%add3A_52] : memref<327680xf32, #tpu.memory_space<hbm>> -> memref<1024xf32, #tpu.memory_space<hbm>>
    %dma_wait3A_154 = arith.constant 0 : i32
    %dma_wait3A_155 = tpu.memref_slice %arg21[%dma_wait3A_148, %dma_wait3A_149, %dma_wait3A_154] : memref<3x2x1024xf32, #tpu.memory_space<vmem>> -> memref<1x1x1024xf32, #tpu.memory_space<vmem>>
    %dma_wait3A_156 = tpu.memref_squeeze %dma_wait3A_155 : memref<1x1x1024xf32, #tpu.memory_space<vmem>> -> memref<1024xf32, #tpu.memory_space<vmem>>
    %dma_wait3A_157 = tpu.memref_slice %arg7[%add3A_52] : memref<327680xf32, #tpu.memory_space<hbm>> -> memref<1024xf32, #tpu.memory_space<hbm>>
    tpu.wait_dma2 semaphore(%arg23 : memref<!tpu.dma_semaphore, #tpu.memory_space<semaphore_mem>>) src(%dma_wait3A_157 : memref<1024xf32, #tpu.memory_space<hbm>>) dst(%dma_wait3A_156 : memref<1024xf32, #tpu.memory_space<vmem>>)
    %broadcast_in_dim3A_158 = arith.constant 0 : i32
    %broadcast_in_dim3A_159 = vector.broadcast %broadcast_in_dim3A_158 : i32 to vector<16xi32>
    %iota3A_160 = tpu.iota {dimensions = array<i32: 0>} : vector<16xi32>
    %scan3A_161 = arith.constant 0 : i32
    %scan3A_162 = arith.constant 64 : i32
    %scan3A_163 = arith.addi %scan3A_161, %scan3A_162 : i32
    %scan3A_164 = arith.constant 1 : i32
    scf.for %scan3A_1357 = %scan3A_161 to %scan3A_163 step %scan3A_164  : i32 {
      %mul3A_1358 = arith.constant 1 : i32
      %mul3A_1359 = arith.muli %scan3A_1357, %mul3A_1358 : i32
      %add3A_1360 = arith.constant 0 : i32
      %add3A_1361 = arith.addi %add3A_1360, %mul3A_1359 : i32
      %mul3A_1362 = arith.constant 16 : i32
      %mul3A_1363 = arith.muli %add3A_1361, %mul3A_1362 : i32
      %add3A_1364 = vector.broadcast %mul3A_1363 : i32 to vector<16xi32>
      %add3A_1365 = arith.addi %iota3A_160, %add3A_1364 : vector<16xi32>
      %mul3A_1366 = arith.constant 16 : i32
      %mul3A_1367 = arith.muli %add3A_1361, %mul3A_1366 : i32
      %get3A = arith.constant 0 : i32
      %get3A_1368 = arith.constant 0 : i32
      %get3A_1369 = arith.index_cast %get3A : i32 to index
      %get3A_1370 = arith.index_cast %get3A_1368 : i32 to index
      %get3A_1371 = arith.index_cast %mul3A_1367 : i32 to index
      %get3A_1372 = tpu.vector_load %arg21[%get3A_1369, %get3A_1370, %get3A_1371] {strides = array<i32>} : memref<3x2x1024xf32, #tpu.memory_space<vmem>>, vector<16xf32>,
      %broadcast_in_dim3A_1373 = arith.constant 0 : i32
      %broadcast_in_dim3A_1374 = vector.broadcast %broadcast_in_dim3A_1373 : i32 to vector<16xi32>
      tpu.vector_store_idx %arg20[%broadcast_in_dim3A_159, %add3A_1365, %broadcast_in_dim3A_1374], %get3A_1372 : memref<2x1024x16xf32, #tpu.memory_space<vmem>>[vector<16xi32>, vector<16xi32>, vector<16xi32>], vector<16xf32>,
      %mul3A_1375 = arith.constant 16 : i32
      %mul3A_1376 = arith.muli %add3A_1361, %mul3A_1375 : i32
      %get3A_1377 = arith.constant 1 : i32
      %get3A_1378 = arith.constant 0 : i32
      %get3A_1379 = arith.index_cast %get3A_1377 : i32 to index
      %get3A_1380 = arith.index_cast %get3A_1378 : i32 to index
      %get3A_1381 = arith.index_cast %mul3A_1376 : i32 to index
      %get3A_1382 = tpu.vector_load %arg21[%get3A_1379, %get3A_1380, %get3A_1381] {strides = array<i32>} : memref<3x2x1024xf32, #tpu.memory_space<vmem>>, vector<16xf32>,
      %broadcast_in_dim3A_1383 = arith.constant 1 : i32
      %broadcast_in_dim3A_1384 = vector.broadcast %broadcast_in_dim3A_1383 : i32 to vector<16xi32>
      tpu.vector_store_idx %arg20[%broadcast_in_dim3A_159, %add3A_1365, %broadcast_in_dim3A_1384], %get3A_1382 : memref<2x1024x16xf32, #tpu.memory_space<vmem>>[vector<16xi32>, vector<16xi32>, vector<16xi32>], vector<16xf32>,
      %mul3A_1385 = arith.constant 16 : i32
      %mul3A_1386 = arith.muli %add3A_1361, %mul3A_1385 : i32
      %get3A_1387 = arith.constant 2 : i32
      %get3A_1388 = arith.constant 0 : i32
      %get3A_1389 = arith.index_cast %get3A_1387 : i32 to index
      %get3A_1390 = arith.index_cast %get3A_1388 : i32 to index
      %get3A_1391 = arith.index_cast %mul3A_1386 : i32 to index
      %get3A_1392 = tpu.vector_load %arg21[%get3A_1389, %get3A_1390, %get3A_1391] {strides = array<i32>} : memref<3x2x1024xf32, #tpu.memory_space<vmem>>, vector<16xf32>,
      %broadcast_in_dim3A_1393 = arith.constant 2 : i32
      %broadcast_in_dim3A_1394 = vector.broadcast %broadcast_in_dim3A_1393 : i32 to vector<16xi32>
      tpu.vector_store_idx %arg20[%broadcast_in_dim3A_159, %add3A_1365, %broadcast_in_dim3A_1394], %get3A_1392 : memref<2x1024x16xf32, #tpu.memory_space<vmem>>[vector<16xi32>, vector<16xi32>, vector<16xi32>], vector<16xf32>,
    }
    %scan3A_165 = arith.constant 64 : i32
    %dma_start3A_166 = arith.constant 0 : i32
    %dma_start3A_167 = arith.constant 0 : i32
    %dma_start3A_168 = arith.constant 0 : i32
    %dma_start3A_169 = tpu.memref_slice %arg20[%dma_start3A_166, %dma_start3A_167, %dma_start3A_168] : memref<2x1024x16xf32, #tpu.memory_space<vmem>> -> memref<1x1024x16xf32, #tpu.memory_space<vmem>>
    %dma_start3A_170 = tpu.memref_squeeze %dma_start3A_169 : memref<1x1024x16xf32, #tpu.memory_space<vmem>> -> memref<1024x16xf32, #tpu.memory_space<vmem>>
    %dma_start3A_171 = arith.constant 0 : i32
    %dma_start3A_172 = tpu.memref_slice %arg12[%dma_start3A_171] : memref<10240xi32, #tpu.memory_space<vmem>> -> memref<1024xi32, #tpu.memory_space<vmem>>
    %dma_start3A_173 = arith.constant 0 : i32
    %dma_start3A_174 = arith.constant 0 : i32
    %dma_start3A_175 = tpu.memref_slice %arg22[%dma_start3A_173, %dma_start3A_174] : memref<10112x16xf32, #tpu.memory_space<vmem_shared>> -> memref<10112x16xf32, #tpu.memory_space<vmem_shared>>
    tpu.enqueue_indirect_dma source(%dma_start3A_170 : memref<1024x16xf32, #tpu.memory_space<vmem>>) target(%dma_start3A_175 : memref<10112x16xf32, #tpu.memory_space<vmem_shared>>) offsets(%dma_start3A_172 : memref<1024xi32, #tpu.memory_space<vmem>>) semaphore(%arg25 : memref<!tpu.dma_semaphore, #tpu.memory_space<semaphore_mem>>) {add = true}
    %dma_wait3A_176 = arith.constant 0 : i32
    %dma_wait3A_177 = arith.constant 0 : i32
    %dma_wait3A_178 = arith.constant 0 : i32
    %dma_wait3A_179 = tpu.memref_slice %arg13[%dma_wait3A_176, %dma_wait3A_177, %dma_wait3A_178] : memref<2x1024x16xf32, #tpu.memory_space<vmem>> -> memref<1x1024x16xf32, #tpu.memory_space<vmem>>
    %dma_wait3A_180 = tpu.memref_squeeze %dma_wait3A_179 : memref<1x1024x16xf32, #tpu.memory_space<vmem>> -> memref<1024x16xf32, #tpu.memory_space<vmem>>
    %dma_wait3A_181 = arith.constant 0 : i32
    %dma_wait3A_182 = tpu.memref_slice %arg12[%dma_wait3A_181] : memref<10240xi32, #tpu.memory_space<vmem>> -> memref<1024xi32, #tpu.memory_space<vmem>>
    %dma_wait3A_183 = arith.constant 0 : i32
    %dma_wait3A_184 = arith.constant 0 : i32
    %dma_wait3A_185 = tpu.memref_slice %arg14[%dma_wait3A_183, %dma_wait3A_184] : memref<10112x16xf32, #tpu.memory_space<vmem_shared>> -> memref<10112x16xf32, #tpu.memory_space<vmem_shared>>
    tpu.wait_indirect_dma semaphore(%arg18 : memref<!tpu.dma_semaphore, #tpu.memory_space<semaphore_mem>>) src(%dma_wait3A_180 : memref<1024x16xf32, #tpu.memory_space<vmem>>) dst(%dma_wait3A_185 : memref<10112x16xf32, #tpu.memory_space<vmem_shared>>)
    %dma_wait3A_186 = arith.constant 0 : i32
    %dma_wait3A_187 = arith.constant 0 : i32
    %dma_wait3A_188 = arith.constant 0 : i32
    %dma_wait3A_189 = tpu.memref_slice %arg20[%dma_wait3A_186, %dma_wait3A_187, %dma_wait3A_188] : memref<2x1024x16xf32, #tpu.memory_space<vmem>> -> memref<1x1024x16xf32, #tpu.memory_space<vmem>>
    %dma_wait3A_190 = tpu.memref_squeeze %dma_wait3A_189 : memref<1x1024x16xf32, #tpu.memory_space<vmem>> -> memref<1024x16xf32, #tpu.memory_space<vmem>>
    %dma_wait3A_191 = arith.constant 0 : i32
    %dma_wait3A_192 = tpu.memref_slice %arg12[%dma_wait3A_191] : memref<10240xi32, #tpu.memory_space<vmem>> -> memref<1024xi32, #tpu.memory_space<vmem>>
    %dma_wait3A_193 = arith.constant 0 : i32
    %dma_wait3A_194 = arith.constant 0 : i32
    %dma_wait3A_195 = tpu.memref_slice %arg22[%dma_wait3A_193, %dma_wait3A_194] : memref<10112x16xf32, #tpu.memory_space<vmem_shared>> -> memref<10112x16xf32, #tpu.memory_space<vmem_shared>>
    tpu.wait_indirect_dma semaphore(%arg25 : memref<!tpu.dma_semaphore, #tpu.memory_space<semaphore_mem>>) src(%dma_wait3A_190 : memref<1024x16xf32, #tpu.memory_space<vmem>>) dst(%dma_wait3A_195 : memref<10112x16xf32, #tpu.memory_space<vmem_shared>>)
    %dma_start3A_196 = arith.constant 0 : i32
    %dma_start3A_197 = arith.constant 0 : i32
    %dma_start3A_198 = arith.constant 0 : i32
    %dma_start3A_199 = tpu.memref_slice %arg13[%dma_start3A_196, %dma_start3A_197, %dma_start3A_198] : memref<2x1024x16xf32, #tpu.memory_space<vmem>> -> memref<1x1024x16xf32, #tpu.memory_space<vmem>>
    %dma_start3A_200 = tpu.memref_squeeze %dma_start3A_199 : memref<1x1024x16xf32, #tpu.memory_space<vmem>> -> memref<1024x16xf32, #tpu.memory_space<vmem>>
    %dma_start3A_201 = arith.constant 2048 : i32
    %dma_start3A_202 = tpu.memref_slice %arg11[%dma_start3A_201] : memref<10240xi32, #tpu.memory_space<vmem>> -> memref<1024xi32, #tpu.memory_space<vmem>>
    %dma_start3A_203 = arith.constant 0 : i32
    %dma_start3A_204 = arith.constant 0 : i32
    %dma_start3A_205 = tpu.memref_slice %arg15[%dma_start3A_203, %dma_start3A_204] : memref<10112x16xf32, #tpu.memory_space<vmem_shared>> -> memref<10112x16xf32, #tpu.memory_space<vmem_shared>>
    tpu.enqueue_indirect_dma source(%dma_start3A_205 : memref<10112x16xf32, #tpu.memory_space<vmem_shared>>) target(%dma_start3A_200 : memref<1024x16xf32, #tpu.memory_space<vmem>>) offsets(%dma_start3A_202 : memref<1024xi32, #tpu.memory_space<vmem>>) semaphore(%arg16 : memref<!tpu.dma_semaphore, #tpu.memory_space<semaphore_mem>>)
    %add3A_206 = arith.constant 2048 : i32
    %add3A_207 = arith.addi %mul3A_17, %add3A_206 : i32
    %dma_start3A_208 = arith.constant 0 : i32
    %dma_start3A_209 = arith.constant 0 : i32
    %dma_start3A_210 = arith.constant 0 : i32
    %dma_start3A_211 = tpu.memref_slice %arg21[%dma_start3A_208, %dma_start3A_209, %dma_start3A_210] : memref<3x2x1024xf32, #tpu.memory_space<vmem>> -> memref<1x1x1024xf32, #tpu.memory_space<vmem>>
    %dma_start3A_212 = tpu.memref_squeeze %dma_start3A_211 : memref<1x1x1024xf32, #tpu.memory_space<vmem>> -> memref<1024xf32, #tpu.memory_space<vmem>>
    %dma_start3A_213 = tpu.memref_slice %arg5[%add3A_207] : memref<327680xf32, #tpu.memory_space<hbm>> -> memref<1024xf32, #tpu.memory_space<hbm>>
    %dma_start3A_214 = arith.constant 0 : i32
    %dma_start3A_215 = tpu.memref_slice %arg21[%dma_start3A_208, %dma_start3A_209, %dma_start3A_214] : memref<3x2x1024xf32, #tpu.memory_space<vmem>> -> memref<1x1x1024xf32, #tpu.memory_space<vmem>>
    %dma_start3A_216 = tpu.memref_squeeze %dma_start3A_215 : memref<1x1x1024xf32, #tpu.memory_space<vmem>> -> memref<1024xf32, #tpu.memory_space<vmem>>
    %dma_start3A_217 = tpu.memref_slice %arg5[%add3A_207] : memref<327680xf32, #tpu.memory_space<hbm>> -> memref<1024xf32, #tpu.memory_space<hbm>>
    tpu.enqueue_dma source(%dma_start3A_217 : memref<1024xf32, #tpu.memory_space<hbm>>) target(%dma_start3A_216 : memref<1024xf32, #tpu.memory_space<vmem>>) target_semaphore(%arg23 : memref<!tpu.dma_semaphore, #tpu.memory_space<semaphore_mem>>)
    %add3A_218 = arith.constant 2048 : i32
    %add3A_219 = arith.addi %mul3A_17, %add3A_218 : i32
    %dma_start3A_220 = arith.constant 1 : i32
    %dma_start3A_221 = arith.constant 0 : i32
    %dma_start3A_222 = arith.constant 0 : i32
    %dma_start3A_223 = tpu.memref_slice %arg21[%dma_start3A_220, %dma_start3A_221, %dma_start3A_222] : memref<3x2x1024xf32, #tpu.memory_space<vmem>> -> memref<1x1x1024xf32, #tpu.memory_space<vmem>>
    %dma_start3A_224 = tpu.memref_squeeze %dma_start3A_223 : memref<1x1x1024xf32, #tpu.memory_space<vmem>> -> memref<1024xf32, #tpu.memory_space<vmem>>
    %dma_start3A_225 = tpu.memref_slice %arg6[%add3A_219] : memref<327680xf32, #tpu.memory_space<hbm>> -> memref<1024xf32, #tpu.memory_space<hbm>>
    %dma_start3A_226 = arith.constant 0 : i32
    %dma_start3A_227 = tpu.memref_slice %arg21[%dma_start3A_220, %dma_start3A_221, %dma_start3A_226] : memref<3x2x1024xf32, #tpu.memory_space<vmem>> -> memref<1x1x1024xf32, #tpu.memory_space<vmem>>
    %dma_start3A_228 = tpu.memref_squeeze %dma_start3A_227 : memref<1x1x1024xf32, #tpu.memory_space<vmem>> -> memref<1024xf32, #tpu.memory_space<vmem>>
    %dma_start3A_229 = tpu.memref_slice %arg6[%add3A_219] : memref<327680xf32, #tpu.memory_space<hbm>> -> memref<1024xf32, #tpu.memory_space<hbm>>
    tpu.enqueue_dma source(%dma_start3A_229 : memref<1024xf32, #tpu.memory_space<hbm>>) target(%dma_start3A_228 : memref<1024xf32, #tpu.memory_space<vmem>>) target_semaphore(%arg23 : memref<!tpu.dma_semaphore, #tpu.memory_space<semaphore_mem>>)
    %add3A_230 = arith.constant 2048 : i32
    %add3A_231 = arith.addi %mul3A_17, %add3A_230 : i32
    %dma_start3A_232 = arith.constant 2 : i32
    %dma_start3A_233 = arith.constant 0 : i32
    %dma_start3A_234 = arith.constant 0 : i32
    %dma_start3A_235 = tpu.memref_slice %arg21[%dma_start3A_232, %dma_start3A_233, %dma_start3A_234] : memref<3x2x1024xf32, #tpu.memory_space<vmem>> -> memref<1x1x1024xf32, #tpu.memory_space<vmem>>
    %dma_start3A_236 = tpu.memref_squeeze %dma_start3A_235 : memref<1x1x1024xf32, #tpu.memory_space<vmem>> -> memref<1024xf32, #tpu.memory_space<vmem>>
    %dma_start3A_237 = tpu.memref_slice %arg7[%add3A_231] : memref<327680xf32, #tpu.memory_space<hbm>> -> memref<1024xf32, #tpu.memory_space<hbm>>
    %dma_start3A_238 = arith.constant 0 : i32
    %dma_start3A_239 = tpu.memref_slice %arg21[%dma_start3A_232, %dma_start3A_233, %dma_start3A_238] : memref<3x2x1024xf32, #tpu.memory_space<vmem>> -> memref<1x1x1024xf32, #tpu.memory_space<vmem>>
    %dma_start3A_240 = tpu.memref_squeeze %dma_start3A_239 : memref<1x1x1024xf32, #tpu.memory_space<vmem>> -> memref<1024xf32, #tpu.memory_space<vmem>>
    %dma_start3A_241 = tpu.memref_slice %arg7[%add3A_231] : memref<327680xf32, #tpu.memory_space<hbm>> -> memref<1024xf32, #tpu.memory_space<hbm>>
    tpu.enqueue_dma source(%dma_start3A_241 : memref<1024xf32, #tpu.memory_space<hbm>>) target(%dma_start3A_240 : memref<1024xf32, #tpu.memory_space<vmem>>) target_semaphore(%arg23 : memref<!tpu.dma_semaphore, #tpu.memory_space<semaphore_mem>>)
    %dma_wait3A_242 = arith.constant 1 : i32
    %dma_wait3A_243 = arith.constant 0 : i32
    %dma_wait3A_244 = arith.constant 0 : i32
    %dma_wait3A_245 = tpu.memref_slice %arg13[%dma_wait3A_242, %dma_wait3A_243, %dma_wait3A_244] : memref<2x1024x16xf32, #tpu.memory_space<vmem>> -> memref<1x1024x16xf32, #tpu.memory_space<vmem>>
    %dma_wait3A_246 = tpu.memref_squeeze %dma_wait3A_245 : memref<1x1024x16xf32, #tpu.memory_space<vmem>> -> memref<1024x16xf32, #tpu.memory_space<vmem>>
    %dma_wait3A_247 = arith.constant 1024 : i32
    %dma_wait3A_248 = tpu.memref_slice %arg11[%dma_wait3A_247] : memref<10240xi32, #tpu.memory_space<vmem>> -> memref<1024xi32, #tpu.memory_space<vmem>>
    %dma_wait3A_249 = arith.constant 0 : i32
    %dma_wait3A_250 = arith.constant 0 : i32
    %dma_wait3A_251 = tpu.memref_slice %arg15[%dma_wait3A_249, %dma_wait3A_250] : memref<10112x16xf32, #tpu.memory_space<vmem_shared>> -> memref<10112x16xf32, #tpu.memory_space<vmem_shared>>
    tpu.wait_indirect_dma semaphore(%arg17 : memref<!tpu.dma_semaphore, #tpu.memory_space<semaphore_mem>>) src(%dma_wait3A_251 : memref<10112x16xf32, #tpu.memory_space<vmem_shared>>) dst(%dma_wait3A_246 : memref<1024x16xf32, #tpu.memory_space<vmem>>)
    %dma_start3A_252 = arith.constant 1 : i32
    %dma_start3A_253 = arith.constant 0 : i32
    %dma_start3A_254 = arith.constant 0 : i32
    %dma_start3A_255 = tpu.memref_slice %arg13[%dma_start3A_252, %dma_start3A_253, %dma_start3A_254] : memref<2x1024x16xf32, #tpu.memory_space<vmem>> -> memref<1x1024x16xf32, #tpu.memory_space<vmem>>
    %dma_start3A_256 = tpu.memref_squeeze %dma_start3A_255 : memref<1x1024x16xf32, #tpu.memory_space<vmem>> -> memref<1024x16xf32, #tpu.memory_space<vmem>>
    %dma_start3A_257 = arith.constant 1024 : i32
    %dma_start3A_258 = tpu.memref_slice %arg12[%dma_start3A_257] : memref<10240xi32, #tpu.memory_space<vmem>> -> memref<1024xi32, #tpu.memory_space<vmem>>
    %dma_start3A_259 = arith.constant 0 : i32
    %dma_start3A_260 = arith.constant 0 : i32
    %dma_start3A_261 = tpu.memref_slice %arg14[%dma_start3A_259, %dma_start3A_260] : memref<10112x16xf32, #tpu.memory_space<vmem_shared>> -> memref<10112x16xf32, #tpu.memory_space<vmem_shared>>
    tpu.enqueue_indirect_dma source(%dma_start3A_256 : memref<1024x16xf32, #tpu.memory_space<vmem>>) target(%dma_start3A_261 : memref<10112x16xf32, #tpu.memory_space<vmem_shared>>) offsets(%dma_start3A_258 : memref<1024xi32, #tpu.memory_space<vmem>>) semaphore(%arg19 : memref<!tpu.dma_semaphore, #tpu.memory_space<semaphore_mem>>) {add = true}
    %dma_wait3A_262 = arith.constant 0 : i32
    %dma_wait3A_263 = arith.constant 1 : i32
    %dma_wait3A_264 = arith.constant 0 : i32
    %dma_wait3A_265 = tpu.memref_slice %arg21[%dma_wait3A_262, %dma_wait3A_263, %dma_wait3A_264] : memref<3x2x1024xf32, #tpu.memory_space<vmem>> -> memref<1x1x1024xf32, #tpu.memory_space<vmem>>
    %dma_wait3A_266 = tpu.memref_squeeze %dma_wait3A_265 : memref<1x1x1024xf32, #tpu.memory_space<vmem>> -> memref<1024xf32, #tpu.memory_space<vmem>>
    %dma_wait3A_267 = tpu.memref_slice %arg5[%add3A_74] : memref<327680xf32, #tpu.memory_space<hbm>> -> memref<1024xf32, #tpu.memory_space<hbm>>
    %dma_wait3A_268 = arith.constant 0 : i32
    %dma_wait3A_269 = tpu.memref_slice %arg21[%dma_wait3A_262, %dma_wait3A_263, %dma_wait3A_268] : memref<3x2x1024xf32, #tpu.memory_space<vmem>> -> memref<1x1x1024xf32, #tpu.memory_space<vmem>>
    %dma_wait3A_270 = tpu.memref_squeeze %dma_wait3A_269 : memref<1x1x1024xf32, #tpu.memory_space<vmem>> -> memref<1024xf32, #tpu.memory_space<vmem>>
    %dma_wait3A_271 = tpu.memref_slice %arg5[%add3A_74] : memref<327680xf32, #tpu.memory_space<hbm>> -> memref<1024xf32, #tpu.memory_space<hbm>>
    tpu.wait_dma2 semaphore(%arg24 : memref<!tpu.dma_semaphore, #tpu.memory_space<semaphore_mem>>) src(%dma_wait3A_271 : memref<1024xf32, #tpu.memory_space<hbm>>) dst(%dma_wait3A_270 : memref<1024xf32, #tpu.memory_space<vmem>>)
    %dma_wait3A_272 = arith.constant 1 : i32
    %dma_wait3A_273 = arith.constant 1 : i32
    %dma_wait3A_274 = arith.constant 0 : i32
    %dma_wait3A_275 = tpu.memref_slice %arg21[%dma_wait3A_272, %dma_wait3A_273, %dma_wait3A_274] : memref<3x2x1024xf32, #tpu.memory_space<vmem>> -> memref<1x1x1024xf32, #tpu.memory_space<vmem>>
    %dma_wait3A_276 = tpu.memref_squeeze %dma_wait3A_275 : memref<1x1x1024xf32, #tpu.memory_space<vmem>> -> memref<1024xf32, #tpu.memory_space<vmem>>
    %dma_wait3A_277 = tpu.memref_slice %arg6[%add3A_86] : memref<327680xf32, #tpu.memory_space<hbm>> -> memref<1024xf32, #tpu.memory_space<hbm>>
    %dma_wait3A_278 = arith.constant 0 : i32
    %dma_wait3A_279 = tpu.memref_slice %arg21[%dma_wait3A_272, %dma_wait3A_273, %dma_wait3A_278] : memref<3x2x1024xf32, #tpu.memory_space<vmem>> -> memref<1x1x1024xf32, #tpu.memory_space<vmem>>
    %dma_wait3A_280 = tpu.memref_squeeze %dma_wait3A_279 : memref<1x1x1024xf32, #tpu.memory_space<vmem>> -> memref<1024xf32, #tpu.memory_space<vmem>>
    %dma_wait3A_281 = tpu.memref_slice %arg6[%add3A_86] : memref<327680xf32, #tpu.memory_space<hbm>> -> memref<1024xf32, #tpu.memory_space<hbm>>
    tpu.wait_dma2 semaphore(%arg24 : memref<!tpu.dma_semaphore, #tpu.memory_space<semaphore_mem>>) src(%dma_wait3A_281 : memref<1024xf32, #tpu.memory_space<hbm>>) dst(%dma_wait3A_280 : memref<1024xf32, #tpu.memory_space<vmem>>)
    %dma_wait3A_282 = arith.constant 2 : i32
    %dma_wait3A_283 = arith.constant 1 : i32
    %dma_wait3A_284 = arith.constant 0 : i32
    %dma_wait3A_285 = tpu.memref_slice %arg21[%dma_wait3A_282, %dma_wait3A_283, %dma_wait3A_284] : memref<3x2x1024xf32, #tpu.memory_space<vmem>> -> memref<1x1x1024xf32, #tpu.memory_space<vmem>>
    %dma_wait3A_286 = tpu.memref_squeeze %dma_wait3A_285 : memref<1x1x1024xf32, #tpu.memory_space<vmem>> -> memref<1024xf32, #tpu.memory_space<vmem>>
    %dma_wait3A_287 = tpu.memref_slice %arg7[%add3A_98] : memref<327680xf32, #tpu.memory_space<hbm>> -> memref<1024xf32, #tpu.memory_space<hbm>>
    %dma_wait3A_288 = arith.constant 0 : i32
    %dma_wait3A_289 = tpu.memref_slice %arg21[%dma_wait3A_282, %dma_wait3A_283, %dma_wait3A_288] : memref<3x2x1024xf32, #tpu.memory_space<vmem>> -> memref<1x1x1024xf32, #tpu.memory_space<vmem>>
    %dma_wait3A_290 = tpu.memref_squeeze %dma_wait3A_289 : memref<1x1x1024xf32, #tpu.memory_space<vmem>> -> memref<1024xf32, #tpu.memory_space<vmem>>
    %dma_wait3A_291 = tpu.memref_slice %arg7[%add3A_98] : memref<327680xf32, #tpu.memory_space<hbm>> -> memref<1024xf32, #tpu.memory_space<hbm>>
    tpu.wait_dma2 semaphore(%arg24 : memref<!tpu.dma_semaphore, #tpu.memory_space<semaphore_mem>>) src(%dma_wait3A_291 : memref<1024xf32, #tpu.memory_space<hbm>>) dst(%dma_wait3A_290 : memref<1024xf32, #tpu.memory_space<vmem>>)
    %broadcast_in_dim3A_292 = arith.constant 1 : i32
    %broadcast_in_dim3A_293 = vector.broadcast %broadcast_in_dim3A_292 : i32 to vector<16xi32>
    %iota3A_294 = tpu.iota {dimensions = array<i32: 0>} : vector<16xi32>
    %scan3A_295 = arith.constant 0 : i32
    %scan3A_296 = arith.constant 64 : i32
    %scan3A_297 = arith.addi %scan3A_295, %scan3A_296 : i32
    %scan3A_298 = arith.constant 1 : i32
    scf.for %scan3A_1357 = %scan3A_295 to %scan3A_297 step %scan3A_298  : i32 {
      %mul3A_1358 = arith.constant 1 : i32
      %mul3A_1359 = arith.muli %scan3A_1357, %mul3A_1358 : i32
      %add3A_1360 = arith.constant 0 : i32
      %add3A_1361 = arith.addi %add3A_1360, %mul3A_1359 : i32
      %mul3A_1362 = arith.constant 16 : i32
      %mul3A_1363 = arith.muli %add3A_1361, %mul3A_1362 : i32
      %add3A_1364 = vector.broadcast %mul3A_1363 : i32 to vector<16xi32>
      %add3A_1365 = arith.addi %iota3A_294, %add3A_1364 : vector<16xi32>
      %mul3A_1366 = arith.constant 16 : i32
      %mul3A_1367 = arith.muli %add3A_1361, %mul3A_1366 : i32
      %get3A = arith.constant 0 : i32
      %get3A_1368 = arith.constant 1 : i32
      %get3A_1369 = arith.index_cast %get3A : i32 to index
      %get3A_1370 = arith.index_cast %get3A_1368 : i32 to index
      %get3A_1371 = arith.index_cast %mul3A_1367 : i32 to index
      %get3A_1372 = tpu.vector_load %arg21[%get3A_1369, %get3A_1370, %get3A_1371] {strides = array<i32>} : memref<3x2x1024xf32, #tpu.memory_space<vmem>>, vector<16xf32>,
      %broadcast_in_dim3A_1373 = arith.constant 0 : i32
      %broadcast_in_dim3A_1374 = vector.broadcast %broadcast_in_dim3A_1373 : i32 to vector<16xi32>
      tpu.vector_store_idx %arg20[%broadcast_in_dim3A_293, %add3A_1365, %broadcast_in_dim3A_1374], %get3A_1372 : memref<2x1024x16xf32, #tpu.memory_space<vmem>>[vector<16xi32>, vector<16xi32>, vector<16xi32>], vector<16xf32>,
      %mul3A_1375 = arith.constant 16 : i32
      %mul3A_1376 = arith.muli %add3A_1361, %mul3A_1375 : i32
      %get3A_1377 = arith.constant 1 : i32
      %get3A_1378 = arith.constant 1 : i32
      %get3A_1379 = arith.index_cast %get3A_1377 : i32 to index
      %get3A_1380 = arith.index_cast %get3A_1378 : i32 to index
      %get3A_1381 = arith.index_cast %mul3A_1376 : i32 to index
      %get3A_1382 = tpu.vector_load %arg21[%get3A_1379, %get3A_1380, %get3A_1381] {strides = array<i32>} : memref<3x2x1024xf32, #tpu.memory_space<vmem>>, vector<16xf32>,
      %broadcast_in_dim3A_1383 = arith.constant 1 : i32
      %broadcast_in_dim3A_1384 = vector.broadcast %broadcast_in_dim3A_1383 : i32 to vector<16xi32>
      tpu.vector_store_idx %arg20[%broadcast_in_dim3A_293, %add3A_1365, %broadcast_in_dim3A_1384], %get3A_1382 : memref<2x1024x16xf32, #tpu.memory_space<vmem>>[vector<16xi32>, vector<16xi32>, vector<16xi32>], vector<16xf32>,
      %mul3A_1385 = arith.constant 16 : i32
      %mul3A_1386 = arith.muli %add3A_1361, %mul3A_1385 : i32
      %get3A_1387 = arith.constant 2 : i32
      %get3A_1388 = arith.constant 1 : i32
      %get3A_1389 = arith.index_cast %get3A_1387 : i32 to index
      %get3A_1390 = arith.index_cast %get3A_1388 : i32 to index
      %get3A_1391 = arith.index_cast %mul3A_1386 : i32 to index
      %get3A_1392 = tpu.vector_load %arg21[%get3A_1389, %get3A_1390, %get3A_1391] {strides = array<i32>} : memref<3x2x1024xf32, #tpu.memory_space<vmem>>, vector<16xf32>,
      %broadcast_in_dim3A_1393 = arith.constant 2 : i32
      %broadcast_in_dim3A_1394 = vector.broadcast %broadcast_in_dim3A_1393 : i32 to vector<16xi32>
      tpu.vector_store_idx %arg20[%broadcast_in_dim3A_293, %add3A_1365, %broadcast_in_dim3A_1394], %get3A_1392 : memref<2x1024x16xf32, #tpu.memory_space<vmem>>[vector<16xi32>, vector<16xi32>, vector<16xi32>], vector<16xf32>,
    }
    %scan3A_299 = arith.constant 64 : i32
    %dma_start3A_300 = arith.constant 1 : i32
    %dma_start3A_301 = arith.constant 0 : i32
    %dma_start3A_302 = arith.constant 0 : i32
    %dma_start3A_303 = tpu.memref_slice %arg20[%dma_start3A_300, %dma_start3A_301, %dma_start3A_302] : memref<2x1024x16xf32, #tpu.memory_space<vmem>> -> memref<1x1024x16xf32, #tpu.memory_space<vmem>>
    %dma_start3A_304 = tpu.memref_squeeze %dma_start3A_303 : memref<1x1024x16xf32, #tpu.memory_space<vmem>> -> memref<1024x16xf32, #tpu.memory_space<vmem>>
    %dma_start3A_305 = arith.constant 1024 : i32
    %dma_start3A_306 = tpu.memref_slice %arg12[%dma_start3A_305] : memref<10240xi32, #tpu.memory_space<vmem>> -> memref<1024xi32, #tpu.memory_space<vmem>>
    %dma_start3A_307 = arith.constant 0 : i32
    %dma_start3A_308 = arith.constant 0 : i32
    %dma_start3A_309 = tpu.memref_slice %arg22[%dma_start3A_307, %dma_start3A_308] : memref<10112x16xf32, #tpu.memory_space<vmem_shared>> -> memref<10112x16xf32, #tpu.memory_space<vmem_shared>>
    tpu.enqueue_indirect_dma source(%dma_start3A_304 : memref<1024x16xf32, #tpu.memory_space<vmem>>) target(%dma_start3A_309 : memref<10112x16xf32, #tpu.memory_space<vmem_shared>>) offsets(%dma_start3A_306 : memref<1024xi32, #tpu.memory_space<vmem>>) semaphore(%arg26 : memref<!tpu.dma_semaphore, #tpu.memory_space<semaphore_mem>>) {add = true}
    %dma_wait3A_310 = arith.constant 1 : i32
    %dma_wait3A_311 = arith.constant 0 : i32
    %dma_wait3A_312 = arith.constant 0 : i32
    %dma_wait3A_313 = tpu.memref_slice %arg13[%dma_wait3A_310, %dma_wait3A_311, %dma_wait3A_312] : memref<2x1024x16xf32, #tpu.memory_space<vmem>> -> memref<1x1024x16xf32, #tpu.memory_space<vmem>>
    %dma_wait3A_314 = tpu.memref_squeeze %dma_wait3A_313 : memref<1x1024x16xf32, #tpu.memory_space<vmem>> -> memref<1024x16xf32, #tpu.memory_space<vmem>>
    %dma_wait3A_315 = arith.constant 1024 : i32
    %dma_wait3A_316 = tpu.memref_slice %arg12[%dma_wait3A_315] : memref<10240xi32, #tpu.memory_space<vmem>> -> memref<1024xi32, #tpu.memory_space<vmem>>
    %dma_wait3A_317 = arith.constant 0 : i32
    %dma_wait3A_318 = arith.constant 0 : i32
    %dma_wait3A_319 = tpu.memref_slice %arg14[%dma_wait3A_317, %dma_wait3A_318] : memref<10112x16xf32, #tpu.memory_space<vmem_shared>> -> memref<10112x16xf32, #tpu.memory_space<vmem_shared>>
    tpu.wait_indirect_dma semaphore(%arg19 : memref<!tpu.dma_semaphore, #tpu.memory_space<semaphore_mem>>) src(%dma_wait3A_314 : memref<1024x16xf32, #tpu.memory_space<vmem>>) dst(%dma_wait3A_319 : memref<10112x16xf32, #tpu.memory_space<vmem_shared>>)
    %dma_wait3A_320 = arith.constant 1 : i32
    %dma_wait3A_321 = arith.constant 0 : i32
    %dma_wait3A_322 = arith.constant 0 : i32
    %dma_wait3A_323 = tpu.memref_slice %arg20[%dma_wait3A_320, %dma_wait3A_321, %dma_wait3A_322] : memref<2x1024x16xf32, #tpu.memory_space<vmem>> -> memref<1x1024x16xf32, #tpu.memory_space<vmem>>
    %dma_wait3A_324 = tpu.memref_squeeze %dma_wait3A_323 : memref<1x1024x16xf32, #tpu.memory_space<vmem>> -> memref<1024x16xf32, #tpu.memory_space<vmem>>
    %dma_wait3A_325 = arith.constant 1024 : i32
    %dma_wait3A_326 = tpu.memref_slice %arg12[%dma_wait3A_325] : memref<10240xi32, #tpu.memory_space<vmem>> -> memref<1024xi32, #tpu.memory_space<vmem>>
    %dma_wait3A_327 = arith.constant 0 : i32
    %dma_wait3A_328 = arith.constant 0 : i32
    %dma_wait3A_329 = tpu.memref_slice %arg22[%dma_wait3A_327, %dma_wait3A_328] : memref<10112x16xf32, #tpu.memory_space<vmem_shared>> -> memref<10112x16xf32, #tpu.memory_space<vmem_shared>>
    tpu.wait_indirect_dma semaphore(%arg26 : memref<!tpu.dma_semaphore, #tpu.memory_space<semaphore_mem>>) src(%dma_wait3A_324 : memref<1024x16xf32, #tpu.memory_space<vmem>>) dst(%dma_wait3A_329 : memref<10112x16xf32, #tpu.memory_space<vmem_shared>>)
    %dma_start3A_330 = arith.constant 1 : i32
    %dma_start3A_331 = arith.constant 0 : i32
    %dma_start3A_332 = arith.constant 0 : i32
    %dma_start3A_333 = tpu.memref_slice %arg13[%dma_start3A_330, %dma_start3A_331, %dma_start3A_332] : memref<2x1024x16xf32, #tpu.memory_space<vmem>> -> memref<1x1024x16xf32, #tpu.memory_space<vmem>>
    %dma_start3A_334 = tpu.memref_squeeze %dma_start3A_333 : memref<1x1024x16xf32, #tpu.memory_space<vmem>> -> memref<1024x16xf32, #tpu.memory_space<vmem>>
    %dma_start3A_335 = arith.constant 3072 : i32
    %dma_start3A_336 = tpu.memref_slice %arg11[%dma_start3A_335] : memref<10240xi32, #tpu.memory_space<vmem>> -> memref<1024xi32, #tpu.memory_space<vmem>>
    %dma_start3A_337 = arith.constant 0 : i32
    %dma_start3A_338 = arith.constant 0 : i32
    %dma_start3A_339 = tpu.memref_slice %arg15[%dma_start3A_337, %dma_start3A_338] : memref<10112x16xf32, #tpu.memory_space<vmem_shared>> -> memref<10112x16xf32, #tpu.memory_space<vmem_shared>>
    tpu.enqueue_indirect_dma source(%dma_start3A_339 : memref<10112x16xf32, #tpu.memory_space<vmem_shared>>) target(%dma_start3A_334 : memref<1024x16xf32, #tpu.memory_space<vmem>>) offsets(%dma_start3A_336 : memref<1024xi32, #tpu.memory_space<vmem>>) semaphore(%arg17 : memref<!tpu.dma_semaphore, #tpu.memory_space<semaphore_mem>>)
    %add3A_340 = arith.constant 3072 : i32
    %add3A_341 = arith.addi %mul3A_17, %add3A_340 : i32
    %dma_start3A_342 = arith.constant 0 : i32
    %dma_start3A_343 = arith.constant 1 : i32
    %dma_start3A_344 = arith.constant 0 : i32
    %dma_start3A_345 = tpu.memref_slice %arg21[%dma_start3A_342, %dma_start3A_343, %dma_start3A_344] : memref<3x2x1024xf32, #tpu.memory_space<vmem>> -> memref<1x1x1024xf32, #tpu.memory_space<vmem>>
    %dma_start3A_346 = tpu.memref_squeeze %dma_start3A_345 : memref<1x1x1024xf32, #tpu.memory_space<vmem>> -> memref<1024xf32, #tpu.memory_space<vmem>>
    %dma_start3A_347 = tpu.memref_slice %arg5[%add3A_341] : memref<327680xf32, #tpu.memory_space<hbm>> -> memref<1024xf32, #tpu.memory_space<hbm>>
    %dma_start3A_348 = arith.constant 0 : i32
    %dma_start3A_349 = tpu.memref_slice %arg21[%dma_start3A_342, %dma_start3A_343, %dma_start3A_348] : memref<3x2x1024xf32, #tpu.memory_space<vmem>> -> memref<1x1x1024xf32, #tpu.memory_space<vmem>>
    %dma_start3A_350 = tpu.memref_squeeze %dma_start3A_349 : memref<1x1x1024xf32, #tpu.memory_space<vmem>> -> memref<1024xf32, #tpu.memory_space<vmem>>
    %dma_start3A_351 = tpu.memref_slice %arg5[%add3A_341] : memref<327680xf32, #tpu.memory_space<hbm>> -> memref<1024xf32, #tpu.memory_space<hbm>>
    tpu.enqueue_dma source(%dma_start3A_351 : memref<1024xf32, #tpu.memory_space<hbm>>) target(%dma_start3A_350 : memref<1024xf32, #tpu.memory_space<vmem>>) target_semaphore(%arg24 : memref<!tpu.dma_semaphore, #tpu.memory_space<semaphore_mem>>)
    %add3A_352 = arith.constant 3072 : i32
    %add3A_353 = arith.addi %mul3A_17, %add3A_352 : i32
    %dma_start3A_354 = arith.constant 1 : i32
    %dma_start3A_355 = arith.constant 1 : i32
    %dma_start3A_356 = arith.constant 0 : i32
    %dma_start3A_357 = tpu.memref_slice %arg21[%dma_start3A_354, %dma_start3A_355, %dma_start3A_356] : memref<3x2x1024xf32, #tpu.memory_space<vmem>> -> memref<1x1x1024xf32, #tpu.memory_space<vmem>>
    %dma_start3A_358 = tpu.memref_squeeze %dma_start3A_357 : memref<1x1x1024xf32, #tpu.memory_space<vmem>> -> memref<1024xf32, #tpu.memory_space<vmem>>
    %dma_start3A_359 = tpu.memref_slice %arg6[%add3A_353] : memref<327680xf32, #tpu.memory_space<hbm>> -> memref<1024xf32, #tpu.memory_space<hbm>>
    %dma_start3A_360 = arith.constant 0 : i32
    %dma_start3A_361 = tpu.memref_slice %arg21[%dma_start3A_354, %dma_start3A_355, %dma_start3A_360] : memref<3x2x1024xf32, #tpu.memory_space<vmem>> -> memref<1x1x1024xf32, #tpu.memory_space<vmem>>
    %dma_start3A_362 = tpu.memref_squeeze %dma_start3A_361 : memref<1x1x1024xf32, #tpu.memory_space<vmem>> -> memref<1024xf32, #tpu.memory_space<vmem>>
    %dma_start3A_363 = tpu.memref_slice %arg6[%add3A_353] : memref<327680xf32, #tpu.memory_space<hbm>> -> memref<1024xf32, #tpu.memory_space<hbm>>
    tpu.enqueue_dma source(%dma_start3A_363 : memref<1024xf32, #tpu.memory_space<hbm>>) target(%dma_start3A_362 : memref<1024xf32, #tpu.memory_space<vmem>>) target_semaphore(%arg24 : memref<!tpu.dma_semaphore, #tpu.memory_space<semaphore_mem>>)
    %add3A_364 = arith.constant 3072 : i32
    %add3A_365 = arith.addi %mul3A_17, %add3A_364 : i32
    %dma_start3A_366 = arith.constant 2 : i32
    %dma_start3A_367 = arith.constant 1 : i32
    %dma_start3A_368 = arith.constant 0 : i32
    %dma_start3A_369 = tpu.memref_slice %arg21[%dma_start3A_366, %dma_start3A_367, %dma_start3A_368] : memref<3x2x1024xf32, #tpu.memory_space<vmem>> -> memref<1x1x1024xf32, #tpu.memory_space<vmem>>
    %dma_start3A_370 = tpu.memref_squeeze %dma_start3A_369 : memref<1x1x1024xf32, #tpu.memory_space<vmem>> -> memref<1024xf32, #tpu.memory_space<vmem>>
    %dma_start3A_371 = tpu.memref_slice %arg7[%add3A_365] : memref<327680xf32, #tpu.memory_space<hbm>> -> memref<1024xf32, #tpu.memory_space<hbm>>
    %dma_start3A_372 = arith.constant 0 : i32
    %dma_start3A_373 = tpu.memref_slice %arg21[%dma_start3A_366, %dma_start3A_367, %dma_start3A_372] : memref<3x2x1024xf32, #tpu.memory_space<vmem>> -> memref<1x1x1024xf32, #tpu.memory_space<vmem>>
    %dma_start3A_374 = tpu.memref_squeeze %dma_start3A_373 : memref<1x1x1024xf32, #tpu.memory_space<vmem>> -> memref<1024xf32, #tpu.memory_space<vmem>>
    %dma_start3A_375 = tpu.memref_slice %arg7[%add3A_365] : memref<327680xf32, #tpu.memory_space<hbm>> -> memref<1024xf32, #tpu.memory_space<hbm>>
    tpu.enqueue_dma source(%dma_start3A_375 : memref<1024xf32, #tpu.memory_space<hbm>>) target(%dma_start3A_374 : memref<1024xf32, #tpu.memory_space<vmem>>) target_semaphore(%arg24 : memref<!tpu.dma_semaphore, #tpu.memory_space<semaphore_mem>>)
    %dma_wait3A_376 = arith.constant 0 : i32
    %dma_wait3A_377 = arith.constant 0 : i32
    %dma_wait3A_378 = arith.constant 0 : i32
    %dma_wait3A_379 = tpu.memref_slice %arg13[%dma_wait3A_376, %dma_wait3A_377, %dma_wait3A_378] : memref<2x1024x16xf32, #tpu.memory_space<vmem>> -> memref<1x1024x16xf32, #tpu.memory_space<vmem>>
    %dma_wait3A_380 = tpu.memref_squeeze %dma_wait3A_379 : memref<1x1024x16xf32, #tpu.memory_space<vmem>> -> memref<1024x16xf32, #tpu.memory_space<vmem>>
    %dma_wait3A_381 = arith.constant 2048 : i32
    %dma_wait3A_382 = tpu.memref_slice %arg11[%dma_wait3A_381] : memref<10240xi32, #tpu.memory_space<vmem>> -> memref<1024xi32, #tpu.memory_space<vmem>>
    %dma_wait3A_383 = arith.constant 0 : i32
    %dma_wait3A_384 = arith.constant 0 : i32
    %dma_wait3A_385 = tpu.memref_slice %arg15[%dma_wait3A_383, %dma_wait3A_384] : memref<10112x16xf32, #tpu.memory_space<vmem_shared>> -> memref<10112x16xf32, #tpu.memory_space<vmem_shared>>
    tpu.wait_indirect_dma semaphore(%arg16 : memref<!tpu.dma_semaphore, #tpu.memory_space<semaphore_mem>>) src(%dma_wait3A_385 : memref<10112x16xf32, #tpu.memory_space<vmem_shared>>) dst(%dma_wait3A_380 : memref<1024x16xf32, #tpu.memory_space<vmem>>)
    %dma_start3A_386 = arith.constant 0 : i32
    %dma_start3A_387 = arith.constant 0 : i32
    %dma_start3A_388 = arith.constant 0 : i32
    %dma_start3A_389 = tpu.memref_slice %arg13[%dma_start3A_386, %dma_start3A_387, %dma_start3A_388] : memref<2x1024x16xf32, #tpu.memory_space<vmem>> -> memref<1x1024x16xf32, #tpu.memory_space<vmem>>
    %dma_start3A_390 = tpu.memref_squeeze %dma_start3A_389 : memref<1x1024x16xf32, #tpu.memory_space<vmem>> -> memref<1024x16xf32, #tpu.memory_space<vmem>>
    %dma_start3A_391 = arith.constant 2048 : i32
    %dma_start3A_392 = tpu.memref_slice %arg12[%dma_start3A_391] : memref<10240xi32, #tpu.memory_space<vmem>> -> memref<1024xi32, #tpu.memory_space<vmem>>
    %dma_start3A_393 = arith.constant 0 : i32
    %dma_start3A_394 = arith.constant 0 : i32
    %dma_start3A_395 = tpu.memref_slice %arg14[%dma_start3A_393, %dma_start3A_394] : memref<10112x16xf32, #tpu.memory_space<vmem_shared>> -> memref<10112x16xf32, #tpu.memory_space<vmem_shared>>
    tpu.enqueue_indirect_dma source(%dma_start3A_390 : memref<1024x16xf32, #tpu.memory_space<vmem>>) target(%dma_start3A_395 : memref<10112x16xf32, #tpu.memory_space<vmem_shared>>) offsets(%dma_start3A_392 : memref<1024xi32, #tpu.memory_space<vmem>>) semaphore(%arg18 : memref<!tpu.dma_semaphore, #tpu.memory_space<semaphore_mem>>) {add = true}
    %dma_wait3A_396 = arith.constant 0 : i32
    %dma_wait3A_397 = arith.constant 0 : i32
    %dma_wait3A_398 = arith.constant 0 : i32
    %dma_wait3A_399 = tpu.memref_slice %arg21[%dma_wait3A_396, %dma_wait3A_397, %dma_wait3A_398] : memref<3x2x1024xf32, #tpu.memory_space<vmem>> -> memref<1x1x1024xf32, #tpu.memory_space<vmem>>
    %dma_wait3A_400 = tpu.memref_squeeze %dma_wait3A_399 : memref<1x1x1024xf32, #tpu.memory_space<vmem>> -> memref<1024xf32, #tpu.memory_space<vmem>>
    %dma_wait3A_401 = tpu.memref_slice %arg5[%add3A_207] : memref<327680xf32, #tpu.memory_space<hbm>> -> memref<1024xf32, #tpu.memory_space<hbm>>
    %dma_wait3A_402 = arith.constant 0 : i32
    %dma_wait3A_403 = tpu.memref_slice %arg21[%dma_wait3A_396, %dma_wait3A_397, %dma_wait3A_402] : memref<3x2x1024xf32, #tpu.memory_space<vmem>> -> memref<1x1x1024xf32, #tpu.memory_space<vmem>>
    %dma_wait3A_404 = tpu.memref_squeeze %dma_wait3A_403 : memref<1x1x1024xf32, #tpu.memory_space<vmem>> -> memref<1024xf32, #tpu.memory_space<vmem>>
    %dma_wait3A_405 = tpu.memref_slice %arg5[%add3A_207] : memref<327680xf32, #tpu.memory_space<hbm>> -> memref<1024xf32, #tpu.memory_space<hbm>>
    tpu.wait_dma2 semaphore(%arg23 : memref<!tpu.dma_semaphore, #tpu.memory_space<semaphore_mem>>) src(%dma_wait3A_405 : memref<1024xf32, #tpu.memory_space<hbm>>) dst(%dma_wait3A_404 : memref<1024xf32, #tpu.memory_space<vmem>>)
    %dma_wait3A_406 = arith.constant 1 : i32
    %dma_wait3A_407 = arith.constant 0 : i32
    %dma_wait3A_408 = arith.constant 0 : i32
    %dma_wait3A_409 = tpu.memref_slice %arg21[%dma_wait3A_406, %dma_wait3A_407, %dma_wait3A_408] : memref<3x2x1024xf32, #tpu.memory_space<vmem>> -> memref<1x1x1024xf32, #tpu.memory_space<vmem>>
    %dma_wait3A_410 = tpu.memref_squeeze %dma_wait3A_409 : memref<1x1x1024xf32, #tpu.memory_space<vmem>> -> memref<1024xf32, #tpu.memory_space<vmem>>
    %dma_wait3A_411 = tpu.memref_slice %arg6[%add3A_219] : memref<327680xf32, #tpu.memory_space<hbm>> -> memref<1024xf32, #tpu.memory_space<hbm>>
    %dma_wait3A_412 = arith.constant 0 : i32
    %dma_wait3A_413 = tpu.memref_slice %arg21[%dma_wait3A_406, %dma_wait3A_407, %dma_wait3A_412] : memref<3x2x1024xf32, #tpu.memory_space<vmem>> -> memref<1x1x1024xf32, #tpu.memory_space<vmem>>
    %dma_wait3A_414 = tpu.memref_squeeze %dma_wait3A_413 : memref<1x1x1024xf32, #tpu.memory_space<vmem>> -> memref<1024xf32, #tpu.memory_space<vmem>>
    %dma_wait3A_415 = tpu.memref_slice %arg6[%add3A_219] : memref<327680xf32, #tpu.memory_space<hbm>> -> memref<1024xf32, #tpu.memory_space<hbm>>
    tpu.wait_dma2 semaphore(%arg23 : memref<!tpu.dma_semaphore, #tpu.memory_space<semaphore_mem>>) src(%dma_wait3A_415 : memref<1024xf32, #tpu.memory_space<hbm>>) dst(%dma_wait3A_414 : memref<1024xf32, #tpu.memory_space<vmem>>)
    %dma_wait3A_416 = arith.constant 2 : i32
    %dma_wait3A_417 = arith.constant 0 : i32
    %dma_wait3A_418 = arith.constant 0 : i32
    %dma_wait3A_419 = tpu.memref_slice %arg21[%dma_wait3A_416, %dma_wait3A_417, %dma_wait3A_418] : memref<3x2x1024xf32, #tpu.memory_space<vmem>> -> memref<1x1x1024xf32, #tpu.memory_space<vmem>>
    %dma_wait3A_420 = tpu.memref_squeeze %dma_wait3A_419 : memref<1x1x1024xf32, #tpu.memory_space<vmem>> -> memref<1024xf32, #tpu.memory_space<vmem>>
    %dma_wait3A_421 = tpu.memref_slice %arg7[%add3A_231] : memref<327680xf32, #tpu.memory_space<hbm>> -> memref<1024xf32, #tpu.memory_space<hbm>>
    %dma_wait3A_422 = arith.constant 0 : i32
    %dma_wait3A_423 = tpu.memref_slice %arg21[%dma_wait3A_416, %dma_wait3A_417, %dma_wait3A_422] : memref<3x2x1024xf32, #tpu.memory_space<vmem>> -> memref<1x1x1024xf32, #tpu.memory_space<vmem>>
    %dma_wait3A_424 = tpu.memref_squeeze %dma_wait3A_423 : memref<1x1x1024xf32, #tpu.memory_space<vmem>> -> memref<1024xf32, #tpu.memory_space<vmem>>
    %dma_wait3A_425 = tpu.memref_slice %arg7[%add3A_231] : memref<327680xf32, #tpu.memory_space<hbm>> -> memref<1024xf32, #tpu.memory_space<hbm>>
    tpu.wait_dma2 semaphore(%arg23 : memref<!tpu.dma_semaphore, #tpu.memory_space<semaphore_mem>>) src(%dma_wait3A_425 : memref<1024xf32, #tpu.memory_space<hbm>>) dst(%dma_wait3A_424 : memref<1024xf32, #tpu.memory_space<vmem>>)
    %broadcast_in_dim3A_426 = arith.constant 0 : i32
    %broadcast_in_dim3A_427 = vector.broadcast %broadcast_in_dim3A_426 : i32 to vector<16xi32>
    %iota3A_428 = tpu.iota {dimensions = array<i32: 0>} : vector<16xi32>
    %scan3A_429 = arith.constant 0 : i32
    %scan3A_430 = arith.constant 64 : i32
    %scan3A_431 = arith.addi %scan3A_429, %scan3A_430 : i32
    %scan3A_432 = arith.constant 1 : i32
    scf.for %scan3A_1357 = %scan3A_429 to %scan3A_431 step %scan3A_432  : i32 {
      %mul3A_1358 = arith.constant 1 : i32
      %mul3A_1359 = arith.muli %scan3A_1357, %mul3A_1358 : i32
      %add3A_1360 = arith.constant 0 : i32
      %add3A_1361 = arith.addi %add3A_1360, %mul3A_1359 : i32
      %mul3A_1362 = arith.constant 16 : i32
      %mul3A_1363 = arith.muli %add3A_1361, %mul3A_1362 : i32
      %add3A_1364 = vector.broadcast %mul3A_1363 : i32 to vector<16xi32>
      %add3A_1365 = arith.addi %iota3A_428, %add3A_1364 : vector<16xi32>
      %mul3A_1366 = arith.constant 16 : i32
      %mul3A_1367 = arith.muli %add3A_1361, %mul3A_1366 : i32
      %get3A = arith.constant 0 : i32
      %get3A_1368 = arith.constant 0 : i32
      %get3A_1369 = arith.index_cast %get3A : i32 to index
      %get3A_1370 = arith.index_cast %get3A_1368 : i32 to index
      %get3A_1371 = arith.index_cast %mul3A_1367 : i32 to index
      %get3A_1372 = tpu.vector_load %arg21[%get3A_1369, %get3A_1370, %get3A_1371] {strides = array<i32>} : memref<3x2x1024xf32, #tpu.memory_space<vmem>>, vector<16xf32>,
      %broadcast_in_dim3A_1373 = arith.constant 0 : i32
      %broadcast_in_dim3A_1374 = vector.broadcast %broadcast_in_dim3A_1373 : i32 to vector<16xi32>
      tpu.vector_store_idx %arg20[%broadcast_in_dim3A_427, %add3A_1365, %broadcast_in_dim3A_1374], %get3A_1372 : memref<2x1024x16xf32, #tpu.memory_space<vmem>>[vector<16xi32>, vector<16xi32>, vector<16xi32>], vector<16xf32>,
      %mul3A_1375 = arith.constant 16 : i32
      %mul3A_1376 = arith.muli %add3A_1361, %mul3A_1375 : i32
      %get3A_1377 = arith.constant 1 : i32
      %get3A_1378 = arith.constant 0 : i32
      %get3A_1379 = arith.index_cast %get3A_1377 : i32 to index
      %get3A_1380 = arith.index_cast %get3A_1378 : i32 to index
      %get3A_1381 = arith.index_cast %mul3A_1376 : i32 to index
      %get3A_1382 = tpu.vector_load %arg21[%get3A_1379, %get3A_1380, %get3A_1381] {strides = array<i32>} : memref<3x2x1024xf32, #tpu.memory_space<vmem>>, vector<16xf32>,
      %broadcast_in_dim3A_1383 = arith.constant 1 : i32
      %broadcast_in_dim3A_1384 = vector.broadcast %broadcast_in_dim3A_1383 : i32 to vector<16xi32>
      tpu.vector_store_idx %arg20[%broadcast_in_dim3A_427, %add3A_1365, %broadcast_in_dim3A_1384], %get3A_1382 : memref<2x1024x16xf32, #tpu.memory_space<vmem>>[vector<16xi32>, vector<16xi32>, vector<16xi32>], vector<16xf32>,
      %mul3A_1385 = arith.constant 16 : i32
      %mul3A_1386 = arith.muli %add3A_1361, %mul3A_1385 : i32
      %get3A_1387 = arith.constant 2 : i32
      %get3A_1388 = arith.constant 0 : i32
      %get3A_1389 = arith.index_cast %get3A_1387 : i32 to index
      %get3A_1390 = arith.index_cast %get3A_1388 : i32 to index
      %get3A_1391 = arith.index_cast %mul3A_1386 : i32 to index
      %get3A_1392 = tpu.vector_load %arg21[%get3A_1389, %get3A_1390, %get3A_1391] {strides = array<i32>} : memref<3x2x1024xf32, #tpu.memory_space<vmem>>, vector<16xf32>,
      %broadcast_in_dim3A_1393 = arith.constant 2 : i32
      %broadcast_in_dim3A_1394 = vector.broadcast %broadcast_in_dim3A_1393 : i32 to vector<16xi32>
      tpu.vector_store_idx %arg20[%broadcast_in_dim3A_427, %add3A_1365, %broadcast_in_dim3A_1394], %get3A_1392 : memref<2x1024x16xf32, #tpu.memory_space<vmem>>[vector<16xi32>, vector<16xi32>, vector<16xi32>], vector<16xf32>,
    }
    %scan3A_433 = arith.constant 64 : i32
    %dma_start3A_434 = arith.constant 0 : i32
    %dma_start3A_435 = arith.constant 0 : i32
    %dma_start3A_436 = arith.constant 0 : i32
    %dma_start3A_437 = tpu.memref_slice %arg20[%dma_start3A_434, %dma_start3A_435, %dma_start3A_436] : memref<2x1024x16xf32, #tpu.memory_space<vmem>> -> memref<1x1024x16xf32, #tpu.memory_space<vmem>>
    %dma_start3A_438 = tpu.memref_squeeze %dma_start3A_437 : memref<1x1024x16xf32, #tpu.memory_space<vmem>> -> memref<1024x16xf32, #tpu.memory_space<vmem>>
    %dma_start3A_439 = arith.constant 2048 : i32
    %dma_start3A_440 = tpu.memref_slice %arg12[%dma_start3A_439] : memref<10240xi32, #tpu.memory_space<vmem>> -> memref<1024xi32, #tpu.memory_space<vmem>>
    %dma_start3A_441 = arith.constant 0 : i32
    %dma_start3A_442 = arith.constant 0 : i32
    %dma_start3A_443 = tpu.memref_slice %arg22[%dma_start3A_441, %dma_start3A_442] : memref<10112x16xf32, #tpu.memory_space<vmem_shared>> -> memref<10112x16xf32, #tpu.memory_space<vmem_shared>>
    tpu.enqueue_indirect_dma source(%dma_start3A_438 : memref<1024x16xf32, #tpu.memory_space<vmem>>) target(%dma_start3A_443 : memref<10112x16xf32, #tpu.memory_space<vmem_shared>>) offsets(%dma_start3A_440 : memref<1024xi32, #tpu.memory_space<vmem>>) semaphore(%arg25 : memref<!tpu.dma_semaphore, #tpu.memory_space<semaphore_mem>>) {add = true}
    %dma_wait3A_444 = arith.constant 0 : i32
    %dma_wait3A_445 = arith.constant 0 : i32
    %dma_wait3A_446 = arith.constant 0 : i32
    %dma_wait3A_447 = tpu.memref_slice %arg13[%dma_wait3A_444, %dma_wait3A_445, %dma_wait3A_446] : memref<2x1024x16xf32, #tpu.memory_space<vmem>> -> memref<1x1024x16xf32, #tpu.memory_space<vmem>>
    %dma_wait3A_448 = tpu.memref_squeeze %dma_wait3A_447 : memref<1x1024x16xf32, #tpu.memory_space<vmem>> -> memref<1024x16xf32, #tpu.memory_space<vmem>>
    %dma_wait3A_449 = arith.constant 2048 : i32
    %dma_wait3A_450 = tpu.memref_slice %arg12[%dma_wait3A_449] : memref<10240xi32, #tpu.memory_space<vmem>> -> memref<1024xi32, #tpu.memory_space<vmem>>
    %dma_wait3A_451 = arith.constant 0 : i32
    %dma_wait3A_452 = arith.constant 0 : i32
    %dma_wait3A_453 = tpu.memref_slice %arg14[%dma_wait3A_451, %dma_wait3A_452] : memref<10112x16xf32, #tpu.memory_space<vmem_shared>> -> memref<10112x16xf32, #tpu.memory_space<vmem_shared>>
    tpu.wait_indirect_dma semaphore(%arg18 : memref<!tpu.dma_semaphore, #tpu.memory_space<semaphore_mem>>) src(%dma_wait3A_448 : memref<1024x16xf32, #tpu.memory_space<vmem>>) dst(%dma_wait3A_453 : memref<10112x16xf32, #tpu.memory_space<vmem_shared>>)
    %dma_wait3A_454 = arith.constant 0 : i32
    %dma_wait3A_455 = arith.constant 0 : i32
    %dma_wait3A_456 = arith.constant 0 : i32
    %dma_wait3A_457 = tpu.memref_slice %arg20[%dma_wait3A_454, %dma_wait3A_455, %dma_wait3A_456] : memref<2x1024x16xf32, #tpu.memory_space<vmem>> -> memref<1x1024x16xf32, #tpu.memory_space<vmem>>
    %dma_wait3A_458 = tpu.memref_squeeze %dma_wait3A_457 : memref<1x1024x16xf32, #tpu.memory_space<vmem>> -> memref<1024x16xf32, #tpu.memory_space<vmem>>
    %dma_wait3A_459 = arith.constant 2048 : i32
    %dma_wait3A_460 = tpu.memref_slice %arg12[%dma_wait3A_459] : memref<10240xi32, #tpu.memory_space<vmem>> -> memref<1024xi32, #tpu.memory_space<vmem>>
    %dma_wait3A_461 = arith.constant 0 : i32
    %dma_wait3A_462 = arith.constant 0 : i32
    %dma_wait3A_463 = tpu.memref_slice %arg22[%dma_wait3A_461, %dma_wait3A_462] : memref<10112x16xf32, #tpu.memory_space<vmem_shared>> -> memref<10112x16xf32, #tpu.memory_space<vmem_shared>>
    tpu.wait_indirect_dma semaphore(%arg25 : memref<!tpu.dma_semaphore, #tpu.memory_space<semaphore_mem>>) src(%dma_wait3A_458 : memref<1024x16xf32, #tpu.memory_space<vmem>>) dst(%dma_wait3A_463 : memref<10112x16xf32, #tpu.memory_space<vmem_shared>>)
    %dma_start3A_464 = arith.constant 0 : i32
    %dma_start3A_465 = arith.constant 0 : i32
    %dma_start3A_466 = arith.constant 0 : i32
    %dma_start3A_467 = tpu.memref_slice %arg13[%dma_start3A_464, %dma_start3A_465, %dma_start3A_466] : memref<2x1024x16xf32, #tpu.memory_space<vmem>> -> memref<1x1024x16xf32, #tpu.memory_space<vmem>>
    %dma_start3A_468 = tpu.memref_squeeze %dma_start3A_467 : memref<1x1024x16xf32, #tpu.memory_space<vmem>> -> memref<1024x16xf32, #tpu.memory_space<vmem>>
    %dma_start3A_469 = arith.constant 4096 : i32
    %dma_start3A_470 = tpu.memref_slice %arg11[%dma_start3A_469] : memref<10240xi32, #tpu.memory_space<vmem>> -> memref<1024xi32, #tpu.memory_space<vmem>>
    %dma_start3A_471 = arith.constant 0 : i32
    %dma_start3A_472 = arith.constant 0 : i32
    %dma_start3A_473 = tpu.memref_slice %arg15[%dma_start3A_471, %dma_start3A_472] : memref<10112x16xf32, #tpu.memory_space<vmem_shared>> -> memref<10112x16xf32, #tpu.memory_space<vmem_shared>>
    tpu.enqueue_indirect_dma source(%dma_start3A_473 : memref<10112x16xf32, #tpu.memory_space<vmem_shared>>) target(%dma_start3A_468 : memref<1024x16xf32, #tpu.memory_space<vmem>>) offsets(%dma_start3A_470 : memref<1024xi32, #tpu.memory_space<vmem>>) semaphore(%arg16 : memref<!tpu.dma_semaphore, #tpu.memory_space<semaphore_mem>>)
    %add3A_474 = arith.constant 4096 : i32
    %add3A_475 = arith.addi %mul3A_17, %add3A_474 : i32
    %dma_start3A_476 = arith.constant 0 : i32
    %dma_start3A_477 = arith.constant 0 : i32
    %dma_start3A_478 = arith.constant 0 : i32
    %dma_start3A_479 = tpu.memref_slice %arg21[%dma_start3A_476, %dma_start3A_477, %dma_start3A_478] : memref<3x2x1024xf32, #tpu.memory_space<vmem>> -> memref<1x1x1024xf32, #tpu.memory_space<vmem>>
    %dma_start3A_480 = tpu.memref_squeeze %dma_start3A_479 : memref<1x1x1024xf32, #tpu.memory_space<vmem>> -> memref<1024xf32, #tpu.memory_space<vmem>>
    %dma_start3A_481 = tpu.memref_slice %arg5[%add3A_475] : memref<327680xf32, #tpu.memory_space<hbm>> -> memref<1024xf32, #tpu.memory_space<hbm>>
    %dma_start3A_482 = arith.constant 0 : i32
    %dma_start3A_483 = tpu.memref_slice %arg21[%dma_start3A_476, %dma_start3A_477, %dma_start3A_482] : memref<3x2x1024xf32, #tpu.memory_space<vmem>> -> memref<1x1x1024xf32, #tpu.memory_space<vmem>>
    %dma_start3A_484 = tpu.memref_squeeze %dma_start3A_483 : memref<1x1x1024xf32, #tpu.memory_space<vmem>> -> memref<1024xf32, #tpu.memory_space<vmem>>
    %dma_start3A_485 = tpu.memref_slice %arg5[%add3A_475] : memref<327680xf32, #tpu.memory_space<hbm>> -> memref<1024xf32, #tpu.memory_space<hbm>>
    tpu.enqueue_dma source(%dma_start3A_485 : memref<1024xf32, #tpu.memory_space<hbm>>) target(%dma_start3A_484 : memref<1024xf32, #tpu.memory_space<vmem>>) target_semaphore(%arg23 : memref<!tpu.dma_semaphore, #tpu.memory_space<semaphore_mem>>)
    %add3A_486 = arith.constant 4096 : i32
    %add3A_487 = arith.addi %mul3A_17, %add3A_486 : i32
    %dma_start3A_488 = arith.constant 1 : i32
    %dma_start3A_489 = arith.constant 0 : i32
    %dma_start3A_490 = arith.constant 0 : i32
    %dma_start3A_491 = tpu.memref_slice %arg21[%dma_start3A_488, %dma_start3A_489, %dma_start3A_490] : memref<3x2x1024xf32, #tpu.memory_space<vmem>> -> memref<1x1x1024xf32, #tpu.memory_space<vmem>>
    %dma_start3A_492 = tpu.memref_squeeze %dma_start3A_491 : memref<1x1x1024xf32, #tpu.memory_space<vmem>> -> memref<1024xf32, #tpu.memory_space<vmem>>
    %dma_start3A_493 = tpu.memref_slice %arg6[%add3A_487] : memref<327680xf32, #tpu.memory_space<hbm>> -> memref<1024xf32, #tpu.memory_space<hbm>>
    %dma_start3A_494 = arith.constant 0 : i32
    %dma_start3A_495 = tpu.memref_slice %arg21[%dma_start3A_488, %dma_start3A_489, %dma_start3A_494] : memref<3x2x1024xf32, #tpu.memory_space<vmem>> -> memref<1x1x1024xf32, #tpu.memory_space<vmem>>
    %dma_start3A_496 = tpu.memref_squeeze %dma_start3A_495 : memref<1x1x1024xf32, #tpu.memory_space<vmem>> -> memref<1024xf32, #tpu.memory_space<vmem>>
    %dma_start3A_497 = tpu.memref_slice %arg6[%add3A_487] : memref<327680xf32, #tpu.memory_space<hbm>> -> memref<1024xf32, #tpu.memory_space<hbm>>
    tpu.enqueue_dma source(%dma_start3A_497 : memref<1024xf32, #tpu.memory_space<hbm>>) target(%dma_start3A_496 : memref<1024xf32, #tpu.memory_space<vmem>>) target_semaphore(%arg23 : memref<!tpu.dma_semaphore, #tpu.memory_space<semaphore_mem>>)
    %add3A_498 = arith.constant 4096 : i32
    %add3A_499 = arith.addi %mul3A_17, %add3A_498 : i32
    %dma_start3A_500 = arith.constant 2 : i32
    %dma_start3A_501 = arith.constant 0 : i32
    %dma_start3A_502 = arith.constant 0 : i32
    %dma_start3A_503 = tpu.memref_slice %arg21[%dma_start3A_500, %dma_start3A_501, %dma_start3A_502] : memref<3x2x1024xf32, #tpu.memory_space<vmem>> -> memref<1x1x1024xf32, #tpu.memory_space<vmem>>
    %dma_start3A_504 = tpu.memref_squeeze %dma_start3A_503 : memref<1x1x1024xf32, #tpu.memory_space<vmem>> -> memref<1024xf32, #tpu.memory_space<vmem>>
    %dma_start3A_505 = tpu.memref_slice %arg7[%add3A_499] : memref<327680xf32, #tpu.memory_space<hbm>> -> memref<1024xf32, #tpu.memory_space<hbm>>
    %dma_start3A_506 = arith.constant 0 : i32
    %dma_start3A_507 = tpu.memref_slice %arg21[%dma_start3A_500, %dma_start3A_501, %dma_start3A_506] : memref<3x2x1024xf32, #tpu.memory_space<vmem>> -> memref<1x1x1024xf32, #tpu.memory_space<vmem>>
    %dma_start3A_508 = tpu.memref_squeeze %dma_start3A_507 : memref<1x1x1024xf32, #tpu.memory_space<vmem>> -> memref<1024xf32, #tpu.memory_space<vmem>>
    %dma_start3A_509 = tpu.memref_slice %arg7[%add3A_499] : memref<327680xf32, #tpu.memory_space<hbm>> -> memref<1024xf32, #tpu.memory_space<hbm>>
    tpu.enqueue_dma source(%dma_start3A_509 : memref<1024xf32, #tpu.memory_space<hbm>>) target(%dma_start3A_508 : memref<1024xf32, #tpu.memory_space<vmem>>) target_semaphore(%arg23 : memref<!tpu.dma_semaphore, #tpu.memory_space<semaphore_mem>>)
    %dma_wait3A_510 = arith.constant 1 : i32
    %dma_wait3A_511 = arith.constant 0 : i32
    %dma_wait3A_512 = arith.constant 0 : i32
    %dma_wait3A_513 = tpu.memref_slice %arg13[%dma_wait3A_510, %dma_wait3A_511, %dma_wait3A_512] : memref<2x1024x16xf32, #tpu.memory_space<vmem>> -> memref<1x1024x16xf32, #tpu.memory_space<vmem>>
    %dma_wait3A_514 = tpu.memref_squeeze %dma_wait3A_513 : memref<1x1024x16xf32, #tpu.memory_space<vmem>> -> memref<1024x16xf32, #tpu.memory_space<vmem>>
    %dma_wait3A_515 = arith.constant 3072 : i32
    %dma_wait3A_516 = tpu.memref_slice %arg11[%dma_wait3A_515] : memref<10240xi32, #tpu.memory_space<vmem>> -> memref<1024xi32, #tpu.memory_space<vmem>>
    %dma_wait3A_517 = arith.constant 0 : i32
    %dma_wait3A_518 = arith.constant 0 : i32
    %dma_wait3A_519 = tpu.memref_slice %arg15[%dma_wait3A_517, %dma_wait3A_518] : memref<10112x16xf32, #tpu.memory_space<vmem_shared>> -> memref<10112x16xf32, #tpu.memory_space<vmem_shared>>
    tpu.wait_indirect_dma semaphore(%arg17 : memref<!tpu.dma_semaphore, #tpu.memory_space<semaphore_mem>>) src(%dma_wait3A_519 : memref<10112x16xf32, #tpu.memory_space<vmem_shared>>) dst(%dma_wait3A_514 : memref<1024x16xf32, #tpu.memory_space<vmem>>)
    %dma_start3A_520 = arith.constant 1 : i32
    %dma_start3A_521 = arith.constant 0 : i32
    %dma_start3A_522 = arith.constant 0 : i32
    %dma_start3A_523 = tpu.memref_slice %arg13[%dma_start3A_520, %dma_start3A_521, %dma_start3A_522] : memref<2x1024x16xf32, #tpu.memory_space<vmem>> -> memref<1x1024x16xf32, #tpu.memory_space<vmem>>
    %dma_start3A_524 = tpu.memref_squeeze %dma_start3A_523 : memref<1x1024x16xf32, #tpu.memory_space<vmem>> -> memref<1024x16xf32, #tpu.memory_space<vmem>>
    %dma_start3A_525 = arith.constant 3072 : i32
    %dma_start3A_526 = tpu.memref_slice %arg12[%dma_start3A_525] : memref<10240xi32, #tpu.memory_space<vmem>> -> memref<1024xi32, #tpu.memory_space<vmem>>
    %dma_start3A_527 = arith.constant 0 : i32
    %dma_start3A_528 = arith.constant 0 : i32
    %dma_start3A_529 = tpu.memref_slice %arg14[%dma_start3A_527, %dma_start3A_528] : memref<10112x16xf32, #tpu.memory_space<vmem_shared>> -> memref<10112x16xf32, #tpu.memory_space<vmem_shared>>
    tpu.enqueue_indirect_dma source(%dma_start3A_524 : memref<1024x16xf32, #tpu.memory_space<vmem>>) target(%dma_start3A_529 : memref<10112x16xf32, #tpu.memory_space<vmem_shared>>) offsets(%dma_start3A_526 : memref<1024xi32, #tpu.memory_space<vmem>>) semaphore(%arg19 : memref<!tpu.dma_semaphore, #tpu.memory_space<semaphore_mem>>) {add = true}
    %dma_wait3A_530 = arith.constant 0 : i32
    %dma_wait3A_531 = arith.constant 1 : i32
    %dma_wait3A_532 = arith.constant 0 : i32
    %dma_wait3A_533 = tpu.memref_slice %arg21[%dma_wait3A_530, %dma_wait3A_531, %dma_wait3A_532] : memref<3x2x1024xf32, #tpu.memory_space<vmem>> -> memref<1x1x1024xf32, #tpu.memory_space<vmem>>
    %dma_wait3A_534 = tpu.memref_squeeze %dma_wait3A_533 : memref<1x1x1024xf32, #tpu.memory_space<vmem>> -> memref<1024xf32, #tpu.memory_space<vmem>>
    %dma_wait3A_535 = tpu.memref_slice %arg5[%add3A_341] : memref<327680xf32, #tpu.memory_space<hbm>> -> memref<1024xf32, #tpu.memory_space<hbm>>
    %dma_wait3A_536 = arith.constant 0 : i32
    %dma_wait3A_537 = tpu.memref_slice %arg21[%dma_wait3A_530, %dma_wait3A_531, %dma_wait3A_536] : memref<3x2x1024xf32, #tpu.memory_space<vmem>> -> memref<1x1x1024xf32, #tpu.memory_space<vmem>>
    %dma_wait3A_538 = tpu.memref_squeeze %dma_wait3A_537 : memref<1x1x1024xf32, #tpu.memory_space<vmem>> -> memref<1024xf32, #tpu.memory_space<vmem>>
    %dma_wait3A_539 = tpu.memref_slice %arg5[%add3A_341] : memref<327680xf32, #tpu.memory_space<hbm>> -> memref<1024xf32, #tpu.memory_space<hbm>>
    tpu.wait_dma2 semaphore(%arg24 : memref<!tpu.dma_semaphore, #tpu.memory_space<semaphore_mem>>) src(%dma_wait3A_539 : memref<1024xf32, #tpu.memory_space<hbm>>) dst(%dma_wait3A_538 : memref<1024xf32, #tpu.memory_space<vmem>>)
    %dma_wait3A_540 = arith.constant 1 : i32
    %dma_wait3A_541 = arith.constant 1 : i32
    %dma_wait3A_542 = arith.constant 0 : i32
    %dma_wait3A_543 = tpu.memref_slice %arg21[%dma_wait3A_540, %dma_wait3A_541, %dma_wait3A_542] : memref<3x2x1024xf32, #tpu.memory_space<vmem>> -> memref<1x1x1024xf32, #tpu.memory_space<vmem>>
    %dma_wait3A_544 = tpu.memref_squeeze %dma_wait3A_543 : memref<1x1x1024xf32, #tpu.memory_space<vmem>> -> memref<1024xf32, #tpu.memory_space<vmem>>
    %dma_wait3A_545 = tpu.memref_slice %arg6[%add3A_353] : memref<327680xf32, #tpu.memory_space<hbm>> -> memref<1024xf32, #tpu.memory_space<hbm>>
    %dma_wait3A_546 = arith.constant 0 : i32
    %dma_wait3A_547 = tpu.memref_slice %arg21[%dma_wait3A_540, %dma_wait3A_541, %dma_wait3A_546] : memref<3x2x1024xf32, #tpu.memory_space<vmem>> -> memref<1x1x1024xf32, #tpu.memory_space<vmem>>
    %dma_wait3A_548 = tpu.memref_squeeze %dma_wait3A_547 : memref<1x1x1024xf32, #tpu.memory_space<vmem>> -> memref<1024xf32, #tpu.memory_space<vmem>>
    %dma_wait3A_549 = tpu.memref_slice %arg6[%add3A_353] : memref<327680xf32, #tpu.memory_space<hbm>> -> memref<1024xf32, #tpu.memory_space<hbm>>
    tpu.wait_dma2 semaphore(%arg24 : memref<!tpu.dma_semaphore, #tpu.memory_space<semaphore_mem>>) src(%dma_wait3A_549 : memref<1024xf32, #tpu.memory_space<hbm>>) dst(%dma_wait3A_548 : memref<1024xf32, #tpu.memory_space<vmem>>)
    %dma_wait3A_550 = arith.constant 2 : i32
    %dma_wait3A_551 = arith.constant 1 : i32
    %dma_wait3A_552 = arith.constant 0 : i32
    %dma_wait3A_553 = tpu.memref_slice %arg21[%dma_wait3A_550, %dma_wait3A_551, %dma_wait3A_552] : memref<3x2x1024xf32, #tpu.memory_space<vmem>> -> memref<1x1x1024xf32, #tpu.memory_space<vmem>>
    %dma_wait3A_554 = tpu.memref_squeeze %dma_wait3A_553 : memref<1x1x1024xf32, #tpu.memory_space<vmem>> -> memref<1024xf32, #tpu.memory_space<vmem>>
    %dma_wait3A_555 = tpu.memref_slice %arg7[%add3A_365] : memref<327680xf32, #tpu.memory_space<hbm>> -> memref<1024xf32, #tpu.memory_space<hbm>>
    %dma_wait3A_556 = arith.constant 0 : i32
    %dma_wait3A_557 = tpu.memref_slice %arg21[%dma_wait3A_550, %dma_wait3A_551, %dma_wait3A_556] : memref<3x2x1024xf32, #tpu.memory_space<vmem>> -> memref<1x1x1024xf32, #tpu.memory_space<vmem>>
    %dma_wait3A_558 = tpu.memref_squeeze %dma_wait3A_557 : memref<1x1x1024xf32, #tpu.memory_space<vmem>> -> memref<1024xf32, #tpu.memory_space<vmem>>
    %dma_wait3A_559 = tpu.memref_slice %arg7[%add3A_365] : memref<327680xf32, #tpu.memory_space<hbm>> -> memref<1024xf32, #tpu.memory_space<hbm>>
    tpu.wait_dma2 semaphore(%arg24 : memref<!tpu.dma_semaphore, #tpu.memory_space<semaphore_mem>>) src(%dma_wait3A_559 : memref<1024xf32, #tpu.memory_space<hbm>>) dst(%dma_wait3A_558 : memref<1024xf32, #tpu.memory_space<vmem>>)
    %broadcast_in_dim3A_560 = arith.constant 1 : i32
    %broadcast_in_dim3A_561 = vector.broadcast %broadcast_in_dim3A_560 : i32 to vector<16xi32>
    %iota3A_562 = tpu.iota {dimensions = array<i32: 0>} : vector<16xi32>
    %scan3A_563 = arith.constant 0 : i32
    %scan3A_564 = arith.constant 64 : i32
    %scan3A_565 = arith.addi %scan3A_563, %scan3A_564 : i32
    %scan3A_566 = arith.constant 1 : i32
    scf.for %scan3A_1357 = %scan3A_563 to %scan3A_565 step %scan3A_566  : i32 {
      %mul3A_1358 = arith.constant 1 : i32
      %mul3A_1359 = arith.muli %scan3A_1357, %mul3A_1358 : i32
      %add3A_1360 = arith.constant 0 : i32
      %add3A_1361 = arith.addi %add3A_1360, %mul3A_1359 : i32
      %mul3A_1362 = arith.constant 16 : i32
      %mul3A_1363 = arith.muli %add3A_1361, %mul3A_1362 : i32
      %add3A_1364 = vector.broadcast %mul3A_1363 : i32 to vector<16xi32>
      %add3A_1365 = arith.addi %iota3A_562, %add3A_1364 : vector<16xi32>
      %mul3A_1366 = arith.constant 16 : i32
      %mul3A_1367 = arith.muli %add3A_1361, %mul3A_1366 : i32
      %get3A = arith.constant 0 : i32
      %get3A_1368 = arith.constant 1 : i32
      %get3A_1369 = arith.index_cast %get3A : i32 to index
      %get3A_1370 = arith.index_cast %get3A_1368 : i32 to index
      %get3A_1371 = arith.index_cast %mul3A_1367 : i32 to index
      %get3A_1372 = tpu.vector_load %arg21[%get3A_1369, %get3A_1370, %get3A_1371] {strides = array<i32>} : memref<3x2x1024xf32, #tpu.memory_space<vmem>>, vector<16xf32>,
      %broadcast_in_dim3A_1373 = arith.constant 0 : i32
      %broadcast_in_dim3A_1374 = vector.broadcast %broadcast_in_dim3A_1373 : i32 to vector<16xi32>
      tpu.vector_store_idx %arg20[%broadcast_in_dim3A_561, %add3A_1365, %broadcast_in_dim3A_1374], %get3A_1372 : memref<2x1024x16xf32, #tpu.memory_space<vmem>>[vector<16xi32>, vector<16xi32>, vector<16xi32>], vector<16xf32>,
      %mul3A_1375 = arith.constant 16 : i32
      %mul3A_1376 = arith.muli %add3A_1361, %mul3A_1375 : i32
      %get3A_1377 = arith.constant 1 : i32
      %get3A_1378 = arith.constant 1 : i32
      %get3A_1379 = arith.index_cast %get3A_1377 : i32 to index
      %get3A_1380 = arith.index_cast %get3A_1378 : i32 to index
      %get3A_1381 = arith.index_cast %mul3A_1376 : i32 to index
      %get3A_1382 = tpu.vector_load %arg21[%get3A_1379, %get3A_1380, %get3A_1381] {strides = array<i32>} : memref<3x2x1024xf32, #tpu.memory_space<vmem>>, vector<16xf32>,
      %broadcast_in_dim3A_1383 = arith.constant 1 : i32
      %broadcast_in_dim3A_1384 = vector.broadcast %broadcast_in_dim3A_1383 : i32 to vector<16xi32>
      tpu.vector_store_idx %arg20[%broadcast_in_dim3A_561, %add3A_1365, %broadcast_in_dim3A_1384], %get3A_1382 : memref<2x1024x16xf32, #tpu.memory_space<vmem>>[vector<16xi32>, vector<16xi32>, vector<16xi32>], vector<16xf32>,
      %mul3A_1385 = arith.constant 16 : i32
      %mul3A_1386 = arith.muli %add3A_1361, %mul3A_1385 : i32
      %get3A_1387 = arith.constant 2 : i32
      %get3A_1388 = arith.constant 1 : i32
      %get3A_1389 = arith.index_cast %get3A_1387 : i32 to index
      %get3A_1390 = arith.index_cast %get3A_1388 : i32 to index
      %get3A_1391 = arith.index_cast %mul3A_1386 : i32 to index
      %get3A_1392 = tpu.vector_load %arg21[%get3A_1389, %get3A_1390, %get3A_1391] {strides = array<i32>} : memref<3x2x1024xf32, #tpu.memory_space<vmem>>, vector<16xf32>,
      %broadcast_in_dim3A_1393 = arith.constant 2 : i32
      %broadcast_in_dim3A_1394 = vector.broadcast %broadcast_in_dim3A_1393 : i32 to vector<16xi32>
      tpu.vector_store_idx %arg20[%broadcast_in_dim3A_561, %add3A_1365, %broadcast_in_dim3A_1394], %get3A_1392 : memref<2x1024x16xf32, #tpu.memory_space<vmem>>[vector<16xi32>, vector<16xi32>, vector<16xi32>], vector<16xf32>,
    }
    %scan3A_567 = arith.constant 64 : i32
    %dma_start3A_568 = arith.constant 1 : i32
    %dma_start3A_569 = arith.constant 0 : i32
    %dma_start3A_570 = arith.constant 0 : i32
    %dma_start3A_571 = tpu.memref_slice %arg20[%dma_start3A_568, %dma_start3A_569, %dma_start3A_570] : memref<2x1024x16xf32, #tpu.memory_space<vmem>> -> memref<1x1024x16xf32, #tpu.memory_space<vmem>>
    %dma_start3A_572 = tpu.memref_squeeze %dma_start3A_571 : memref<1x1024x16xf32, #tpu.memory_space<vmem>> -> memref<1024x16xf32, #tpu.memory_space<vmem>>
    %dma_start3A_573 = arith.constant 3072 : i32
    %dma_start3A_574 = tpu.memref_slice %arg12[%dma_start3A_573] : memref<10240xi32, #tpu.memory_space<vmem>> -> memref<1024xi32, #tpu.memory_space<vmem>>
    %dma_start3A_575 = arith.constant 0 : i32
    %dma_start3A_576 = arith.constant 0 : i32
    %dma_start3A_577 = tpu.memref_slice %arg22[%dma_start3A_575, %dma_start3A_576] : memref<10112x16xf32, #tpu.memory_space<vmem_shared>> -> memref<10112x16xf32, #tpu.memory_space<vmem_shared>>
    tpu.enqueue_indirect_dma source(%dma_start3A_572 : memref<1024x16xf32, #tpu.memory_space<vmem>>) target(%dma_start3A_577 : memref<10112x16xf32, #tpu.memory_space<vmem_shared>>) offsets(%dma_start3A_574 : memref<1024xi32, #tpu.memory_space<vmem>>) semaphore(%arg26 : memref<!tpu.dma_semaphore, #tpu.memory_space<semaphore_mem>>) {add = true}
    %dma_wait3A_578 = arith.constant 1 : i32
    %dma_wait3A_579 = arith.constant 0 : i32
    %dma_wait3A_580 = arith.constant 0 : i32
    %dma_wait3A_581 = tpu.memref_slice %arg13[%dma_wait3A_578, %dma_wait3A_579, %dma_wait3A_580] : memref<2x1024x16xf32, #tpu.memory_space<vmem>> -> memref<1x1024x16xf32, #tpu.memory_space<vmem>>
    %dma_wait3A_582 = tpu.memref_squeeze %dma_wait3A_581 : memref<1x1024x16xf32, #tpu.memory_space<vmem>> -> memref<1024x16xf32, #tpu.memory_space<vmem>>
    %dma_wait3A_583 = arith.constant 3072 : i32
    %dma_wait3A_584 = tpu.memref_slice %arg12[%dma_wait3A_583] : memref<10240xi32, #tpu.memory_space<vmem>> -> memref<1024xi32, #tpu.memory_space<vmem>>
    %dma_wait3A_585 = arith.constant 0 : i32
    %dma_wait3A_586 = arith.constant 0 : i32
    %dma_wait3A_587 = tpu.memref_slice %arg14[%dma_wait3A_585, %dma_wait3A_586] : memref<10112x16xf32, #tpu.memory_space<vmem_shared>> -> memref<10112x16xf32, #tpu.memory_space<vmem_shared>>
    tpu.wait_indirect_dma semaphore(%arg19 : memref<!tpu.dma_semaphore, #tpu.memory_space<semaphore_mem>>) src(%dma_wait3A_582 : memref<1024x16xf32, #tpu.memory_space<vmem>>) dst(%dma_wait3A_587 : memref<10112x16xf32, #tpu.memory_space<vmem_shared>>)
    %dma_wait3A_588 = arith.constant 1 : i32
    %dma_wait3A_589 = arith.constant 0 : i32
    %dma_wait3A_590 = arith.constant 0 : i32
    %dma_wait3A_591 = tpu.memref_slice %arg20[%dma_wait3A_588, %dma_wait3A_589, %dma_wait3A_590] : memref<2x1024x16xf32, #tpu.memory_space<vmem>> -> memref<1x1024x16xf32, #tpu.memory_space<vmem>>
    %dma_wait3A_592 = tpu.memref_squeeze %dma_wait3A_591 : memref<1x1024x16xf32, #tpu.memory_space<vmem>> -> memref<1024x16xf32, #tpu.memory_space<vmem>>
    %dma_wait3A_593 = arith.constant 3072 : i32
    %dma_wait3A_594 = tpu.memref_slice %arg12[%dma_wait3A_593] : memref<10240xi32, #tpu.memory_space<vmem>> -> memref<1024xi32, #tpu.memory_space<vmem>>
    %dma_wait3A_595 = arith.constant 0 : i32
    %dma_wait3A_596 = arith.constant 0 : i32
    %dma_wait3A_597 = tpu.memref_slice %arg22[%dma_wait3A_595, %dma_wait3A_596] : memref<10112x16xf32, #tpu.memory_space<vmem_shared>> -> memref<10112x16xf32, #tpu.memory_space<vmem_shared>>
    tpu.wait_indirect_dma semaphore(%arg26 : memref<!tpu.dma_semaphore, #tpu.memory_space<semaphore_mem>>) src(%dma_wait3A_592 : memref<1024x16xf32, #tpu.memory_space<vmem>>) dst(%dma_wait3A_597 : memref<10112x16xf32, #tpu.memory_space<vmem_shared>>)
    %dma_start3A_598 = arith.constant 1 : i32
    %dma_start3A_599 = arith.constant 0 : i32
    %dma_start3A_600 = arith.constant 0 : i32
    %dma_start3A_601 = tpu.memref_slice %arg13[%dma_start3A_598, %dma_start3A_599, %dma_start3A_600] : memref<2x1024x16xf32, #tpu.memory_space<vmem>> -> memref<1x1024x16xf32, #tpu.memory_space<vmem>>
    %dma_start3A_602 = tpu.memref_squeeze %dma_start3A_601 : memref<1x1024x16xf32, #tpu.memory_space<vmem>> -> memref<1024x16xf32, #tpu.memory_space<vmem>>
    %dma_start3A_603 = arith.constant 5120 : i32
    %dma_start3A_604 = tpu.memref_slice %arg11[%dma_start3A_603] : memref<10240xi32, #tpu.memory_space<vmem>> -> memref<1024xi32, #tpu.memory_space<vmem>>
    %dma_start3A_605 = arith.constant 0 : i32
    %dma_start3A_606 = arith.constant 0 : i32
    %dma_start3A_607 = tpu.memref_slice %arg15[%dma_start3A_605, %dma_start3A_606] : memref<10112x16xf32, #tpu.memory_space<vmem_shared>> -> memref<10112x16xf32, #tpu.memory_space<vmem_shared>>
    tpu.enqueue_indirect_dma source(%dma_start3A_607 : memref<10112x16xf32, #tpu.memory_space<vmem_shared>>) target(%dma_start3A_602 : memref<1024x16xf32, #tpu.memory_space<vmem>>) offsets(%dma_start3A_604 : memref<1024xi32, #tpu.memory_space<vmem>>) semaphore(%arg17 : memref<!tpu.dma_semaphore, #tpu.memory_space<semaphore_mem>>)
    %add3A_608 = arith.constant 5120 : i32
    %add3A_609 = arith.addi %mul3A_17, %add3A_608 : i32
    %dma_start3A_610 = arith.constant 0 : i32
    %dma_start3A_611 = arith.constant 1 : i32
    %dma_start3A_612 = arith.constant 0 : i32
    %dma_start3A_613 = tpu.memref_slice %arg21[%dma_start3A_610, %dma_start3A_611, %dma_start3A_612] : memref<3x2x1024xf32, #tpu.memory_space<vmem>> -> memref<1x1x1024xf32, #tpu.memory_space<vmem>>
    %dma_start3A_614 = tpu.memref_squeeze %dma_start3A_613 : memref<1x1x1024xf32, #tpu.memory_space<vmem>> -> memref<1024xf32, #tpu.memory_space<vmem>>
    %dma_start3A_615 = tpu.memref_slice %arg5[%add3A_609] : memref<327680xf32, #tpu.memory_space<hbm>> -> memref<1024xf32, #tpu.memory_space<hbm>>
    %dma_start3A_616 = arith.constant 0 : i32
    %dma_start3A_617 = tpu.memref_slice %arg21[%dma_start3A_610, %dma_start3A_611, %dma_start3A_616] : memref<3x2x1024xf32, #tpu.memory_space<vmem>> -> memref<1x1x1024xf32, #tpu.memory_space<vmem>>
    %dma_start3A_618 = tpu.memref_squeeze %dma_start3A_617 : memref<1x1x1024xf32, #tpu.memory_space<vmem>> -> memref<1024xf32, #tpu.memory_space<vmem>>
    %dma_start3A_619 = tpu.memref_slice %arg5[%add3A_609] : memref<327680xf32, #tpu.memory_space<hbm>> -> memref<1024xf32, #tpu.memory_space<hbm>>
    tpu.enqueue_dma source(%dma_start3A_619 : memref<1024xf32, #tpu.memory_space<hbm>>) target(%dma_start3A_618 : memref<1024xf32, #tpu.memory_space<vmem>>) target_semaphore(%arg24 : memref<!tpu.dma_semaphore, #tpu.memory_space<semaphore_mem>>)
    %add3A_620 = arith.constant 5120 : i32
    %add3A_621 = arith.addi %mul3A_17, %add3A_620 : i32
    %dma_start3A_622 = arith.constant 1 : i32
    %dma_start3A_623 = arith.constant 1 : i32
    %dma_start3A_624 = arith.constant 0 : i32
    %dma_start3A_625 = tpu.memref_slice %arg21[%dma_start3A_622, %dma_start3A_623, %dma_start3A_624] : memref<3x2x1024xf32, #tpu.memory_space<vmem>> -> memref<1x1x1024xf32, #tpu.memory_space<vmem>>
    %dma_start3A_626 = tpu.memref_squeeze %dma_start3A_625 : memref<1x1x1024xf32, #tpu.memory_space<vmem>> -> memref<1024xf32, #tpu.memory_space<vmem>>
    %dma_start3A_627 = tpu.memref_slice %arg6[%add3A_621] : memref<327680xf32, #tpu.memory_space<hbm>> -> memref<1024xf32, #tpu.memory_space<hbm>>
    %dma_start3A_628 = arith.constant 0 : i32
    %dma_start3A_629 = tpu.memref_slice %arg21[%dma_start3A_622, %dma_start3A_623, %dma_start3A_628] : memref<3x2x1024xf32, #tpu.memory_space<vmem>> -> memref<1x1x1024xf32, #tpu.memory_space<vmem>>
    %dma_start3A_630 = tpu.memref_squeeze %dma_start3A_629 : memref<1x1x1024xf32, #tpu.memory_space<vmem>> -> memref<1024xf32, #tpu.memory_space<vmem>>
    %dma_start3A_631 = tpu.memref_slice %arg6[%add3A_621] : memref<327680xf32, #tpu.memory_space<hbm>> -> memref<1024xf32, #tpu.memory_space<hbm>>
    tpu.enqueue_dma source(%dma_start3A_631 : memref<1024xf32, #tpu.memory_space<hbm>>) target(%dma_start3A_630 : memref<1024xf32, #tpu.memory_space<vmem>>) target_semaphore(%arg24 : memref<!tpu.dma_semaphore, #tpu.memory_space<semaphore_mem>>)
    %add3A_632 = arith.constant 5120 : i32
    %add3A_633 = arith.addi %mul3A_17, %add3A_632 : i32
    %dma_start3A_634 = arith.constant 2 : i32
    %dma_start3A_635 = arith.constant 1 : i32
    %dma_start3A_636 = arith.constant 0 : i32
    %dma_start3A_637 = tpu.memref_slice %arg21[%dma_start3A_634, %dma_start3A_635, %dma_start3A_636] : memref<3x2x1024xf32, #tpu.memory_space<vmem>> -> memref<1x1x1024xf32, #tpu.memory_space<vmem>>
    %dma_start3A_638 = tpu.memref_squeeze %dma_start3A_637 : memref<1x1x1024xf32, #tpu.memory_space<vmem>> -> memref<1024xf32, #tpu.memory_space<vmem>>
    %dma_start3A_639 = tpu.memref_slice %arg7[%add3A_633] : memref<327680xf32, #tpu.memory_space<hbm>> -> memref<1024xf32, #tpu.memory_space<hbm>>
    %dma_start3A_640 = arith.constant 0 : i32
    %dma_start3A_641 = tpu.memref_slice %arg21[%dma_start3A_634, %dma_start3A_635, %dma_start3A_640] : memref<3x2x1024xf32, #tpu.memory_space<vmem>> -> memref<1x1x1024xf32, #tpu.memory_space<vmem>>
    %dma_start3A_642 = tpu.memref_squeeze %dma_start3A_641 : memref<1x1x1024xf32, #tpu.memory_space<vmem>> -> memref<1024xf32, #tpu.memory_space<vmem>>
    %dma_start3A_643 = tpu.memref_slice %arg7[%add3A_633] : memref<327680xf32, #tpu.memory_space<hbm>> -> memref<1024xf32, #tpu.memory_space<hbm>>
    tpu.enqueue_dma source(%dma_start3A_643 : memref<1024xf32, #tpu.memory_space<hbm>>) target(%dma_start3A_642 : memref<1024xf32, #tpu.memory_space<vmem>>) target_semaphore(%arg24 : memref<!tpu.dma_semaphore, #tpu.memory_space<semaphore_mem>>)
    %dma_wait3A_644 = arith.constant 0 : i32
    %dma_wait3A_645 = arith.constant 0 : i32
    %dma_wait3A_646 = arith.constant 0 : i32
    %dma_wait3A_647 = tpu.memref_slice %arg13[%dma_wait3A_644, %dma_wait3A_645, %dma_wait3A_646] : memref<2x1024x16xf32, #tpu.memory_space<vmem>> -> memref<1x1024x16xf32, #tpu.memory_space<vmem>>
    %dma_wait3A_648 = tpu.memref_squeeze %dma_wait3A_647 : memref<1x1024x16xf32, #tpu.memory_space<vmem>> -> memref<1024x16xf32, #tpu.memory_space<vmem>>
    %dma_wait3A_649 = arith.constant 4096 : i32
    %dma_wait3A_650 = tpu.memref_slice %arg11[%dma_wait3A_649] : memref<10240xi32, #tpu.memory_space<vmem>> -> memref<1024xi32, #tpu.memory_space<vmem>>
    %dma_wait3A_651 = arith.constant 0 : i32
    %dma_wait3A_652 = arith.constant 0 : i32
    %dma_wait3A_653 = tpu.memref_slice %arg15[%dma_wait3A_651, %dma_wait3A_652] : memref<10112x16xf32, #tpu.memory_space<vmem_shared>> -> memref<10112x16xf32, #tpu.memory_space<vmem_shared>>
    tpu.wait_indirect_dma semaphore(%arg16 : memref<!tpu.dma_semaphore, #tpu.memory_space<semaphore_mem>>) src(%dma_wait3A_653 : memref<10112x16xf32, #tpu.memory_space<vmem_shared>>) dst(%dma_wait3A_648 : memref<1024x16xf32, #tpu.memory_space<vmem>>)
    %dma_start3A_654 = arith.constant 0 : i32
    %dma_start3A_655 = arith.constant 0 : i32
    %dma_start3A_656 = arith.constant 0 : i32
    %dma_start3A_657 = tpu.memref_slice %arg13[%dma_start3A_654, %dma_start3A_655, %dma_start3A_656] : memref<2x1024x16xf32, #tpu.memory_space<vmem>> -> memref<1x1024x16xf32, #tpu.memory_space<vmem>>
    %dma_start3A_658 = tpu.memref_squeeze %dma_start3A_657 : memref<1x1024x16xf32, #tpu.memory_space<vmem>> -> memref<1024x16xf32, #tpu.memory_space<vmem>>
    %dma_start3A_659 = arith.constant 4096 : i32
    %dma_start3A_660 = tpu.memref_slice %arg12[%dma_start3A_659] : memref<10240xi32, #tpu.memory_space<vmem>> -> memref<1024xi32, #tpu.memory_space<vmem>>
    %dma_start3A_661 = arith.constant 0 : i32
    %dma_start3A_662 = arith.constant 0 : i32
    %dma_start3A_663 = tpu.memref_slice %arg14[%dma_start3A_661, %dma_start3A_662] : memref<10112x16xf32, #tpu.memory_space<vmem_shared>> -> memref<10112x16xf32, #tpu.memory_space<vmem_shared>>
    tpu.enqueue_indirect_dma source(%dma_start3A_658 : memref<1024x16xf32, #tpu.memory_space<vmem>>) target(%dma_start3A_663 : memref<10112x16xf32, #tpu.memory_space<vmem_shared>>) offsets(%dma_start3A_660 : memref<1024xi32, #tpu.memory_space<vmem>>) semaphore(%arg18 : memref<!tpu.dma_semaphore, #tpu.memory_space<semaphore_mem>>) {add = true}
    %dma_wait3A_664 = arith.constant 0 : i32
    %dma_wait3A_665 = arith.constant 0 : i32
    %dma_wait3A_666 = arith.constant 0 : i32
    %dma_wait3A_667 = tpu.memref_slice %arg21[%dma_wait3A_664, %dma_wait3A_665, %dma_wait3A_666] : memref<3x2x1024xf32, #tpu.memory_space<vmem>> -> memref<1x1x1024xf32, #tpu.memory_space<vmem>>
    %dma_wait3A_668 = tpu.memref_squeeze %dma_wait3A_667 : memref<1x1x1024xf32, #tpu.memory_space<vmem>> -> memref<1024xf32, #tpu.memory_space<vmem>>
    %dma_wait3A_669 = tpu.memref_slice %arg5[%add3A_475] : memref<327680xf32, #tpu.memory_space<hbm>> -> memref<1024xf32, #tpu.memory_space<hbm>>
    %dma_wait3A_670 = arith.constant 0 : i32
    %dma_wait3A_671 = tpu.memref_slice %arg21[%dma_wait3A_664, %dma_wait3A_665, %dma_wait3A_670] : memref<3x2x1024xf32, #tpu.memory_space<vmem>> -> memref<1x1x1024xf32, #tpu.memory_space<vmem>>
    %dma_wait3A_672 = tpu.memref_squeeze %dma_wait3A_671 : memref<1x1x1024xf32, #tpu.memory_space<vmem>> -> memref<1024xf32, #tpu.memory_space<vmem>>
    %dma_wait3A_673 = tpu.memref_slice %arg5[%add3A_475] : memref<327680xf32, #tpu.memory_space<hbm>> -> memref<1024xf32, #tpu.memory_space<hbm>>
    tpu.wait_dma2 semaphore(%arg23 : memref<!tpu.dma_semaphore, #tpu.memory_space<semaphore_mem>>) src(%dma_wait3A_673 : memref<1024xf32, #tpu.memory_space<hbm>>) dst(%dma_wait3A_672 : memref<1024xf32, #tpu.memory_space<vmem>>)
    %dma_wait3A_674 = arith.constant 1 : i32
    %dma_wait3A_675 = arith.constant 0 : i32
    %dma_wait3A_676 = arith.constant 0 : i32
    %dma_wait3A_677 = tpu.memref_slice %arg21[%dma_wait3A_674, %dma_wait3A_675, %dma_wait3A_676] : memref<3x2x1024xf32, #tpu.memory_space<vmem>> -> memref<1x1x1024xf32, #tpu.memory_space<vmem>>
    %dma_wait3A_678 = tpu.memref_squeeze %dma_wait3A_677 : memref<1x1x1024xf32, #tpu.memory_space<vmem>> -> memref<1024xf32, #tpu.memory_space<vmem>>
    %dma_wait3A_679 = tpu.memref_slice %arg6[%add3A_487] : memref<327680xf32, #tpu.memory_space<hbm>> -> memref<1024xf32, #tpu.memory_space<hbm>>
    %dma_wait3A_680 = arith.constant 0 : i32
    %dma_wait3A_681 = tpu.memref_slice %arg21[%dma_wait3A_674, %dma_wait3A_675, %dma_wait3A_680] : memref<3x2x1024xf32, #tpu.memory_space<vmem>> -> memref<1x1x1024xf32, #tpu.memory_space<vmem>>
    %dma_wait3A_682 = tpu.memref_squeeze %dma_wait3A_681 : memref<1x1x1024xf32, #tpu.memory_space<vmem>> -> memref<1024xf32, #tpu.memory_space<vmem>>
    %dma_wait3A_683 = tpu.memref_slice %arg6[%add3A_487] : memref<327680xf32, #tpu.memory_space<hbm>> -> memref<1024xf32, #tpu.memory_space<hbm>>
    tpu.wait_dma2 semaphore(%arg23 : memref<!tpu.dma_semaphore, #tpu.memory_space<semaphore_mem>>) src(%dma_wait3A_683 : memref<1024xf32, #tpu.memory_space<hbm>>) dst(%dma_wait3A_682 : memref<1024xf32, #tpu.memory_space<vmem>>)
    %dma_wait3A_684 = arith.constant 2 : i32
    %dma_wait3A_685 = arith.constant 0 : i32
    %dma_wait3A_686 = arith.constant 0 : i32
    %dma_wait3A_687 = tpu.memref_slice %arg21[%dma_wait3A_684, %dma_wait3A_685, %dma_wait3A_686] : memref<3x2x1024xf32, #tpu.memory_space<vmem>> -> memref<1x1x1024xf32, #tpu.memory_space<vmem>>
    %dma_wait3A_688 = tpu.memref_squeeze %dma_wait3A_687 : memref<1x1x1024xf32, #tpu.memory_space<vmem>> -> memref<1024xf32, #tpu.memory_space<vmem>>
    %dma_wait3A_689 = tpu.memref_slice %arg7[%add3A_499] : memref<327680xf32, #tpu.memory_space<hbm>> -> memref<1024xf32, #tpu.memory_space<hbm>>
    %dma_wait3A_690 = arith.constant 0 : i32
    %dma_wait3A_691 = tpu.memref_slice %arg21[%dma_wait3A_684, %dma_wait3A_685, %dma_wait3A_690] : memref<3x2x1024xf32, #tpu.memory_space<vmem>> -> memref<1x1x1024xf32, #tpu.memory_space<vmem>>
    %dma_wait3A_692 = tpu.memref_squeeze %dma_wait3A_691 : memref<1x1x1024xf32, #tpu.memory_space<vmem>> -> memref<1024xf32, #tpu.memory_space<vmem>>
    %dma_wait3A_693 = tpu.memref_slice %arg7[%add3A_499] : memref<327680xf32, #tpu.memory_space<hbm>> -> memref<1024xf32, #tpu.memory_space<hbm>>
    tpu.wait_dma2 semaphore(%arg23 : memref<!tpu.dma_semaphore, #tpu.memory_space<semaphore_mem>>) src(%dma_wait3A_693 : memref<1024xf32, #tpu.memory_space<hbm>>) dst(%dma_wait3A_692 : memref<1024xf32, #tpu.memory_space<vmem>>)
    %broadcast_in_dim3A_694 = arith.constant 0 : i32
    %broadcast_in_dim3A_695 = vector.broadcast %broadcast_in_dim3A_694 : i32 to vector<16xi32>
    %iota3A_696 = tpu.iota {dimensions = array<i32: 0>} : vector<16xi32>
    %scan3A_697 = arith.constant 0 : i32
    %scan3A_698 = arith.constant 64 : i32
    %scan3A_699 = arith.addi %scan3A_697, %scan3A_698 : i32
    %scan3A_700 = arith.constant 1 : i32
    scf.for %scan3A_1357 = %scan3A_697 to %scan3A_699 step %scan3A_700  : i32 {
      %mul3A_1358 = arith.constant 1 : i32
      %mul3A_1359 = arith.muli %scan3A_1357, %mul3A_1358 : i32
      %add3A_1360 = arith.constant 0 : i32
      %add3A_1361 = arith.addi %add3A_1360, %mul3A_1359 : i32
      %mul3A_1362 = arith.constant 16 : i32
      %mul3A_1363 = arith.muli %add3A_1361, %mul3A_1362 : i32
      %add3A_1364 = vector.broadcast %mul3A_1363 : i32 to vector<16xi32>
      %add3A_1365 = arith.addi %iota3A_696, %add3A_1364 : vector<16xi32>
      %mul3A_1366 = arith.constant 16 : i32
      %mul3A_1367 = arith.muli %add3A_1361, %mul3A_1366 : i32
      %get3A = arith.constant 0 : i32
      %get3A_1368 = arith.constant 0 : i32
      %get3A_1369 = arith.index_cast %get3A : i32 to index
      %get3A_1370 = arith.index_cast %get3A_1368 : i32 to index
      %get3A_1371 = arith.index_cast %mul3A_1367 : i32 to index
      %get3A_1372 = tpu.vector_load %arg21[%get3A_1369, %get3A_1370, %get3A_1371] {strides = array<i32>} : memref<3x2x1024xf32, #tpu.memory_space<vmem>>, vector<16xf32>,
      %broadcast_in_dim3A_1373 = arith.constant 0 : i32
      %broadcast_in_dim3A_1374 = vector.broadcast %broadcast_in_dim3A_1373 : i32 to vector<16xi32>
      tpu.vector_store_idx %arg20[%broadcast_in_dim3A_695, %add3A_1365, %broadcast_in_dim3A_1374], %get3A_1372 : memref<2x1024x16xf32, #tpu.memory_space<vmem>>[vector<16xi32>, vector<16xi32>, vector<16xi32>], vector<16xf32>,
      %mul3A_1375 = arith.constant 16 : i32
      %mul3A_1376 = arith.muli %add3A_1361, %mul3A_1375 : i32
      %get3A_1377 = arith.constant 1 : i32
      %get3A_1378 = arith.constant 0 : i32
      %get3A_1379 = arith.index_cast %get3A_1377 : i32 to index
      %get3A_1380 = arith.index_cast %get3A_1378 : i32 to index
      %get3A_1381 = arith.index_cast %mul3A_1376 : i32 to index
      %get3A_1382 = tpu.vector_load %arg21[%get3A_1379, %get3A_1380, %get3A_1381] {strides = array<i32>} : memref<3x2x1024xf32, #tpu.memory_space<vmem>>, vector<16xf32>,
      %broadcast_in_dim3A_1383 = arith.constant 1 : i32
      %broadcast_in_dim3A_1384 = vector.broadcast %broadcast_in_dim3A_1383 : i32 to vector<16xi32>
      tpu.vector_store_idx %arg20[%broadcast_in_dim3A_695, %add3A_1365, %broadcast_in_dim3A_1384], %get3A_1382 : memref<2x1024x16xf32, #tpu.memory_space<vmem>>[vector<16xi32>, vector<16xi32>, vector<16xi32>], vector<16xf32>,
      %mul3A_1385 = arith.constant 16 : i32
      %mul3A_1386 = arith.muli %add3A_1361, %mul3A_1385 : i32
      %get3A_1387 = arith.constant 2 : i32
      %get3A_1388 = arith.constant 0 : i32
      %get3A_1389 = arith.index_cast %get3A_1387 : i32 to index
      %get3A_1390 = arith.index_cast %get3A_1388 : i32 to index
      %get3A_1391 = arith.index_cast %mul3A_1386 : i32 to index
      %get3A_1392 = tpu.vector_load %arg21[%get3A_1389, %get3A_1390, %get3A_1391] {strides = array<i32>} : memref<3x2x1024xf32, #tpu.memory_space<vmem>>, vector<16xf32>,
      %broadcast_in_dim3A_1393 = arith.constant 2 : i32
      %broadcast_in_dim3A_1394 = vector.broadcast %broadcast_in_dim3A_1393 : i32 to vector<16xi32>
      tpu.vector_store_idx %arg20[%broadcast_in_dim3A_695, %add3A_1365, %broadcast_in_dim3A_1394], %get3A_1392 : memref<2x1024x16xf32, #tpu.memory_space<vmem>>[vector<16xi32>, vector<16xi32>, vector<16xi32>], vector<16xf32>,
    }
    %scan3A_701 = arith.constant 64 : i32
    %dma_start3A_702 = arith.constant 0 : i32
    %dma_start3A_703 = arith.constant 0 : i32
    %dma_start3A_704 = arith.constant 0 : i32
    %dma_start3A_705 = tpu.memref_slice %arg20[%dma_start3A_702, %dma_start3A_703, %dma_start3A_704] : memref<2x1024x16xf32, #tpu.memory_space<vmem>> -> memref<1x1024x16xf32, #tpu.memory_space<vmem>>
    %dma_start3A_706 = tpu.memref_squeeze %dma_start3A_705 : memref<1x1024x16xf32, #tpu.memory_space<vmem>> -> memref<1024x16xf32, #tpu.memory_space<vmem>>
    %dma_start3A_707 = arith.constant 4096 : i32
    %dma_start3A_708 = tpu.memref_slice %arg12[%dma_start3A_707] : memref<10240xi32, #tpu.memory_space<vmem>> -> memref<1024xi32, #tpu.memory_space<vmem>>
    %dma_start3A_709 = arith.constant 0 : i32
    %dma_start3A_710 = arith.constant 0 : i32
    %dma_start3A_711 = tpu.memref_slice %arg22[%dma_start3A_709, %dma_start3A_710] : memref<10112x16xf32, #tpu.memory_space<vmem_shared>> -> memref<10112x16xf32, #tpu.memory_space<vmem_shared>>
    tpu.enqueue_indirect_dma source(%dma_start3A_706 : memref<1024x16xf32, #tpu.memory_space<vmem>>) target(%dma_start3A_711 : memref<10112x16xf32, #tpu.memory_space<vmem_shared>>) offsets(%dma_start3A_708 : memref<1024xi32, #tpu.memory_space<vmem>>) semaphore(%arg25 : memref<!tpu.dma_semaphore, #tpu.memory_space<semaphore_mem>>) {add = true}
    %dma_wait3A_712 = arith.constant 0 : i32
    %dma_wait3A_713 = arith.constant 0 : i32
    %dma_wait3A_714 = arith.constant 0 : i32
    %dma_wait3A_715 = tpu.memref_slice %arg13[%dma_wait3A_712, %dma_wait3A_713, %dma_wait3A_714] : memref<2x1024x16xf32, #tpu.memory_space<vmem>> -> memref<1x1024x16xf32, #tpu.memory_space<vmem>>
    %dma_wait3A_716 = tpu.memref_squeeze %dma_wait3A_715 : memref<1x1024x16xf32, #tpu.memory_space<vmem>> -> memref<1024x16xf32, #tpu.memory_space<vmem>>
    %dma_wait3A_717 = arith.constant 4096 : i32
    %dma_wait3A_718 = tpu.memref_slice %arg12[%dma_wait3A_717] : memref<10240xi32, #tpu.memory_space<vmem>> -> memref<1024xi32, #tpu.memory_space<vmem>>
    %dma_wait3A_719 = arith.constant 0 : i32
    %dma_wait3A_720 = arith.constant 0 : i32
    %dma_wait3A_721 = tpu.memref_slice %arg14[%dma_wait3A_719, %dma_wait3A_720] : memref<10112x16xf32, #tpu.memory_space<vmem_shared>> -> memref<10112x16xf32, #tpu.memory_space<vmem_shared>>
    tpu.wait_indirect_dma semaphore(%arg18 : memref<!tpu.dma_semaphore, #tpu.memory_space<semaphore_mem>>) src(%dma_wait3A_716 : memref<1024x16xf32, #tpu.memory_space<vmem>>) dst(%dma_wait3A_721 : memref<10112x16xf32, #tpu.memory_space<vmem_shared>>)
    %dma_wait3A_722 = arith.constant 0 : i32
    %dma_wait3A_723 = arith.constant 0 : i32
    %dma_wait3A_724 = arith.constant 0 : i32
    %dma_wait3A_725 = tpu.memref_slice %arg20[%dma_wait3A_722, %dma_wait3A_723, %dma_wait3A_724] : memref<2x1024x16xf32, #tpu.memory_space<vmem>> -> memref<1x1024x16xf32, #tpu.memory_space<vmem>>
    %dma_wait3A_726 = tpu.memref_squeeze %dma_wait3A_725 : memref<1x1024x16xf32, #tpu.memory_space<vmem>> -> memref<1024x16xf32, #tpu.memory_space<vmem>>
    %dma_wait3A_727 = arith.constant 4096 : i32
    %dma_wait3A_728 = tpu.memref_slice %arg12[%dma_wait3A_727] : memref<10240xi32, #tpu.memory_space<vmem>> -> memref<1024xi32, #tpu.memory_space<vmem>>
    %dma_wait3A_729 = arith.constant 0 : i32
    %dma_wait3A_730 = arith.constant 0 : i32
    %dma_wait3A_731 = tpu.memref_slice %arg22[%dma_wait3A_729, %dma_wait3A_730] : memref<10112x16xf32, #tpu.memory_space<vmem_shared>> -> memref<10112x16xf32, #tpu.memory_space<vmem_shared>>
    tpu.wait_indirect_dma semaphore(%arg25 : memref<!tpu.dma_semaphore, #tpu.memory_space<semaphore_mem>>) src(%dma_wait3A_726 : memref<1024x16xf32, #tpu.memory_space<vmem>>) dst(%dma_wait3A_731 : memref<10112x16xf32, #tpu.memory_space<vmem_shared>>)
    %dma_start3A_732 = arith.constant 0 : i32
    %dma_start3A_733 = arith.constant 0 : i32
    %dma_start3A_734 = arith.constant 0 : i32
    %dma_start3A_735 = tpu.memref_slice %arg13[%dma_start3A_732, %dma_start3A_733, %dma_start3A_734] : memref<2x1024x16xf32, #tpu.memory_space<vmem>> -> memref<1x1024x16xf32, #tpu.memory_space<vmem>>
    %dma_start3A_736 = tpu.memref_squeeze %dma_start3A_735 : memref<1x1024x16xf32, #tpu.memory_space<vmem>> -> memref<1024x16xf32, #tpu.memory_space<vmem>>
    %dma_start3A_737 = arith.constant 6144 : i32
    %dma_start3A_738 = tpu.memref_slice %arg11[%dma_start3A_737] : memref<10240xi32, #tpu.memory_space<vmem>> -> memref<1024xi32, #tpu.memory_space<vmem>>
    %dma_start3A_739 = arith.constant 0 : i32
    %dma_start3A_740 = arith.constant 0 : i32
    %dma_start3A_741 = tpu.memref_slice %arg15[%dma_start3A_739, %dma_start3A_740] : memref<10112x16xf32, #tpu.memory_space<vmem_shared>> -> memref<10112x16xf32, #tpu.memory_space<vmem_shared>>
    tpu.enqueue_indirect_dma source(%dma_start3A_741 : memref<10112x16xf32, #tpu.memory_space<vmem_shared>>) target(%dma_start3A_736 : memref<1024x16xf32, #tpu.memory_space<vmem>>) offsets(%dma_start3A_738 : memref<1024xi32, #tpu.memory_space<vmem>>) semaphore(%arg16 : memref<!tpu.dma_semaphore, #tpu.memory_space<semaphore_mem>>)
    %add3A_742 = arith.constant 6144 : i32
    %add3A_743 = arith.addi %mul3A_17, %add3A_742 : i32
    %dma_start3A_744 = arith.constant 0 : i32
    %dma_start3A_745 = arith.constant 0 : i32
    %dma_start3A_746 = arith.constant 0 : i32
    %dma_start3A_747 = tpu.memref_slice %arg21[%dma_start3A_744, %dma_start3A_745, %dma_start3A_746] : memref<3x2x1024xf32, #tpu.memory_space<vmem>> -> memref<1x1x1024xf32, #tpu.memory_space<vmem>>
    %dma_start3A_748 = tpu.memref_squeeze %dma_start3A_747 : memref<1x1x1024xf32, #tpu.memory_space<vmem>> -> memref<1024xf32, #tpu.memory_space<vmem>>
    %dma_start3A_749 = tpu.memref_slice %arg5[%add3A_743] : memref<327680xf32, #tpu.memory_space<hbm>> -> memref<1024xf32, #tpu.memory_space<hbm>>
    %dma_start3A_750 = arith.constant 0 : i32
    %dma_start3A_751 = tpu.memref_slice %arg21[%dma_start3A_744, %dma_start3A_745, %dma_start3A_750] : memref<3x2x1024xf32, #tpu.memory_space<vmem>> -> memref<1x1x1024xf32, #tpu.memory_space<vmem>>
    %dma_start3A_752 = tpu.memref_squeeze %dma_start3A_751 : memref<1x1x1024xf32, #tpu.memory_space<vmem>> -> memref<1024xf32, #tpu.memory_space<vmem>>
    %dma_start3A_753 = tpu.memref_slice %arg5[%add3A_743] : memref<327680xf32, #tpu.memory_space<hbm>> -> memref<1024xf32, #tpu.memory_space<hbm>>
    tpu.enqueue_dma source(%dma_start3A_753 : memref<1024xf32, #tpu.memory_space<hbm>>) target(%dma_start3A_752 : memref<1024xf32, #tpu.memory_space<vmem>>) target_semaphore(%arg23 : memref<!tpu.dma_semaphore, #tpu.memory_space<semaphore_mem>>)
    %add3A_754 = arith.constant 6144 : i32
    %add3A_755 = arith.addi %mul3A_17, %add3A_754 : i32
    %dma_start3A_756 = arith.constant 1 : i32
    %dma_start3A_757 = arith.constant 0 : i32
    %dma_start3A_758 = arith.constant 0 : i32
    %dma_start3A_759 = tpu.memref_slice %arg21[%dma_start3A_756, %dma_start3A_757, %dma_start3A_758] : memref<3x2x1024xf32, #tpu.memory_space<vmem>> -> memref<1x1x1024xf32, #tpu.memory_space<vmem>>
    %dma_start3A_760 = tpu.memref_squeeze %dma_start3A_759 : memref<1x1x1024xf32, #tpu.memory_space<vmem>> -> memref<1024xf32, #tpu.memory_space<vmem>>
    %dma_start3A_761 = tpu.memref_slice %arg6[%add3A_755] : memref<327680xf32, #tpu.memory_space<hbm>> -> memref<1024xf32, #tpu.memory_space<hbm>>
    %dma_start3A_762 = arith.constant 0 : i32
    %dma_start3A_763 = tpu.memref_slice %arg21[%dma_start3A_756, %dma_start3A_757, %dma_start3A_762] : memref<3x2x1024xf32, #tpu.memory_space<vmem>> -> memref<1x1x1024xf32, #tpu.memory_space<vmem>>
    %dma_start3A_764 = tpu.memref_squeeze %dma_start3A_763 : memref<1x1x1024xf32, #tpu.memory_space<vmem>> -> memref<1024xf32, #tpu.memory_space<vmem>>
    %dma_start3A_765 = tpu.memref_slice %arg6[%add3A_755] : memref<327680xf32, #tpu.memory_space<hbm>> -> memref<1024xf32, #tpu.memory_space<hbm>>
    tpu.enqueue_dma source(%dma_start3A_765 : memref<1024xf32, #tpu.memory_space<hbm>>) target(%dma_start3A_764 : memref<1024xf32, #tpu.memory_space<vmem>>) target_semaphore(%arg23 : memref<!tpu.dma_semaphore, #tpu.memory_space<semaphore_mem>>)
    %add3A_766 = arith.constant 6144 : i32
    %add3A_767 = arith.addi %mul3A_17, %add3A_766 : i32
    %dma_start3A_768 = arith.constant 2 : i32
    %dma_start3A_769 = arith.constant 0 : i32
    %dma_start3A_770 = arith.constant 0 : i32
    %dma_start3A_771 = tpu.memref_slice %arg21[%dma_start3A_768, %dma_start3A_769, %dma_start3A_770] : memref<3x2x1024xf32, #tpu.memory_space<vmem>> -> memref<1x1x1024xf32, #tpu.memory_space<vmem>>
    %dma_start3A_772 = tpu.memref_squeeze %dma_start3A_771 : memref<1x1x1024xf32, #tpu.memory_space<vmem>> -> memref<1024xf32, #tpu.memory_space<vmem>>
    %dma_start3A_773 = tpu.memref_slice %arg7[%add3A_767] : memref<327680xf32, #tpu.memory_space<hbm>> -> memref<1024xf32, #tpu.memory_space<hbm>>
    %dma_start3A_774 = arith.constant 0 : i32
    %dma_start3A_775 = tpu.memref_slice %arg21[%dma_start3A_768, %dma_start3A_769, %dma_start3A_774] : memref<3x2x1024xf32, #tpu.memory_space<vmem>> -> memref<1x1x1024xf32, #tpu.memory_space<vmem>>
    %dma_start3A_776 = tpu.memref_squeeze %dma_start3A_775 : memref<1x1x1024xf32, #tpu.memory_space<vmem>> -> memref<1024xf32, #tpu.memory_space<vmem>>
    %dma_start3A_777 = tpu.memref_slice %arg7[%add3A_767] : memref<327680xf32, #tpu.memory_space<hbm>> -> memref<1024xf32, #tpu.memory_space<hbm>>
    tpu.enqueue_dma source(%dma_start3A_777 : memref<1024xf32, #tpu.memory_space<hbm>>) target(%dma_start3A_776 : memref<1024xf32, #tpu.memory_space<vmem>>) target_semaphore(%arg23 : memref<!tpu.dma_semaphore, #tpu.memory_space<semaphore_mem>>)
    %dma_wait3A_778 = arith.constant 1 : i32
    %dma_wait3A_779 = arith.constant 0 : i32
    %dma_wait3A_780 = arith.constant 0 : i32
    %dma_wait3A_781 = tpu.memref_slice %arg13[%dma_wait3A_778, %dma_wait3A_779, %dma_wait3A_780] : memref<2x1024x16xf32, #tpu.memory_space<vmem>> -> memref<1x1024x16xf32, #tpu.memory_space<vmem>>
    %dma_wait3A_782 = tpu.memref_squeeze %dma_wait3A_781 : memref<1x1024x16xf32, #tpu.memory_space<vmem>> -> memref<1024x16xf32, #tpu.memory_space<vmem>>
    %dma_wait3A_783 = arith.constant 5120 : i32
    %dma_wait3A_784 = tpu.memref_slice %arg11[%dma_wait3A_783] : memref<10240xi32, #tpu.memory_space<vmem>> -> memref<1024xi32, #tpu.memory_space<vmem>>
    %dma_wait3A_785 = arith.constant 0 : i32
    %dma_wait3A_786 = arith.constant 0 : i32
    %dma_wait3A_787 = tpu.memref_slice %arg15[%dma_wait3A_785, %dma_wait3A_786] : memref<10112x16xf32, #tpu.memory_space<vmem_shared>> -> memref<10112x16xf32, #tpu.memory_space<vmem_shared>>
    tpu.wait_indirect_dma semaphore(%arg17 : memref<!tpu.dma_semaphore, #tpu.memory_space<semaphore_mem>>) src(%dma_wait3A_787 : memref<10112x16xf32, #tpu.memory_space<vmem_shared>>) dst(%dma_wait3A_782 : memref<1024x16xf32, #tpu.memory_space<vmem>>)
    %dma_start3A_788 = arith.constant 1 : i32
    %dma_start3A_789 = arith.constant 0 : i32
    %dma_start3A_790 = arith.constant 0 : i32
    %dma_start3A_791 = tpu.memref_slice %arg13[%dma_start3A_788, %dma_start3A_789, %dma_start3A_790] : memref<2x1024x16xf32, #tpu.memory_space<vmem>> -> memref<1x1024x16xf32, #tpu.memory_space<vmem>>
    %dma_start3A_792 = tpu.memref_squeeze %dma_start3A_791 : memref<1x1024x16xf32, #tpu.memory_space<vmem>> -> memref<1024x16xf32, #tpu.memory_space<vmem>>
    %dma_start3A_793 = arith.constant 5120 : i32
    %dma_start3A_794 = tpu.memref_slice %arg12[%dma_start3A_793] : memref<10240xi32, #tpu.memory_space<vmem>> -> memref<1024xi32, #tpu.memory_space<vmem>>
    %dma_start3A_795 = arith.constant 0 : i32
    %dma_start3A_796 = arith.constant 0 : i32
    %dma_start3A_797 = tpu.memref_slice %arg14[%dma_start3A_795, %dma_start3A_796] : memref<10112x16xf32, #tpu.memory_space<vmem_shared>> -> memref<10112x16xf32, #tpu.memory_space<vmem_shared>>
    tpu.enqueue_indirect_dma source(%dma_start3A_792 : memref<1024x16xf32, #tpu.memory_space<vmem>>) target(%dma_start3A_797 : memref<10112x16xf32, #tpu.memory_space<vmem_shared>>) offsets(%dma_start3A_794 : memref<1024xi32, #tpu.memory_space<vmem>>) semaphore(%arg19 : memref<!tpu.dma_semaphore, #tpu.memory_space<semaphore_mem>>) {add = true}
    %dma_wait3A_798 = arith.constant 0 : i32
    %dma_wait3A_799 = arith.constant 1 : i32
    %dma_wait3A_800 = arith.constant 0 : i32
    %dma_wait3A_801 = tpu.memref_slice %arg21[%dma_wait3A_798, %dma_wait3A_799, %dma_wait3A_800] : memref<3x2x1024xf32, #tpu.memory_space<vmem>> -> memref<1x1x1024xf32, #tpu.memory_space<vmem>>
    %dma_wait3A_802 = tpu.memref_squeeze %dma_wait3A_801 : memref<1x1x1024xf32, #tpu.memory_space<vmem>> -> memref<1024xf32, #tpu.memory_space<vmem>>
    %dma_wait3A_803 = tpu.memref_slice %arg5[%add3A_609] : memref<327680xf32, #tpu.memory_space<hbm>> -> memref<1024xf32, #tpu.memory_space<hbm>>
    %dma_wait3A_804 = arith.constant 0 : i32
    %dma_wait3A_805 = tpu.memref_slice %arg21[%dma_wait3A_798, %dma_wait3A_799, %dma_wait3A_804] : memref<3x2x1024xf32, #tpu.memory_space<vmem>> -> memref<1x1x1024xf32, #tpu.memory_space<vmem>>
    %dma_wait3A_806 = tpu.memref_squeeze %dma_wait3A_805 : memref<1x1x1024xf32, #tpu.memory_space<vmem>> -> memref<1024xf32, #tpu.memory_space<vmem>>
    %dma_wait3A_807 = tpu.memref_slice %arg5[%add3A_609] : memref<327680xf32, #tpu.memory_space<hbm>> -> memref<1024xf32, #tpu.memory_space<hbm>>
    tpu.wait_dma2 semaphore(%arg24 : memref<!tpu.dma_semaphore, #tpu.memory_space<semaphore_mem>>) src(%dma_wait3A_807 : memref<1024xf32, #tpu.memory_space<hbm>>) dst(%dma_wait3A_806 : memref<1024xf32, #tpu.memory_space<vmem>>)
    %dma_wait3A_808 = arith.constant 1 : i32
    %dma_wait3A_809 = arith.constant 1 : i32
    %dma_wait3A_810 = arith.constant 0 : i32
    %dma_wait3A_811 = tpu.memref_slice %arg21[%dma_wait3A_808, %dma_wait3A_809, %dma_wait3A_810] : memref<3x2x1024xf32, #tpu.memory_space<vmem>> -> memref<1x1x1024xf32, #tpu.memory_space<vmem>>
    %dma_wait3A_812 = tpu.memref_squeeze %dma_wait3A_811 : memref<1x1x1024xf32, #tpu.memory_space<vmem>> -> memref<1024xf32, #tpu.memory_space<vmem>>
    %dma_wait3A_813 = tpu.memref_slice %arg6[%add3A_621] : memref<327680xf32, #tpu.memory_space<hbm>> -> memref<1024xf32, #tpu.memory_space<hbm>>
    %dma_wait3A_814 = arith.constant 0 : i32
    %dma_wait3A_815 = tpu.memref_slice %arg21[%dma_wait3A_808, %dma_wait3A_809, %dma_wait3A_814] : memref<3x2x1024xf32, #tpu.memory_space<vmem>> -> memref<1x1x1024xf32, #tpu.memory_space<vmem>>
    %dma_wait3A_816 = tpu.memref_squeeze %dma_wait3A_815 : memref<1x1x1024xf32, #tpu.memory_space<vmem>> -> memref<1024xf32, #tpu.memory_space<vmem>>
    %dma_wait3A_817 = tpu.memref_slice %arg6[%add3A_621] : memref<327680xf32, #tpu.memory_space<hbm>> -> memref<1024xf32, #tpu.memory_space<hbm>>
    tpu.wait_dma2 semaphore(%arg24 : memref<!tpu.dma_semaphore, #tpu.memory_space<semaphore_mem>>) src(%dma_wait3A_817 : memref<1024xf32, #tpu.memory_space<hbm>>) dst(%dma_wait3A_816 : memref<1024xf32, #tpu.memory_space<vmem>>)
    %dma_wait3A_818 = arith.constant 2 : i32
    %dma_wait3A_819 = arith.constant 1 : i32
    %dma_wait3A_820 = arith.constant 0 : i32
    %dma_wait3A_821 = tpu.memref_slice %arg21[%dma_wait3A_818, %dma_wait3A_819, %dma_wait3A_820] : memref<3x2x1024xf32, #tpu.memory_space<vmem>> -> memref<1x1x1024xf32, #tpu.memory_space<vmem>>
    %dma_wait3A_822 = tpu.memref_squeeze %dma_wait3A_821 : memref<1x1x1024xf32, #tpu.memory_space<vmem>> -> memref<1024xf32, #tpu.memory_space<vmem>>
    %dma_wait3A_823 = tpu.memref_slice %arg7[%add3A_633] : memref<327680xf32, #tpu.memory_space<hbm>> -> memref<1024xf32, #tpu.memory_space<hbm>>
    %dma_wait3A_824 = arith.constant 0 : i32
    %dma_wait3A_825 = tpu.memref_slice %arg21[%dma_wait3A_818, %dma_wait3A_819, %dma_wait3A_824] : memref<3x2x1024xf32, #tpu.memory_space<vmem>> -> memref<1x1x1024xf32, #tpu.memory_space<vmem>>
    %dma_wait3A_826 = tpu.memref_squeeze %dma_wait3A_825 : memref<1x1x1024xf32, #tpu.memory_space<vmem>> -> memref<1024xf32, #tpu.memory_space<vmem>>
    %dma_wait3A_827 = tpu.memref_slice %arg7[%add3A_633] : memref<327680xf32, #tpu.memory_space<hbm>> -> memref<1024xf32, #tpu.memory_space<hbm>>
    tpu.wait_dma2 semaphore(%arg24 : memref<!tpu.dma_semaphore, #tpu.memory_space<semaphore_mem>>) src(%dma_wait3A_827 : memref<1024xf32, #tpu.memory_space<hbm>>) dst(%dma_wait3A_826 : memref<1024xf32, #tpu.memory_space<vmem>>)
    %broadcast_in_dim3A_828 = arith.constant 1 : i32
    %broadcast_in_dim3A_829 = vector.broadcast %broadcast_in_dim3A_828 : i32 to vector<16xi32>
    %iota3A_830 = tpu.iota {dimensions = array<i32: 0>} : vector<16xi32>
    %scan3A_831 = arith.constant 0 : i32
    %scan3A_832 = arith.constant 64 : i32
    %scan3A_833 = arith.addi %scan3A_831, %scan3A_832 : i32
    %scan3A_834 = arith.constant 1 : i32
    scf.for %scan3A_1357 = %scan3A_831 to %scan3A_833 step %scan3A_834  : i32 {
      %mul3A_1358 = arith.constant 1 : i32
      %mul3A_1359 = arith.muli %scan3A_1357, %mul3A_1358 : i32
      %add3A_1360 = arith.constant 0 : i32
      %add3A_1361 = arith.addi %add3A_1360, %mul3A_1359 : i32
      %mul3A_1362 = arith.constant 16 : i32
      %mul3A_1363 = arith.muli %add3A_1361, %mul3A_1362 : i32
      %add3A_1364 = vector.broadcast %mul3A_1363 : i32 to vector<16xi32>
      %add3A_1365 = arith.addi %iota3A_830, %add3A_1364 : vector<16xi32>
      %mul3A_1366 = arith.constant 16 : i32
      %mul3A_1367 = arith.muli %add3A_1361, %mul3A_1366 : i32
      %get3A = arith.constant 0 : i32
      %get3A_1368 = arith.constant 1 : i32
      %get3A_1369 = arith.index_cast %get3A : i32 to index
      %get3A_1370 = arith.index_cast %get3A_1368 : i32 to index
      %get3A_1371 = arith.index_cast %mul3A_1367 : i32 to index
      %get3A_1372 = tpu.vector_load %arg21[%get3A_1369, %get3A_1370, %get3A_1371] {strides = array<i32>} : memref<3x2x1024xf32, #tpu.memory_space<vmem>>, vector<16xf32>,
      %broadcast_in_dim3A_1373 = arith.constant 0 : i32
      %broadcast_in_dim3A_1374 = vector.broadcast %broadcast_in_dim3A_1373 : i32 to vector<16xi32>
      tpu.vector_store_idx %arg20[%broadcast_in_dim3A_829, %add3A_1365, %broadcast_in_dim3A_1374], %get3A_1372 : memref<2x1024x16xf32, #tpu.memory_space<vmem>>[vector<16xi32>, vector<16xi32>, vector<16xi32>], vector<16xf32>,
      %mul3A_1375 = arith.constant 16 : i32
      %mul3A_1376 = arith.muli %add3A_1361, %mul3A_1375 : i32
      %get3A_1377 = arith.constant 1 : i32
      %get3A_1378 = arith.constant 1 : i32
      %get3A_1379 = arith.index_cast %get3A_1377 : i32 to index
      %get3A_1380 = arith.index_cast %get3A_1378 : i32 to index
      %get3A_1381 = arith.index_cast %mul3A_1376 : i32 to index
      %get3A_1382 = tpu.vector_load %arg21[%get3A_1379, %get3A_1380, %get3A_1381] {strides = array<i32>} : memref<3x2x1024xf32, #tpu.memory_space<vmem>>, vector<16xf32>,
      %broadcast_in_dim3A_1383 = arith.constant 1 : i32
      %broadcast_in_dim3A_1384 = vector.broadcast %broadcast_in_dim3A_1383 : i32 to vector<16xi32>
      tpu.vector_store_idx %arg20[%broadcast_in_dim3A_829, %add3A_1365, %broadcast_in_dim3A_1384], %get3A_1382 : memref<2x1024x16xf32, #tpu.memory_space<vmem>>[vector<16xi32>, vector<16xi32>, vector<16xi32>], vector<16xf32>,
      %mul3A_1385 = arith.constant 16 : i32
      %mul3A_1386 = arith.muli %add3A_1361, %mul3A_1385 : i32
      %get3A_1387 = arith.constant 2 : i32
      %get3A_1388 = arith.constant 1 : i32
      %get3A_1389 = arith.index_cast %get3A_1387 : i32 to index
      %get3A_1390 = arith.index_cast %get3A_1388 : i32 to index
      %get3A_1391 = arith.index_cast %mul3A_1386 : i32 to index
      %get3A_1392 = tpu.vector_load %arg21[%get3A_1389, %get3A_1390, %get3A_1391] {strides = array<i32>} : memref<3x2x1024xf32, #tpu.memory_space<vmem>>, vector<16xf32>,
      %broadcast_in_dim3A_1393 = arith.constant 2 : i32
      %broadcast_in_dim3A_1394 = vector.broadcast %broadcast_in_dim3A_1393 : i32 to vector<16xi32>
      tpu.vector_store_idx %arg20[%broadcast_in_dim3A_829, %add3A_1365, %broadcast_in_dim3A_1394], %get3A_1392 : memref<2x1024x16xf32, #tpu.memory_space<vmem>>[vector<16xi32>, vector<16xi32>, vector<16xi32>], vector<16xf32>,
    }
    %scan3A_835 = arith.constant 64 : i32
    %dma_start3A_836 = arith.constant 1 : i32
    %dma_start3A_837 = arith.constant 0 : i32
    %dma_start3A_838 = arith.constant 0 : i32
    %dma_start3A_839 = tpu.memref_slice %arg20[%dma_start3A_836, %dma_start3A_837, %dma_start3A_838] : memref<2x1024x16xf32, #tpu.memory_space<vmem>> -> memref<1x1024x16xf32, #tpu.memory_space<vmem>>
    %dma_start3A_840 = tpu.memref_squeeze %dma_start3A_839 : memref<1x1024x16xf32, #tpu.memory_space<vmem>> -> memref<1024x16xf32, #tpu.memory_space<vmem>>
    %dma_start3A_841 = arith.constant 5120 : i32
    %dma_start3A_842 = tpu.memref_slice %arg12[%dma_start3A_841] : memref<10240xi32, #tpu.memory_space<vmem>> -> memref<1024xi32, #tpu.memory_space<vmem>>
    %dma_start3A_843 = arith.constant 0 : i32
    %dma_start3A_844 = arith.constant 0 : i32
    %dma_start3A_845 = tpu.memref_slice %arg22[%dma_start3A_843, %dma_start3A_844] : memref<10112x16xf32, #tpu.memory_space<vmem_shared>> -> memref<10112x16xf32, #tpu.memory_space<vmem_shared>>
    tpu.enqueue_indirect_dma source(%dma_start3A_840 : memref<1024x16xf32, #tpu.memory_space<vmem>>) target(%dma_start3A_845 : memref<10112x16xf32, #tpu.memory_space<vmem_shared>>) offsets(%dma_start3A_842 : memref<1024xi32, #tpu.memory_space<vmem>>) semaphore(%arg26 : memref<!tpu.dma_semaphore, #tpu.memory_space<semaphore_mem>>) {add = true}
    %dma_wait3A_846 = arith.constant 1 : i32
    %dma_wait3A_847 = arith.constant 0 : i32
    %dma_wait3A_848 = arith.constant 0 : i32
    %dma_wait3A_849 = tpu.memref_slice %arg13[%dma_wait3A_846, %dma_wait3A_847, %dma_wait3A_848] : memref<2x1024x16xf32, #tpu.memory_space<vmem>> -> memref<1x1024x16xf32, #tpu.memory_space<vmem>>
    %dma_wait3A_850 = tpu.memref_squeeze %dma_wait3A_849 : memref<1x1024x16xf32, #tpu.memory_space<vmem>> -> memref<1024x16xf32, #tpu.memory_space<vmem>>
    %dma_wait3A_851 = arith.constant 5120 : i32
    %dma_wait3A_852 = tpu.memref_slice %arg12[%dma_wait3A_851] : memref<10240xi32, #tpu.memory_space<vmem>> -> memref<1024xi32, #tpu.memory_space<vmem>>
    %dma_wait3A_853 = arith.constant 0 : i32
    %dma_wait3A_854 = arith.constant 0 : i32
    %dma_wait3A_855 = tpu.memref_slice %arg14[%dma_wait3A_853, %dma_wait3A_854] : memref<10112x16xf32, #tpu.memory_space<vmem_shared>> -> memref<10112x16xf32, #tpu.memory_space<vmem_shared>>
    tpu.wait_indirect_dma semaphore(%arg19 : memref<!tpu.dma_semaphore, #tpu.memory_space<semaphore_mem>>) src(%dma_wait3A_850 : memref<1024x16xf32, #tpu.memory_space<vmem>>) dst(%dma_wait3A_855 : memref<10112x16xf32, #tpu.memory_space<vmem_shared>>)
    %dma_wait3A_856 = arith.constant 1 : i32
    %dma_wait3A_857 = arith.constant 0 : i32
    %dma_wait3A_858 = arith.constant 0 : i32
    %dma_wait3A_859 = tpu.memref_slice %arg20[%dma_wait3A_856, %dma_wait3A_857, %dma_wait3A_858] : memref<2x1024x16xf32, #tpu.memory_space<vmem>> -> memref<1x1024x16xf32, #tpu.memory_space<vmem>>
    %dma_wait3A_860 = tpu.memref_squeeze %dma_wait3A_859 : memref<1x1024x16xf32, #tpu.memory_space<vmem>> -> memref<1024x16xf32, #tpu.memory_space<vmem>>
    %dma_wait3A_861 = arith.constant 5120 : i32
    %dma_wait3A_862 = tpu.memref_slice %arg12[%dma_wait3A_861] : memref<10240xi32, #tpu.memory_space<vmem>> -> memref<1024xi32, #tpu.memory_space<vmem>>
    %dma_wait3A_863 = arith.constant 0 : i32
    %dma_wait3A_864 = arith.constant 0 : i32
    %dma_wait3A_865 = tpu.memref_slice %arg22[%dma_wait3A_863, %dma_wait3A_864] : memref<10112x16xf32, #tpu.memory_space<vmem_shared>> -> memref<10112x16xf32, #tpu.memory_space<vmem_shared>>
    tpu.wait_indirect_dma semaphore(%arg26 : memref<!tpu.dma_semaphore, #tpu.memory_space<semaphore_mem>>) src(%dma_wait3A_860 : memref<1024x16xf32, #tpu.memory_space<vmem>>) dst(%dma_wait3A_865 : memref<10112x16xf32, #tpu.memory_space<vmem_shared>>)
    %dma_start3A_866 = arith.constant 1 : i32
    %dma_start3A_867 = arith.constant 0 : i32
    %dma_start3A_868 = arith.constant 0 : i32
    %dma_start3A_869 = tpu.memref_slice %arg13[%dma_start3A_866, %dma_start3A_867, %dma_start3A_868] : memref<2x1024x16xf32, #tpu.memory_space<vmem>> -> memref<1x1024x16xf32, #tpu.memory_space<vmem>>
    %dma_start3A_870 = tpu.memref_squeeze %dma_start3A_869 : memref<1x1024x16xf32, #tpu.memory_space<vmem>> -> memref<1024x16xf32, #tpu.memory_space<vmem>>
    %dma_start3A_871 = arith.constant 7168 : i32
    %dma_start3A_872 = tpu.memref_slice %arg11[%dma_start3A_871] : memref<10240xi32, #tpu.memory_space<vmem>> -> memref<1024xi32, #tpu.memory_space<vmem>>
    %dma_start3A_873 = arith.constant 0 : i32
    %dma_start3A_874 = arith.constant 0 : i32
    %dma_start3A_875 = tpu.memref_slice %arg15[%dma_start3A_873, %dma_start3A_874] : memref<10112x16xf32, #tpu.memory_space<vmem_shared>> -> memref<10112x16xf32, #tpu.memory_space<vmem_shared>>
    tpu.enqueue_indirect_dma source(%dma_start3A_875 : memref<10112x16xf32, #tpu.memory_space<vmem_shared>>) target(%dma_start3A_870 : memref<1024x16xf32, #tpu.memory_space<vmem>>) offsets(%dma_start3A_872 : memref<1024xi32, #tpu.memory_space<vmem>>) semaphore(%arg17 : memref<!tpu.dma_semaphore, #tpu.memory_space<semaphore_mem>>)
    %add3A_876 = arith.constant 7168 : i32
    %add3A_877 = arith.addi %mul3A_17, %add3A_876 : i32
    %dma_start3A_878 = arith.constant 0 : i32
    %dma_start3A_879 = arith.constant 1 : i32
    %dma_start3A_880 = arith.constant 0 : i32
    %dma_start3A_881 = tpu.memref_slice %arg21[%dma_start3A_878, %dma_start3A_879, %dma_start3A_880] : memref<3x2x1024xf32, #tpu.memory_space<vmem>> -> memref<1x1x1024xf32, #tpu.memory_space<vmem>>
    %dma_start3A_882 = tpu.memref_squeeze %dma_start3A_881 : memref<1x1x1024xf32, #tpu.memory_space<vmem>> -> memref<1024xf32, #tpu.memory_space<vmem>>
    %dma_start3A_883 = tpu.memref_slice %arg5[%add3A_877] : memref<327680xf32, #tpu.memory_space<hbm>> -> memref<1024xf32, #tpu.memory_space<hbm>>
    %dma_start3A_884 = arith.constant 0 : i32
    %dma_start3A_885 = tpu.memref_slice %arg21[%dma_start3A_878, %dma_start3A_879, %dma_start3A_884] : memref<3x2x1024xf32, #tpu.memory_space<vmem>> -> memref<1x1x1024xf32, #tpu.memory_space<vmem>>
    %dma_start3A_886 = tpu.memref_squeeze %dma_start3A_885 : memref<1x1x1024xf32, #tpu.memory_space<vmem>> -> memref<1024xf32, #tpu.memory_space<vmem>>
    %dma_start3A_887 = tpu.memref_slice %arg5[%add3A_877] : memref<327680xf32, #tpu.memory_space<hbm>> -> memref<1024xf32, #tpu.memory_space<hbm>>
    tpu.enqueue_dma source(%dma_start3A_887 : memref<1024xf32, #tpu.memory_space<hbm>>) target(%dma_start3A_886 : memref<1024xf32, #tpu.memory_space<vmem>>) target_semaphore(%arg24 : memref<!tpu.dma_semaphore, #tpu.memory_space<semaphore_mem>>)
    %add3A_888 = arith.constant 7168 : i32
    %add3A_889 = arith.addi %mul3A_17, %add3A_888 : i32
    %dma_start3A_890 = arith.constant 1 : i32
    %dma_start3A_891 = arith.constant 1 : i32
    %dma_start3A_892 = arith.constant 0 : i32
    %dma_start3A_893 = tpu.memref_slice %arg21[%dma_start3A_890, %dma_start3A_891, %dma_start3A_892] : memref<3x2x1024xf32, #tpu.memory_space<vmem>> -> memref<1x1x1024xf32, #tpu.memory_space<vmem>>
    %dma_start3A_894 = tpu.memref_squeeze %dma_start3A_893 : memref<1x1x1024xf32, #tpu.memory_space<vmem>> -> memref<1024xf32, #tpu.memory_space<vmem>>
    %dma_start3A_895 = tpu.memref_slice %arg6[%add3A_889] : memref<327680xf32, #tpu.memory_space<hbm>> -> memref<1024xf32, #tpu.memory_space<hbm>>
    %dma_start3A_896 = arith.constant 0 : i32
    %dma_start3A_897 = tpu.memref_slice %arg21[%dma_start3A_890, %dma_start3A_891, %dma_start3A_896] : memref<3x2x1024xf32, #tpu.memory_space<vmem>> -> memref<1x1x1024xf32, #tpu.memory_space<vmem>>
    %dma_start3A_898 = tpu.memref_squeeze %dma_start3A_897 : memref<1x1x1024xf32, #tpu.memory_space<vmem>> -> memref<1024xf32, #tpu.memory_space<vmem>>
    %dma_start3A_899 = tpu.memref_slice %arg6[%add3A_889] : memref<327680xf32, #tpu.memory_space<hbm>> -> memref<1024xf32, #tpu.memory_space<hbm>>
    tpu.enqueue_dma source(%dma_start3A_899 : memref<1024xf32, #tpu.memory_space<hbm>>) target(%dma_start3A_898 : memref<1024xf32, #tpu.memory_space<vmem>>) target_semaphore(%arg24 : memref<!tpu.dma_semaphore, #tpu.memory_space<semaphore_mem>>)
    %add3A_900 = arith.constant 7168 : i32
    %add3A_901 = arith.addi %mul3A_17, %add3A_900 : i32
    %dma_start3A_902 = arith.constant 2 : i32
    %dma_start3A_903 = arith.constant 1 : i32
    %dma_start3A_904 = arith.constant 0 : i32
    %dma_start3A_905 = tpu.memref_slice %arg21[%dma_start3A_902, %dma_start3A_903, %dma_start3A_904] : memref<3x2x1024xf32, #tpu.memory_space<vmem>> -> memref<1x1x1024xf32, #tpu.memory_space<vmem>>
    %dma_start3A_906 = tpu.memref_squeeze %dma_start3A_905 : memref<1x1x1024xf32, #tpu.memory_space<vmem>> -> memref<1024xf32, #tpu.memory_space<vmem>>
    %dma_start3A_907 = tpu.memref_slice %arg7[%add3A_901] : memref<327680xf32, #tpu.memory_space<hbm>> -> memref<1024xf32, #tpu.memory_space<hbm>>
    %dma_start3A_908 = arith.constant 0 : i32
    %dma_start3A_909 = tpu.memref_slice %arg21[%dma_start3A_902, %dma_start3A_903, %dma_start3A_908] : memref<3x2x1024xf32, #tpu.memory_space<vmem>> -> memref<1x1x1024xf32, #tpu.memory_space<vmem>>
    %dma_start3A_910 = tpu.memref_squeeze %dma_start3A_909 : memref<1x1x1024xf32, #tpu.memory_space<vmem>> -> memref<1024xf32, #tpu.memory_space<vmem>>
    %dma_start3A_911 = tpu.memref_slice %arg7[%add3A_901] : memref<327680xf32, #tpu.memory_space<hbm>> -> memref<1024xf32, #tpu.memory_space<hbm>>
    tpu.enqueue_dma source(%dma_start3A_911 : memref<1024xf32, #tpu.memory_space<hbm>>) target(%dma_start3A_910 : memref<1024xf32, #tpu.memory_space<vmem>>) target_semaphore(%arg24 : memref<!tpu.dma_semaphore, #tpu.memory_space<semaphore_mem>>)
    %dma_wait3A_912 = arith.constant 0 : i32
    %dma_wait3A_913 = arith.constant 0 : i32
    %dma_wait3A_914 = arith.constant 0 : i32
    %dma_wait3A_915 = tpu.memref_slice %arg13[%dma_wait3A_912, %dma_wait3A_913, %dma_wait3A_914] : memref<2x1024x16xf32, #tpu.memory_space<vmem>> -> memref<1x1024x16xf32, #tpu.memory_space<vmem>>
    %dma_wait3A_916 = tpu.memref_squeeze %dma_wait3A_915 : memref<1x1024x16xf32, #tpu.memory_space<vmem>> -> memref<1024x16xf32, #tpu.memory_space<vmem>>
    %dma_wait3A_917 = arith.constant 6144 : i32
    %dma_wait3A_918 = tpu.memref_slice %arg11[%dma_wait3A_917] : memref<10240xi32, #tpu.memory_space<vmem>> -> memref<1024xi32, #tpu.memory_space<vmem>>
    %dma_wait3A_919 = arith.constant 0 : i32
    %dma_wait3A_920 = arith.constant 0 : i32
    %dma_wait3A_921 = tpu.memref_slice %arg15[%dma_wait3A_919, %dma_wait3A_920] : memref<10112x16xf32, #tpu.memory_space<vmem_shared>> -> memref<10112x16xf32, #tpu.memory_space<vmem_shared>>
    tpu.wait_indirect_dma semaphore(%arg16 : memref<!tpu.dma_semaphore, #tpu.memory_space<semaphore_mem>>) src(%dma_wait3A_921 : memref<10112x16xf32, #tpu.memory_space<vmem_shared>>) dst(%dma_wait3A_916 : memref<1024x16xf32, #tpu.memory_space<vmem>>)
    %dma_start3A_922 = arith.constant 0 : i32
    %dma_start3A_923 = arith.constant 0 : i32
    %dma_start3A_924 = arith.constant 0 : i32
    %dma_start3A_925 = tpu.memref_slice %arg13[%dma_start3A_922, %dma_start3A_923, %dma_start3A_924] : memref<2x1024x16xf32, #tpu.memory_space<vmem>> -> memref<1x1024x16xf32, #tpu.memory_space<vmem>>
    %dma_start3A_926 = tpu.memref_squeeze %dma_start3A_925 : memref<1x1024x16xf32, #tpu.memory_space<vmem>> -> memref<1024x16xf32, #tpu.memory_space<vmem>>
    %dma_start3A_927 = arith.constant 6144 : i32
    %dma_start3A_928 = tpu.memref_slice %arg12[%dma_start3A_927] : memref<10240xi32, #tpu.memory_space<vmem>> -> memref<1024xi32, #tpu.memory_space<vmem>>
    %dma_start3A_929 = arith.constant 0 : i32
    %dma_start3A_930 = arith.constant 0 : i32
    %dma_start3A_931 = tpu.memref_slice %arg14[%dma_start3A_929, %dma_start3A_930] : memref<10112x16xf32, #tpu.memory_space<vmem_shared>> -> memref<10112x16xf32, #tpu.memory_space<vmem_shared>>
    tpu.enqueue_indirect_dma source(%dma_start3A_926 : memref<1024x16xf32, #tpu.memory_space<vmem>>) target(%dma_start3A_931 : memref<10112x16xf32, #tpu.memory_space<vmem_shared>>) offsets(%dma_start3A_928 : memref<1024xi32, #tpu.memory_space<vmem>>) semaphore(%arg18 : memref<!tpu.dma_semaphore, #tpu.memory_space<semaphore_mem>>) {add = true}
    %dma_wait3A_932 = arith.constant 0 : i32
    %dma_wait3A_933 = arith.constant 0 : i32
    %dma_wait3A_934 = arith.constant 0 : i32
    %dma_wait3A_935 = tpu.memref_slice %arg21[%dma_wait3A_932, %dma_wait3A_933, %dma_wait3A_934] : memref<3x2x1024xf32, #tpu.memory_space<vmem>> -> memref<1x1x1024xf32, #tpu.memory_space<vmem>>
    %dma_wait3A_936 = tpu.memref_squeeze %dma_wait3A_935 : memref<1x1x1024xf32, #tpu.memory_space<vmem>> -> memref<1024xf32, #tpu.memory_space<vmem>>
    %dma_wait3A_937 = tpu.memref_slice %arg5[%add3A_743] : memref<327680xf32, #tpu.memory_space<hbm>> -> memref<1024xf32, #tpu.memory_space<hbm>>
    %dma_wait3A_938 = arith.constant 0 : i32
    %dma_wait3A_939 = tpu.memref_slice %arg21[%dma_wait3A_932, %dma_wait3A_933, %dma_wait3A_938] : memref<3x2x1024xf32, #tpu.memory_space<vmem>> -> memref<1x1x1024xf32, #tpu.memory_space<vmem>>
    %dma_wait3A_940 = tpu.memref_squeeze %dma_wait3A_939 : memref<1x1x1024xf32, #tpu.memory_space<vmem>> -> memref<1024xf32, #tpu.memory_space<vmem>>
    %dma_wait3A_941 = tpu.memref_slice %arg5[%add3A_743] : memref<327680xf32, #tpu.memory_space<hbm>> -> memref<1024xf32, #tpu.memory_space<hbm>>
    tpu.wait_dma2 semaphore(%arg23 : memref<!tpu.dma_semaphore, #tpu.memory_space<semaphore_mem>>) src(%dma_wait3A_941 : memref<1024xf32, #tpu.memory_space<hbm>>) dst(%dma_wait3A_940 : memref<1024xf32, #tpu.memory_space<vmem>>)
    %dma_wait3A_942 = arith.constant 1 : i32
    %dma_wait3A_943 = arith.constant 0 : i32
    %dma_wait3A_944 = arith.constant 0 : i32
    %dma_wait3A_945 = tpu.memref_slice %arg21[%dma_wait3A_942, %dma_wait3A_943, %dma_wait3A_944] : memref<3x2x1024xf32, #tpu.memory_space<vmem>> -> memref<1x1x1024xf32, #tpu.memory_space<vmem>>
    %dma_wait3A_946 = tpu.memref_squeeze %dma_wait3A_945 : memref<1x1x1024xf32, #tpu.memory_space<vmem>> -> memref<1024xf32, #tpu.memory_space<vmem>>
    %dma_wait3A_947 = tpu.memref_slice %arg6[%add3A_755] : memref<327680xf32, #tpu.memory_space<hbm>> -> memref<1024xf32, #tpu.memory_space<hbm>>
    %dma_wait3A_948 = arith.constant 0 : i32
    %dma_wait3A_949 = tpu.memref_slice %arg21[%dma_wait3A_942, %dma_wait3A_943, %dma_wait3A_948] : memref<3x2x1024xf32, #tpu.memory_space<vmem>> -> memref<1x1x1024xf32, #tpu.memory_space<vmem>>
    %dma_wait3A_950 = tpu.memref_squeeze %dma_wait3A_949 : memref<1x1x1024xf32, #tpu.memory_space<vmem>> -> memref<1024xf32, #tpu.memory_space<vmem>>
    %dma_wait3A_951 = tpu.memref_slice %arg6[%add3A_755] : memref<327680xf32, #tpu.memory_space<hbm>> -> memref<1024xf32, #tpu.memory_space<hbm>>
    tpu.wait_dma2 semaphore(%arg23 : memref<!tpu.dma_semaphore, #tpu.memory_space<semaphore_mem>>) src(%dma_wait3A_951 : memref<1024xf32, #tpu.memory_space<hbm>>) dst(%dma_wait3A_950 : memref<1024xf32, #tpu.memory_space<vmem>>)
    %dma_wait3A_952 = arith.constant 2 : i32
    %dma_wait3A_953 = arith.constant 0 : i32
    %dma_wait3A_954 = arith.constant 0 : i32
    %dma_wait3A_955 = tpu.memref_slice %arg21[%dma_wait3A_952, %dma_wait3A_953, %dma_wait3A_954] : memref<3x2x1024xf32, #tpu.memory_space<vmem>> -> memref<1x1x1024xf32, #tpu.memory_space<vmem>>
    %dma_wait3A_956 = tpu.memref_squeeze %dma_wait3A_955 : memref<1x1x1024xf32, #tpu.memory_space<vmem>> -> memref<1024xf32, #tpu.memory_space<vmem>>
    %dma_wait3A_957 = tpu.memref_slice %arg7[%add3A_767] : memref<327680xf32, #tpu.memory_space<hbm>> -> memref<1024xf32, #tpu.memory_space<hbm>>
    %dma_wait3A_958 = arith.constant 0 : i32
    %dma_wait3A_959 = tpu.memref_slice %arg21[%dma_wait3A_952, %dma_wait3A_953, %dma_wait3A_958] : memref<3x2x1024xf32, #tpu.memory_space<vmem>> -> memref<1x1x1024xf32, #tpu.memory_space<vmem>>
    %dma_wait3A_960 = tpu.memref_squeeze %dma_wait3A_959 : memref<1x1x1024xf32, #tpu.memory_space<vmem>> -> memref<1024xf32, #tpu.memory_space<vmem>>
    %dma_wait3A_961 = tpu.memref_slice %arg7[%add3A_767] : memref<327680xf32, #tpu.memory_space<hbm>> -> memref<1024xf32, #tpu.memory_space<hbm>>
    tpu.wait_dma2 semaphore(%arg23 : memref<!tpu.dma_semaphore, #tpu.memory_space<semaphore_mem>>) src(%dma_wait3A_961 : memref<1024xf32, #tpu.memory_space<hbm>>) dst(%dma_wait3A_960 : memref<1024xf32, #tpu.memory_space<vmem>>)
    %broadcast_in_dim3A_962 = arith.constant 0 : i32
    %broadcast_in_dim3A_963 = vector.broadcast %broadcast_in_dim3A_962 : i32 to vector<16xi32>
    %iota3A_964 = tpu.iota {dimensions = array<i32: 0>} : vector<16xi32>
    %scan3A_965 = arith.constant 0 : i32
    %scan3A_966 = arith.constant 64 : i32
    %scan3A_967 = arith.addi %scan3A_965, %scan3A_966 : i32
    %scan3A_968 = arith.constant 1 : i32
    scf.for %scan3A_1357 = %scan3A_965 to %scan3A_967 step %scan3A_968  : i32 {
      %mul3A_1358 = arith.constant 1 : i32
      %mul3A_1359 = arith.muli %scan3A_1357, %mul3A_1358 : i32
      %add3A_1360 = arith.constant 0 : i32
      %add3A_1361 = arith.addi %add3A_1360, %mul3A_1359 : i32
      %mul3A_1362 = arith.constant 16 : i32
      %mul3A_1363 = arith.muli %add3A_1361, %mul3A_1362 : i32
      %add3A_1364 = vector.broadcast %mul3A_1363 : i32 to vector<16xi32>
      %add3A_1365 = arith.addi %iota3A_964, %add3A_1364 : vector<16xi32>
      %mul3A_1366 = arith.constant 16 : i32
      %mul3A_1367 = arith.muli %add3A_1361, %mul3A_1366 : i32
      %get3A = arith.constant 0 : i32
      %get3A_1368 = arith.constant 0 : i32
      %get3A_1369 = arith.index_cast %get3A : i32 to index
      %get3A_1370 = arith.index_cast %get3A_1368 : i32 to index
      %get3A_1371 = arith.index_cast %mul3A_1367 : i32 to index
      %get3A_1372 = tpu.vector_load %arg21[%get3A_1369, %get3A_1370, %get3A_1371] {strides = array<i32>} : memref<3x2x1024xf32, #tpu.memory_space<vmem>>, vector<16xf32>,
      %broadcast_in_dim3A_1373 = arith.constant 0 : i32
      %broadcast_in_dim3A_1374 = vector.broadcast %broadcast_in_dim3A_1373 : i32 to vector<16xi32>
      tpu.vector_store_idx %arg20[%broadcast_in_dim3A_963, %add3A_1365, %broadcast_in_dim3A_1374], %get3A_1372 : memref<2x1024x16xf32, #tpu.memory_space<vmem>>[vector<16xi32>, vector<16xi32>, vector<16xi32>], vector<16xf32>,
      %mul3A_1375 = arith.constant 16 : i32
      %mul3A_1376 = arith.muli %add3A_1361, %mul3A_1375 : i32
      %get3A_1377 = arith.constant 1 : i32
      %get3A_1378 = arith.constant 0 : i32
      %get3A_1379 = arith.index_cast %get3A_1377 : i32 to index
      %get3A_1380 = arith.index_cast %get3A_1378 : i32 to index
      %get3A_1381 = arith.index_cast %mul3A_1376 : i32 to index
      %get3A_1382 = tpu.vector_load %arg21[%get3A_1379, %get3A_1380, %get3A_1381] {strides = array<i32>} : memref<3x2x1024xf32, #tpu.memory_space<vmem>>, vector<16xf32>,
      %broadcast_in_dim3A_1383 = arith.constant 1 : i32
      %broadcast_in_dim3A_1384 = vector.broadcast %broadcast_in_dim3A_1383 : i32 to vector<16xi32>
      tpu.vector_store_idx %arg20[%broadcast_in_dim3A_963, %add3A_1365, %broadcast_in_dim3A_1384], %get3A_1382 : memref<2x1024x16xf32, #tpu.memory_space<vmem>>[vector<16xi32>, vector<16xi32>, vector<16xi32>], vector<16xf32>,
      %mul3A_1385 = arith.constant 16 : i32
      %mul3A_1386 = arith.muli %add3A_1361, %mul3A_1385 : i32
      %get3A_1387 = arith.constant 2 : i32
      %get3A_1388 = arith.constant 0 : i32
      %get3A_1389 = arith.index_cast %get3A_1387 : i32 to index
      %get3A_1390 = arith.index_cast %get3A_1388 : i32 to index
      %get3A_1391 = arith.index_cast %mul3A_1386 : i32 to index
      %get3A_1392 = tpu.vector_load %arg21[%get3A_1389, %get3A_1390, %get3A_1391] {strides = array<i32>} : memref<3x2x1024xf32, #tpu.memory_space<vmem>>, vector<16xf32>,
      %broadcast_in_dim3A_1393 = arith.constant 2 : i32
      %broadcast_in_dim3A_1394 = vector.broadcast %broadcast_in_dim3A_1393 : i32 to vector<16xi32>
      tpu.vector_store_idx %arg20[%broadcast_in_dim3A_963, %add3A_1365, %broadcast_in_dim3A_1394], %get3A_1392 : memref<2x1024x16xf32, #tpu.memory_space<vmem>>[vector<16xi32>, vector<16xi32>, vector<16xi32>], vector<16xf32>,
    }
    %scan3A_969 = arith.constant 64 : i32
    %dma_start3A_970 = arith.constant 0 : i32
    %dma_start3A_971 = arith.constant 0 : i32
    %dma_start3A_972 = arith.constant 0 : i32
    %dma_start3A_973 = tpu.memref_slice %arg20[%dma_start3A_970, %dma_start3A_971, %dma_start3A_972] : memref<2x1024x16xf32, #tpu.memory_space<vmem>> -> memref<1x1024x16xf32, #tpu.memory_space<vmem>>
    %dma_start3A_974 = tpu.memref_squeeze %dma_start3A_973 : memref<1x1024x16xf32, #tpu.memory_space<vmem>> -> memref<1024x16xf32, #tpu.memory_space<vmem>>
    %dma_start3A_975 = arith.constant 6144 : i32
    %dma_start3A_976 = tpu.memref_slice %arg12[%dma_start3A_975] : memref<10240xi32, #tpu.memory_space<vmem>> -> memref<1024xi32, #tpu.memory_space<vmem>>
    %dma_start3A_977 = arith.constant 0 : i32
    %dma_start3A_978 = arith.constant 0 : i32
    %dma_start3A_979 = tpu.memref_slice %arg22[%dma_start3A_977, %dma_start3A_978] : memref<10112x16xf32, #tpu.memory_space<vmem_shared>> -> memref<10112x16xf32, #tpu.memory_space<vmem_shared>>
    tpu.enqueue_indirect_dma source(%dma_start3A_974 : memref<1024x16xf32, #tpu.memory_space<vmem>>) target(%dma_start3A_979 : memref<10112x16xf32, #tpu.memory_space<vmem_shared>>) offsets(%dma_start3A_976 : memref<1024xi32, #tpu.memory_space<vmem>>) semaphore(%arg25 : memref<!tpu.dma_semaphore, #tpu.memory_space<semaphore_mem>>) {add = true}
    %dma_wait3A_980 = arith.constant 0 : i32
    %dma_wait3A_981 = arith.constant 0 : i32
    %dma_wait3A_982 = arith.constant 0 : i32
    %dma_wait3A_983 = tpu.memref_slice %arg13[%dma_wait3A_980, %dma_wait3A_981, %dma_wait3A_982] : memref<2x1024x16xf32, #tpu.memory_space<vmem>> -> memref<1x1024x16xf32, #tpu.memory_space<vmem>>
    %dma_wait3A_984 = tpu.memref_squeeze %dma_wait3A_983 : memref<1x1024x16xf32, #tpu.memory_space<vmem>> -> memref<1024x16xf32, #tpu.memory_space<vmem>>
    %dma_wait3A_985 = arith.constant 6144 : i32
    %dma_wait3A_986 = tpu.memref_slice %arg12[%dma_wait3A_985] : memref<10240xi32, #tpu.memory_space<vmem>> -> memref<1024xi32, #tpu.memory_space<vmem>>
    %dma_wait3A_987 = arith.constant 0 : i32
    %dma_wait3A_988 = arith.constant 0 : i32
    %dma_wait3A_989 = tpu.memref_slice %arg14[%dma_wait3A_987, %dma_wait3A_988] : memref<10112x16xf32, #tpu.memory_space<vmem_shared>> -> memref<10112x16xf32, #tpu.memory_space<vmem_shared>>
    tpu.wait_indirect_dma semaphore(%arg18 : memref<!tpu.dma_semaphore, #tpu.memory_space<semaphore_mem>>) src(%dma_wait3A_984 : memref<1024x16xf32, #tpu.memory_space<vmem>>) dst(%dma_wait3A_989 : memref<10112x16xf32, #tpu.memory_space<vmem_shared>>)
    %dma_wait3A_990 = arith.constant 0 : i32
    %dma_wait3A_991 = arith.constant 0 : i32
    %dma_wait3A_992 = arith.constant 0 : i32
    %dma_wait3A_993 = tpu.memref_slice %arg20[%dma_wait3A_990, %dma_wait3A_991, %dma_wait3A_992] : memref<2x1024x16xf32, #tpu.memory_space<vmem>> -> memref<1x1024x16xf32, #tpu.memory_space<vmem>>
    %dma_wait3A_994 = tpu.memref_squeeze %dma_wait3A_993 : memref<1x1024x16xf32, #tpu.memory_space<vmem>> -> memref<1024x16xf32, #tpu.memory_space<vmem>>
    %dma_wait3A_995 = arith.constant 6144 : i32
    %dma_wait3A_996 = tpu.memref_slice %arg12[%dma_wait3A_995] : memref<10240xi32, #tpu.memory_space<vmem>> -> memref<1024xi32, #tpu.memory_space<vmem>>
    %dma_wait3A_997 = arith.constant 0 : i32
    %dma_wait3A_998 = arith.constant 0 : i32
    %dma_wait3A_999 = tpu.memref_slice %arg22[%dma_wait3A_997, %dma_wait3A_998] : memref<10112x16xf32, #tpu.memory_space<vmem_shared>> -> memref<10112x16xf32, #tpu.memory_space<vmem_shared>>
    tpu.wait_indirect_dma semaphore(%arg25 : memref<!tpu.dma_semaphore, #tpu.memory_space<semaphore_mem>>) src(%dma_wait3A_994 : memref<1024x16xf32, #tpu.memory_space<vmem>>) dst(%dma_wait3A_999 : memref<10112x16xf32, #tpu.memory_space<vmem_shared>>)
    %dma_start3A_1000 = arith.constant 0 : i32
    %dma_start3A_1001 = arith.constant 0 : i32
    %dma_start3A_1002 = arith.constant 0 : i32
    %dma_start3A_1003 = tpu.memref_slice %arg13[%dma_start3A_1000, %dma_start3A_1001, %dma_start3A_1002] : memref<2x1024x16xf32, #tpu.memory_space<vmem>> -> memref<1x1024x16xf32, #tpu.memory_space<vmem>>
    %dma_start3A_1004 = tpu.memref_squeeze %dma_start3A_1003 : memref<1x1024x16xf32, #tpu.memory_space<vmem>> -> memref<1024x16xf32, #tpu.memory_space<vmem>>
    %dma_start3A_1005 = arith.constant 8192 : i32
    %dma_start3A_1006 = tpu.memref_slice %arg11[%dma_start3A_1005] : memref<10240xi32, #tpu.memory_space<vmem>> -> memref<1024xi32, #tpu.memory_space<vmem>>
    %dma_start3A_1007 = arith.constant 0 : i32
    %dma_start3A_1008 = arith.constant 0 : i32
    %dma_start3A_1009 = tpu.memref_slice %arg15[%dma_start3A_1007, %dma_start3A_1008] : memref<10112x16xf32, #tpu.memory_space<vmem_shared>> -> memref<10112x16xf32, #tpu.memory_space<vmem_shared>>
    tpu.enqueue_indirect_dma source(%dma_start3A_1009 : memref<10112x16xf32, #tpu.memory_space<vmem_shared>>) target(%dma_start3A_1004 : memref<1024x16xf32, #tpu.memory_space<vmem>>) offsets(%dma_start3A_1006 : memref<1024xi32, #tpu.memory_space<vmem>>) semaphore(%arg16 : memref<!tpu.dma_semaphore, #tpu.memory_space<semaphore_mem>>)
    %add3A_1010 = arith.constant 8192 : i32
    %add3A_1011 = arith.addi %mul3A_17, %add3A_1010 : i32
    %dma_start3A_1012 = arith.constant 0 : i32
    %dma_start3A_1013 = arith.constant 0 : i32
    %dma_start3A_1014 = arith.constant 0 : i32
    %dma_start3A_1015 = tpu.memref_slice %arg21[%dma_start3A_1012, %dma_start3A_1013, %dma_start3A_1014] : memref<3x2x1024xf32, #tpu.memory_space<vmem>> -> memref<1x1x1024xf32, #tpu.memory_space<vmem>>
    %dma_start3A_1016 = tpu.memref_squeeze %dma_start3A_1015 : memref<1x1x1024xf32, #tpu.memory_space<vmem>> -> memref<1024xf32, #tpu.memory_space<vmem>>
    %dma_start3A_1017 = tpu.memref_slice %arg5[%add3A_1011] : memref<327680xf32, #tpu.memory_space<hbm>> -> memref<1024xf32, #tpu.memory_space<hbm>>
    %dma_start3A_1018 = arith.constant 0 : i32
    %dma_start3A_1019 = tpu.memref_slice %arg21[%dma_start3A_1012, %dma_start3A_1013, %dma_start3A_1018] : memref<3x2x1024xf32, #tpu.memory_space<vmem>> -> memref<1x1x1024xf32, #tpu.memory_space<vmem>>
    %dma_start3A_1020 = tpu.memref_squeeze %dma_start3A_1019 : memref<1x1x1024xf32, #tpu.memory_space<vmem>> -> memref<1024xf32, #tpu.memory_space<vmem>>
    %dma_start3A_1021 = tpu.memref_slice %arg5[%add3A_1011] : memref<327680xf32, #tpu.memory_space<hbm>> -> memref<1024xf32, #tpu.memory_space<hbm>>
    tpu.enqueue_dma source(%dma_start3A_1021 : memref<1024xf32, #tpu.memory_space<hbm>>) target(%dma_start3A_1020 : memref<1024xf32, #tpu.memory_space<vmem>>) target_semaphore(%arg23 : memref<!tpu.dma_semaphore, #tpu.memory_space<semaphore_mem>>)
    %add3A_1022 = arith.constant 8192 : i32
    %add3A_1023 = arith.addi %mul3A_17, %add3A_1022 : i32
    %dma_start3A_1024 = arith.constant 1 : i32
    %dma_start3A_1025 = arith.constant 0 : i32
    %dma_start3A_1026 = arith.constant 0 : i32
    %dma_start3A_1027 = tpu.memref_slice %arg21[%dma_start3A_1024, %dma_start3A_1025, %dma_start3A_1026] : memref<3x2x1024xf32, #tpu.memory_space<vmem>> -> memref<1x1x1024xf32, #tpu.memory_space<vmem>>
    %dma_start3A_1028 = tpu.memref_squeeze %dma_start3A_1027 : memref<1x1x1024xf32, #tpu.memory_space<vmem>> -> memref<1024xf32, #tpu.memory_space<vmem>>
    %dma_start3A_1029 = tpu.memref_slice %arg6[%add3A_1023] : memref<327680xf32, #tpu.memory_space<hbm>> -> memref<1024xf32, #tpu.memory_space<hbm>>
    %dma_start3A_1030 = arith.constant 0 : i32
    %dma_start3A_1031 = tpu.memref_slice %arg21[%dma_start3A_1024, %dma_start3A_1025, %dma_start3A_1030] : memref<3x2x1024xf32, #tpu.memory_space<vmem>> -> memref<1x1x1024xf32, #tpu.memory_space<vmem>>
    %dma_start3A_1032 = tpu.memref_squeeze %dma_start3A_1031 : memref<1x1x1024xf32, #tpu.memory_space<vmem>> -> memref<1024xf32, #tpu.memory_space<vmem>>
    %dma_start3A_1033 = tpu.memref_slice %arg6[%add3A_1023] : memref<327680xf32, #tpu.memory_space<hbm>> -> memref<1024xf32, #tpu.memory_space<hbm>>
    tpu.enqueue_dma source(%dma_start3A_1033 : memref<1024xf32, #tpu.memory_space<hbm>>) target(%dma_start3A_1032 : memref<1024xf32, #tpu.memory_space<vmem>>) target_semaphore(%arg23 : memref<!tpu.dma_semaphore, #tpu.memory_space<semaphore_mem>>)
    %add3A_1034 = arith.constant 8192 : i32
    %add3A_1035 = arith.addi %mul3A_17, %add3A_1034 : i32
    %dma_start3A_1036 = arith.constant 2 : i32
    %dma_start3A_1037 = arith.constant 0 : i32
    %dma_start3A_1038 = arith.constant 0 : i32
    %dma_start3A_1039 = tpu.memref_slice %arg21[%dma_start3A_1036, %dma_start3A_1037, %dma_start3A_1038] : memref<3x2x1024xf32, #tpu.memory_space<vmem>> -> memref<1x1x1024xf32, #tpu.memory_space<vmem>>
    %dma_start3A_1040 = tpu.memref_squeeze %dma_start3A_1039 : memref<1x1x1024xf32, #tpu.memory_space<vmem>> -> memref<1024xf32, #tpu.memory_space<vmem>>
    %dma_start3A_1041 = tpu.memref_slice %arg7[%add3A_1035] : memref<327680xf32, #tpu.memory_space<hbm>> -> memref<1024xf32, #tpu.memory_space<hbm>>
    %dma_start3A_1042 = arith.constant 0 : i32
    %dma_start3A_1043 = tpu.memref_slice %arg21[%dma_start3A_1036, %dma_start3A_1037, %dma_start3A_1042] : memref<3x2x1024xf32, #tpu.memory_space<vmem>> -> memref<1x1x1024xf32, #tpu.memory_space<vmem>>
    %dma_start3A_1044 = tpu.memref_squeeze %dma_start3A_1043 : memref<1x1x1024xf32, #tpu.memory_space<vmem>> -> memref<1024xf32, #tpu.memory_space<vmem>>
    %dma_start3A_1045 = tpu.memref_slice %arg7[%add3A_1035] : memref<327680xf32, #tpu.memory_space<hbm>> -> memref<1024xf32, #tpu.memory_space<hbm>>
    tpu.enqueue_dma source(%dma_start3A_1045 : memref<1024xf32, #tpu.memory_space<hbm>>) target(%dma_start3A_1044 : memref<1024xf32, #tpu.memory_space<vmem>>) target_semaphore(%arg23 : memref<!tpu.dma_semaphore, #tpu.memory_space<semaphore_mem>>)
    %dma_wait3A_1046 = arith.constant 1 : i32
    %dma_wait3A_1047 = arith.constant 0 : i32
    %dma_wait3A_1048 = arith.constant 0 : i32
    %dma_wait3A_1049 = tpu.memref_slice %arg13[%dma_wait3A_1046, %dma_wait3A_1047, %dma_wait3A_1048] : memref<2x1024x16xf32, #tpu.memory_space<vmem>> -> memref<1x1024x16xf32, #tpu.memory_space<vmem>>
    %dma_wait3A_1050 = tpu.memref_squeeze %dma_wait3A_1049 : memref<1x1024x16xf32, #tpu.memory_space<vmem>> -> memref<1024x16xf32, #tpu.memory_space<vmem>>
    %dma_wait3A_1051 = arith.constant 7168 : i32
    %dma_wait3A_1052 = tpu.memref_slice %arg11[%dma_wait3A_1051] : memref<10240xi32, #tpu.memory_space<vmem>> -> memref<1024xi32, #tpu.memory_space<vmem>>
    %dma_wait3A_1053 = arith.constant 0 : i32
    %dma_wait3A_1054 = arith.constant 0 : i32
    %dma_wait3A_1055 = tpu.memref_slice %arg15[%dma_wait3A_1053, %dma_wait3A_1054] : memref<10112x16xf32, #tpu.memory_space<vmem_shared>> -> memref<10112x16xf32, #tpu.memory_space<vmem_shared>>
    tpu.wait_indirect_dma semaphore(%arg17 : memref<!tpu.dma_semaphore, #tpu.memory_space<semaphore_mem>>) src(%dma_wait3A_1055 : memref<10112x16xf32, #tpu.memory_space<vmem_shared>>) dst(%dma_wait3A_1050 : memref<1024x16xf32, #tpu.memory_space<vmem>>)
    %dma_start3A_1056 = arith.constant 1 : i32
    %dma_start3A_1057 = arith.constant 0 : i32
    %dma_start3A_1058 = arith.constant 0 : i32
    %dma_start3A_1059 = tpu.memref_slice %arg13[%dma_start3A_1056, %dma_start3A_1057, %dma_start3A_1058] : memref<2x1024x16xf32, #tpu.memory_space<vmem>> -> memref<1x1024x16xf32, #tpu.memory_space<vmem>>
    %dma_start3A_1060 = tpu.memref_squeeze %dma_start3A_1059 : memref<1x1024x16xf32, #tpu.memory_space<vmem>> -> memref<1024x16xf32, #tpu.memory_space<vmem>>
    %dma_start3A_1061 = arith.constant 7168 : i32
    %dma_start3A_1062 = tpu.memref_slice %arg12[%dma_start3A_1061] : memref<10240xi32, #tpu.memory_space<vmem>> -> memref<1024xi32, #tpu.memory_space<vmem>>
    %dma_start3A_1063 = arith.constant 0 : i32
    %dma_start3A_1064 = arith.constant 0 : i32
    %dma_start3A_1065 = tpu.memref_slice %arg14[%dma_start3A_1063, %dma_start3A_1064] : memref<10112x16xf32, #tpu.memory_space<vmem_shared>> -> memref<10112x16xf32, #tpu.memory_space<vmem_shared>>
    tpu.enqueue_indirect_dma source(%dma_start3A_1060 : memref<1024x16xf32, #tpu.memory_space<vmem>>) target(%dma_start3A_1065 : memref<10112x16xf32, #tpu.memory_space<vmem_shared>>) offsets(%dma_start3A_1062 : memref<1024xi32, #tpu.memory_space<vmem>>) semaphore(%arg19 : memref<!tpu.dma_semaphore, #tpu.memory_space<semaphore_mem>>) {add = true}
    %dma_wait3A_1066 = arith.constant 0 : i32
    %dma_wait3A_1067 = arith.constant 1 : i32
    %dma_wait3A_1068 = arith.constant 0 : i32
    %dma_wait3A_1069 = tpu.memref_slice %arg21[%dma_wait3A_1066, %dma_wait3A_1067, %dma_wait3A_1068] : memref<3x2x1024xf32, #tpu.memory_space<vmem>> -> memref<1x1x1024xf32, #tpu.memory_space<vmem>>
    %dma_wait3A_1070 = tpu.memref_squeeze %dma_wait3A_1069 : memref<1x1x1024xf32, #tpu.memory_space<vmem>> -> memref<1024xf32, #tpu.memory_space<vmem>>
    %dma_wait3A_1071 = tpu.memref_slice %arg5[%add3A_877] : memref<327680xf32, #tpu.memory_space<hbm>> -> memref<1024xf32, #tpu.memory_space<hbm>>
    %dma_wait3A_1072 = arith.constant 0 : i32
    %dma_wait3A_1073 = tpu.memref_slice %arg21[%dma_wait3A_1066, %dma_wait3A_1067, %dma_wait3A_1072] : memref<3x2x1024xf32, #tpu.memory_space<vmem>> -> memref<1x1x1024xf32, #tpu.memory_space<vmem>>
    %dma_wait3A_1074 = tpu.memref_squeeze %dma_wait3A_1073 : memref<1x1x1024xf32, #tpu.memory_space<vmem>> -> memref<1024xf32, #tpu.memory_space<vmem>>
    %dma_wait3A_1075 = tpu.memref_slice %arg5[%add3A_877] : memref<327680xf32, #tpu.memory_space<hbm>> -> memref<1024xf32, #tpu.memory_space<hbm>>
    tpu.wait_dma2 semaphore(%arg24 : memref<!tpu.dma_semaphore, #tpu.memory_space<semaphore_mem>>) src(%dma_wait3A_1075 : memref<1024xf32, #tpu.memory_space<hbm>>) dst(%dma_wait3A_1074 : memref<1024xf32, #tpu.memory_space<vmem>>)
    %dma_wait3A_1076 = arith.constant 1 : i32
    %dma_wait3A_1077 = arith.constant 1 : i32
    %dma_wait3A_1078 = arith.constant 0 : i32
    %dma_wait3A_1079 = tpu.memref_slice %arg21[%dma_wait3A_1076, %dma_wait3A_1077, %dma_wait3A_1078] : memref<3x2x1024xf32, #tpu.memory_space<vmem>> -> memref<1x1x1024xf32, #tpu.memory_space<vmem>>
    %dma_wait3A_1080 = tpu.memref_squeeze %dma_wait3A_1079 : memref<1x1x1024xf32, #tpu.memory_space<vmem>> -> memref<1024xf32, #tpu.memory_space<vmem>>
    %dma_wait3A_1081 = tpu.memref_slice %arg6[%add3A_889] : memref<327680xf32, #tpu.memory_space<hbm>> -> memref<1024xf32, #tpu.memory_space<hbm>>
    %dma_wait3A_1082 = arith.constant 0 : i32
    %dma_wait3A_1083 = tpu.memref_slice %arg21[%dma_wait3A_1076, %dma_wait3A_1077, %dma_wait3A_1082] : memref<3x2x1024xf32, #tpu.memory_space<vmem>> -> memref<1x1x1024xf32, #tpu.memory_space<vmem>>
    %dma_wait3A_1084 = tpu.memref_squeeze %dma_wait3A_1083 : memref<1x1x1024xf32, #tpu.memory_space<vmem>> -> memref<1024xf32, #tpu.memory_space<vmem>>
    %dma_wait3A_1085 = tpu.memref_slice %arg6[%add3A_889] : memref<327680xf32, #tpu.memory_space<hbm>> -> memref<1024xf32, #tpu.memory_space<hbm>>
    tpu.wait_dma2 semaphore(%arg24 : memref<!tpu.dma_semaphore, #tpu.memory_space<semaphore_mem>>) src(%dma_wait3A_1085 : memref<1024xf32, #tpu.memory_space<hbm>>) dst(%dma_wait3A_1084 : memref<1024xf32, #tpu.memory_space<vmem>>)
    %dma_wait3A_1086 = arith.constant 2 : i32
    %dma_wait3A_1087 = arith.constant 1 : i32
    %dma_wait3A_1088 = arith.constant 0 : i32
    %dma_wait3A_1089 = tpu.memref_slice %arg21[%dma_wait3A_1086, %dma_wait3A_1087, %dma_wait3A_1088] : memref<3x2x1024xf32, #tpu.memory_space<vmem>> -> memref<1x1x1024xf32, #tpu.memory_space<vmem>>
    %dma_wait3A_1090 = tpu.memref_squeeze %dma_wait3A_1089 : memref<1x1x1024xf32, #tpu.memory_space<vmem>> -> memref<1024xf32, #tpu.memory_space<vmem>>
    %dma_wait3A_1091 = tpu.memref_slice %arg7[%add3A_901] : memref<327680xf32, #tpu.memory_space<hbm>> -> memref<1024xf32, #tpu.memory_space<hbm>>
    %dma_wait3A_1092 = arith.constant 0 : i32
    %dma_wait3A_1093 = tpu.memref_slice %arg21[%dma_wait3A_1086, %dma_wait3A_1087, %dma_wait3A_1092] : memref<3x2x1024xf32, #tpu.memory_space<vmem>> -> memref<1x1x1024xf32, #tpu.memory_space<vmem>>
    %dma_wait3A_1094 = tpu.memref_squeeze %dma_wait3A_1093 : memref<1x1x1024xf32, #tpu.memory_space<vmem>> -> memref<1024xf32, #tpu.memory_space<vmem>>
    %dma_wait3A_1095 = tpu.memref_slice %arg7[%add3A_901] : memref<327680xf32, #tpu.memory_space<hbm>> -> memref<1024xf32, #tpu.memory_space<hbm>>
    tpu.wait_dma2 semaphore(%arg24 : memref<!tpu.dma_semaphore, #tpu.memory_space<semaphore_mem>>) src(%dma_wait3A_1095 : memref<1024xf32, #tpu.memory_space<hbm>>) dst(%dma_wait3A_1094 : memref<1024xf32, #tpu.memory_space<vmem>>)
    %broadcast_in_dim3A_1096 = arith.constant 1 : i32
    %broadcast_in_dim3A_1097 = vector.broadcast %broadcast_in_dim3A_1096 : i32 to vector<16xi32>
    %iota3A_1098 = tpu.iota {dimensions = array<i32: 0>} : vector<16xi32>
    %scan3A_1099 = arith.constant 0 : i32
    %scan3A_1100 = arith.constant 64 : i32
    %scan3A_1101 = arith.addi %scan3A_1099, %scan3A_1100 : i32
    %scan3A_1102 = arith.constant 1 : i32
    scf.for %scan3A_1357 = %scan3A_1099 to %scan3A_1101 step %scan3A_1102  : i32 {
      %mul3A_1358 = arith.constant 1 : i32
      %mul3A_1359 = arith.muli %scan3A_1357, %mul3A_1358 : i32
      %add3A_1360 = arith.constant 0 : i32
      %add3A_1361 = arith.addi %add3A_1360, %mul3A_1359 : i32
      %mul3A_1362 = arith.constant 16 : i32
      %mul3A_1363 = arith.muli %add3A_1361, %mul3A_1362 : i32
      %add3A_1364 = vector.broadcast %mul3A_1363 : i32 to vector<16xi32>
      %add3A_1365 = arith.addi %iota3A_1098, %add3A_1364 : vector<16xi32>
      %mul3A_1366 = arith.constant 16 : i32
      %mul3A_1367 = arith.muli %add3A_1361, %mul3A_1366 : i32
      %get3A = arith.constant 0 : i32
      %get3A_1368 = arith.constant 1 : i32
      %get3A_1369 = arith.index_cast %get3A : i32 to index
      %get3A_1370 = arith.index_cast %get3A_1368 : i32 to index
      %get3A_1371 = arith.index_cast %mul3A_1367 : i32 to index
      %get3A_1372 = tpu.vector_load %arg21[%get3A_1369, %get3A_1370, %get3A_1371] {strides = array<i32>} : memref<3x2x1024xf32, #tpu.memory_space<vmem>>, vector<16xf32>,
      %broadcast_in_dim3A_1373 = arith.constant 0 : i32
      %broadcast_in_dim3A_1374 = vector.broadcast %broadcast_in_dim3A_1373 : i32 to vector<16xi32>
      tpu.vector_store_idx %arg20[%broadcast_in_dim3A_1097, %add3A_1365, %broadcast_in_dim3A_1374], %get3A_1372 : memref<2x1024x16xf32, #tpu.memory_space<vmem>>[vector<16xi32>, vector<16xi32>, vector<16xi32>], vector<16xf32>,
      %mul3A_1375 = arith.constant 16 : i32
      %mul3A_1376 = arith.muli %add3A_1361, %mul3A_1375 : i32
      %get3A_1377 = arith.constant 1 : i32
      %get3A_1378 = arith.constant 1 : i32
      %get3A_1379 = arith.index_cast %get3A_1377 : i32 to index
      %get3A_1380 = arith.index_cast %get3A_1378 : i32 to index
      %get3A_1381 = arith.index_cast %mul3A_1376 : i32 to index
      %get3A_1382 = tpu.vector_load %arg21[%get3A_1379, %get3A_1380, %get3A_1381] {strides = array<i32>} : memref<3x2x1024xf32, #tpu.memory_space<vmem>>, vector<16xf32>,
      %broadcast_in_dim3A_1383 = arith.constant 1 : i32
      %broadcast_in_dim3A_1384 = vector.broadcast %broadcast_in_dim3A_1383 : i32 to vector<16xi32>
      tpu.vector_store_idx %arg20[%broadcast_in_dim3A_1097, %add3A_1365, %broadcast_in_dim3A_1384], %get3A_1382 : memref<2x1024x16xf32, #tpu.memory_space<vmem>>[vector<16xi32>, vector<16xi32>, vector<16xi32>], vector<16xf32>,
      %mul3A_1385 = arith.constant 16 : i32
      %mul3A_1386 = arith.muli %add3A_1361, %mul3A_1385 : i32
      %get3A_1387 = arith.constant 2 : i32
      %get3A_1388 = arith.constant 1 : i32
      %get3A_1389 = arith.index_cast %get3A_1387 : i32 to index
      %get3A_1390 = arith.index_cast %get3A_1388 : i32 to index
      %get3A_1391 = arith.index_cast %mul3A_1386 : i32 to index
      %get3A_1392 = tpu.vector_load %arg21[%get3A_1389, %get3A_1390, %get3A_1391] {strides = array<i32>} : memref<3x2x1024xf32, #tpu.memory_space<vmem>>, vector<16xf32>,
      %broadcast_in_dim3A_1393 = arith.constant 2 : i32
      %broadcast_in_dim3A_1394 = vector.broadcast %broadcast_in_dim3A_1393 : i32 to vector<16xi32>
      tpu.vector_store_idx %arg20[%broadcast_in_dim3A_1097, %add3A_1365, %broadcast_in_dim3A_1394], %get3A_1392 : memref<2x1024x16xf32, #tpu.memory_space<vmem>>[vector<16xi32>, vector<16xi32>, vector<16xi32>], vector<16xf32>,
    }
    %scan3A_1103 = arith.constant 64 : i32
    %dma_start3A_1104 = arith.constant 1 : i32
    %dma_start3A_1105 = arith.constant 0 : i32
    %dma_start3A_1106 = arith.constant 0 : i32
    %dma_start3A_1107 = tpu.memref_slice %arg20[%dma_start3A_1104, %dma_start3A_1105, %dma_start3A_1106] : memref<2x1024x16xf32, #tpu.memory_space<vmem>> -> memref<1x1024x16xf32, #tpu.memory_space<vmem>>
    %dma_start3A_1108 = tpu.memref_squeeze %dma_start3A_1107 : memref<1x1024x16xf32, #tpu.memory_space<vmem>> -> memref<1024x16xf32, #tpu.memory_space<vmem>>
    %dma_start3A_1109 = arith.constant 7168 : i32
    %dma_start3A_1110 = tpu.memref_slice %arg12[%dma_start3A_1109] : memref<10240xi32, #tpu.memory_space<vmem>> -> memref<1024xi32, #tpu.memory_space<vmem>>
    %dma_start3A_1111 = arith.constant 0 : i32
    %dma_start3A_1112 = arith.constant 0 : i32
    %dma_start3A_1113 = tpu.memref_slice %arg22[%dma_start3A_1111, %dma_start3A_1112] : memref<10112x16xf32, #tpu.memory_space<vmem_shared>> -> memref<10112x16xf32, #tpu.memory_space<vmem_shared>>
    tpu.enqueue_indirect_dma source(%dma_start3A_1108 : memref<1024x16xf32, #tpu.memory_space<vmem>>) target(%dma_start3A_1113 : memref<10112x16xf32, #tpu.memory_space<vmem_shared>>) offsets(%dma_start3A_1110 : memref<1024xi32, #tpu.memory_space<vmem>>) semaphore(%arg26 : memref<!tpu.dma_semaphore, #tpu.memory_space<semaphore_mem>>) {add = true}
    %dma_wait3A_1114 = arith.constant 1 : i32
    %dma_wait3A_1115 = arith.constant 0 : i32
    %dma_wait3A_1116 = arith.constant 0 : i32
    %dma_wait3A_1117 = tpu.memref_slice %arg13[%dma_wait3A_1114, %dma_wait3A_1115, %dma_wait3A_1116] : memref<2x1024x16xf32, #tpu.memory_space<vmem>> -> memref<1x1024x16xf32, #tpu.memory_space<vmem>>
    %dma_wait3A_1118 = tpu.memref_squeeze %dma_wait3A_1117 : memref<1x1024x16xf32, #tpu.memory_space<vmem>> -> memref<1024x16xf32, #tpu.memory_space<vmem>>
    %dma_wait3A_1119 = arith.constant 7168 : i32
    %dma_wait3A_1120 = tpu.memref_slice %arg12[%dma_wait3A_1119] : memref<10240xi32, #tpu.memory_space<vmem>> -> memref<1024xi32, #tpu.memory_space<vmem>>
    %dma_wait3A_1121 = arith.constant 0 : i32
    %dma_wait3A_1122 = arith.constant 0 : i32
    %dma_wait3A_1123 = tpu.memref_slice %arg14[%dma_wait3A_1121, %dma_wait3A_1122] : memref<10112x16xf32, #tpu.memory_space<vmem_shared>> -> memref<10112x16xf32, #tpu.memory_space<vmem_shared>>
    tpu.wait_indirect_dma semaphore(%arg19 : memref<!tpu.dma_semaphore, #tpu.memory_space<semaphore_mem>>) src(%dma_wait3A_1118 : memref<1024x16xf32, #tpu.memory_space<vmem>>) dst(%dma_wait3A_1123 : memref<10112x16xf32, #tpu.memory_space<vmem_shared>>)
    %dma_wait3A_1124 = arith.constant 1 : i32
    %dma_wait3A_1125 = arith.constant 0 : i32
    %dma_wait3A_1126 = arith.constant 0 : i32
    %dma_wait3A_1127 = tpu.memref_slice %arg20[%dma_wait3A_1124, %dma_wait3A_1125, %dma_wait3A_1126] : memref<2x1024x16xf32, #tpu.memory_space<vmem>> -> memref<1x1024x16xf32, #tpu.memory_space<vmem>>
    %dma_wait3A_1128 = tpu.memref_squeeze %dma_wait3A_1127 : memref<1x1024x16xf32, #tpu.memory_space<vmem>> -> memref<1024x16xf32, #tpu.memory_space<vmem>>
    %dma_wait3A_1129 = arith.constant 7168 : i32
    %dma_wait3A_1130 = tpu.memref_slice %arg12[%dma_wait3A_1129] : memref<10240xi32, #tpu.memory_space<vmem>> -> memref<1024xi32, #tpu.memory_space<vmem>>
    %dma_wait3A_1131 = arith.constant 0 : i32
    %dma_wait3A_1132 = arith.constant 0 : i32
    %dma_wait3A_1133 = tpu.memref_slice %arg22[%dma_wait3A_1131, %dma_wait3A_1132] : memref<10112x16xf32, #tpu.memory_space<vmem_shared>> -> memref<10112x16xf32, #tpu.memory_space<vmem_shared>>
    tpu.wait_indirect_dma semaphore(%arg26 : memref<!tpu.dma_semaphore, #tpu.memory_space<semaphore_mem>>) src(%dma_wait3A_1128 : memref<1024x16xf32, #tpu.memory_space<vmem>>) dst(%dma_wait3A_1133 : memref<10112x16xf32, #tpu.memory_space<vmem_shared>>)
    %dma_start3A_1134 = arith.constant 1 : i32
    %dma_start3A_1135 = arith.constant 0 : i32
    %dma_start3A_1136 = arith.constant 0 : i32
    %dma_start3A_1137 = tpu.memref_slice %arg13[%dma_start3A_1134, %dma_start3A_1135, %dma_start3A_1136] : memref<2x1024x16xf32, #tpu.memory_space<vmem>> -> memref<1x1024x16xf32, #tpu.memory_space<vmem>>
    %dma_start3A_1138 = tpu.memref_squeeze %dma_start3A_1137 : memref<1x1024x16xf32, #tpu.memory_space<vmem>> -> memref<1024x16xf32, #tpu.memory_space<vmem>>
    %dma_start3A_1139 = arith.constant 9216 : i32
    %dma_start3A_1140 = tpu.memref_slice %arg11[%dma_start3A_1139] : memref<10240xi32, #tpu.memory_space<vmem>> -> memref<1024xi32, #tpu.memory_space<vmem>>
    %dma_start3A_1141 = arith.constant 0 : i32
    %dma_start3A_1142 = arith.constant 0 : i32
    %dma_start3A_1143 = tpu.memref_slice %arg15[%dma_start3A_1141, %dma_start3A_1142] : memref<10112x16xf32, #tpu.memory_space<vmem_shared>> -> memref<10112x16xf32, #tpu.memory_space<vmem_shared>>
    tpu.enqueue_indirect_dma source(%dma_start3A_1143 : memref<10112x16xf32, #tpu.memory_space<vmem_shared>>) target(%dma_start3A_1138 : memref<1024x16xf32, #tpu.memory_space<vmem>>) offsets(%dma_start3A_1140 : memref<1024xi32, #tpu.memory_space<vmem>>) semaphore(%arg17 : memref<!tpu.dma_semaphore, #tpu.memory_space<semaphore_mem>>)
    %add3A_1144 = arith.constant 9216 : i32
    %add3A_1145 = arith.addi %mul3A_17, %add3A_1144 : i32
    %dma_start3A_1146 = arith.constant 0 : i32
    %dma_start3A_1147 = arith.constant 1 : i32
    %dma_start3A_1148 = arith.constant 0 : i32
    %dma_start3A_1149 = tpu.memref_slice %arg21[%dma_start3A_1146, %dma_start3A_1147, %dma_start3A_1148] : memref<3x2x1024xf32, #tpu.memory_space<vmem>> -> memref<1x1x1024xf32, #tpu.memory_space<vmem>>
    %dma_start3A_1150 = tpu.memref_squeeze %dma_start3A_1149 : memref<1x1x1024xf32, #tpu.memory_space<vmem>> -> memref<1024xf32, #tpu.memory_space<vmem>>
    %dma_start3A_1151 = tpu.memref_slice %arg5[%add3A_1145] : memref<327680xf32, #tpu.memory_space<hbm>> -> memref<1024xf32, #tpu.memory_space<hbm>>
    %dma_start3A_1152 = arith.constant 0 : i32
    %dma_start3A_1153 = tpu.memref_slice %arg21[%dma_start3A_1146, %dma_start3A_1147, %dma_start3A_1152] : memref<3x2x1024xf32, #tpu.memory_space<vmem>> -> memref<1x1x1024xf32, #tpu.memory_space<vmem>>
    %dma_start3A_1154 = tpu.memref_squeeze %dma_start3A_1153 : memref<1x1x1024xf32, #tpu.memory_space<vmem>> -> memref<1024xf32, #tpu.memory_space<vmem>>
    %dma_start3A_1155 = tpu.memref_slice %arg5[%add3A_1145] : memref<327680xf32, #tpu.memory_space<hbm>> -> memref<1024xf32, #tpu.memory_space<hbm>>
    tpu.enqueue_dma source(%dma_start3A_1155 : memref<1024xf32, #tpu.memory_space<hbm>>) target(%dma_start3A_1154 : memref<1024xf32, #tpu.memory_space<vmem>>) target_semaphore(%arg24 : memref<!tpu.dma_semaphore, #tpu.memory_space<semaphore_mem>>)
    %add3A_1156 = arith.constant 9216 : i32
    %add3A_1157 = arith.addi %mul3A_17, %add3A_1156 : i32
    %dma_start3A_1158 = arith.constant 1 : i32
    %dma_start3A_1159 = arith.constant 1 : i32
    %dma_start3A_1160 = arith.constant 0 : i32
    %dma_start3A_1161 = tpu.memref_slice %arg21[%dma_start3A_1158, %dma_start3A_1159, %dma_start3A_1160] : memref<3x2x1024xf32, #tpu.memory_space<vmem>> -> memref<1x1x1024xf32, #tpu.memory_space<vmem>>
    %dma_start3A_1162 = tpu.memref_squeeze %dma_start3A_1161 : memref<1x1x1024xf32, #tpu.memory_space<vmem>> -> memref<1024xf32, #tpu.memory_space<vmem>>
    %dma_start3A_1163 = tpu.memref_slice %arg6[%add3A_1157] : memref<327680xf32, #tpu.memory_space<hbm>> -> memref<1024xf32, #tpu.memory_space<hbm>>
    %dma_start3A_1164 = arith.constant 0 : i32
    %dma_start3A_1165 = tpu.memref_slice %arg21[%dma_start3A_1158, %dma_start3A_1159, %dma_start3A_1164] : memref<3x2x1024xf32, #tpu.memory_space<vmem>> -> memref<1x1x1024xf32, #tpu.memory_space<vmem>>
    %dma_start3A_1166 = tpu.memref_squeeze %dma_start3A_1165 : memref<1x1x1024xf32, #tpu.memory_space<vmem>> -> memref<1024xf32, #tpu.memory_space<vmem>>
    %dma_start3A_1167 = tpu.memref_slice %arg6[%add3A_1157] : memref<327680xf32, #tpu.memory_space<hbm>> -> memref<1024xf32, #tpu.memory_space<hbm>>
    tpu.enqueue_dma source(%dma_start3A_1167 : memref<1024xf32, #tpu.memory_space<hbm>>) target(%dma_start3A_1166 : memref<1024xf32, #tpu.memory_space<vmem>>) target_semaphore(%arg24 : memref<!tpu.dma_semaphore, #tpu.memory_space<semaphore_mem>>)
    %add3A_1168 = arith.constant 9216 : i32
    %add3A_1169 = arith.addi %mul3A_17, %add3A_1168 : i32
    %dma_start3A_1170 = arith.constant 2 : i32
    %dma_start3A_1171 = arith.constant 1 : i32
    %dma_start3A_1172 = arith.constant 0 : i32
    %dma_start3A_1173 = tpu.memref_slice %arg21[%dma_start3A_1170, %dma_start3A_1171, %dma_start3A_1172] : memref<3x2x1024xf32, #tpu.memory_space<vmem>> -> memref<1x1x1024xf32, #tpu.memory_space<vmem>>
    %dma_start3A_1174 = tpu.memref_squeeze %dma_start3A_1173 : memref<1x1x1024xf32, #tpu.memory_space<vmem>> -> memref<1024xf32, #tpu.memory_space<vmem>>
    %dma_start3A_1175 = tpu.memref_slice %arg7[%add3A_1169] : memref<327680xf32, #tpu.memory_space<hbm>> -> memref<1024xf32, #tpu.memory_space<hbm>>
    %dma_start3A_1176 = arith.constant 0 : i32
    %dma_start3A_1177 = tpu.memref_slice %arg21[%dma_start3A_1170, %dma_start3A_1171, %dma_start3A_1176] : memref<3x2x1024xf32, #tpu.memory_space<vmem>> -> memref<1x1x1024xf32, #tpu.memory_space<vmem>>
    %dma_start3A_1178 = tpu.memref_squeeze %dma_start3A_1177 : memref<1x1x1024xf32, #tpu.memory_space<vmem>> -> memref<1024xf32, #tpu.memory_space<vmem>>
    %dma_start3A_1179 = tpu.memref_slice %arg7[%add3A_1169] : memref<327680xf32, #tpu.memory_space<hbm>> -> memref<1024xf32, #tpu.memory_space<hbm>>
    tpu.enqueue_dma source(%dma_start3A_1179 : memref<1024xf32, #tpu.memory_space<hbm>>) target(%dma_start3A_1178 : memref<1024xf32, #tpu.memory_space<vmem>>) target_semaphore(%arg24 : memref<!tpu.dma_semaphore, #tpu.memory_space<semaphore_mem>>)
    %dma_wait3A_1180 = arith.constant 0 : i32
    %dma_wait3A_1181 = arith.constant 0 : i32
    %dma_wait3A_1182 = arith.constant 0 : i32
    %dma_wait3A_1183 = tpu.memref_slice %arg13[%dma_wait3A_1180, %dma_wait3A_1181, %dma_wait3A_1182] : memref<2x1024x16xf32, #tpu.memory_space<vmem>> -> memref<1x1024x16xf32, #tpu.memory_space<vmem>>
    %dma_wait3A_1184 = tpu.memref_squeeze %dma_wait3A_1183 : memref<1x1024x16xf32, #tpu.memory_space<vmem>> -> memref<1024x16xf32, #tpu.memory_space<vmem>>
    %dma_wait3A_1185 = arith.constant 8192 : i32
    %dma_wait3A_1186 = tpu.memref_slice %arg11[%dma_wait3A_1185] : memref<10240xi32, #tpu.memory_space<vmem>> -> memref<1024xi32, #tpu.memory_space<vmem>>
    %dma_wait3A_1187 = arith.constant 0 : i32
    %dma_wait3A_1188 = arith.constant 0 : i32
    %dma_wait3A_1189 = tpu.memref_slice %arg15[%dma_wait3A_1187, %dma_wait3A_1188] : memref<10112x16xf32, #tpu.memory_space<vmem_shared>> -> memref<10112x16xf32, #tpu.memory_space<vmem_shared>>
    tpu.wait_indirect_dma semaphore(%arg16 : memref<!tpu.dma_semaphore, #tpu.memory_space<semaphore_mem>>) src(%dma_wait3A_1189 : memref<10112x16xf32, #tpu.memory_space<vmem_shared>>) dst(%dma_wait3A_1184 : memref<1024x16xf32, #tpu.memory_space<vmem>>)
    %dma_start3A_1190 = arith.constant 0 : i32
    %dma_start3A_1191 = arith.constant 0 : i32
    %dma_start3A_1192 = arith.constant 0 : i32
    %dma_start3A_1193 = tpu.memref_slice %arg13[%dma_start3A_1190, %dma_start3A_1191, %dma_start3A_1192] : memref<2x1024x16xf32, #tpu.memory_space<vmem>> -> memref<1x1024x16xf32, #tpu.memory_space<vmem>>
    %dma_start3A_1194 = tpu.memref_squeeze %dma_start3A_1193 : memref<1x1024x16xf32, #tpu.memory_space<vmem>> -> memref<1024x16xf32, #tpu.memory_space<vmem>>
    %dma_start3A_1195 = arith.constant 8192 : i32
    %dma_start3A_1196 = tpu.memref_slice %arg12[%dma_start3A_1195] : memref<10240xi32, #tpu.memory_space<vmem>> -> memref<1024xi32, #tpu.memory_space<vmem>>
    %dma_start3A_1197 = arith.constant 0 : i32
    %dma_start3A_1198 = arith.constant 0 : i32
    %dma_start3A_1199 = tpu.memref_slice %arg14[%dma_start3A_1197, %dma_start3A_1198] : memref<10112x16xf32, #tpu.memory_space<vmem_shared>> -> memref<10112x16xf32, #tpu.memory_space<vmem_shared>>
    tpu.enqueue_indirect_dma source(%dma_start3A_1194 : memref<1024x16xf32, #tpu.memory_space<vmem>>) target(%dma_start3A_1199 : memref<10112x16xf32, #tpu.memory_space<vmem_shared>>) offsets(%dma_start3A_1196 : memref<1024xi32, #tpu.memory_space<vmem>>) semaphore(%arg18 : memref<!tpu.dma_semaphore, #tpu.memory_space<semaphore_mem>>) {add = true}
    %dma_wait3A_1200 = arith.constant 0 : i32
    %dma_wait3A_1201 = arith.constant 0 : i32
    %dma_wait3A_1202 = arith.constant 0 : i32
    %dma_wait3A_1203 = tpu.memref_slice %arg21[%dma_wait3A_1200, %dma_wait3A_1201, %dma_wait3A_1202] : memref<3x2x1024xf32, #tpu.memory_space<vmem>> -> memref<1x1x1024xf32, #tpu.memory_space<vmem>>
    %dma_wait3A_1204 = tpu.memref_squeeze %dma_wait3A_1203 : memref<1x1x1024xf32, #tpu.memory_space<vmem>> -> memref<1024xf32, #tpu.memory_space<vmem>>
    %dma_wait3A_1205 = tpu.memref_slice %arg5[%add3A_1011] : memref<327680xf32, #tpu.memory_space<hbm>> -> memref<1024xf32, #tpu.memory_space<hbm>>
    %dma_wait3A_1206 = arith.constant 0 : i32
    %dma_wait3A_1207 = tpu.memref_slice %arg21[%dma_wait3A_1200, %dma_wait3A_1201, %dma_wait3A_1206] : memref<3x2x1024xf32, #tpu.memory_space<vmem>> -> memref<1x1x1024xf32, #tpu.memory_space<vmem>>
    %dma_wait3A_1208 = tpu.memref_squeeze %dma_wait3A_1207 : memref<1x1x1024xf32, #tpu.memory_space<vmem>> -> memref<1024xf32, #tpu.memory_space<vmem>>
    %dma_wait3A_1209 = tpu.memref_slice %arg5[%add3A_1011] : memref<327680xf32, #tpu.memory_space<hbm>> -> memref<1024xf32, #tpu.memory_space<hbm>>
    tpu.wait_dma2 semaphore(%arg23 : memref<!tpu.dma_semaphore, #tpu.memory_space<semaphore_mem>>) src(%dma_wait3A_1209 : memref<1024xf32, #tpu.memory_space<hbm>>) dst(%dma_wait3A_1208 : memref<1024xf32, #tpu.memory_space<vmem>>)
    %dma_wait3A_1210 = arith.constant 1 : i32
    %dma_wait3A_1211 = arith.constant 0 : i32
    %dma_wait3A_1212 = arith.constant 0 : i32
    %dma_wait3A_1213 = tpu.memref_slice %arg21[%dma_wait3A_1210, %dma_wait3A_1211, %dma_wait3A_1212] : memref<3x2x1024xf32, #tpu.memory_space<vmem>> -> memref<1x1x1024xf32, #tpu.memory_space<vmem>>
    %dma_wait3A_1214 = tpu.memref_squeeze %dma_wait3A_1213 : memref<1x1x1024xf32, #tpu.memory_space<vmem>> -> memref<1024xf32, #tpu.memory_space<vmem>>
    %dma_wait3A_1215 = tpu.memref_slice %arg6[%add3A_1023] : memref<327680xf32, #tpu.memory_space<hbm>> -> memref<1024xf32, #tpu.memory_space<hbm>>
    %dma_wait3A_1216 = arith.constant 0 : i32
    %dma_wait3A_1217 = tpu.memref_slice %arg21[%dma_wait3A_1210, %dma_wait3A_1211, %dma_wait3A_1216] : memref<3x2x1024xf32, #tpu.memory_space<vmem>> -> memref<1x1x1024xf32, #tpu.memory_space<vmem>>
    %dma_wait3A_1218 = tpu.memref_squeeze %dma_wait3A_1217 : memref<1x1x1024xf32, #tpu.memory_space<vmem>> -> memref<1024xf32, #tpu.memory_space<vmem>>
    %dma_wait3A_1219 = tpu.memref_slice %arg6[%add3A_1023] : memref<327680xf32, #tpu.memory_space<hbm>> -> memref<1024xf32, #tpu.memory_space<hbm>>
    tpu.wait_dma2 semaphore(%arg23 : memref<!tpu.dma_semaphore, #tpu.memory_space<semaphore_mem>>) src(%dma_wait3A_1219 : memref<1024xf32, #tpu.memory_space<hbm>>) dst(%dma_wait3A_1218 : memref<1024xf32, #tpu.memory_space<vmem>>)
    %dma_wait3A_1220 = arith.constant 2 : i32
    %dma_wait3A_1221 = arith.constant 0 : i32
    %dma_wait3A_1222 = arith.constant 0 : i32
    %dma_wait3A_1223 = tpu.memref_slice %arg21[%dma_wait3A_1220, %dma_wait3A_1221, %dma_wait3A_1222] : memref<3x2x1024xf32, #tpu.memory_space<vmem>> -> memref<1x1x1024xf32, #tpu.memory_space<vmem>>
    %dma_wait3A_1224 = tpu.memref_squeeze %dma_wait3A_1223 : memref<1x1x1024xf32, #tpu.memory_space<vmem>> -> memref<1024xf32, #tpu.memory_space<vmem>>
    %dma_wait3A_1225 = tpu.memref_slice %arg7[%add3A_1035] : memref<327680xf32, #tpu.memory_space<hbm>> -> memref<1024xf32, #tpu.memory_space<hbm>>
    %dma_wait3A_1226 = arith.constant 0 : i32
    %dma_wait3A_1227 = tpu.memref_slice %arg21[%dma_wait3A_1220, %dma_wait3A_1221, %dma_wait3A_1226] : memref<3x2x1024xf32, #tpu.memory_space<vmem>> -> memref<1x1x1024xf32, #tpu.memory_space<vmem>>
    %dma_wait3A_1228 = tpu.memref_squeeze %dma_wait3A_1227 : memref<1x1x1024xf32, #tpu.memory_space<vmem>> -> memref<1024xf32, #tpu.memory_space<vmem>>
    %dma_wait3A_1229 = tpu.memref_slice %arg7[%add3A_1035] : memref<327680xf32, #tpu.memory_space<hbm>> -> memref<1024xf32, #tpu.memory_space<hbm>>
    tpu.wait_dma2 semaphore(%arg23 : memref<!tpu.dma_semaphore, #tpu.memory_space<semaphore_mem>>) src(%dma_wait3A_1229 : memref<1024xf32, #tpu.memory_space<hbm>>) dst(%dma_wait3A_1228 : memref<1024xf32, #tpu.memory_space<vmem>>)
    %broadcast_in_dim3A_1230 = arith.constant 0 : i32
    %broadcast_in_dim3A_1231 = vector.broadcast %broadcast_in_dim3A_1230 : i32 to vector<16xi32>
    %iota3A_1232 = tpu.iota {dimensions = array<i32: 0>} : vector<16xi32>
    %scan3A_1233 = arith.constant 0 : i32
    %scan3A_1234 = arith.constant 64 : i32
    %scan3A_1235 = arith.addi %scan3A_1233, %scan3A_1234 : i32
    %scan3A_1236 = arith.constant 1 : i32
    scf.for %scan3A_1357 = %scan3A_1233 to %scan3A_1235 step %scan3A_1236  : i32 {
      %mul3A_1358 = arith.constant 1 : i32
      %mul3A_1359 = arith.muli %scan3A_1357, %mul3A_1358 : i32
      %add3A_1360 = arith.constant 0 : i32
      %add3A_1361 = arith.addi %add3A_1360, %mul3A_1359 : i32
      %mul3A_1362 = arith.constant 16 : i32
      %mul3A_1363 = arith.muli %add3A_1361, %mul3A_1362 : i32
      %add3A_1364 = vector.broadcast %mul3A_1363 : i32 to vector<16xi32>
      %add3A_1365 = arith.addi %iota3A_1232, %add3A_1364 : vector<16xi32>
      %mul3A_1366 = arith.constant 16 : i32
      %mul3A_1367 = arith.muli %add3A_1361, %mul3A_1366 : i32
      %get3A = arith.constant 0 : i32
      %get3A_1368 = arith.constant 0 : i32
      %get3A_1369 = arith.index_cast %get3A : i32 to index
      %get3A_1370 = arith.index_cast %get3A_1368 : i32 to index
      %get3A_1371 = arith.index_cast %mul3A_1367 : i32 to index
      %get3A_1372 = tpu.vector_load %arg21[%get3A_1369, %get3A_1370, %get3A_1371] {strides = array<i32>} : memref<3x2x1024xf32, #tpu.memory_space<vmem>>, vector<16xf32>,
      %broadcast_in_dim3A_1373 = arith.constant 0 : i32
      %broadcast_in_dim3A_1374 = vector.broadcast %broadcast_in_dim3A_1373 : i32 to vector<16xi32>
      tpu.vector_store_idx %arg20[%broadcast_in_dim3A_1231, %add3A_1365, %broadcast_in_dim3A_1374], %get3A_1372 : memref<2x1024x16xf32, #tpu.memory_space<vmem>>[vector<16xi32>, vector<16xi32>, vector<16xi32>], vector<16xf32>,
      %mul3A_1375 = arith.constant 16 : i32
      %mul3A_1376 = arith.muli %add3A_1361, %mul3A_1375 : i32
      %get3A_1377 = arith.constant 1 : i32
      %get3A_1378 = arith.constant 0 : i32
      %get3A_1379 = arith.index_cast %get3A_1377 : i32 to index
      %get3A_1380 = arith.index_cast %get3A_1378 : i32 to index
      %get3A_1381 = arith.index_cast %mul3A_1376 : i32 to index
      %get3A_1382 = tpu.vector_load %arg21[%get3A_1379, %get3A_1380, %get3A_1381] {strides = array<i32>} : memref<3x2x1024xf32, #tpu.memory_space<vmem>>, vector<16xf32>,
      %broadcast_in_dim3A_1383 = arith.constant 1 : i32
      %broadcast_in_dim3A_1384 = vector.broadcast %broadcast_in_dim3A_1383 : i32 to vector<16xi32>
      tpu.vector_store_idx %arg20[%broadcast_in_dim3A_1231, %add3A_1365, %broadcast_in_dim3A_1384], %get3A_1382 : memref<2x1024x16xf32, #tpu.memory_space<vmem>>[vector<16xi32>, vector<16xi32>, vector<16xi32>], vector<16xf32>,
      %mul3A_1385 = arith.constant 16 : i32
      %mul3A_1386 = arith.muli %add3A_1361, %mul3A_1385 : i32
      %get3A_1387 = arith.constant 2 : i32
      %get3A_1388 = arith.constant 0 : i32
      %get3A_1389 = arith.index_cast %get3A_1387 : i32 to index
      %get3A_1390 = arith.index_cast %get3A_1388 : i32 to index
      %get3A_1391 = arith.index_cast %mul3A_1386 : i32 to index
      %get3A_1392 = tpu.vector_load %arg21[%get3A_1389, %get3A_1390, %get3A_1391] {strides = array<i32>} : memref<3x2x1024xf32, #tpu.memory_space<vmem>>, vector<16xf32>,
      %broadcast_in_dim3A_1393 = arith.constant 2 : i32
      %broadcast_in_dim3A_1394 = vector.broadcast %broadcast_in_dim3A_1393 : i32 to vector<16xi32>
      tpu.vector_store_idx %arg20[%broadcast_in_dim3A_1231, %add3A_1365, %broadcast_in_dim3A_1394], %get3A_1392 : memref<2x1024x16xf32, #tpu.memory_space<vmem>>[vector<16xi32>, vector<16xi32>, vector<16xi32>], vector<16xf32>,
    }
    %scan3A_1237 = arith.constant 64 : i32
    %dma_start3A_1238 = arith.constant 0 : i32
    %dma_start3A_1239 = arith.constant 0 : i32
    %dma_start3A_1240 = arith.constant 0 : i32
    %dma_start3A_1241 = tpu.memref_slice %arg20[%dma_start3A_1238, %dma_start3A_1239, %dma_start3A_1240] : memref<2x1024x16xf32, #tpu.memory_space<vmem>> -> memref<1x1024x16xf32, #tpu.memory_space<vmem>>
    %dma_start3A_1242 = tpu.memref_squeeze %dma_start3A_1241 : memref<1x1024x16xf32, #tpu.memory_space<vmem>> -> memref<1024x16xf32, #tpu.memory_space<vmem>>
    %dma_start3A_1243 = arith.constant 8192 : i32
    %dma_start3A_1244 = tpu.memref_slice %arg12[%dma_start3A_1243] : memref<10240xi32, #tpu.memory_space<vmem>> -> memref<1024xi32, #tpu.memory_space<vmem>>
    %dma_start3A_1245 = arith.constant 0 : i32
    %dma_start3A_1246 = arith.constant 0 : i32
    %dma_start3A_1247 = tpu.memref_slice %arg22[%dma_start3A_1245, %dma_start3A_1246] : memref<10112x16xf32, #tpu.memory_space<vmem_shared>> -> memref<10112x16xf32, #tpu.memory_space<vmem_shared>>
    tpu.enqueue_indirect_dma source(%dma_start3A_1242 : memref<1024x16xf32, #tpu.memory_space<vmem>>) target(%dma_start3A_1247 : memref<10112x16xf32, #tpu.memory_space<vmem_shared>>) offsets(%dma_start3A_1244 : memref<1024xi32, #tpu.memory_space<vmem>>) semaphore(%arg25 : memref<!tpu.dma_semaphore, #tpu.memory_space<semaphore_mem>>) {add = true}
    %dma_wait3A_1248 = arith.constant 1 : i32
    %dma_wait3A_1249 = arith.constant 0 : i32
    %dma_wait3A_1250 = arith.constant 0 : i32
    %dma_wait3A_1251 = tpu.memref_slice %arg13[%dma_wait3A_1248, %dma_wait3A_1249, %dma_wait3A_1250] : memref<2x1024x16xf32, #tpu.memory_space<vmem>> -> memref<1x1024x16xf32, #tpu.memory_space<vmem>>
    %dma_wait3A_1252 = tpu.memref_squeeze %dma_wait3A_1251 : memref<1x1024x16xf32, #tpu.memory_space<vmem>> -> memref<1024x16xf32, #tpu.memory_space<vmem>>
    %dma_wait3A_1253 = arith.constant 9216 : i32
    %dma_wait3A_1254 = tpu.memref_slice %arg11[%dma_wait3A_1253] : memref<10240xi32, #tpu.memory_space<vmem>> -> memref<1024xi32, #tpu.memory_space<vmem>>
    %dma_wait3A_1255 = arith.constant 0 : i32
    %dma_wait3A_1256 = arith.constant 0 : i32
    %dma_wait3A_1257 = tpu.memref_slice %arg15[%dma_wait3A_1255, %dma_wait3A_1256] : memref<10112x16xf32, #tpu.memory_space<vmem_shared>> -> memref<10112x16xf32, #tpu.memory_space<vmem_shared>>
    tpu.wait_indirect_dma semaphore(%arg17 : memref<!tpu.dma_semaphore, #tpu.memory_space<semaphore_mem>>) src(%dma_wait3A_1257 : memref<10112x16xf32, #tpu.memory_space<vmem_shared>>) dst(%dma_wait3A_1252 : memref<1024x16xf32, #tpu.memory_space<vmem>>)
    %dma_start3A_1258 = arith.constant 1 : i32
    %dma_start3A_1259 = arith.constant 0 : i32
    %dma_start3A_1260 = arith.constant 0 : i32
    %dma_start3A_1261 = tpu.memref_slice %arg13[%dma_start3A_1258, %dma_start3A_1259, %dma_start3A_1260] : memref<2x1024x16xf32, #tpu.memory_space<vmem>> -> memref<1x1024x16xf32, #tpu.memory_space<vmem>>
    %dma_start3A_1262 = tpu.memref_squeeze %dma_start3A_1261 : memref<1x1024x16xf32, #tpu.memory_space<vmem>> -> memref<1024x16xf32, #tpu.memory_space<vmem>>
    %dma_start3A_1263 = arith.constant 9216 : i32
    %dma_start3A_1264 = tpu.memref_slice %arg12[%dma_start3A_1263] : memref<10240xi32, #tpu.memory_space<vmem>> -> memref<1024xi32, #tpu.memory_space<vmem>>
    %dma_start3A_1265 = arith.constant 0 : i32
    %dma_start3A_1266 = arith.constant 0 : i32
    %dma_start3A_1267 = tpu.memref_slice %arg14[%dma_start3A_1265, %dma_start3A_1266] : memref<10112x16xf32, #tpu.memory_space<vmem_shared>> -> memref<10112x16xf32, #tpu.memory_space<vmem_shared>>
    tpu.enqueue_indirect_dma source(%dma_start3A_1262 : memref<1024x16xf32, #tpu.memory_space<vmem>>) target(%dma_start3A_1267 : memref<10112x16xf32, #tpu.memory_space<vmem_shared>>) offsets(%dma_start3A_1264 : memref<1024xi32, #tpu.memory_space<vmem>>) semaphore(%arg19 : memref<!tpu.dma_semaphore, #tpu.memory_space<semaphore_mem>>) {add = true}
    %dma_wait3A_1268 = arith.constant 0 : i32
    %dma_wait3A_1269 = arith.constant 1 : i32
    %dma_wait3A_1270 = arith.constant 0 : i32
    %dma_wait3A_1271 = tpu.memref_slice %arg21[%dma_wait3A_1268, %dma_wait3A_1269, %dma_wait3A_1270] : memref<3x2x1024xf32, #tpu.memory_space<vmem>> -> memref<1x1x1024xf32, #tpu.memory_space<vmem>>
    %dma_wait3A_1272 = tpu.memref_squeeze %dma_wait3A_1271 : memref<1x1x1024xf32, #tpu.memory_space<vmem>> -> memref<1024xf32, #tpu.memory_space<vmem>>
    %dma_wait3A_1273 = tpu.memref_slice %arg5[%add3A_1145] : memref<327680xf32, #tpu.memory_space<hbm>> -> memref<1024xf32, #tpu.memory_space<hbm>>
    %dma_wait3A_1274 = arith.constant 0 : i32
    %dma_wait3A_1275 = tpu.memref_slice %arg21[%dma_wait3A_1268, %dma_wait3A_1269, %dma_wait3A_1274] : memref<3x2x1024xf32, #tpu.memory_space<vmem>> -> memref<1x1x1024xf32, #tpu.memory_space<vmem>>
    %dma_wait3A_1276 = tpu.memref_squeeze %dma_wait3A_1275 : memref<1x1x1024xf32, #tpu.memory_space<vmem>> -> memref<1024xf32, #tpu.memory_space<vmem>>
    %dma_wait3A_1277 = tpu.memref_slice %arg5[%add3A_1145] : memref<327680xf32, #tpu.memory_space<hbm>> -> memref<1024xf32, #tpu.memory_space<hbm>>
    tpu.wait_dma2 semaphore(%arg24 : memref<!tpu.dma_semaphore, #tpu.memory_space<semaphore_mem>>) src(%dma_wait3A_1277 : memref<1024xf32, #tpu.memory_space<hbm>>) dst(%dma_wait3A_1276 : memref<1024xf32, #tpu.memory_space<vmem>>)
    %dma_wait3A_1278 = arith.constant 1 : i32
    %dma_wait3A_1279 = arith.constant 1 : i32
    %dma_wait3A_1280 = arith.constant 0 : i32
    %dma_wait3A_1281 = tpu.memref_slice %arg21[%dma_wait3A_1278, %dma_wait3A_1279, %dma_wait3A_1280] : memref<3x2x1024xf32, #tpu.memory_space<vmem>> -> memref<1x1x1024xf32, #tpu.memory_space<vmem>>
    %dma_wait3A_1282 = tpu.memref_squeeze %dma_wait3A_1281 : memref<1x1x1024xf32, #tpu.memory_space<vmem>> -> memref<1024xf32, #tpu.memory_space<vmem>>
    %dma_wait3A_1283 = tpu.memref_slice %arg6[%add3A_1157] : memref<327680xf32, #tpu.memory_space<hbm>> -> memref<1024xf32, #tpu.memory_space<hbm>>
    %dma_wait3A_1284 = arith.constant 0 : i32
    %dma_wait3A_1285 = tpu.memref_slice %arg21[%dma_wait3A_1278, %dma_wait3A_1279, %dma_wait3A_1284] : memref<3x2x1024xf32, #tpu.memory_space<vmem>> -> memref<1x1x1024xf32, #tpu.memory_space<vmem>>
    %dma_wait3A_1286 = tpu.memref_squeeze %dma_wait3A_1285 : memref<1x1x1024xf32, #tpu.memory_space<vmem>> -> memref<1024xf32, #tpu.memory_space<vmem>>
    %dma_wait3A_1287 = tpu.memref_slice %arg6[%add3A_1157] : memref<327680xf32, #tpu.memory_space<hbm>> -> memref<1024xf32, #tpu.memory_space<hbm>>
    tpu.wait_dma2 semaphore(%arg24 : memref<!tpu.dma_semaphore, #tpu.memory_space<semaphore_mem>>) src(%dma_wait3A_1287 : memref<1024xf32, #tpu.memory_space<hbm>>) dst(%dma_wait3A_1286 : memref<1024xf32, #tpu.memory_space<vmem>>)
    %dma_wait3A_1288 = arith.constant 2 : i32
    %dma_wait3A_1289 = arith.constant 1 : i32
    %dma_wait3A_1290 = arith.constant 0 : i32
    %dma_wait3A_1291 = tpu.memref_slice %arg21[%dma_wait3A_1288, %dma_wait3A_1289, %dma_wait3A_1290] : memref<3x2x1024xf32, #tpu.memory_space<vmem>> -> memref<1x1x1024xf32, #tpu.memory_space<vmem>>
    %dma_wait3A_1292 = tpu.memref_squeeze %dma_wait3A_1291 : memref<1x1x1024xf32, #tpu.memory_space<vmem>> -> memref<1024xf32, #tpu.memory_space<vmem>>
    %dma_wait3A_1293 = tpu.memref_slice %arg7[%add3A_1169] : memref<327680xf32, #tpu.memory_space<hbm>> -> memref<1024xf32, #tpu.memory_space<hbm>>
    %dma_wait3A_1294 = arith.constant 0 : i32
    %dma_wait3A_1295 = tpu.memref_slice %arg21[%dma_wait3A_1288, %dma_wait3A_1289, %dma_wait3A_1294] : memref<3x2x1024xf32, #tpu.memory_space<vmem>> -> memref<1x1x1024xf32, #tpu.memory_space<vmem>>
    %dma_wait3A_1296 = tpu.memref_squeeze %dma_wait3A_1295 : memref<1x1x1024xf32, #tpu.memory_space<vmem>> -> memref<1024xf32, #tpu.memory_space<vmem>>
    %dma_wait3A_1297 = tpu.memref_slice %arg7[%add3A_1169] : memref<327680xf32, #tpu.memory_space<hbm>> -> memref<1024xf32, #tpu.memory_space<hbm>>
    tpu.wait_dma2 semaphore(%arg24 : memref<!tpu.dma_semaphore, #tpu.memory_space<semaphore_mem>>) src(%dma_wait3A_1297 : memref<1024xf32, #tpu.memory_space<hbm>>) dst(%dma_wait3A_1296 : memref<1024xf32, #tpu.memory_space<vmem>>)
    %broadcast_in_dim3A_1298 = arith.constant 1 : i32
    %broadcast_in_dim3A_1299 = vector.broadcast %broadcast_in_dim3A_1298 : i32 to vector<16xi32>
    %iota3A_1300 = tpu.iota {dimensions = array<i32: 0>} : vector<16xi32>
    %scan3A_1301 = arith.constant 0 : i32
    %scan3A_1302 = arith.constant 64 : i32
    %scan3A_1303 = arith.addi %scan3A_1301, %scan3A_1302 : i32
    %scan3A_1304 = arith.constant 1 : i32
    scf.for %scan3A_1357 = %scan3A_1301 to %scan3A_1303 step %scan3A_1304  : i32 {
      %mul3A_1358 = arith.constant 1 : i32
      %mul3A_1359 = arith.muli %scan3A_1357, %mul3A_1358 : i32
      %add3A_1360 = arith.constant 0 : i32
      %add3A_1361 = arith.addi %add3A_1360, %mul3A_1359 : i32
      %mul3A_1362 = arith.constant 16 : i32
      %mul3A_1363 = arith.muli %add3A_1361, %mul3A_1362 : i32
      %add3A_1364 = vector.broadcast %mul3A_1363 : i32 to vector<16xi32>
      %add3A_1365 = arith.addi %iota3A_1300, %add3A_1364 : vector<16xi32>
      %mul3A_1366 = arith.constant 16 : i32
      %mul3A_1367 = arith.muli %add3A_1361, %mul3A_1366 : i32
      %get3A = arith.constant 0 : i32
      %get3A_1368 = arith.constant 1 : i32
      %get3A_1369 = arith.index_cast %get3A : i32 to index
      %get3A_1370 = arith.index_cast %get3A_1368 : i32 to index
      %get3A_1371 = arith.index_cast %mul3A_1367 : i32 to index
      %get3A_1372 = tpu.vector_load %arg21[%get3A_1369, %get3A_1370, %get3A_1371] {strides = array<i32>} : memref<3x2x1024xf32, #tpu.memory_space<vmem>>, vector<16xf32>,
      %broadcast_in_dim3A_1373 = arith.constant 0 : i32
      %broadcast_in_dim3A_1374 = vector.broadcast %broadcast_in_dim3A_1373 : i32 to vector<16xi32>
      tpu.vector_store_idx %arg20[%broadcast_in_dim3A_1299, %add3A_1365, %broadcast_in_dim3A_1374], %get3A_1372 : memref<2x1024x16xf32, #tpu.memory_space<vmem>>[vector<16xi32>, vector<16xi32>, vector<16xi32>], vector<16xf32>,
      %mul3A_1375 = arith.constant 16 : i32
      %mul3A_1376 = arith.muli %add3A_1361, %mul3A_1375 : i32
      %get3A_1377 = arith.constant 1 : i32
      %get3A_1378 = arith.constant 1 : i32
      %get3A_1379 = arith.index_cast %get3A_1377 : i32 to index
      %get3A_1380 = arith.index_cast %get3A_1378 : i32 to index
      %get3A_1381 = arith.index_cast %mul3A_1376 : i32 to index
      %get3A_1382 = tpu.vector_load %arg21[%get3A_1379, %get3A_1380, %get3A_1381] {strides = array<i32>} : memref<3x2x1024xf32, #tpu.memory_space<vmem>>, vector<16xf32>,
      %broadcast_in_dim3A_1383 = arith.constant 1 : i32
      %broadcast_in_dim3A_1384 = vector.broadcast %broadcast_in_dim3A_1383 : i32 to vector<16xi32>
      tpu.vector_store_idx %arg20[%broadcast_in_dim3A_1299, %add3A_1365, %broadcast_in_dim3A_1384], %get3A_1382 : memref<2x1024x16xf32, #tpu.memory_space<vmem>>[vector<16xi32>, vector<16xi32>, vector<16xi32>], vector<16xf32>,
      %mul3A_1385 = arith.constant 16 : i32
      %mul3A_1386 = arith.muli %add3A_1361, %mul3A_1385 : i32
      %get3A_1387 = arith.constant 2 : i32
      %get3A_1388 = arith.constant 1 : i32
      %get3A_1389 = arith.index_cast %get3A_1387 : i32 to index
      %get3A_1390 = arith.index_cast %get3A_1388 : i32 to index
      %get3A_1391 = arith.index_cast %mul3A_1386 : i32 to index
      %get3A_1392 = tpu.vector_load %arg21[%get3A_1389, %get3A_1390, %get3A_1391] {strides = array<i32>} : memref<3x2x1024xf32, #tpu.memory_space<vmem>>, vector<16xf32>,
      %broadcast_in_dim3A_1393 = arith.constant 2 : i32
      %broadcast_in_dim3A_1394 = vector.broadcast %broadcast_in_dim3A_1393 : i32 to vector<16xi32>
      tpu.vector_store_idx %arg20[%broadcast_in_dim3A_1299, %add3A_1365, %broadcast_in_dim3A_1394], %get3A_1392 : memref<2x1024x16xf32, #tpu.memory_space<vmem>>[vector<16xi32>, vector<16xi32>, vector<16xi32>], vector<16xf32>,
    }
    %scan3A_1305 = arith.constant 64 : i32
    %dma_start3A_1306 = arith.constant 1 : i32
    %dma_start3A_1307 = arith.constant 0 : i32
    %dma_start3A_1308 = arith.constant 0 : i32
    %dma_start3A_1309 = tpu.memref_slice %arg20[%dma_start3A_1306, %dma_start3A_1307, %dma_start3A_1308] : memref<2x1024x16xf32, #tpu.memory_space<vmem>> -> memref<1x1024x16xf32, #tpu.memory_space<vmem>>
    %dma_start3A_1310 = tpu.memref_squeeze %dma_start3A_1309 : memref<1x1024x16xf32, #tpu.memory_space<vmem>> -> memref<1024x16xf32, #tpu.memory_space<vmem>>
    %dma_start3A_1311 = arith.constant 9216 : i32
    %dma_start3A_1312 = tpu.memref_slice %arg12[%dma_start3A_1311] : memref<10240xi32, #tpu.memory_space<vmem>> -> memref<1024xi32, #tpu.memory_space<vmem>>
    %dma_start3A_1313 = arith.constant 0 : i32
    %dma_start3A_1314 = arith.constant 0 : i32
    %dma_start3A_1315 = tpu.memref_slice %arg22[%dma_start3A_1313, %dma_start3A_1314] : memref<10112x16xf32, #tpu.memory_space<vmem_shared>> -> memref<10112x16xf32, #tpu.memory_space<vmem_shared>>
    tpu.enqueue_indirect_dma source(%dma_start3A_1310 : memref<1024x16xf32, #tpu.memory_space<vmem>>) target(%dma_start3A_1315 : memref<10112x16xf32, #tpu.memory_space<vmem_shared>>) offsets(%dma_start3A_1312 : memref<1024xi32, #tpu.memory_space<vmem>>) semaphore(%arg26 : memref<!tpu.dma_semaphore, #tpu.memory_space<semaphore_mem>>) {add = true}
    %dma_wait3A_1316 = arith.constant 0 : i32
    %dma_wait3A_1317 = arith.constant 0 : i32
    %dma_wait3A_1318 = arith.constant 0 : i32
    %dma_wait3A_1319 = tpu.memref_slice %arg13[%dma_wait3A_1316, %dma_wait3A_1317, %dma_wait3A_1318] : memref<2x1024x16xf32, #tpu.memory_space<vmem>> -> memref<1x1024x16xf32, #tpu.memory_space<vmem>>
    %dma_wait3A_1320 = tpu.memref_squeeze %dma_wait3A_1319 : memref<1x1024x16xf32, #tpu.memory_space<vmem>> -> memref<1024x16xf32, #tpu.memory_space<vmem>>
    %dma_wait3A_1321 = arith.constant 8192 : i32
    %dma_wait3A_1322 = tpu.memref_slice %arg12[%dma_wait3A_1321] : memref<10240xi32, #tpu.memory_space<vmem>> -> memref<1024xi32, #tpu.memory_space<vmem>>
    %dma_wait3A_1323 = arith.constant 0 : i32
    %dma_wait3A_1324 = arith.constant 0 : i32
    %dma_wait3A_1325 = tpu.memref_slice %arg14[%dma_wait3A_1323, %dma_wait3A_1324] : memref<10112x16xf32, #tpu.memory_space<vmem_shared>> -> memref<10112x16xf32, #tpu.memory_space<vmem_shared>>
    tpu.wait_indirect_dma semaphore(%arg18 : memref<!tpu.dma_semaphore, #tpu.memory_space<semaphore_mem>>) src(%dma_wait3A_1320 : memref<1024x16xf32, #tpu.memory_space<vmem>>) dst(%dma_wait3A_1325 : memref<10112x16xf32, #tpu.memory_space<vmem_shared>>)
    %dma_wait3A_1326 = arith.constant 0 : i32
    %dma_wait3A_1327 = arith.constant 0 : i32
    %dma_wait3A_1328 = arith.constant 0 : i32
    %dma_wait3A_1329 = tpu.memref_slice %arg20[%dma_wait3A_1326, %dma_wait3A_1327, %dma_wait3A_1328] : memref<2x1024x16xf32, #tpu.memory_space<vmem>> -> memref<1x1024x16xf32, #tpu.memory_space<vmem>>
    %dma_wait3A_1330 = tpu.memref_squeeze %dma_wait3A_1329 : memref<1x1024x16xf32, #tpu.memory_space<vmem>> -> memref<1024x16xf32, #tpu.memory_space<vmem>>
    %dma_wait3A_1331 = arith.constant 8192 : i32
    %dma_wait3A_1332 = tpu.memref_slice %arg12[%dma_wait3A_1331] : memref<10240xi32, #tpu.memory_space<vmem>> -> memref<1024xi32, #tpu.memory_space<vmem>>
    %dma_wait3A_1333 = arith.constant 0 : i32
    %dma_wait3A_1334 = arith.constant 0 : i32
    %dma_wait3A_1335 = tpu.memref_slice %arg22[%dma_wait3A_1333, %dma_wait3A_1334] : memref<10112x16xf32, #tpu.memory_space<vmem_shared>> -> memref<10112x16xf32, #tpu.memory_space<vmem_shared>>
    tpu.wait_indirect_dma semaphore(%arg25 : memref<!tpu.dma_semaphore, #tpu.memory_space<semaphore_mem>>) src(%dma_wait3A_1330 : memref<1024x16xf32, #tpu.memory_space<vmem>>) dst(%dma_wait3A_1335 : memref<10112x16xf32, #tpu.memory_space<vmem_shared>>)
    %dma_wait3A_1336 = arith.constant 1 : i32
    %dma_wait3A_1337 = arith.constant 0 : i32
    %dma_wait3A_1338 = arith.constant 0 : i32
    %dma_wait3A_1339 = tpu.memref_slice %arg13[%dma_wait3A_1336, %dma_wait3A_1337, %dma_wait3A_1338] : memref<2x1024x16xf32, #tpu.memory_space<vmem>> -> memref<1x1024x16xf32, #tpu.memory_space<vmem>>
    %dma_wait3A_1340 = tpu.memref_squeeze %dma_wait3A_1339 : memref<1x1024x16xf32, #tpu.memory_space<vmem>> -> memref<1024x16xf32, #tpu.memory_space<vmem>>
    %dma_wait3A_1341 = arith.constant 9216 : i32
    %dma_wait3A_1342 = tpu.memref_slice %arg12[%dma_wait3A_1341] : memref<10240xi32, #tpu.memory_space<vmem>> -> memref<1024xi32, #tpu.memory_space<vmem>>
    %dma_wait3A_1343 = arith.constant 0 : i32
    %dma_wait3A_1344 = arith.constant 0 : i32
    %dma_wait3A_1345 = tpu.memref_slice %arg14[%dma_wait3A_1343, %dma_wait3A_1344] : memref<10112x16xf32, #tpu.memory_space<vmem_shared>> -> memref<10112x16xf32, #tpu.memory_space<vmem_shared>>
    tpu.wait_indirect_dma semaphore(%arg19 : memref<!tpu.dma_semaphore, #tpu.memory_space<semaphore_mem>>) src(%dma_wait3A_1340 : memref<1024x16xf32, #tpu.memory_space<vmem>>) dst(%dma_wait3A_1345 : memref<10112x16xf32, #tpu.memory_space<vmem_shared>>)
    %dma_wait3A_1346 = arith.constant 1 : i32
    %dma_wait3A_1347 = arith.constant 0 : i32
    %dma_wait3A_1348 = arith.constant 0 : i32
    %dma_wait3A_1349 = tpu.memref_slice %arg20[%dma_wait3A_1346, %dma_wait3A_1347, %dma_wait3A_1348] : memref<2x1024x16xf32, #tpu.memory_space<vmem>> -> memref<1x1024x16xf32, #tpu.memory_space<vmem>>
    %dma_wait3A_1350 = tpu.memref_squeeze %dma_wait3A_1349 : memref<1x1024x16xf32, #tpu.memory_space<vmem>> -> memref<1024x16xf32, #tpu.memory_space<vmem>>
    %dma_wait3A_1351 = arith.constant 9216 : i32
    %dma_wait3A_1352 = tpu.memref_slice %arg12[%dma_wait3A_1351] : memref<10240xi32, #tpu.memory_space<vmem>> -> memref<1024xi32, #tpu.memory_space<vmem>>
    %dma_wait3A_1353 = arith.constant 0 : i32
    %dma_wait3A_1354 = arith.constant 0 : i32
    %dma_wait3A_1355 = tpu.memref_slice %arg22[%dma_wait3A_1353, %dma_wait3A_1354] : memref<10112x16xf32, #tpu.memory_space<vmem_shared>> -> memref<10112x16xf32, #tpu.memory_space<vmem_shared>>
    tpu.wait_indirect_dma semaphore(%arg26 : memref<!tpu.dma_semaphore, #tpu.memory_space<semaphore_mem>>) src(%dma_wait3A_1350 : memref<1024x16xf32, #tpu.memory_space<vmem>>) dst(%dma_wait3A_1355 : memref<10112x16xf32, #tpu.memory_space<vmem_shared>>)
    %barrier3A_1356 = arith.constant 0 : index
    tpu.barrier barrier_id(%barrier3A_1356)
    "tpu.region"() ({
      %run_scoped3A = tpu.sem_alloc : memref<!tpu.dma_semaphore, #tpu.memory_space<semaphore_mem>>
      %dma_start3A_1357 = arith.constant 0 : i32
      %dma_start3A_1358 = tpu.memref_slice %arg9[%arg0, %mul3A_2, %dma_start3A_1357] : memref<2x10112x16xf32, #tpu.memory_space<hbm>> -> memref<1x632x16xf32, #tpu.memory_space<hbm>>
      %dma_start3A_1359 = tpu.memref_squeeze %dma_start3A_1358 : memref<1x632x16xf32, #tpu.memory_space<hbm>> -> memref<632x16xf32, #tpu.memory_space<hbm>>
      %dma_start3A_1360 = arith.constant 0 : i32
      %dma_start3A_1361 = tpu.memref_slice %arg14[%mul3A_2, %dma_start3A_1360] : memref<10112x16xf32, #tpu.memory_space<vmem_shared>> -> memref<632x16xf32, #tpu.memory_space<vmem_shared>>
      tpu.enqueue_dma source(%dma_start3A_1361 : memref<632x16xf32, #tpu.memory_space<vmem_shared>>) target(%dma_start3A_1359 : memref<632x16xf32, #tpu.memory_space<hbm>>) target_semaphore(%run_scoped3A : memref<!tpu.dma_semaphore, #tpu.memory_space<semaphore_mem>>)
      %dma_wait3A_1362 = arith.constant 0 : i32
      %dma_wait3A_1363 = tpu.memref_slice %arg9[%arg0, %mul3A_2, %dma_wait3A_1362] : memref<2x10112x16xf32, #tpu.memory_space<hbm>> -> memref<1x632x16xf32, #tpu.memory_space<hbm>>
      %dma_wait3A_1364 = tpu.memref_squeeze %dma_wait3A_1363 : memref<1x632x16xf32, #tpu.memory_space<hbm>> -> memref<632x16xf32, #tpu.memory_space<hbm>>
      %dma_wait3A_1365 = arith.constant 0 : i32
      %dma_wait3A_1366 = tpu.memref_slice %arg14[%mul3A_2, %dma_wait3A_1365] : memref<10112x16xf32, #tpu.memory_space<vmem_shared>> -> memref<632x16xf32, #tpu.memory_space<vmem_shared>>
      tpu.wait_dma2 semaphore(%run_scoped3A : memref<!tpu.dma_semaphore, #tpu.memory_space<semaphore_mem>>) src(%dma_wait3A_1366 : memref<632x16xf32, #tpu.memory_space<vmem_shared>>) dst(%dma_wait3A_1364 : memref<632x16xf32, #tpu.memory_space<hbm>>)
      tpu.yield
    }) : () -> ()
    "tpu.region"() ({
      %run_scoped3A = tpu.sem_alloc : memref<!tpu.dma_semaphore, #tpu.memory_space<semaphore_mem>>
      %dma_start3A_1357 = arith.constant 0 : i32
      %dma_start3A_1358 = tpu.memref_slice %arg10[%arg0, %mul3A_2, %dma_start3A_1357] : memref<2x10112x16xf32, #tpu.memory_space<hbm>> -> memref<1x632x16xf32, #tpu.memory_space<hbm>>
      %dma_start3A_1359 = tpu.memref_squeeze %dma_start3A_1358 : memref<1x632x16xf32, #tpu.memory_space<hbm>> -> memref<632x16xf32, #tpu.memory_space<hbm>>
      %dma_start3A_1360 = arith.constant 0 : i32
      %dma_start3A_1361 = tpu.memref_slice %arg22[%mul3A_2, %dma_start3A_1360] : memref<10112x16xf32, #tpu.memory_space<vmem_shared>> -> memref<632x16xf32, #tpu.memory_space<vmem_shared>>
      tpu.enqueue_dma source(%dma_start3A_1361 : memref<632x16xf32, #tpu.memory_space<vmem_shared>>) target(%dma_start3A_1359 : memref<632x16xf32, #tpu.memory_space<hbm>>) target_semaphore(%run_scoped3A : memref<!tpu.dma_semaphore, #tpu.memory_space<semaphore_mem>>)
      %dma_wait3A_1362 = arith.constant 0 : i32
      %dma_wait3A_1363 = tpu.memref_slice %arg10[%arg0, %mul3A_2, %dma_wait3A_1362] : memref<2x10112x16xf32, #tpu.memory_space<hbm>> -> memref<1x632x16xf32, #tpu.memory_space<hbm>>
      %dma_wait3A_1364 = tpu.memref_squeeze %dma_wait3A_1363 : memref<1x632x16xf32, #tpu.memory_space<hbm>> -> memref<632x16xf32, #tpu.memory_space<hbm>>
      %dma_wait3A_1365 = arith.constant 0 : i32
      %dma_wait3A_1366 = tpu.memref_slice %arg22[%mul3A_2, %dma_wait3A_1365] : memref<10112x16xf32, #tpu.memory_space<vmem_shared>> -> memref<632x16xf32, #tpu.memory_space<vmem_shared>>
      tpu.wait_dma2 semaphore(%run_scoped3A : memref<!tpu.dma_semaphore, #tpu.memory_space<semaphore_mem>>) src(%dma_wait3A_1366 : memref<632x16xf32, #tpu.memory_space<vmem_shared>>) dst(%dma_wait3A_1364 : memref<632x16xf32, #tpu.memory_space<hbm>>)
      tpu.yield
    }) : () -> ()
    return
  }
}

#map = affine_map<(d0, d1) -> (0, 0)>
#map1 = affine_map<(d0, d1) -> (0)>
#map2 = affine_map<(d0, d1) -> (0, 0, 0)>
module attributes {stable_mosaic.version = 14 : i64} {
  func.func @body(%arg0: i32, %arg1: i32, %arg2: memref<10112x16xf32, #tpu.memory_space<hbm>>, %arg3: memref<327680xi32, #tpu.memory_space<hbm>>, %arg4: memref<327680xi32, #tpu.memory_space<hbm>>, %arg5: memref<10112x16xf32, #tpu.memory_space<hbm>>, %arg6: memref<2x10112x16xf32, #tpu.memory_space<hbm>>, %arg7: memref<10240xi32, #tpu.memory_space<vmem>>, %arg8: memref<10240xi32, #tpu.memory_space<vmem>>, %arg9: memref<2x1024x16xf32, #tpu.memory_space<vmem>>, %arg10: memref<10112x16xf32, #tpu.memory_space<vmem_shared>>, %arg11: memref<10112x16xf32, #tpu.memory_space<vmem_shared>>, %arg12: memref<!tpu.dma_semaphore, #tpu.memory_space<semaphore_mem>>, %arg13: memref<!tpu.dma_semaphore, #tpu.memory_space<semaphore_mem>>, %arg14: memref<!tpu.dma_semaphore, #tpu.memory_space<semaphore_mem>>, %arg15: memref<!tpu.dma_semaphore, #tpu.memory_space<semaphore_mem>>) attributes {dimension_semantics = [#tpu.dimension_semantics<core_parallel>, #tpu.dimension_semantics<subcore_parallel>], iteration_bounds = array<i64: 2, 16>, scalar_prefetch = 0 : i64, scratch_operands = 9 : i64, tpu.core_type = #tpu.core_type<sc_vector_subcore>, window_params = [{transform_indices = #map}, {transform_indices = #map1}, {transform_indices = #map1}, {transform_indices = #map}, {transform_indices = #map2}]} {
    %mul3A = arith.constant 2 : i32
    %mul3A_0 = arith.muli %arg1, %mul3A : i32
    %add3A = arith.addi %mul3A_0, %arg0 : i32
    %mul3A_1 = arith.constant 632 : i32
    %mul3A_2 = arith.muli %arg1, %mul3A_1 : i32
    "tpu.region"() ({
      %run_scoped3A = tpu.sem_alloc : memref<!tpu.dma_semaphore, #tpu.memory_space<semaphore_mem>>
      %dma_start3A_404 = arith.constant 0 : i32
      %dma_start3A_405 = tpu.memref_slice %arg11[%mul3A_2, %dma_start3A_404] : memref<10112x16xf32, #tpu.memory_space<vmem_shared>> -> memref<632x16xf32, #tpu.memory_space<vmem_shared>>
      %dma_start3A_406 = arith.constant 0 : i32
      %dma_start3A_407 = tpu.memref_slice %arg2[%mul3A_2, %dma_start3A_406] : memref<10112x16xf32, #tpu.memory_space<hbm>> -> memref<632x16xf32, #tpu.memory_space<hbm>>
      tpu.enqueue_dma source(%dma_start3A_407 : memref<632x16xf32, #tpu.memory_space<hbm>>) target(%dma_start3A_405 : memref<632x16xf32, #tpu.memory_space<vmem_shared>>) target_semaphore(%run_scoped3A : memref<!tpu.dma_semaphore, #tpu.memory_space<semaphore_mem>>)
      %dma_wait3A_408 = arith.constant 0 : i32
      %dma_wait3A_409 = tpu.memref_slice %arg11[%mul3A_2, %dma_wait3A_408] : memref<10112x16xf32, #tpu.memory_space<vmem_shared>> -> memref<632x16xf32, #tpu.memory_space<vmem_shared>>
      %dma_wait3A_410 = arith.constant 0 : i32
      %dma_wait3A_411 = tpu.memref_slice %arg2[%mul3A_2, %dma_wait3A_410] : memref<10112x16xf32, #tpu.memory_space<hbm>> -> memref<632x16xf32, #tpu.memory_space<hbm>>
      tpu.wait_dma2 semaphore(%run_scoped3A : memref<!tpu.dma_semaphore, #tpu.memory_space<semaphore_mem>>) src(%dma_wait3A_411 : memref<632x16xf32, #tpu.memory_space<hbm>>) dst(%dma_wait3A_409 : memref<632x16xf32, #tpu.memory_space<vmem_shared>>)
      tpu.yield
    }) : () -> ()
    "tpu.region"() ({
      %run_scoped3A = tpu.sem_alloc : memref<!tpu.dma_semaphore, #tpu.memory_space<semaphore_mem>>
      %dma_start3A_404 = arith.constant 0 : i32
      %dma_start3A_405 = tpu.memref_slice %arg10[%mul3A_2, %dma_start3A_404] : memref<10112x16xf32, #tpu.memory_space<vmem_shared>> -> memref<632x16xf32, #tpu.memory_space<vmem_shared>>
      %dma_start3A_406 = arith.constant 0 : i32
      %dma_start3A_407 = tpu.memref_slice %arg5[%mul3A_2, %dma_start3A_406] : memref<10112x16xf32, #tpu.memory_space<hbm>> -> memref<632x16xf32, #tpu.memory_space<hbm>>
      tpu.enqueue_dma source(%dma_start3A_407 : memref<632x16xf32, #tpu.memory_space<hbm>>) target(%dma_start3A_405 : memref<632x16xf32, #tpu.memory_space<vmem_shared>>) target_semaphore(%run_scoped3A : memref<!tpu.dma_semaphore, #tpu.memory_space<semaphore_mem>>)
      %dma_wait3A_408 = arith.constant 0 : i32
      %dma_wait3A_409 = tpu.memref_slice %arg10[%mul3A_2, %dma_wait3A_408] : memref<10112x16xf32, #tpu.memory_space<vmem_shared>> -> memref<632x16xf32, #tpu.memory_space<vmem_shared>>
      %dma_wait3A_410 = arith.constant 0 : i32
      %dma_wait3A_411 = tpu.memref_slice %arg5[%mul3A_2, %dma_wait3A_410] : memref<10112x16xf32, #tpu.memory_space<hbm>> -> memref<632x16xf32, #tpu.memory_space<hbm>>
      tpu.wait_dma2 semaphore(%run_scoped3A : memref<!tpu.dma_semaphore, #tpu.memory_space<semaphore_mem>>) src(%dma_wait3A_411 : memref<632x16xf32, #tpu.memory_space<hbm>>) dst(%dma_wait3A_409 : memref<632x16xf32, #tpu.memory_space<vmem_shared>>)
      tpu.yield
    }) : () -> ()
    %barrier3A = arith.constant 0 : index
    tpu.barrier barrier_id(%barrier3A)
    %mul3A_3 = arith.constant 10240 : i32
    %mul3A_4 = arith.muli %add3A, %mul3A_3 : i32
    "tpu.region"() ({
      %run_scoped3A = tpu.sem_alloc : memref<!tpu.dma_semaphore, #tpu.memory_space<semaphore_mem>>
      %dma_start3A_404 = tpu.memref_slice %arg3[%mul3A_4] : memref<327680xi32, #tpu.memory_space<hbm>> -> memref<10240xi32, #tpu.memory_space<hbm>>
      %dma_start3A_405 = tpu.memref_slice %arg3[%mul3A_4] : memref<327680xi32, #tpu.memory_space<hbm>> -> memref<10240xi32, #tpu.memory_space<hbm>>
      tpu.enqueue_dma source(%dma_start3A_405 : memref<10240xi32, #tpu.memory_space<hbm>>) target(%arg7 : memref<10240xi32, #tpu.memory_space<vmem>>) target_semaphore(%run_scoped3A : memref<!tpu.dma_semaphore, #tpu.memory_space<semaphore_mem>>)
      %dma_wait3A_406 = tpu.memref_slice %arg3[%mul3A_4] : memref<327680xi32, #tpu.memory_space<hbm>> -> memref<10240xi32, #tpu.memory_space<hbm>>
      %dma_wait3A_407 = tpu.memref_slice %arg3[%mul3A_4] : memref<327680xi32, #tpu.memory_space<hbm>> -> memref<10240xi32, #tpu.memory_space<hbm>>
      tpu.wait_dma2 semaphore(%run_scoped3A : memref<!tpu.dma_semaphore, #tpu.memory_space<semaphore_mem>>) src(%dma_wait3A_407 : memref<10240xi32, #tpu.memory_space<hbm>>) dst(%arg7 : memref<10240xi32, #tpu.memory_space<vmem>>)
      tpu.yield
    }) : () -> ()
    "tpu.region"() ({
      %run_scoped3A = tpu.sem_alloc : memref<!tpu.dma_semaphore, #tpu.memory_space<semaphore_mem>>
      %dma_start3A_404 = tpu.memref_slice %arg4[%mul3A_4] : memref<327680xi32, #tpu.memory_space<hbm>> -> memref<10240xi32, #tpu.memory_space<hbm>>
      %dma_start3A_405 = tpu.memref_slice %arg4[%mul3A_4] : memref<327680xi32, #tpu.memory_space<hbm>> -> memref<10240xi32, #tpu.memory_space<hbm>>
      tpu.enqueue_dma source(%dma_start3A_405 : memref<10240xi32, #tpu.memory_space<hbm>>) target(%arg8 : memref<10240xi32, #tpu.memory_space<vmem>>) target_semaphore(%run_scoped3A : memref<!tpu.dma_semaphore, #tpu.memory_space<semaphore_mem>>)
      %dma_wait3A_406 = tpu.memref_slice %arg4[%mul3A_4] : memref<327680xi32, #tpu.memory_space<hbm>> -> memref<10240xi32, #tpu.memory_space<hbm>>
      %dma_wait3A_407 = tpu.memref_slice %arg4[%mul3A_4] : memref<327680xi32, #tpu.memory_space<hbm>> -> memref<10240xi32, #tpu.memory_space<hbm>>
      tpu.wait_dma2 semaphore(%run_scoped3A : memref<!tpu.dma_semaphore, #tpu.memory_space<semaphore_mem>>) src(%dma_wait3A_407 : memref<10240xi32, #tpu.memory_space<hbm>>) dst(%arg8 : memref<10240xi32, #tpu.memory_space<vmem>>)
      tpu.yield
    }) : () -> ()
    %dma_start3A = arith.constant 0 : i32
    %dma_start3A_5 = arith.constant 0 : i32
    %dma_start3A_6 = arith.constant 0 : i32
    %dma_start3A_7 = tpu.memref_slice %arg9[%dma_start3A, %dma_start3A_5, %dma_start3A_6] : memref<2x1024x16xf32, #tpu.memory_space<vmem>> -> memref<1x1024x16xf32, #tpu.memory_space<vmem>>
    %dma_start3A_8 = tpu.memref_squeeze %dma_start3A_7 : memref<1x1024x16xf32, #tpu.memory_space<vmem>> -> memref<1024x16xf32, #tpu.memory_space<vmem>>
    %dma_start3A_9 = arith.constant 0 : i32
    %dma_start3A_10 = tpu.memref_slice %arg7[%dma_start3A_9] : memref<10240xi32, #tpu.memory_space<vmem>> -> memref<1024xi32, #tpu.memory_space<vmem>>
    %dma_start3A_11 = arith.constant 0 : i32
    %dma_start3A_12 = arith.constant 0 : i32
    %dma_start3A_13 = tpu.memref_slice %arg11[%dma_start3A_11, %dma_start3A_12] : memref<10112x16xf32, #tpu.memory_space<vmem_shared>> -> memref<10112x16xf32, #tpu.memory_space<vmem_shared>>
    tpu.enqueue_indirect_dma source(%dma_start3A_13 : memref<10112x16xf32, #tpu.memory_space<vmem_shared>>) target(%dma_start3A_8 : memref<1024x16xf32, #tpu.memory_space<vmem>>) offsets(%dma_start3A_10 : memref<1024xi32, #tpu.memory_space<vmem>>) semaphore(%arg12 : memref<!tpu.dma_semaphore, #tpu.memory_space<semaphore_mem>>)
    %dma_start3A_14 = arith.constant 1 : i32
    %dma_start3A_15 = arith.constant 0 : i32
    %dma_start3A_16 = arith.constant 0 : i32
    %dma_start3A_17 = tpu.memref_slice %arg9[%dma_start3A_14, %dma_start3A_15, %dma_start3A_16] : memref<2x1024x16xf32, #tpu.memory_space<vmem>> -> memref<1x1024x16xf32, #tpu.memory_space<vmem>>
    %dma_start3A_18 = tpu.memref_squeeze %dma_start3A_17 : memref<1x1024x16xf32, #tpu.memory_space<vmem>> -> memref<1024x16xf32, #tpu.memory_space<vmem>>
    %dma_start3A_19 = arith.constant 1024 : i32
    %dma_start3A_20 = tpu.memref_slice %arg7[%dma_start3A_19] : memref<10240xi32, #tpu.memory_space<vmem>> -> memref<1024xi32, #tpu.memory_space<vmem>>
    %dma_start3A_21 = arith.constant 0 : i32
    %dma_start3A_22 = arith.constant 0 : i32
    %dma_start3A_23 = tpu.memref_slice %arg11[%dma_start3A_21, %dma_start3A_22] : memref<10112x16xf32, #tpu.memory_space<vmem_shared>> -> memref<10112x16xf32, #tpu.memory_space<vmem_shared>>
    tpu.enqueue_indirect_dma source(%dma_start3A_23 : memref<10112x16xf32, #tpu.memory_space<vmem_shared>>) target(%dma_start3A_18 : memref<1024x16xf32, #tpu.memory_space<vmem>>) offsets(%dma_start3A_20 : memref<1024xi32, #tpu.memory_space<vmem>>) semaphore(%arg13 : memref<!tpu.dma_semaphore, #tpu.memory_space<semaphore_mem>>)
    %dma_wait3A = arith.constant 0 : i32
    %dma_wait3A_24 = arith.constant 0 : i32
    %dma_wait3A_25 = arith.constant 0 : i32
    %dma_wait3A_26 = tpu.memref_slice %arg9[%dma_wait3A, %dma_wait3A_24, %dma_wait3A_25] : memref<2x1024x16xf32, #tpu.memory_space<vmem>> -> memref<1x1024x16xf32, #tpu.memory_space<vmem>>
    %dma_wait3A_27 = tpu.memref_squeeze %dma_wait3A_26 : memref<1x1024x16xf32, #tpu.memory_space<vmem>> -> memref<1024x16xf32, #tpu.memory_space<vmem>>
    %dma_wait3A_28 = arith.constant 0 : i32
    %dma_wait3A_29 = tpu.memref_slice %arg7[%dma_wait3A_28] : memref<10240xi32, #tpu.memory_space<vmem>> -> memref<1024xi32, #tpu.memory_space<vmem>>
    %dma_wait3A_30 = arith.constant 0 : i32
    %dma_wait3A_31 = arith.constant 0 : i32
    %dma_wait3A_32 = tpu.memref_slice %arg11[%dma_wait3A_30, %dma_wait3A_31] : memref<10112x16xf32, #tpu.memory_space<vmem_shared>> -> memref<10112x16xf32, #tpu.memory_space<vmem_shared>>
    tpu.wait_indirect_dma semaphore(%arg12 : memref<!tpu.dma_semaphore, #tpu.memory_space<semaphore_mem>>) src(%dma_wait3A_32 : memref<10112x16xf32, #tpu.memory_space<vmem_shared>>) dst(%dma_wait3A_27 : memref<1024x16xf32, #tpu.memory_space<vmem>>)
    %dma_start3A_33 = arith.constant 0 : i32
    %dma_start3A_34 = arith.constant 0 : i32
    %dma_start3A_35 = arith.constant 0 : i32
    %dma_start3A_36 = tpu.memref_slice %arg9[%dma_start3A_33, %dma_start3A_34, %dma_start3A_35] : memref<2x1024x16xf32, #tpu.memory_space<vmem>> -> memref<1x1024x16xf32, #tpu.memory_space<vmem>>
    %dma_start3A_37 = tpu.memref_squeeze %dma_start3A_36 : memref<1x1024x16xf32, #tpu.memory_space<vmem>> -> memref<1024x16xf32, #tpu.memory_space<vmem>>
    %dma_start3A_38 = arith.constant 0 : i32
    %dma_start3A_39 = tpu.memref_slice %arg8[%dma_start3A_38] : memref<10240xi32, #tpu.memory_space<vmem>> -> memref<1024xi32, #tpu.memory_space<vmem>>
    %dma_start3A_40 = arith.constant 0 : i32
    %dma_start3A_41 = arith.constant 0 : i32
    %dma_start3A_42 = tpu.memref_slice %arg10[%dma_start3A_40, %dma_start3A_41] : memref<10112x16xf32, #tpu.memory_space<vmem_shared>> -> memref<10112x16xf32, #tpu.memory_space<vmem_shared>>
    tpu.enqueue_indirect_dma source(%dma_start3A_37 : memref<1024x16xf32, #tpu.memory_space<vmem>>) target(%dma_start3A_42 : memref<10112x16xf32, #tpu.memory_space<vmem_shared>>) offsets(%dma_start3A_39 : memref<1024xi32, #tpu.memory_space<vmem>>) semaphore(%arg14 : memref<!tpu.dma_semaphore, #tpu.memory_space<semaphore_mem>>) {add = true}
    %dma_wait3A_43 = arith.constant 0 : i32
    %dma_wait3A_44 = arith.constant 0 : i32
    %dma_wait3A_45 = arith.constant 0 : i32
    %dma_wait3A_46 = tpu.memref_slice %arg9[%dma_wait3A_43, %dma_wait3A_44, %dma_wait3A_45] : memref<2x1024x16xf32, #tpu.memory_space<vmem>> -> memref<1x1024x16xf32, #tpu.memory_space<vmem>>
    %dma_wait3A_47 = tpu.memref_squeeze %dma_wait3A_46 : memref<1x1024x16xf32, #tpu.memory_space<vmem>> -> memref<1024x16xf32, #tpu.memory_space<vmem>>
    %dma_wait3A_48 = arith.constant 0 : i32
    %dma_wait3A_49 = tpu.memref_slice %arg8[%dma_wait3A_48] : memref<10240xi32, #tpu.memory_space<vmem>> -> memref<1024xi32, #tpu.memory_space<vmem>>
    %dma_wait3A_50 = arith.constant 0 : i32
    %dma_wait3A_51 = arith.constant 0 : i32
    %dma_wait3A_52 = tpu.memref_slice %arg10[%dma_wait3A_50, %dma_wait3A_51] : memref<10112x16xf32, #tpu.memory_space<vmem_shared>> -> memref<10112x16xf32, #tpu.memory_space<vmem_shared>>
    tpu.wait_indirect_dma semaphore(%arg14 : memref<!tpu.dma_semaphore, #tpu.memory_space<semaphore_mem>>) src(%dma_wait3A_47 : memref<1024x16xf32, #tpu.memory_space<vmem>>) dst(%dma_wait3A_52 : memref<10112x16xf32, #tpu.memory_space<vmem_shared>>)
    %dma_start3A_53 = arith.constant 0 : i32
    %dma_start3A_54 = arith.constant 0 : i32
    %dma_start3A_55 = arith.constant 0 : i32
    %dma_start3A_56 = tpu.memref_slice %arg9[%dma_start3A_53, %dma_start3A_54, %dma_start3A_55] : memref<2x1024x16xf32, #tpu.memory_space<vmem>> -> memref<1x1024x16xf32, #tpu.memory_space<vmem>>
    %dma_start3A_57 = tpu.memref_squeeze %dma_start3A_56 : memref<1x1024x16xf32, #tpu.memory_space<vmem>> -> memref<1024x16xf32, #tpu.memory_space<vmem>>
    %dma_start3A_58 = arith.constant 2048 : i32
    %dma_start3A_59 = tpu.memref_slice %arg7[%dma_start3A_58] : memref<10240xi32, #tpu.memory_space<vmem>> -> memref<1024xi32, #tpu.memory_space<vmem>>
    %dma_start3A_60 = arith.constant 0 : i32
    %dma_start3A_61 = arith.constant 0 : i32
    %dma_start3A_62 = tpu.memref_slice %arg11[%dma_start3A_60, %dma_start3A_61] : memref<10112x16xf32, #tpu.memory_space<vmem_shared>> -> memref<10112x16xf32, #tpu.memory_space<vmem_shared>>
    tpu.enqueue_indirect_dma source(%dma_start3A_62 : memref<10112x16xf32, #tpu.memory_space<vmem_shared>>) target(%dma_start3A_57 : memref<1024x16xf32, #tpu.memory_space<vmem>>) offsets(%dma_start3A_59 : memref<1024xi32, #tpu.memory_space<vmem>>) semaphore(%arg12 : memref<!tpu.dma_semaphore, #tpu.memory_space<semaphore_mem>>)
    %dma_wait3A_63 = arith.constant 1 : i32
    %dma_wait3A_64 = arith.constant 0 : i32
    %dma_wait3A_65 = arith.constant 0 : i32
    %dma_wait3A_66 = tpu.memref_slice %arg9[%dma_wait3A_63, %dma_wait3A_64, %dma_wait3A_65] : memref<2x1024x16xf32, #tpu.memory_space<vmem>> -> memref<1x1024x16xf32, #tpu.memory_space<vmem>>
    %dma_wait3A_67 = tpu.memref_squeeze %dma_wait3A_66 : memref<1x1024x16xf32, #tpu.memory_space<vmem>> -> memref<1024x16xf32, #tpu.memory_space<vmem>>
    %dma_wait3A_68 = arith.constant 1024 : i32
    %dma_wait3A_69 = tpu.memref_slice %arg7[%dma_wait3A_68] : memref<10240xi32, #tpu.memory_space<vmem>> -> memref<1024xi32, #tpu.memory_space<vmem>>
    %dma_wait3A_70 = arith.constant 0 : i32
    %dma_wait3A_71 = arith.constant 0 : i32
    %dma_wait3A_72 = tpu.memref_slice %arg11[%dma_wait3A_70, %dma_wait3A_71] : memref<10112x16xf32, #tpu.memory_space<vmem_shared>> -> memref<10112x16xf32, #tpu.memory_space<vmem_shared>>
    tpu.wait_indirect_dma semaphore(%arg13 : memref<!tpu.dma_semaphore, #tpu.memory_space<semaphore_mem>>) src(%dma_wait3A_72 : memref<10112x16xf32, #tpu.memory_space<vmem_shared>>) dst(%dma_wait3A_67 : memref<1024x16xf32, #tpu.memory_space<vmem>>)
    %dma_start3A_73 = arith.constant 1 : i32
    %dma_start3A_74 = arith.constant 0 : i32
    %dma_start3A_75 = arith.constant 0 : i32
    %dma_start3A_76 = tpu.memref_slice %arg9[%dma_start3A_73, %dma_start3A_74, %dma_start3A_75] : memref<2x1024x16xf32, #tpu.memory_space<vmem>> -> memref<1x1024x16xf32, #tpu.memory_space<vmem>>
    %dma_start3A_77 = tpu.memref_squeeze %dma_start3A_76 : memref<1x1024x16xf32, #tpu.memory_space<vmem>> -> memref<1024x16xf32, #tpu.memory_space<vmem>>
    %dma_start3A_78 = arith.constant 1024 : i32
    %dma_start3A_79 = tpu.memref_slice %arg8[%dma_start3A_78] : memref<10240xi32, #tpu.memory_space<vmem>> -> memref<1024xi32, #tpu.memory_space<vmem>>
    %dma_start3A_80 = arith.constant 0 : i32
    %dma_start3A_81 = arith.constant 0 : i32
    %dma_start3A_82 = tpu.memref_slice %arg10[%dma_start3A_80, %dma_start3A_81] : memref<10112x16xf32, #tpu.memory_space<vmem_shared>> -> memref<10112x16xf32, #tpu.memory_space<vmem_shared>>
    tpu.enqueue_indirect_dma source(%dma_start3A_77 : memref<1024x16xf32, #tpu.memory_space<vmem>>) target(%dma_start3A_82 : memref<10112x16xf32, #tpu.memory_space<vmem_shared>>) offsets(%dma_start3A_79 : memref<1024xi32, #tpu.memory_space<vmem>>) semaphore(%arg15 : memref<!tpu.dma_semaphore, #tpu.memory_space<semaphore_mem>>) {add = true}
    %dma_wait3A_83 = arith.constant 1 : i32
    %dma_wait3A_84 = arith.constant 0 : i32
    %dma_wait3A_85 = arith.constant 0 : i32
    %dma_wait3A_86 = tpu.memref_slice %arg9[%dma_wait3A_83, %dma_wait3A_84, %dma_wait3A_85] : memref<2x1024x16xf32, #tpu.memory_space<vmem>> -> memref<1x1024x16xf32, #tpu.memory_space<vmem>>
    %dma_wait3A_87 = tpu.memref_squeeze %dma_wait3A_86 : memref<1x1024x16xf32, #tpu.memory_space<vmem>> -> memref<1024x16xf32, #tpu.memory_space<vmem>>
    %dma_wait3A_88 = arith.constant 1024 : i32
    %dma_wait3A_89 = tpu.memref_slice %arg8[%dma_wait3A_88] : memref<10240xi32, #tpu.memory_space<vmem>> -> memref<1024xi32, #tpu.memory_space<vmem>>
    %dma_wait3A_90 = arith.constant 0 : i32
    %dma_wait3A_91 = arith.constant 0 : i32
    %dma_wait3A_92 = tpu.memref_slice %arg10[%dma_wait3A_90, %dma_wait3A_91] : memref<10112x16xf32, #tpu.memory_space<vmem_shared>> -> memref<10112x16xf32, #tpu.memory_space<vmem_shared>>
    tpu.wait_indirect_dma semaphore(%arg15 : memref<!tpu.dma_semaphore, #tpu.memory_space<semaphore_mem>>) src(%dma_wait3A_87 : memref<1024x16xf32, #tpu.memory_space<vmem>>) dst(%dma_wait3A_92 : memref<10112x16xf32, #tpu.memory_space<vmem_shared>>)
    %dma_start3A_93 = arith.constant 1 : i32
    %dma_start3A_94 = arith.constant 0 : i32
    %dma_start3A_95 = arith.constant 0 : i32
    %dma_start3A_96 = tpu.memref_slice %arg9[%dma_start3A_93, %dma_start3A_94, %dma_start3A_95] : memref<2x1024x16xf32, #tpu.memory_space<vmem>> -> memref<1x1024x16xf32, #tpu.memory_space<vmem>>
    %dma_start3A_97 = tpu.memref_squeeze %dma_start3A_96 : memref<1x1024x16xf32, #tpu.memory_space<vmem>> -> memref<1024x16xf32, #tpu.memory_space<vmem>>
    %dma_start3A_98 = arith.constant 3072 : i32
    %dma_start3A_99 = tpu.memref_slice %arg7[%dma_start3A_98] : memref<10240xi32, #tpu.memory_space<vmem>> -> memref<1024xi32, #tpu.memory_space<vmem>>
    %dma_start3A_100 = arith.constant 0 : i32
    %dma_start3A_101 = arith.constant 0 : i32
    %dma_start3A_102 = tpu.memref_slice %arg11[%dma_start3A_100, %dma_start3A_101] : memref<10112x16xf32, #tpu.memory_space<vmem_shared>> -> memref<10112x16xf32, #tpu.memory_space<vmem_shared>>
    tpu.enqueue_indirect_dma source(%dma_start3A_102 : memref<10112x16xf32, #tpu.memory_space<vmem_shared>>) target(%dma_start3A_97 : memref<1024x16xf32, #tpu.memory_space<vmem>>) offsets(%dma_start3A_99 : memref<1024xi32, #tpu.memory_space<vmem>>) semaphore(%arg13 : memref<!tpu.dma_semaphore, #tpu.memory_space<semaphore_mem>>)
    %dma_wait3A_103 = arith.constant 0 : i32
    %dma_wait3A_104 = arith.constant 0 : i32
    %dma_wait3A_105 = arith.constant 0 : i32
    %dma_wait3A_106 = tpu.memref_slice %arg9[%dma_wait3A_103, %dma_wait3A_104, %dma_wait3A_105] : memref<2x1024x16xf32, #tpu.memory_space<vmem>> -> memref<1x1024x16xf32, #tpu.memory_space<vmem>>
    %dma_wait3A_107 = tpu.memref_squeeze %dma_wait3A_106 : memref<1x1024x16xf32, #tpu.memory_space<vmem>> -> memref<1024x16xf32, #tpu.memory_space<vmem>>
    %dma_wait3A_108 = arith.constant 2048 : i32
    %dma_wait3A_109 = tpu.memref_slice %arg7[%dma_wait3A_108] : memref<10240xi32, #tpu.memory_space<vmem>> -> memref<1024xi32, #tpu.memory_space<vmem>>
    %dma_wait3A_110 = arith.constant 0 : i32
    %dma_wait3A_111 = arith.constant 0 : i32
    %dma_wait3A_112 = tpu.memref_slice %arg11[%dma_wait3A_110, %dma_wait3A_111] : memref<10112x16xf32, #tpu.memory_space<vmem_shared>> -> memref<10112x16xf32, #tpu.memory_space<vmem_shared>>
    tpu.wait_indirect_dma semaphore(%arg12 : memref<!tpu.dma_semaphore, #tpu.memory_space<semaphore_mem>>) src(%dma_wait3A_112 : memref<10112x16xf32, #tpu.memory_space<vmem_shared>>) dst(%dma_wait3A_107 : memref<1024x16xf32, #tpu.memory_space<vmem>>)
    %dma_start3A_113 = arith.constant 0 : i32
    %dma_start3A_114 = arith.constant 0 : i32
    %dma_start3A_115 = arith.constant 0 : i32
    %dma_start3A_116 = tpu.memref_slice %arg9[%dma_start3A_113, %dma_start3A_114, %dma_start3A_115] : memref<2x1024x16xf32, #tpu.memory_space<vmem>> -> memref<1x1024x16xf32, #tpu.memory_space<vmem>>
    %dma_start3A_117 = tpu.memref_squeeze %dma_start3A_116 : memref<1x1024x16xf32, #tpu.memory_space<vmem>> -> memref<1024x16xf32, #tpu.memory_space<vmem>>
    %dma_start3A_118 = arith.constant 2048 : i32
    %dma_start3A_119 = tpu.memref_slice %arg8[%dma_start3A_118] : memref<10240xi32, #tpu.memory_space<vmem>> -> memref<1024xi32, #tpu.memory_space<vmem>>
    %dma_start3A_120 = arith.constant 0 : i32
    %dma_start3A_121 = arith.constant 0 : i32
    %dma_start3A_122 = tpu.memref_slice %arg10[%dma_start3A_120, %dma_start3A_121] : memref<10112x16xf32, #tpu.memory_space<vmem_shared>> -> memref<10112x16xf32, #tpu.memory_space<vmem_shared>>
    tpu.enqueue_indirect_dma source(%dma_start3A_117 : memref<1024x16xf32, #tpu.memory_space<vmem>>) target(%dma_start3A_122 : memref<10112x16xf32, #tpu.memory_space<vmem_shared>>) offsets(%dma_start3A_119 : memref<1024xi32, #tpu.memory_space<vmem>>) semaphore(%arg14 : memref<!tpu.dma_semaphore, #tpu.memory_space<semaphore_mem>>) {add = true}
    %dma_wait3A_123 = arith.constant 0 : i32
    %dma_wait3A_124 = arith.constant 0 : i32
    %dma_wait3A_125 = arith.constant 0 : i32
    %dma_wait3A_126 = tpu.memref_slice %arg9[%dma_wait3A_123, %dma_wait3A_124, %dma_wait3A_125] : memref<2x1024x16xf32, #tpu.memory_space<vmem>> -> memref<1x1024x16xf32, #tpu.memory_space<vmem>>
    %dma_wait3A_127 = tpu.memref_squeeze %dma_wait3A_126 : memref<1x1024x16xf32, #tpu.memory_space<vmem>> -> memref<1024x16xf32, #tpu.memory_space<vmem>>
    %dma_wait3A_128 = arith.constant 2048 : i32
    %dma_wait3A_129 = tpu.memref_slice %arg8[%dma_wait3A_128] : memref<10240xi32, #tpu.memory_space<vmem>> -> memref<1024xi32, #tpu.memory_space<vmem>>
    %dma_wait3A_130 = arith.constant 0 : i32
    %dma_wait3A_131 = arith.constant 0 : i32
    %dma_wait3A_132 = tpu.memref_slice %arg10[%dma_wait3A_130, %dma_wait3A_131] : memref<10112x16xf32, #tpu.memory_space<vmem_shared>> -> memref<10112x16xf32, #tpu.memory_space<vmem_shared>>
    tpu.wait_indirect_dma semaphore(%arg14 : memref<!tpu.dma_semaphore, #tpu.memory_space<semaphore_mem>>) src(%dma_wait3A_127 : memref<1024x16xf32, #tpu.memory_space<vmem>>) dst(%dma_wait3A_132 : memref<10112x16xf32, #tpu.memory_space<vmem_shared>>)
    %dma_start3A_133 = arith.constant 0 : i32
    %dma_start3A_134 = arith.constant 0 : i32
    %dma_start3A_135 = arith.constant 0 : i32
    %dma_start3A_136 = tpu.memref_slice %arg9[%dma_start3A_133, %dma_start3A_134, %dma_start3A_135] : memref<2x1024x16xf32, #tpu.memory_space<vmem>> -> memref<1x1024x16xf32, #tpu.memory_space<vmem>>
    %dma_start3A_137 = tpu.memref_squeeze %dma_start3A_136 : memref<1x1024x16xf32, #tpu.memory_space<vmem>> -> memref<1024x16xf32, #tpu.memory_space<vmem>>
    %dma_start3A_138 = arith.constant 4096 : i32
    %dma_start3A_139 = tpu.memref_slice %arg7[%dma_start3A_138] : memref<10240xi32, #tpu.memory_space<vmem>> -> memref<1024xi32, #tpu.memory_space<vmem>>
    %dma_start3A_140 = arith.constant 0 : i32
    %dma_start3A_141 = arith.constant 0 : i32
    %dma_start3A_142 = tpu.memref_slice %arg11[%dma_start3A_140, %dma_start3A_141] : memref<10112x16xf32, #tpu.memory_space<vmem_shared>> -> memref<10112x16xf32, #tpu.memory_space<vmem_shared>>
    tpu.enqueue_indirect_dma source(%dma_start3A_142 : memref<10112x16xf32, #tpu.memory_space<vmem_shared>>) target(%dma_start3A_137 : memref<1024x16xf32, #tpu.memory_space<vmem>>) offsets(%dma_start3A_139 : memref<1024xi32, #tpu.memory_space<vmem>>) semaphore(%arg12 : memref<!tpu.dma_semaphore, #tpu.memory_space<semaphore_mem>>)
    %dma_wait3A_143 = arith.constant 1 : i32
    %dma_wait3A_144 = arith.constant 0 : i32
    %dma_wait3A_145 = arith.constant 0 : i32
    %dma_wait3A_146 = tpu.memref_slice %arg9[%dma_wait3A_143, %dma_wait3A_144, %dma_wait3A_145] : memref<2x1024x16xf32, #tpu.memory_space<vmem>> -> memref<1x1024x16xf32, #tpu.memory_space<vmem>>
    %dma_wait3A_147 = tpu.memref_squeeze %dma_wait3A_146 : memref<1x1024x16xf32, #tpu.memory_space<vmem>> -> memref<1024x16xf32, #tpu.memory_space<vmem>>
    %dma_wait3A_148 = arith.constant 3072 : i32
    %dma_wait3A_149 = tpu.memref_slice %arg7[%dma_wait3A_148] : memref<10240xi32, #tpu.memory_space<vmem>> -> memref<1024xi32, #tpu.memory_space<vmem>>
    %dma_wait3A_150 = arith.constant 0 : i32
    %dma_wait3A_151 = arith.constant 0 : i32
    %dma_wait3A_152 = tpu.memref_slice %arg11[%dma_wait3A_150, %dma_wait3A_151] : memref<10112x16xf32, #tpu.memory_space<vmem_shared>> -> memref<10112x16xf32, #tpu.memory_space<vmem_shared>>
    tpu.wait_indirect_dma semaphore(%arg13 : memref<!tpu.dma_semaphore, #tpu.memory_space<semaphore_mem>>) src(%dma_wait3A_152 : memref<10112x16xf32, #tpu.memory_space<vmem_shared>>) dst(%dma_wait3A_147 : memref<1024x16xf32, #tpu.memory_space<vmem>>)
    %dma_start3A_153 = arith.constant 1 : i32
    %dma_start3A_154 = arith.constant 0 : i32
    %dma_start3A_155 = arith.constant 0 : i32
    %dma_start3A_156 = tpu.memref_slice %arg9[%dma_start3A_153, %dma_start3A_154, %dma_start3A_155] : memref<2x1024x16xf32, #tpu.memory_space<vmem>> -> memref<1x1024x16xf32, #tpu.memory_space<vmem>>
    %dma_start3A_157 = tpu.memref_squeeze %dma_start3A_156 : memref<1x1024x16xf32, #tpu.memory_space<vmem>> -> memref<1024x16xf32, #tpu.memory_space<vmem>>
    %dma_start3A_158 = arith.constant 3072 : i32
    %dma_start3A_159 = tpu.memref_slice %arg8[%dma_start3A_158] : memref<10240xi32, #tpu.memory_space<vmem>> -> memref<1024xi32, #tpu.memory_space<vmem>>
    %dma_start3A_160 = arith.constant 0 : i32
    %dma_start3A_161 = arith.constant 0 : i32
    %dma_start3A_162 = tpu.memref_slice %arg10[%dma_start3A_160, %dma_start3A_161] : memref<10112x16xf32, #tpu.memory_space<vmem_shared>> -> memref<10112x16xf32, #tpu.memory_space<vmem_shared>>
    tpu.enqueue_indirect_dma source(%dma_start3A_157 : memref<1024x16xf32, #tpu.memory_space<vmem>>) target(%dma_start3A_162 : memref<10112x16xf32, #tpu.memory_space<vmem_shared>>) offsets(%dma_start3A_159 : memref<1024xi32, #tpu.memory_space<vmem>>) semaphore(%arg15 : memref<!tpu.dma_semaphore, #tpu.memory_space<semaphore_mem>>) {add = true}
    %dma_wait3A_163 = arith.constant 1 : i32
    %dma_wait3A_164 = arith.constant 0 : i32
    %dma_wait3A_165 = arith.constant 0 : i32
    %dma_wait3A_166 = tpu.memref_slice %arg9[%dma_wait3A_163, %dma_wait3A_164, %dma_wait3A_165] : memref<2x1024x16xf32, #tpu.memory_space<vmem>> -> memref<1x1024x16xf32, #tpu.memory_space<vmem>>
    %dma_wait3A_167 = tpu.memref_squeeze %dma_wait3A_166 : memref<1x1024x16xf32, #tpu.memory_space<vmem>> -> memref<1024x16xf32, #tpu.memory_space<vmem>>
    %dma_wait3A_168 = arith.constant 3072 : i32
    %dma_wait3A_169 = tpu.memref_slice %arg8[%dma_wait3A_168] : memref<10240xi32, #tpu.memory_space<vmem>> -> memref<1024xi32, #tpu.memory_space<vmem>>
    %dma_wait3A_170 = arith.constant 0 : i32
    %dma_wait3A_171 = arith.constant 0 : i32
    %dma_wait3A_172 = tpu.memref_slice %arg10[%dma_wait3A_170, %dma_wait3A_171] : memref<10112x16xf32, #tpu.memory_space<vmem_shared>> -> memref<10112x16xf32, #tpu.memory_space<vmem_shared>>
    tpu.wait_indirect_dma semaphore(%arg15 : memref<!tpu.dma_semaphore, #tpu.memory_space<semaphore_mem>>) src(%dma_wait3A_167 : memref<1024x16xf32, #tpu.memory_space<vmem>>) dst(%dma_wait3A_172 : memref<10112x16xf32, #tpu.memory_space<vmem_shared>>)
    %dma_start3A_173 = arith.constant 1 : i32
    %dma_start3A_174 = arith.constant 0 : i32
    %dma_start3A_175 = arith.constant 0 : i32
    %dma_start3A_176 = tpu.memref_slice %arg9[%dma_start3A_173, %dma_start3A_174, %dma_start3A_175] : memref<2x1024x16xf32, #tpu.memory_space<vmem>> -> memref<1x1024x16xf32, #tpu.memory_space<vmem>>
    %dma_start3A_177 = tpu.memref_squeeze %dma_start3A_176 : memref<1x1024x16xf32, #tpu.memory_space<vmem>> -> memref<1024x16xf32, #tpu.memory_space<vmem>>
    %dma_start3A_178 = arith.constant 5120 : i32
    %dma_start3A_179 = tpu.memref_slice %arg7[%dma_start3A_178] : memref<10240xi32, #tpu.memory_space<vmem>> -> memref<1024xi32, #tpu.memory_space<vmem>>
    %dma_start3A_180 = arith.constant 0 : i32
    %dma_start3A_181 = arith.constant 0 : i32
    %dma_start3A_182 = tpu.memref_slice %arg11[%dma_start3A_180, %dma_start3A_181] : memref<10112x16xf32, #tpu.memory_space<vmem_shared>> -> memref<10112x16xf32, #tpu.memory_space<vmem_shared>>
    tpu.enqueue_indirect_dma source(%dma_start3A_182 : memref<10112x16xf32, #tpu.memory_space<vmem_shared>>) target(%dma_start3A_177 : memref<1024x16xf32, #tpu.memory_space<vmem>>) offsets(%dma_start3A_179 : memref<1024xi32, #tpu.memory_space<vmem>>) semaphore(%arg13 : memref<!tpu.dma_semaphore, #tpu.memory_space<semaphore_mem>>)
    %dma_wait3A_183 = arith.constant 0 : i32
    %dma_wait3A_184 = arith.constant 0 : i32
    %dma_wait3A_185 = arith.constant 0 : i32
    %dma_wait3A_186 = tpu.memref_slice %arg9[%dma_wait3A_183, %dma_wait3A_184, %dma_wait3A_185] : memref<2x1024x16xf32, #tpu.memory_space<vmem>> -> memref<1x1024x16xf32, #tpu.memory_space<vmem>>
    %dma_wait3A_187 = tpu.memref_squeeze %dma_wait3A_186 : memref<1x1024x16xf32, #tpu.memory_space<vmem>> -> memref<1024x16xf32, #tpu.memory_space<vmem>>
    %dma_wait3A_188 = arith.constant 4096 : i32
    %dma_wait3A_189 = tpu.memref_slice %arg7[%dma_wait3A_188] : memref<10240xi32, #tpu.memory_space<vmem>> -> memref<1024xi32, #tpu.memory_space<vmem>>
    %dma_wait3A_190 = arith.constant 0 : i32
    %dma_wait3A_191 = arith.constant 0 : i32
    %dma_wait3A_192 = tpu.memref_slice %arg11[%dma_wait3A_190, %dma_wait3A_191] : memref<10112x16xf32, #tpu.memory_space<vmem_shared>> -> memref<10112x16xf32, #tpu.memory_space<vmem_shared>>
    tpu.wait_indirect_dma semaphore(%arg12 : memref<!tpu.dma_semaphore, #tpu.memory_space<semaphore_mem>>) src(%dma_wait3A_192 : memref<10112x16xf32, #tpu.memory_space<vmem_shared>>) dst(%dma_wait3A_187 : memref<1024x16xf32, #tpu.memory_space<vmem>>)
    %dma_start3A_193 = arith.constant 0 : i32
    %dma_start3A_194 = arith.constant 0 : i32
    %dma_start3A_195 = arith.constant 0 : i32
    %dma_start3A_196 = tpu.memref_slice %arg9[%dma_start3A_193, %dma_start3A_194, %dma_start3A_195] : memref<2x1024x16xf32, #tpu.memory_space<vmem>> -> memref<1x1024x16xf32, #tpu.memory_space<vmem>>
    %dma_start3A_197 = tpu.memref_squeeze %dma_start3A_196 : memref<1x1024x16xf32, #tpu.memory_space<vmem>> -> memref<1024x16xf32, #tpu.memory_space<vmem>>
    %dma_start3A_198 = arith.constant 4096 : i32
    %dma_start3A_199 = tpu.memref_slice %arg8[%dma_start3A_198] : memref<10240xi32, #tpu.memory_space<vmem>> -> memref<1024xi32, #tpu.memory_space<vmem>>
    %dma_start3A_200 = arith.constant 0 : i32
    %dma_start3A_201 = arith.constant 0 : i32
    %dma_start3A_202 = tpu.memref_slice %arg10[%dma_start3A_200, %dma_start3A_201] : memref<10112x16xf32, #tpu.memory_space<vmem_shared>> -> memref<10112x16xf32, #tpu.memory_space<vmem_shared>>
    tpu.enqueue_indirect_dma source(%dma_start3A_197 : memref<1024x16xf32, #tpu.memory_space<vmem>>) target(%dma_start3A_202 : memref<10112x16xf32, #tpu.memory_space<vmem_shared>>) offsets(%dma_start3A_199 : memref<1024xi32, #tpu.memory_space<vmem>>) semaphore(%arg14 : memref<!tpu.dma_semaphore, #tpu.memory_space<semaphore_mem>>) {add = true}
    %dma_wait3A_203 = arith.constant 0 : i32
    %dma_wait3A_204 = arith.constant 0 : i32
    %dma_wait3A_205 = arith.constant 0 : i32
    %dma_wait3A_206 = tpu.memref_slice %arg9[%dma_wait3A_203, %dma_wait3A_204, %dma_wait3A_205] : memref<2x1024x16xf32, #tpu.memory_space<vmem>> -> memref<1x1024x16xf32, #tpu.memory_space<vmem>>
    %dma_wait3A_207 = tpu.memref_squeeze %dma_wait3A_206 : memref<1x1024x16xf32, #tpu.memory_space<vmem>> -> memref<1024x16xf32, #tpu.memory_space<vmem>>
    %dma_wait3A_208 = arith.constant 4096 : i32
    %dma_wait3A_209 = tpu.memref_slice %arg8[%dma_wait3A_208] : memref<10240xi32, #tpu.memory_space<vmem>> -> memref<1024xi32, #tpu.memory_space<vmem>>
    %dma_wait3A_210 = arith.constant 0 : i32
    %dma_wait3A_211 = arith.constant 0 : i32
    %dma_wait3A_212 = tpu.memref_slice %arg10[%dma_wait3A_210, %dma_wait3A_211] : memref<10112x16xf32, #tpu.memory_space<vmem_shared>> -> memref<10112x16xf32, #tpu.memory_space<vmem_shared>>
    tpu.wait_indirect_dma semaphore(%arg14 : memref<!tpu.dma_semaphore, #tpu.memory_space<semaphore_mem>>) src(%dma_wait3A_207 : memref<1024x16xf32, #tpu.memory_space<vmem>>) dst(%dma_wait3A_212 : memref<10112x16xf32, #tpu.memory_space<vmem_shared>>)
    %dma_start3A_213 = arith.constant 0 : i32
    %dma_start3A_214 = arith.constant 0 : i32
    %dma_start3A_215 = arith.constant 0 : i32
    %dma_start3A_216 = tpu.memref_slice %arg9[%dma_start3A_213, %dma_start3A_214, %dma_start3A_215] : memref<2x1024x16xf32, #tpu.memory_space<vmem>> -> memref<1x1024x16xf32, #tpu.memory_space<vmem>>
    %dma_start3A_217 = tpu.memref_squeeze %dma_start3A_216 : memref<1x1024x16xf32, #tpu.memory_space<vmem>> -> memref<1024x16xf32, #tpu.memory_space<vmem>>
    %dma_start3A_218 = arith.constant 6144 : i32
    %dma_start3A_219 = tpu.memref_slice %arg7[%dma_start3A_218] : memref<10240xi32, #tpu.memory_space<vmem>> -> memref<1024xi32, #tpu.memory_space<vmem>>
    %dma_start3A_220 = arith.constant 0 : i32
    %dma_start3A_221 = arith.constant 0 : i32
    %dma_start3A_222 = tpu.memref_slice %arg11[%dma_start3A_220, %dma_start3A_221] : memref<10112x16xf32, #tpu.memory_space<vmem_shared>> -> memref<10112x16xf32, #tpu.memory_space<vmem_shared>>
    tpu.enqueue_indirect_dma source(%dma_start3A_222 : memref<10112x16xf32, #tpu.memory_space<vmem_shared>>) target(%dma_start3A_217 : memref<1024x16xf32, #tpu.memory_space<vmem>>) offsets(%dma_start3A_219 : memref<1024xi32, #tpu.memory_space<vmem>>) semaphore(%arg12 : memref<!tpu.dma_semaphore, #tpu.memory_space<semaphore_mem>>)
    %dma_wait3A_223 = arith.constant 1 : i32
    %dma_wait3A_224 = arith.constant 0 : i32
    %dma_wait3A_225 = arith.constant 0 : i32
    %dma_wait3A_226 = tpu.memref_slice %arg9[%dma_wait3A_223, %dma_wait3A_224, %dma_wait3A_225] : memref<2x1024x16xf32, #tpu.memory_space<vmem>> -> memref<1x1024x16xf32, #tpu.memory_space<vmem>>
    %dma_wait3A_227 = tpu.memref_squeeze %dma_wait3A_226 : memref<1x1024x16xf32, #tpu.memory_space<vmem>> -> memref<1024x16xf32, #tpu.memory_space<vmem>>
    %dma_wait3A_228 = arith.constant 5120 : i32
    %dma_wait3A_229 = tpu.memref_slice %arg7[%dma_wait3A_228] : memref<10240xi32, #tpu.memory_space<vmem>> -> memref<1024xi32, #tpu.memory_space<vmem>>
    %dma_wait3A_230 = arith.constant 0 : i32
    %dma_wait3A_231 = arith.constant 0 : i32
    %dma_wait3A_232 = tpu.memref_slice %arg11[%dma_wait3A_230, %dma_wait3A_231] : memref<10112x16xf32, #tpu.memory_space<vmem_shared>> -> memref<10112x16xf32, #tpu.memory_space<vmem_shared>>
    tpu.wait_indirect_dma semaphore(%arg13 : memref<!tpu.dma_semaphore, #tpu.memory_space<semaphore_mem>>) src(%dma_wait3A_232 : memref<10112x16xf32, #tpu.memory_space<vmem_shared>>) dst(%dma_wait3A_227 : memref<1024x16xf32, #tpu.memory_space<vmem>>)
    %dma_start3A_233 = arith.constant 1 : i32
    %dma_start3A_234 = arith.constant 0 : i32
    %dma_start3A_235 = arith.constant 0 : i32
    %dma_start3A_236 = tpu.memref_slice %arg9[%dma_start3A_233, %dma_start3A_234, %dma_start3A_235] : memref<2x1024x16xf32, #tpu.memory_space<vmem>> -> memref<1x1024x16xf32, #tpu.memory_space<vmem>>
    %dma_start3A_237 = tpu.memref_squeeze %dma_start3A_236 : memref<1x1024x16xf32, #tpu.memory_space<vmem>> -> memref<1024x16xf32, #tpu.memory_space<vmem>>
    %dma_start3A_238 = arith.constant 5120 : i32
    %dma_start3A_239 = tpu.memref_slice %arg8[%dma_start3A_238] : memref<10240xi32, #tpu.memory_space<vmem>> -> memref<1024xi32, #tpu.memory_space<vmem>>
    %dma_start3A_240 = arith.constant 0 : i32
    %dma_start3A_241 = arith.constant 0 : i32
    %dma_start3A_242 = tpu.memref_slice %arg10[%dma_start3A_240, %dma_start3A_241] : memref<10112x16xf32, #tpu.memory_space<vmem_shared>> -> memref<10112x16xf32, #tpu.memory_space<vmem_shared>>
    tpu.enqueue_indirect_dma source(%dma_start3A_237 : memref<1024x16xf32, #tpu.memory_space<vmem>>) target(%dma_start3A_242 : memref<10112x16xf32, #tpu.memory_space<vmem_shared>>) offsets(%dma_start3A_239 : memref<1024xi32, #tpu.memory_space<vmem>>) semaphore(%arg15 : memref<!tpu.dma_semaphore, #tpu.memory_space<semaphore_mem>>) {add = true}
    %dma_wait3A_243 = arith.constant 1 : i32
    %dma_wait3A_244 = arith.constant 0 : i32
    %dma_wait3A_245 = arith.constant 0 : i32
    %dma_wait3A_246 = tpu.memref_slice %arg9[%dma_wait3A_243, %dma_wait3A_244, %dma_wait3A_245] : memref<2x1024x16xf32, #tpu.memory_space<vmem>> -> memref<1x1024x16xf32, #tpu.memory_space<vmem>>
    %dma_wait3A_247 = tpu.memref_squeeze %dma_wait3A_246 : memref<1x1024x16xf32, #tpu.memory_space<vmem>> -> memref<1024x16xf32, #tpu.memory_space<vmem>>
    %dma_wait3A_248 = arith.constant 5120 : i32
    %dma_wait3A_249 = tpu.memref_slice %arg8[%dma_wait3A_248] : memref<10240xi32, #tpu.memory_space<vmem>> -> memref<1024xi32, #tpu.memory_space<vmem>>
    %dma_wait3A_250 = arith.constant 0 : i32
    %dma_wait3A_251 = arith.constant 0 : i32
    %dma_wait3A_252 = tpu.memref_slice %arg10[%dma_wait3A_250, %dma_wait3A_251] : memref<10112x16xf32, #tpu.memory_space<vmem_shared>> -> memref<10112x16xf32, #tpu.memory_space<vmem_shared>>
    tpu.wait_indirect_dma semaphore(%arg15 : memref<!tpu.dma_semaphore, #tpu.memory_space<semaphore_mem>>) src(%dma_wait3A_247 : memref<1024x16xf32, #tpu.memory_space<vmem>>) dst(%dma_wait3A_252 : memref<10112x16xf32, #tpu.memory_space<vmem_shared>>)
    %dma_start3A_253 = arith.constant 1 : i32
    %dma_start3A_254 = arith.constant 0 : i32
    %dma_start3A_255 = arith.constant 0 : i32
    %dma_start3A_256 = tpu.memref_slice %arg9[%dma_start3A_253, %dma_start3A_254, %dma_start3A_255] : memref<2x1024x16xf32, #tpu.memory_space<vmem>> -> memref<1x1024x16xf32, #tpu.memory_space<vmem>>
    %dma_start3A_257 = tpu.memref_squeeze %dma_start3A_256 : memref<1x1024x16xf32, #tpu.memory_space<vmem>> -> memref<1024x16xf32, #tpu.memory_space<vmem>>
    %dma_start3A_258 = arith.constant 7168 : i32
    %dma_start3A_259 = tpu.memref_slice %arg7[%dma_start3A_258] : memref<10240xi32, #tpu.memory_space<vmem>> -> memref<1024xi32, #tpu.memory_space<vmem>>
    %dma_start3A_260 = arith.constant 0 : i32
    %dma_start3A_261 = arith.constant 0 : i32
    %dma_start3A_262 = tpu.memref_slice %arg11[%dma_start3A_260, %dma_start3A_261] : memref<10112x16xf32, #tpu.memory_space<vmem_shared>> -> memref<10112x16xf32, #tpu.memory_space<vmem_shared>>
    tpu.enqueue_indirect_dma source(%dma_start3A_262 : memref<10112x16xf32, #tpu.memory_space<vmem_shared>>) target(%dma_start3A_257 : memref<1024x16xf32, #tpu.memory_space<vmem>>) offsets(%dma_start3A_259 : memref<1024xi32, #tpu.memory_space<vmem>>) semaphore(%arg13 : memref<!tpu.dma_semaphore, #tpu.memory_space<semaphore_mem>>)
    %dma_wait3A_263 = arith.constant 0 : i32
    %dma_wait3A_264 = arith.constant 0 : i32
    %dma_wait3A_265 = arith.constant 0 : i32
    %dma_wait3A_266 = tpu.memref_slice %arg9[%dma_wait3A_263, %dma_wait3A_264, %dma_wait3A_265] : memref<2x1024x16xf32, #tpu.memory_space<vmem>> -> memref<1x1024x16xf32, #tpu.memory_space<vmem>>
    %dma_wait3A_267 = tpu.memref_squeeze %dma_wait3A_266 : memref<1x1024x16xf32, #tpu.memory_space<vmem>> -> memref<1024x16xf32, #tpu.memory_space<vmem>>
    %dma_wait3A_268 = arith.constant 6144 : i32
    %dma_wait3A_269 = tpu.memref_slice %arg7[%dma_wait3A_268] : memref<10240xi32, #tpu.memory_space<vmem>> -> memref<1024xi32, #tpu.memory_space<vmem>>
    %dma_wait3A_270 = arith.constant 0 : i32
    %dma_wait3A_271 = arith.constant 0 : i32
    %dma_wait3A_272 = tpu.memref_slice %arg11[%dma_wait3A_270, %dma_wait3A_271] : memref<10112x16xf32, #tpu.memory_space<vmem_shared>> -> memref<10112x16xf32, #tpu.memory_space<vmem_shared>>
    tpu.wait_indirect_dma semaphore(%arg12 : memref<!tpu.dma_semaphore, #tpu.memory_space<semaphore_mem>>) src(%dma_wait3A_272 : memref<10112x16xf32, #tpu.memory_space<vmem_shared>>) dst(%dma_wait3A_267 : memref<1024x16xf32, #tpu.memory_space<vmem>>)
    %dma_start3A_273 = arith.constant 0 : i32
    %dma_start3A_274 = arith.constant 0 : i32
    %dma_start3A_275 = arith.constant 0 : i32
    %dma_start3A_276 = tpu.memref_slice %arg9[%dma_start3A_273, %dma_start3A_274, %dma_start3A_275] : memref<2x1024x16xf32, #tpu.memory_space<vmem>> -> memref<1x1024x16xf32, #tpu.memory_space<vmem>>
    %dma_start3A_277 = tpu.memref_squeeze %dma_start3A_276 : memref<1x1024x16xf32, #tpu.memory_space<vmem>> -> memref<1024x16xf32, #tpu.memory_space<vmem>>
    %dma_start3A_278 = arith.constant 6144 : i32
    %dma_start3A_279 = tpu.memref_slice %arg8[%dma_start3A_278] : memref<10240xi32, #tpu.memory_space<vmem>> -> memref<1024xi32, #tpu.memory_space<vmem>>
    %dma_start3A_280 = arith.constant 0 : i32
    %dma_start3A_281 = arith.constant 0 : i32
    %dma_start3A_282 = tpu.memref_slice %arg10[%dma_start3A_280, %dma_start3A_281] : memref<10112x16xf32, #tpu.memory_space<vmem_shared>> -> memref<10112x16xf32, #tpu.memory_space<vmem_shared>>
    tpu.enqueue_indirect_dma source(%dma_start3A_277 : memref<1024x16xf32, #tpu.memory_space<vmem>>) target(%dma_start3A_282 : memref<10112x16xf32, #tpu.memory_space<vmem_shared>>) offsets(%dma_start3A_279 : memref<1024xi32, #tpu.memory_space<vmem>>) semaphore(%arg14 : memref<!tpu.dma_semaphore, #tpu.memory_space<semaphore_mem>>) {add = true}
    %dma_wait3A_283 = arith.constant 0 : i32
    %dma_wait3A_284 = arith.constant 0 : i32
    %dma_wait3A_285 = arith.constant 0 : i32
    %dma_wait3A_286 = tpu.memref_slice %arg9[%dma_wait3A_283, %dma_wait3A_284, %dma_wait3A_285] : memref<2x1024x16xf32, #tpu.memory_space<vmem>> -> memref<1x1024x16xf32, #tpu.memory_space<vmem>>
    %dma_wait3A_287 = tpu.memref_squeeze %dma_wait3A_286 : memref<1x1024x16xf32, #tpu.memory_space<vmem>> -> memref<1024x16xf32, #tpu.memory_space<vmem>>
    %dma_wait3A_288 = arith.constant 6144 : i32
    %dma_wait3A_289 = tpu.memref_slice %arg8[%dma_wait3A_288] : memref<10240xi32, #tpu.memory_space<vmem>> -> memref<1024xi32, #tpu.memory_space<vmem>>
    %dma_wait3A_290 = arith.constant 0 : i32
    %dma_wait3A_291 = arith.constant 0 : i32
    %dma_wait3A_292 = tpu.memref_slice %arg10[%dma_wait3A_290, %dma_wait3A_291] : memref<10112x16xf32, #tpu.memory_space<vmem_shared>> -> memref<10112x16xf32, #tpu.memory_space<vmem_shared>>
    tpu.wait_indirect_dma semaphore(%arg14 : memref<!tpu.dma_semaphore, #tpu.memory_space<semaphore_mem>>) src(%dma_wait3A_287 : memref<1024x16xf32, #tpu.memory_space<vmem>>) dst(%dma_wait3A_292 : memref<10112x16xf32, #tpu.memory_space<vmem_shared>>)
    %dma_start3A_293 = arith.constant 0 : i32
    %dma_start3A_294 = arith.constant 0 : i32
    %dma_start3A_295 = arith.constant 0 : i32
    %dma_start3A_296 = tpu.memref_slice %arg9[%dma_start3A_293, %dma_start3A_294, %dma_start3A_295] : memref<2x1024x16xf32, #tpu.memory_space<vmem>> -> memref<1x1024x16xf32, #tpu.memory_space<vmem>>
    %dma_start3A_297 = tpu.memref_squeeze %dma_start3A_296 : memref<1x1024x16xf32, #tpu.memory_space<vmem>> -> memref<1024x16xf32, #tpu.memory_space<vmem>>
    %dma_start3A_298 = arith.constant 8192 : i32
    %dma_start3A_299 = tpu.memref_slice %arg7[%dma_start3A_298] : memref<10240xi32, #tpu.memory_space<vmem>> -> memref<1024xi32, #tpu.memory_space<vmem>>
    %dma_start3A_300 = arith.constant 0 : i32
    %dma_start3A_301 = arith.constant 0 : i32
    %dma_start3A_302 = tpu.memref_slice %arg11[%dma_start3A_300, %dma_start3A_301] : memref<10112x16xf32, #tpu.memory_space<vmem_shared>> -> memref<10112x16xf32, #tpu.memory_space<vmem_shared>>
    tpu.enqueue_indirect_dma source(%dma_start3A_302 : memref<10112x16xf32, #tpu.memory_space<vmem_shared>>) target(%dma_start3A_297 : memref<1024x16xf32, #tpu.memory_space<vmem>>) offsets(%dma_start3A_299 : memref<1024xi32, #tpu.memory_space<vmem>>) semaphore(%arg12 : memref<!tpu.dma_semaphore, #tpu.memory_space<semaphore_mem>>)
    %dma_wait3A_303 = arith.constant 1 : i32
    %dma_wait3A_304 = arith.constant 0 : i32
    %dma_wait3A_305 = arith.constant 0 : i32
    %dma_wait3A_306 = tpu.memref_slice %arg9[%dma_wait3A_303, %dma_wait3A_304, %dma_wait3A_305] : memref<2x1024x16xf32, #tpu.memory_space<vmem>> -> memref<1x1024x16xf32, #tpu.memory_space<vmem>>
    %dma_wait3A_307 = tpu.memref_squeeze %dma_wait3A_306 : memref<1x1024x16xf32, #tpu.memory_space<vmem>> -> memref<1024x16xf32, #tpu.memory_space<vmem>>
    %dma_wait3A_308 = arith.constant 7168 : i32
    %dma_wait3A_309 = tpu.memref_slice %arg7[%dma_wait3A_308] : memref<10240xi32, #tpu.memory_space<vmem>> -> memref<1024xi32, #tpu.memory_space<vmem>>
    %dma_wait3A_310 = arith.constant 0 : i32
    %dma_wait3A_311 = arith.constant 0 : i32
    %dma_wait3A_312 = tpu.memref_slice %arg11[%dma_wait3A_310, %dma_wait3A_311] : memref<10112x16xf32, #tpu.memory_space<vmem_shared>> -> memref<10112x16xf32, #tpu.memory_space<vmem_shared>>
    tpu.wait_indirect_dma semaphore(%arg13 : memref<!tpu.dma_semaphore, #tpu.memory_space<semaphore_mem>>) src(%dma_wait3A_312 : memref<10112x16xf32, #tpu.memory_space<vmem_shared>>) dst(%dma_wait3A_307 : memref<1024x16xf32, #tpu.memory_space<vmem>>)
    %dma_start3A_313 = arith.constant 1 : i32
    %dma_start3A_314 = arith.constant 0 : i32
    %dma_start3A_315 = arith.constant 0 : i32
    %dma_start3A_316 = tpu.memref_slice %arg9[%dma_start3A_313, %dma_start3A_314, %dma_start3A_315] : memref<2x1024x16xf32, #tpu.memory_space<vmem>> -> memref<1x1024x16xf32, #tpu.memory_space<vmem>>
    %dma_start3A_317 = tpu.memref_squeeze %dma_start3A_316 : memref<1x1024x16xf32, #tpu.memory_space<vmem>> -> memref<1024x16xf32, #tpu.memory_space<vmem>>
    %dma_start3A_318 = arith.constant 7168 : i32
    %dma_start3A_319 = tpu.memref_slice %arg8[%dma_start3A_318] : memref<10240xi32, #tpu.memory_space<vmem>> -> memref<1024xi32, #tpu.memory_space<vmem>>
    %dma_start3A_320 = arith.constant 0 : i32
    %dma_start3A_321 = arith.constant 0 : i32
    %dma_start3A_322 = tpu.memref_slice %arg10[%dma_start3A_320, %dma_start3A_321] : memref<10112x16xf32, #tpu.memory_space<vmem_shared>> -> memref<10112x16xf32, #tpu.memory_space<vmem_shared>>
    tpu.enqueue_indirect_dma source(%dma_start3A_317 : memref<1024x16xf32, #tpu.memory_space<vmem>>) target(%dma_start3A_322 : memref<10112x16xf32, #tpu.memory_space<vmem_shared>>) offsets(%dma_start3A_319 : memref<1024xi32, #tpu.memory_space<vmem>>) semaphore(%arg15 : memref<!tpu.dma_semaphore, #tpu.memory_space<semaphore_mem>>) {add = true}
    %dma_wait3A_323 = arith.constant 1 : i32
    %dma_wait3A_324 = arith.constant 0 : i32
    %dma_wait3A_325 = arith.constant 0 : i32
    %dma_wait3A_326 = tpu.memref_slice %arg9[%dma_wait3A_323, %dma_wait3A_324, %dma_wait3A_325] : memref<2x1024x16xf32, #tpu.memory_space<vmem>> -> memref<1x1024x16xf32, #tpu.memory_space<vmem>>
    %dma_wait3A_327 = tpu.memref_squeeze %dma_wait3A_326 : memref<1x1024x16xf32, #tpu.memory_space<vmem>> -> memref<1024x16xf32, #tpu.memory_space<vmem>>
    %dma_wait3A_328 = arith.constant 7168 : i32
    %dma_wait3A_329 = tpu.memref_slice %arg8[%dma_wait3A_328] : memref<10240xi32, #tpu.memory_space<vmem>> -> memref<1024xi32, #tpu.memory_space<vmem>>
    %dma_wait3A_330 = arith.constant 0 : i32
    %dma_wait3A_331 = arith.constant 0 : i32
    %dma_wait3A_332 = tpu.memref_slice %arg10[%dma_wait3A_330, %dma_wait3A_331] : memref<10112x16xf32, #tpu.memory_space<vmem_shared>> -> memref<10112x16xf32, #tpu.memory_space<vmem_shared>>
    tpu.wait_indirect_dma semaphore(%arg15 : memref<!tpu.dma_semaphore, #tpu.memory_space<semaphore_mem>>) src(%dma_wait3A_327 : memref<1024x16xf32, #tpu.memory_space<vmem>>) dst(%dma_wait3A_332 : memref<10112x16xf32, #tpu.memory_space<vmem_shared>>)
    %dma_start3A_333 = arith.constant 1 : i32
    %dma_start3A_334 = arith.constant 0 : i32
    %dma_start3A_335 = arith.constant 0 : i32
    %dma_start3A_336 = tpu.memref_slice %arg9[%dma_start3A_333, %dma_start3A_334, %dma_start3A_335] : memref<2x1024x16xf32, #tpu.memory_space<vmem>> -> memref<1x1024x16xf32, #tpu.memory_space<vmem>>
    %dma_start3A_337 = tpu.memref_squeeze %dma_start3A_336 : memref<1x1024x16xf32, #tpu.memory_space<vmem>> -> memref<1024x16xf32, #tpu.memory_space<vmem>>
    %dma_start3A_338 = arith.constant 9216 : i32
    %dma_start3A_339 = tpu.memref_slice %arg7[%dma_start3A_338] : memref<10240xi32, #tpu.memory_space<vmem>> -> memref<1024xi32, #tpu.memory_space<vmem>>
    %dma_start3A_340 = arith.constant 0 : i32
    %dma_start3A_341 = arith.constant 0 : i32
    %dma_start3A_342 = tpu.memref_slice %arg11[%dma_start3A_340, %dma_start3A_341] : memref<10112x16xf32, #tpu.memory_space<vmem_shared>> -> memref<10112x16xf32, #tpu.memory_space<vmem_shared>>
    tpu.enqueue_indirect_dma source(%dma_start3A_342 : memref<10112x16xf32, #tpu.memory_space<vmem_shared>>) target(%dma_start3A_337 : memref<1024x16xf32, #tpu.memory_space<vmem>>) offsets(%dma_start3A_339 : memref<1024xi32, #tpu.memory_space<vmem>>) semaphore(%arg13 : memref<!tpu.dma_semaphore, #tpu.memory_space<semaphore_mem>>)
    %dma_wait3A_343 = arith.constant 0 : i32
    %dma_wait3A_344 = arith.constant 0 : i32
    %dma_wait3A_345 = arith.constant 0 : i32
    %dma_wait3A_346 = tpu.memref_slice %arg9[%dma_wait3A_343, %dma_wait3A_344, %dma_wait3A_345] : memref<2x1024x16xf32, #tpu.memory_space<vmem>> -> memref<1x1024x16xf32, #tpu.memory_space<vmem>>
    %dma_wait3A_347 = tpu.memref_squeeze %dma_wait3A_346 : memref<1x1024x16xf32, #tpu.memory_space<vmem>> -> memref<1024x16xf32, #tpu.memory_space<vmem>>
    %dma_wait3A_348 = arith.constant 8192 : i32
    %dma_wait3A_349 = tpu.memref_slice %arg7[%dma_wait3A_348] : memref<10240xi32, #tpu.memory_space<vmem>> -> memref<1024xi32, #tpu.memory_space<vmem>>
    %dma_wait3A_350 = arith.constant 0 : i32
    %dma_wait3A_351 = arith.constant 0 : i32
    %dma_wait3A_352 = tpu.memref_slice %arg11[%dma_wait3A_350, %dma_wait3A_351] : memref<10112x16xf32, #tpu.memory_space<vmem_shared>> -> memref<10112x16xf32, #tpu.memory_space<vmem_shared>>
    tpu.wait_indirect_dma semaphore(%arg12 : memref<!tpu.dma_semaphore, #tpu.memory_space<semaphore_mem>>) src(%dma_wait3A_352 : memref<10112x16xf32, #tpu.memory_space<vmem_shared>>) dst(%dma_wait3A_347 : memref<1024x16xf32, #tpu.memory_space<vmem>>)
    %dma_start3A_353 = arith.constant 0 : i32
    %dma_start3A_354 = arith.constant 0 : i32
    %dma_start3A_355 = arith.constant 0 : i32
    %dma_start3A_356 = tpu.memref_slice %arg9[%dma_start3A_353, %dma_start3A_354, %dma_start3A_355] : memref<2x1024x16xf32, #tpu.memory_space<vmem>> -> memref<1x1024x16xf32, #tpu.memory_space<vmem>>
    %dma_start3A_357 = tpu.memref_squeeze %dma_start3A_356 : memref<1x1024x16xf32, #tpu.memory_space<vmem>> -> memref<1024x16xf32, #tpu.memory_space<vmem>>
    %dma_start3A_358 = arith.constant 8192 : i32
    %dma_start3A_359 = tpu.memref_slice %arg8[%dma_start3A_358] : memref<10240xi32, #tpu.memory_space<vmem>> -> memref<1024xi32, #tpu.memory_space<vmem>>
    %dma_start3A_360 = arith.constant 0 : i32
    %dma_start3A_361 = arith.constant 0 : i32
    %dma_start3A_362 = tpu.memref_slice %arg10[%dma_start3A_360, %dma_start3A_361] : memref<10112x16xf32, #tpu.memory_space<vmem_shared>> -> memref<10112x16xf32, #tpu.memory_space<vmem_shared>>
    tpu.enqueue_indirect_dma source(%dma_start3A_357 : memref<1024x16xf32, #tpu.memory_space<vmem>>) target(%dma_start3A_362 : memref<10112x16xf32, #tpu.memory_space<vmem_shared>>) offsets(%dma_start3A_359 : memref<1024xi32, #tpu.memory_space<vmem>>) semaphore(%arg14 : memref<!tpu.dma_semaphore, #tpu.memory_space<semaphore_mem>>) {add = true}
    %dma_wait3A_363 = arith.constant 1 : i32
    %dma_wait3A_364 = arith.constant 0 : i32
    %dma_wait3A_365 = arith.constant 0 : i32
    %dma_wait3A_366 = tpu.memref_slice %arg9[%dma_wait3A_363, %dma_wait3A_364, %dma_wait3A_365] : memref<2x1024x16xf32, #tpu.memory_space<vmem>> -> memref<1x1024x16xf32, #tpu.memory_space<vmem>>
    %dma_wait3A_367 = tpu.memref_squeeze %dma_wait3A_366 : memref<1x1024x16xf32, #tpu.memory_space<vmem>> -> memref<1024x16xf32, #tpu.memory_space<vmem>>
    %dma_wait3A_368 = arith.constant 9216 : i32
    %dma_wait3A_369 = tpu.memref_slice %arg7[%dma_wait3A_368] : memref<10240xi32, #tpu.memory_space<vmem>> -> memref<1024xi32, #tpu.memory_space<vmem>>
    %dma_wait3A_370 = arith.constant 0 : i32
    %dma_wait3A_371 = arith.constant 0 : i32
    %dma_wait3A_372 = tpu.memref_slice %arg11[%dma_wait3A_370, %dma_wait3A_371] : memref<10112x16xf32, #tpu.memory_space<vmem_shared>> -> memref<10112x16xf32, #tpu.memory_space<vmem_shared>>
    tpu.wait_indirect_dma semaphore(%arg13 : memref<!tpu.dma_semaphore, #tpu.memory_space<semaphore_mem>>) src(%dma_wait3A_372 : memref<10112x16xf32, #tpu.memory_space<vmem_shared>>) dst(%dma_wait3A_367 : memref<1024x16xf32, #tpu.memory_space<vmem>>)
    %dma_start3A_373 = arith.constant 1 : i32
    %dma_start3A_374 = arith.constant 0 : i32
    %dma_start3A_375 = arith.constant 0 : i32
    %dma_start3A_376 = tpu.memref_slice %arg9[%dma_start3A_373, %dma_start3A_374, %dma_start3A_375] : memref<2x1024x16xf32, #tpu.memory_space<vmem>> -> memref<1x1024x16xf32, #tpu.memory_space<vmem>>
    %dma_start3A_377 = tpu.memref_squeeze %dma_start3A_376 : memref<1x1024x16xf32, #tpu.memory_space<vmem>> -> memref<1024x16xf32, #tpu.memory_space<vmem>>
    %dma_start3A_378 = arith.constant 9216 : i32
    %dma_start3A_379 = tpu.memref_slice %arg8[%dma_start3A_378] : memref<10240xi32, #tpu.memory_space<vmem>> -> memref<1024xi32, #tpu.memory_space<vmem>>
    %dma_start3A_380 = arith.constant 0 : i32
    %dma_start3A_381 = arith.constant 0 : i32
    %dma_start3A_382 = tpu.memref_slice %arg10[%dma_start3A_380, %dma_start3A_381] : memref<10112x16xf32, #tpu.memory_space<vmem_shared>> -> memref<10112x16xf32, #tpu.memory_space<vmem_shared>>
    tpu.enqueue_indirect_dma source(%dma_start3A_377 : memref<1024x16xf32, #tpu.memory_space<vmem>>) target(%dma_start3A_382 : memref<10112x16xf32, #tpu.memory_space<vmem_shared>>) offsets(%dma_start3A_379 : memref<1024xi32, #tpu.memory_space<vmem>>) semaphore(%arg15 : memref<!tpu.dma_semaphore, #tpu.memory_space<semaphore_mem>>) {add = true}
    %dma_wait3A_383 = arith.constant 0 : i32
    %dma_wait3A_384 = arith.constant 0 : i32
    %dma_wait3A_385 = arith.constant 0 : i32
    %dma_wait3A_386 = tpu.memref_slice %arg9[%dma_wait3A_383, %dma_wait3A_384, %dma_wait3A_385] : memref<2x1024x16xf32, #tpu.memory_space<vmem>> -> memref<1x1024x16xf32, #tpu.memory_space<vmem>>
    %dma_wait3A_387 = tpu.memref_squeeze %dma_wait3A_386 : memref<1x1024x16xf32, #tpu.memory_space<vmem>> -> memref<1024x16xf32, #tpu.memory_space<vmem>>
    %dma_wait3A_388 = arith.constant 8192 : i32
    %dma_wait3A_389 = tpu.memref_slice %arg8[%dma_wait3A_388] : memref<10240xi32, #tpu.memory_space<vmem>> -> memref<1024xi32, #tpu.memory_space<vmem>>
    %dma_wait3A_390 = arith.constant 0 : i32
    %dma_wait3A_391 = arith.constant 0 : i32
    %dma_wait3A_392 = tpu.memref_slice %arg10[%dma_wait3A_390, %dma_wait3A_391] : memref<10112x16xf32, #tpu.memory_space<vmem_shared>> -> memref<10112x16xf32, #tpu.memory_space<vmem_shared>>
    tpu.wait_indirect_dma semaphore(%arg14 : memref<!tpu.dma_semaphore, #tpu.memory_space<semaphore_mem>>) src(%dma_wait3A_387 : memref<1024x16xf32, #tpu.memory_space<vmem>>) dst(%dma_wait3A_392 : memref<10112x16xf32, #tpu.memory_space<vmem_shared>>)
    %dma_wait3A_393 = arith.constant 1 : i32
    %dma_wait3A_394 = arith.constant 0 : i32
    %dma_wait3A_395 = arith.constant 0 : i32
    %dma_wait3A_396 = tpu.memref_slice %arg9[%dma_wait3A_393, %dma_wait3A_394, %dma_wait3A_395] : memref<2x1024x16xf32, #tpu.memory_space<vmem>> -> memref<1x1024x16xf32, #tpu.memory_space<vmem>>
    %dma_wait3A_397 = tpu.memref_squeeze %dma_wait3A_396 : memref<1x1024x16xf32, #tpu.memory_space<vmem>> -> memref<1024x16xf32, #tpu.memory_space<vmem>>
    %dma_wait3A_398 = arith.constant 9216 : i32
    %dma_wait3A_399 = tpu.memref_slice %arg8[%dma_wait3A_398] : memref<10240xi32, #tpu.memory_space<vmem>> -> memref<1024xi32, #tpu.memory_space<vmem>>
    %dma_wait3A_400 = arith.constant 0 : i32
    %dma_wait3A_401 = arith.constant 0 : i32
    %dma_wait3A_402 = tpu.memref_slice %arg10[%dma_wait3A_400, %dma_wait3A_401] : memref<10112x16xf32, #tpu.memory_space<vmem_shared>> -> memref<10112x16xf32, #tpu.memory_space<vmem_shared>>
    tpu.wait_indirect_dma semaphore(%arg15 : memref<!tpu.dma_semaphore, #tpu.memory_space<semaphore_mem>>) src(%dma_wait3A_397 : memref<1024x16xf32, #tpu.memory_space<vmem>>) dst(%dma_wait3A_402 : memref<10112x16xf32, #tpu.memory_space<vmem_shared>>)
    %barrier3A_403 = arith.constant 0 : index
    tpu.barrier barrier_id(%barrier3A_403)
    "tpu.region"() ({
      %run_scoped3A = tpu.sem_alloc : memref<!tpu.dma_semaphore, #tpu.memory_space<semaphore_mem>>
      %dma_start3A_404 = arith.constant 0 : i32
      %dma_start3A_405 = tpu.memref_slice %arg6[%arg0, %mul3A_2, %dma_start3A_404] : memref<2x10112x16xf32, #tpu.memory_space<hbm>> -> memref<1x632x16xf32, #tpu.memory_space<hbm>>
      %dma_start3A_406 = tpu.memref_squeeze %dma_start3A_405 : memref<1x632x16xf32, #tpu.memory_space<hbm>> -> memref<632x16xf32, #tpu.memory_space<hbm>>
      %dma_start3A_407 = arith.constant 0 : i32
      %dma_start3A_408 = tpu.memref_slice %arg10[%mul3A_2, %dma_start3A_407] : memref<10112x16xf32, #tpu.memory_space<vmem_shared>> -> memref<632x16xf32, #tpu.memory_space<vmem_shared>>
      tpu.enqueue_dma source(%dma_start3A_408 : memref<632x16xf32, #tpu.memory_space<vmem_shared>>) target(%dma_start3A_406 : memref<632x16xf32, #tpu.memory_space<hbm>>) target_semaphore(%run_scoped3A : memref<!tpu.dma_semaphore, #tpu.memory_space<semaphore_mem>>)
      %dma_wait3A_409 = arith.constant 0 : i32
      %dma_wait3A_410 = tpu.memref_slice %arg6[%arg0, %mul3A_2, %dma_wait3A_409] : memref<2x10112x16xf32, #tpu.memory_space<hbm>> -> memref<1x632x16xf32, #tpu.memory_space<hbm>>
      %dma_wait3A_411 = tpu.memref_squeeze %dma_wait3A_410 : memref<1x632x16xf32, #tpu.memory_space<hbm>> -> memref<632x16xf32, #tpu.memory_space<hbm>>
      %dma_wait3A_412 = arith.constant 0 : i32
      %dma_wait3A_413 = tpu.memref_slice %arg10[%mul3A_2, %dma_wait3A_412] : memref<10112x16xf32, #tpu.memory_space<vmem_shared>> -> memref<632x16xf32, #tpu.memory_space<vmem_shared>>
      tpu.wait_dma2 semaphore(%run_scoped3A : memref<!tpu.dma_semaphore, #tpu.memory_space<semaphore_mem>>) src(%dma_wait3A_413 : memref<632x16xf32, #tpu.memory_space<vmem_shared>>) dst(%dma_wait3A_411 : memref<632x16xf32, #tpu.memory_space<hbm>>)
      tpu.yield
    }) : () -> ()
    return
  }
}

module attributes {stable_mosaic.version = 14 : i64} {
  func.func @_pre_tc(%arg0: memref<1250x1024xf32, #tpu.memory_space<vmem>>, %arg1: memref<1024x128xf32, #tpu.memory_space<vmem>>, %arg2: memref<1024x128xf32, #tpu.memory_space<vmem>>, %arg3: memref<128x16xf32, #tpu.memory_space<vmem>>, %arg4: memref<3x128xf32, #tpu.memory_space<vmem>>, %arg5: memref<1x128xf32, #tpu.memory_space<vmem>>, %arg6: memref<1250x128xf32, #tpu.memory_space<vmem>>, %arg7: memref<1250x128xf32, #tpu.memory_space<vmem>>, %arg8: memref<3x16xf32, #tpu.memory_space<vmem>>, %arg9: memref<1x16xf32, #tpu.memory_space<vmem>>) attributes {dimension_semantics = [], scalar_prefetch = 0 : i64, scratch_operands = 0 : i64, tpu.core_type = #tpu.core_type<tc>} {
    %get3A = arith.constant 0 : index
    %get3A_0 = arith.constant 0 : index
    %get3A_1 = vector.load %arg0[%get3A, %get3A_0] : memref<1250x1024xf32, #tpu.memory_space<vmem>>, vector<1250x1024xf32>
    %get3A_2 = arith.constant 0 : index
    %get3A_3 = arith.constant 0 : index
    %get3A_4 = vector.load %arg1[%get3A_2, %get3A_3] : memref<1024x128xf32, #tpu.memory_space<vmem>>, vector<1024x128xf32>
    %dot_general3A = arith.constant dense<0.000000e+00> : vector<1250x128xf32>
    %dot_general3A_5 = tpu.matmul %get3A_1, %get3A_4, %dot_general3A {dimension_numbers = #tpu.dot_dimension_numbers<[1], [0], [0], [1], [0, 0, 1, 1], [], []>, transpose_lhs_hint = false} : vector<1250x1024xf32>, vector<1024x128xf32>, vector<1250x128xf32> -> vector<1250x128xf32>
    %swap3A = arith.constant 0 : index
    %swap3A_6 = arith.constant 0 : index
    %swap3A_7 = vector.load %arg6[%swap3A, %swap3A_6] : memref<1250x128xf32, #tpu.memory_space<vmem>>, vector<1250x128xf32>
    tpu.vector_store %arg6[%swap3A, %swap3A_6], %dot_general3A_5 {strides = array<i32>} : memref<1250x128xf32, #tpu.memory_space<vmem>>, vector<1250x128xf32>,
    %get3A_8 = arith.constant 0 : index
    %get3A_9 = arith.constant 0 : index
    %get3A_10 = vector.load %arg2[%get3A_8, %get3A_9] : memref<1024x128xf32, #tpu.memory_space<vmem>>, vector<1024x128xf32>
    %dot_general3A_11 = arith.constant dense<0.000000e+00> : vector<1250x128xf32>
    %dot_general3A_12 = tpu.matmul %get3A_1, %get3A_10, %dot_general3A_11 {dimension_numbers = #tpu.dot_dimension_numbers<[1], [0], [0], [1], [0, 0, 1, 1], [], []>, transpose_lhs_hint = false} : vector<1250x1024xf32>, vector<1024x128xf32>, vector<1250x128xf32> -> vector<1250x128xf32>
    %swap3A_13 = arith.constant 0 : index
    %swap3A_14 = arith.constant 0 : index
    %swap3A_15 = vector.load %arg7[%swap3A_13, %swap3A_14] : memref<1250x128xf32, #tpu.memory_space<vmem>>, vector<1250x128xf32>
    tpu.vector_store %arg7[%swap3A_13, %swap3A_14], %dot_general3A_12 {strides = array<i32>} : memref<1250x128xf32, #tpu.memory_space<vmem>>, vector<1250x128xf32>,
    %get3A_16 = arith.constant 0 : index
    %get3A_17 = arith.constant 0 : index
    %get3A_18 = vector.load %arg3[%get3A_16, %get3A_17] : memref<128x16xf32, #tpu.memory_space<vmem>>, vector<128x16xf32>
    %get3A_19 = arith.constant 0 : index
    %get3A_20 = arith.constant 0 : index
    %get3A_21 = vector.load %arg4[%get3A_19, %get3A_20] : memref<3x128xf32, #tpu.memory_space<vmem>>, vector<3x128xf32>
    %dot_general3A_22 = arith.constant dense<0.000000e+00> : vector<3x16xf32>
    %dot_general3A_23 = tpu.matmul %get3A_21, %get3A_18, %dot_general3A_22 {dimension_numbers = #tpu.dot_dimension_numbers<[1], [0], [0], [1], [0, 0, 1, 1], [], []>, transpose_lhs_hint = false} : vector<3x128xf32>, vector<128x16xf32>, vector<3x16xf32> -> vector<3x16xf32>
    %swap3A_24 = arith.constant 0 : index
    %swap3A_25 = arith.constant 0 : index
    %swap3A_26 = vector.load %arg8[%swap3A_24, %swap3A_25] : memref<3x16xf32, #tpu.memory_space<vmem>>, vector<3x16xf32>
    tpu.vector_store %arg8[%swap3A_24, %swap3A_25], %dot_general3A_23 {strides = array<i32>} : memref<3x16xf32, #tpu.memory_space<vmem>>, vector<3x16xf32>,
    %get3A_27 = arith.constant 0 : index
    %get3A_28 = arith.constant 0 : index
    %get3A_29 = vector.load %arg5[%get3A_27, %get3A_28] : memref<1x128xf32, #tpu.memory_space<vmem>>, vector<1x128xf32>
    %dot_general3A_30 = arith.constant dense<0.000000e+00> : vector<1x16xf32>
    %dot_general3A_31 = tpu.matmul %get3A_29, %get3A_18, %dot_general3A_30 {dimension_numbers = #tpu.dot_dimension_numbers<[1], [0], [0], [1], [0, 0, 1, 1], [], []>, transpose_lhs_hint = false} : vector<1x128xf32>, vector<128x16xf32>, vector<1x16xf32> -> vector<1x16xf32>
    %swap3A_32 = arith.constant 0 : index
    %swap3A_33 = arith.constant 0 : index
    %swap3A_34 = vector.load %arg9[%swap3A_32, %swap3A_33] : memref<1x16xf32, #tpu.memory_space<vmem>>, vector<1x16xf32>
    tpu.vector_store %arg9[%swap3A_32, %swap3A_33], %dot_general3A_31 {strides = array<i32>} : memref<1x16xf32, #tpu.memory_space<vmem>>, vector<1x16xf32>,
    return
  }
}

module attributes {stable_mosaic.version = 14 : i64} {
  func.func @_mid_tc(%arg0: memref<1264x128xf32, #tpu.memory_space<vmem>>, %arg1: memref<1264x128xf32, #tpu.memory_space<vmem>>, %arg2: memref<1264x128xf32, #tpu.memory_space<vmem>>, %arg3: memref<1264x128xf32, #tpu.memory_space<vmem>>, %arg4: memref<1250x128xf32, #tpu.memory_space<vmem>>, %arg5: memref<128x128xf32, #tpu.memory_space<vmem>>, %arg6: memref<128x128xf32, #tpu.memory_space<vmem>>, %arg7: memref<1x128xf32, #tpu.memory_space<vmem>>, %arg8: memref<1250x128xf32, #tpu.memory_space<vmem>>) attributes {dimension_semantics = [], scalar_prefetch = 0 : i64, scratch_operands = 0 : i64, tpu.core_type = #tpu.core_type<tc>} {
    %get3A = arith.constant 0 : index
    %get3A_0 = arith.constant 0 : index
    %get3A_1 = vector.load %arg2[%get3A, %get3A_0] : memref<1264x128xf32, #tpu.memory_space<vmem>>, vector<1250x128xf32>
    %get3A_2 = arith.constant 0 : index
    %get3A_3 = arith.constant 0 : index
    %get3A_4 = vector.load %arg3[%get3A_2, %get3A_3] : memref<1264x128xf32, #tpu.memory_space<vmem>>, vector<1250x128xf32>
    %add3A = arith.addf %get3A_1, %get3A_4 : vector<1250x128xf32>
    %get3A_5 = arith.constant 0 : index
    %get3A_6 = arith.constant 0 : index
    %get3A_7 = vector.load %arg5[%get3A_5, %get3A_6] : memref<128x128xf32, #tpu.memory_space<vmem>>, vector<128x128xf32>
    %dot_general3A = arith.constant dense<0.000000e+00> : vector<1250x128xf32>
    %dot_general3A_8 = tpu.matmul %add3A, %get3A_7, %dot_general3A {dimension_numbers = #tpu.dot_dimension_numbers<[1], [0], [0], [1], [0, 0, 1, 1], [], []>, transpose_lhs_hint = false} : vector<1250x128xf32>, vector<128x128xf32>, vector<1250x128xf32> -> vector<1250x128xf32>
    %get3A_9 = arith.constant 0 : index
    %get3A_10 = arith.constant 0 : index
    %get3A_11 = vector.load %arg6[%get3A_9, %get3A_10] : memref<128x128xf32, #tpu.memory_space<vmem>>, vector<128x128xf32>
    %dot_general3A_12 = arith.constant dense<0.000000e+00> : vector<1250x128xf32>
    %dot_general3A_13 = tpu.matmul %add3A, %get3A_11, %dot_general3A_12 {dimension_numbers = #tpu.dot_dimension_numbers<[1], [0], [0], [1], [0, 0, 1, 1], [], []>, transpose_lhs_hint = false} : vector<1250x128xf32>, vector<128x128xf32>, vector<1250x128xf32> -> vector<1250x128xf32>
    %get3A_14 = arith.constant 0 : index
    %get3A_15 = arith.constant 0 : index
    %get3A_16 = vector.load %arg0[%get3A_14, %get3A_15] : memref<1264x128xf32, #tpu.memory_space<vmem>>, vector<1250x128xf32>
    %get3A_17 = arith.constant 0 : index
    %get3A_18 = arith.constant 0 : index
    %get3A_19 = vector.load %arg1[%get3A_17, %get3A_18] : memref<1264x128xf32, #tpu.memory_space<vmem>>, vector<1250x128xf32>
    %add3A_20 = arith.addf %get3A_16, %get3A_19 : vector<1250x128xf32>
    %add3A_21 = arith.addf %add3A_20, %dot_general3A_8 : vector<1250x128xf32>
    %max3A = arith.constant 1.000000e+00 : f32
    %max3A_22 = vector.broadcast %max3A : f32 to vector<1250x128xf32>
    %max3A_23 = arith.maximumf %dot_general3A_13, %max3A_22 : vector<1250x128xf32>
    %div3A = arith.divf %add3A_21, %max3A_23 : vector<1250x128xf32>
    %get3A_24 = arith.constant 0 : index
    %get3A_25 = arith.constant 0 : index
    %get3A_26 = vector.load %arg4[%get3A_24, %get3A_25] : memref<1250x128xf32, #tpu.memory_space<vmem>>, vector<1250x128xf32>
    %add3A_27 = arith.addf %div3A, %get3A_26 : vector<1250x128xf32>
    %get3A_28 = arith.constant 0 : index
    %get3A_29 = arith.constant 0 : index
    %get3A_30 = vector.load %arg7[%get3A_28, %get3A_29] : memref<1x128xf32, #tpu.memory_space<vmem>>, vector<1x128xf32>
    %add3A_31 = vector.broadcast %get3A_30 : vector<1x128xf32> to vector<1250x128xf32>
    %add3A_32 = arith.addf %add3A_27, %add3A_31 : vector<1250x128xf32>
    %max3A_33 = arith.constant 0.000000e+00 : f32
    %max3A_34 = vector.broadcast %max3A_33 : f32 to vector<1250x128xf32>
    %max3A_35 = arith.maximumf %add3A_32, %max3A_34 : vector<1250x128xf32>
    %swap3A = arith.constant 0 : index
    %swap3A_36 = arith.constant 0 : index
    %swap3A_37 = vector.load %arg8[%swap3A, %swap3A_36] : memref<1250x128xf32, #tpu.memory_space<vmem>>, vector<1250x128xf32>
    tpu.vector_store %arg8[%swap3A, %swap3A_36], %max3A_35 {strides = array<i32>} : memref<1250x128xf32, #tpu.memory_space<vmem>>, vector<1250x128xf32>,
    return
  }
}

module attributes {stable_mosaic.version = 14 : i64} {
  func.func @_out_tc(%arg0: memref<1264x128xf32, #tpu.memory_space<vmem>>, %arg1: memref<1264x128xf32, #tpu.memory_space<vmem>>, %arg2: memref<1264x128xf32, #tpu.memory_space<vmem>>, %arg3: memref<1264x128xf32, #tpu.memory_space<vmem>>, %arg4: memref<1250x128xf32, #tpu.memory_space<vmem>>, %arg5: memref<128x128xf32, #tpu.memory_space<vmem>>, %arg6: memref<128x128xf32, #tpu.memory_space<vmem>>, %arg7: memref<128x1024xf32, #tpu.memory_space<vmem>>, %arg8: memref<128x1024xf32, #tpu.memory_space<vmem>>, %arg9: memref<1x1024xf32, #tpu.memory_space<vmem>>, %arg10: memref<1250x1024xf32, #tpu.memory_space<vmem>>) attributes {dimension_semantics = [], scalar_prefetch = 0 : i64, scratch_operands = 0 : i64, tpu.core_type = #tpu.core_type<tc>} {
    %get3A = arith.constant 0 : index
    %get3A_0 = arith.constant 0 : index
    %get3A_1 = vector.load %arg2[%get3A, %get3A_0] : memref<1264x128xf32, #tpu.memory_space<vmem>>, vector<1250x128xf32>
    %get3A_2 = arith.constant 0 : index
    %get3A_3 = arith.constant 0 : index
    %get3A_4 = vector.load %arg3[%get3A_2, %get3A_3] : memref<1264x128xf32, #tpu.memory_space<vmem>>, vector<1250x128xf32>
    %add3A = arith.addf %get3A_1, %get3A_4 : vector<1250x128xf32>
    %get3A_5 = arith.constant 0 : index
    %get3A_6 = arith.constant 0 : index
    %get3A_7 = vector.load %arg0[%get3A_5, %get3A_6] : memref<1264x128xf32, #tpu.memory_space<vmem>>, vector<1250x128xf32>
    %get3A_8 = arith.constant 0 : index
    %get3A_9 = arith.constant 0 : index
    %get3A_10 = vector.load %arg1[%get3A_8, %get3A_9] : memref<1264x128xf32, #tpu.memory_space<vmem>>, vector<1250x128xf32>
    %add3A_11 = arith.addf %get3A_7, %get3A_10 : vector<1250x128xf32>
    %get3A_12 = arith.constant 0 : index
    %get3A_13 = arith.constant 0 : index
    %get3A_14 = vector.load %arg5[%get3A_12, %get3A_13] : memref<128x128xf32, #tpu.memory_space<vmem>>, vector<128x128xf32>
    %dot_general3A = arith.constant dense<0.000000e+00> : vector<1250x128xf32>
    %dot_general3A_15 = tpu.matmul %add3A, %get3A_14, %dot_general3A {dimension_numbers = #tpu.dot_dimension_numbers<[1], [0], [0], [1], [0, 0, 1, 1], [], []>, transpose_lhs_hint = false} : vector<1250x128xf32>, vector<128x128xf32>, vector<1250x128xf32> -> vector<1250x128xf32>
    %add3A_16 = arith.addf %add3A_11, %dot_general3A_15 : vector<1250x128xf32>
    %get3A_17 = arith.constant 0 : index
    %get3A_18 = arith.constant 0 : index
    %get3A_19 = vector.load %arg6[%get3A_17, %get3A_18] : memref<128x128xf32, #tpu.memory_space<vmem>>, vector<128x128xf32>
    %dot_general3A_20 = arith.constant dense<0.000000e+00> : vector<1250x128xf32>
    %dot_general3A_21 = tpu.matmul %add3A, %get3A_19, %dot_general3A_20 {dimension_numbers = #tpu.dot_dimension_numbers<[1], [0], [0], [1], [0, 0, 1, 1], [], []>, transpose_lhs_hint = false} : vector<1250x128xf32>, vector<128x128xf32>, vector<1250x128xf32> -> vector<1250x128xf32>
    %max3A = arith.constant 1.000000e+00 : f32
    %max3A_22 = vector.broadcast %max3A : f32 to vector<1250x128xf32>
    %max3A_23 = arith.maximumf %dot_general3A_21, %max3A_22 : vector<1250x128xf32>
    %div3A = arith.divf %add3A_16, %max3A_23 : vector<1250x128xf32>
    %get3A_24 = arith.constant 0 : index
    %get3A_25 = arith.constant 0 : index
    %get3A_26 = vector.load %arg7[%get3A_24, %get3A_25] : memref<128x1024xf32, #tpu.memory_space<vmem>>, vector<128x1024xf32>
    %dot_general3A_27 = arith.constant dense<0.000000e+00> : vector<1250x1024xf32>
    %dot_general3A_28 = tpu.matmul %div3A, %get3A_26, %dot_general3A_27 {dimension_numbers = #tpu.dot_dimension_numbers<[1], [0], [0], [1], [0, 0, 1, 1], [], []>, transpose_lhs_hint = false} : vector<1250x128xf32>, vector<128x1024xf32>, vector<1250x1024xf32> -> vector<1250x1024xf32>
    %get3A_29 = arith.constant 0 : index
    %get3A_30 = arith.constant 0 : index
    %get3A_31 = vector.load %arg4[%get3A_29, %get3A_30] : memref<1250x128xf32, #tpu.memory_space<vmem>>, vector<1250x128xf32>
    %get3A_32 = arith.constant 0 : index
    %get3A_33 = arith.constant 0 : index
    %get3A_34 = vector.load %arg8[%get3A_32, %get3A_33] : memref<128x1024xf32, #tpu.memory_space<vmem>>, vector<128x1024xf32>
    %dot_general3A_35 = arith.constant dense<0.000000e+00> : vector<1250x1024xf32>
    %dot_general3A_36 = tpu.matmul %get3A_31, %get3A_34, %dot_general3A_35 {dimension_numbers = #tpu.dot_dimension_numbers<[1], [0], [0], [1], [0, 0, 1, 1], [], []>, transpose_lhs_hint = false} : vector<1250x128xf32>, vector<128x1024xf32>, vector<1250x1024xf32> -> vector<1250x1024xf32>
    %add3A_37 = arith.addf %dot_general3A_28, %dot_general3A_36 : vector<1250x1024xf32>
    %get3A_38 = arith.constant 0 : index
    %get3A_39 = arith.constant 0 : index
    %get3A_40 = vector.load %arg9[%get3A_38, %get3A_39] : memref<1x1024xf32, #tpu.memory_space<vmem>>, vector<1x1024xf32>
    %add3A_41 = vector.broadcast %get3A_40 : vector<1x1024xf32> to vector<1250x1024xf32>
    %add3A_42 = arith.addf %add3A_37, %add3A_41 : vector<1250x1024xf32>
    %swap3A = arith.constant 0 : index
    %swap3A_43 = arith.constant 0 : index
    %swap3A_44 = vector.load %arg10[%swap3A, %swap3A_43] : memref<1250x1024xf32, #tpu.memory_space<vmem>>, vector<1250x1024xf32>
    tpu.vector_store %arg10[%swap3A, %swap3A_43], %add3A_42 {strides = array<i32>} : memref<1250x1024xf32, #tpu.memory_space<vmem>>, vector<1250x1024xf32>,
    return
  }
}

</mosaic_0001>

<sc_bundles>
// kernel: kernel.10.cloned.1.call-start
scs
__scs_entry_jumppad:
0x0: {  	(pc) =	sbr.rel $0x88, $3  }
0x1: {  	(tag) =	ssettag $0x0;
	lr =	simm.s32 $0x1  }
0x2: {  	[smem:$0x3F92] =	sst lr;
	_ =	strace $0xD0000000  }
0x3: {  	_ = 	snop  }
0x4: {  	_ = 	snop  }
0x5: {  	_ = 	snop  }
0x6: {  	_ = 	snop  }
0x7: {  	_ = 	snop  }
__scs_overlays_trampoline_lowered:
0x8: {  	[smem:$0x3FA1] =	sst s0  }
0x9: {  	[smem:$0x3FA2] =	sst s1  }
0xa: {  	[smem:$0x3FA3] =	sst s2  }
0xb: {  	[smem:$0x3FA4] =	sst s3  }
0xc: {  	[smem:$0x3FA5] =	sst s4  }
0xd: {  	[smem:$0x3FA6] =	sst s5  }
0xe: {  	[smem:$0x3FA7] =	sst s6  }
0xf: {  	[smem:$0x3FA8] =	sst s7  }
0x10: {  	[smem:$0x3FA9] =	sst s8  }
0x11: {  	[smem:$0x3FAA] =	sst s9;
	s0 =	simm.s32 @!p0 $0x0  }
0x12: {  	s1 =	sld [smem:$0x3F90];
	s0 =	simm.s32 @p0 $0x1  }
0x13: {  	[smem:$0x3FAB] =	sst s0;
	s0 =	simm.s32 @!p1 $0x0  }
0x14: {  	s2 =	sld [smem:$0x3F8F];
	s0 =	simm.s32 @p1 $0x1  }
0x15: {  	[smem:$0x3FAC] =	sst s0;
	s0 =	simm.s32 @!p2 $0x0  }
0x16: {  	s3 =	sld [smem:$0x3FDB];
	s0 =	simm.s32 @p2 $0x1  }
0x17: {  	s4 =	simm.s32 $0x1BF5;
	[smem:$0x3FAE] =	sst s0  }
0x18: {  	s0 =	sld [smem:$0x3F91];
	_ =	swait.ge [sflag:s4], $0x0  }
0x19: {  	s7 =	sld [smem:$0x3F92]  }
0x1a: {  	s8 =	sadd.s32 $0xFFFFE003, lr  }
0x1b: {  	s9 =	sadd.s32 $0xFFFFFEF7, lr;
	s5 =	simm.s32 $0xFFFFFFFF;
	p2 =	slt.u32 s8, $0xFFFFF086  }
0x1c: {  	p1 =	slt.u32 s9, $0xF7A;
	s5 =	simm.s32 @!p2 $0x0  }
0x1d: {  	s5 =	simm.s32 @p1 $0x1;
	p0 =	seq.s32 s7, s2  }
0x1e: {  	s7 =	smul.u32 @!p0 $0xF7A, s2;
	p2 =	seq.s32 @!p0 s5, $0x0  }
0x1f: {  	s9 =	smul.u32 $0xF7A, s1;
	s8 =	simm.s32 @!p0 $0x1BF5;
	p2 =	por !p2, p0  }
0x20: {  	[sflag:s8] =	ssyncset.s32 @!p0 $0xFFFFF086;
	s6 =	sadd.s32 @!p0 s3, s7;
	s7 =	simm.s32 @!p0 $0x108  }
0x21: {  	s3 =	sadd.s32 s3, s9;
	s6 =	sadd.s32 @!p0 $0x88, s6;
	s7 =	simm.s32 @p2 $0x1082  }
0x22: {  	[simem:s7], [sflag:s8] =	dma.local @!p0 [hbm:s6], $0xF7A  }
0x23: {  	s9 =	sor.u32 $0xD0000000, s2;
	s6 =	simm.s32 $0x108;
	_ =	swait.ge @!p0 [sflag:s8], $0x0  }
0x24: {  	s3 =	sadd.s32 $0x88, s3;
	s6 =	simm.s32 @!p1 $0x1082;
	[sflag:s4] =	ssyncset.s32 $0xFFFFF086  }
0x25: {  	[simem:s6], [sflag:s4] =	dma.local [hbm:s3], $0xF7A  }
0x26: {  	[smem:$0x3F92] =	sst s1;
	(tag) =	ssettag s2;
	_ =	strace s9  }
0x27: {  	s1 =	sld [smem:$0x3FA2]  }
0x28: {  	s2 =	sld [smem:$0x3FA3]  }
0x29: {  	s4 =	sld [smem:$0x3FA5]  }
0x2a: {  	p0 =	seq.s32 s5, $0x0;
	s5 =	sld [smem:$0x3FA6]  }
0x2b: {  	s6 =	sld [smem:$0x3FA7]  }
0x2c: {  	s7 =	sld [smem:$0x3FA8]  }
0x2d: {  	s3 =	simm.s32 $0x108;
	s8 =	sld [smem:$0x3FA9]  }
0x2e: {  	s3 =	simm.s32 @!p0 $0x1082;
	s9 =	sld [smem:$0x3FAA]  }
0x2f: {  	lr =	sadd.s32 s0, s3;
	s0 =	sld [smem:$0x3FA1]  }
0x30: {  	s3 =	sld [smem:$0x3FA4]  }
0x31: {  	[smem:$0x3FAD] =	sst s10  }
0x32: {  	s10 =	sld [smem:$0x3FAB];
	_ =	sdelay $0x3  }
0x33: {  	p0 =	seq.s32 s10, $0x1;
	s10 =	sld [smem:$0x3FAD];
	_ =	sdelay $0x3  }
0x34: {  	[smem:$0x3FAD] =	sst s10  }
0x35: {  	s10 =	sld [smem:$0x3FAC];
	_ =	sdelay $0x3  }
0x36: {  	p1 =	seq.s32 s10, $0x1;
	s10 =	sld [smem:$0x3FAD];
	_ =	sdelay $0x3  }
0x37: {  	[smem:$0x3FAD] =	sst s10  }
0x38: {  	s10 =	sld [smem:$0x3FAE]  }
0x39: {  	_ = 	snop;
	(pc) =	sbr.ind lr, $3  }
0x3a: {  	_ = 	snop  }
0x3b: {  	_ = 	snop  }
0x3c: {  	p2 =	seq.s32 s10, $0x1;
	s10 =	sld [smem:$0x3FAD]  }
0x3d: {  	_ =	shalt  }
0x3e: {  	_ =	shalt  }
0x3f: {  	_ =	shalt  }
0x40: {  	_ =	shalt  }
0x41: {  	_ =	shalt  }
0x42: {  	_ =	shalt  }
0x43: {  	_ =	shalt  }
0x44: {  	_ =	shalt  }
0x45: {  	_ =	shalt  }
0x46: {  	_ =	shalt  }
0x47: {  	_ =	shalt  }
0x48: {  	_ =	shalt  }
0x49: {  	_ =	shalt  }
0x4a: {  	_ =	shalt  }
0x4b: {  	_ =	shalt  }
0x4c: {  	_ =	shalt  }
0x4d: {  	_ =	shalt  }
0x4e: {  	_ =	shalt  }
0x4f: {  	_ =	shalt  }
0x50: {  	_ =	shalt  }
0x51: {  	_ =	shalt  }
0x52: {  	_ =	shalt  }
0x53: {  	_ =	shalt  }
0x54: {  	_ =	shalt  }
0x55: {  	_ =	shalt  }
0x56: {  	_ =	shalt  }
0x57: {  	_ =	shalt  }
0x58: {  	_ =	shalt  }
0x59: {  	_ =	shalt  }
0x5a: {  	_ =	shalt  }
0x5b: {  	_ =	shalt  }
0x5c: {  	_ =	shalt  }
0x5d: {  	_ =	shalt  }
0x5e: {  	_ =	shalt  }
0x5f: {  	_ =	shalt  }
0x60: {  	_ =	shalt  }
0x61: {  	_ =	shalt  }
0x62: {  	_ =	shalt  }
0x63: {  	_ =	shalt  }
0x64: {  	_ =	shalt  }
0x65: {  	_ =	shalt  }
0x66: {  	_ =	shalt  }
0x67: {  	_ =	shalt  }
0x68: {  	_ =	shalt  }
0x69: {  	_ =	shalt  }
0x6a: {  	_ =	shalt  }
0x6b: {  	_ =	shalt  }
0x6c: {  	_ =	shalt  }
0x6d: {  	_ =	shalt  }
0x6e: {  	_ =	shalt  }
0x6f: {  	_ =	shalt  }
0x70: {  	_ =	shalt  }
0x71: {  	_ =	shalt  }
0x72: {  	_ =	shalt  }
0x73: {  	_ =	shalt  }
0x74: {  	_ =	shalt  }
0x75: {  	_ =	shalt  }
0x76: {  	_ =	shalt  }
0x77: {  	_ =	shalt  }
0x78: {  	_ =	shalt  }
0x79: {  	_ =	shalt  }
0x7a: {  	_ =	shalt  }
0x7b: {  	_ =	shalt  }
0x7c: {  	_ =	shalt  }
0x7d: {  	_ =	shalt  }
0x7e: {  	_ =	shalt  }
0x7f: {  	_ =	shalt  }
0x80: {  	_ =	shalt  }
0x81: {  	_ =	shalt  }
0x82: {  	_ =	shalt  }
0x83: {  	_ =	shalt  }
0x84: {  	_ =	shalt  }
0x85: {  	_ =	shalt  }
0x86: {  	_ =	shalt  }
0x87: {  	_ =	shalt  }
.Lfunc_end0:
.L_simem_size_0:
called_computation.1_lowered:
.L_overlay_start_0:
0x88: {  	s2 =	sld [smem:$0x3FD9]  }
0x89: {  	s3 =	sld [smem:$0x3FFE];
	_ =	sdelay $0x1  }
0x8a: {  	s1 =	srdreg.scid  }
0x8b: {  	s0 =	sand.u32 $0x1, s1  }
0x8c: {  	s17 =	sshll.u32 s0, $0xA;
	s2 =	sadd.s32 s3, s2  }
0x8d: {  	s2 =	sadd.s32 s2, s17  }
0x8e: {  	[smem:$0x3FB9] =	sst s2  }
0x8f: {  	_ = 	snop  }
0x90: {  	s2 =	sld [smem:$0x3FD0];
	(tm) =	ssettm $0x1  }
0x91: {  	s18 =	sld [smem:$0x3FFB];
	_ =	sdelay $0x3  }
0x92: {  	_ =	strace s18  }
0x93: {  	s3 =	sld [smem:$0x3FFC];
	_ =	sdelay $0x3  }
0x94: {  	_ =	strace s3  }
0x95: {  	s3 =	sld [smem:$0x3FFD];
	_ =	sdelay $0x3  }
0x96: {  	_ =	strace s3  }
0x97: {  	_ =	strace $0x8FFFFFFF  }
0x98: {  	s19 =	sld [smem:$0x3FDB];
	_ =	sdelay $0x1  }
0x99: {  	s4 =	simm.s32 $_scs_section_size  }
0x9a: {  	s5 =	simm.s32 $_size__tile_overlayer_lowered;
	s6 =	simm.s32 $_tile_overlayer_lowered  }
0x9b: {  	s22 =	simm.s32 $0x1BFF;
	s21 =	sshll.u32 s6, $0x1;
	s3 =	sadd.s32 s4, s19  }
0x9c: {  	s7 =	simm.s32 $0x0;
	s20 =	sshll.u32 s5, $0x1;
	s5 =	sadd.s32 s21, s3  }
0x9d: {  	[timem:s7], [sflag:s22] =	dma.local [hbm:s5], s20  }
0x9e: {  	_ =	swait.ge [sflag:s22], s20  }
0x9f: {  	s4 =	ssub.s32 $0x0, s20;
	[sflag:s22] =	ssyncset.done $0x0  }
0xa0: {  	[sflag:s22] =	ssyncadd.s32 s4;
	_ =	sdelay $0x1  }
0xa1: {  	s23 =	simm.s32 $0x1B8B  }
0xa2: {  	_ =	swait.ge [sflag:s23], $0x1  }
0xa3: {  	[sflag:s23] =	ssyncset.done $0x0  }
0xa4: {  	s25 =	simm.s32 $0x1B8E;
	s24 =	sld [smem:$0x3FFE];
	[sflag:s23] =	ssyncadd.s32 $0xFFFFFFFF  }
0xa5: {  	s26 =	simm.s32 $execute0_lowered;
	[smem:$0x3FD2] =	sst s25  }
0xa6: {  	s5 =	sshll.u32 s26, $0x1;
	_ =	strace $0x80000049;
	[dreg:$0x1] =	wrdreg $0xFFFFFFFF  }
0xa7: {  	s28 =	simm.s32 $_size_execute0_lowered;
	s3 =	sadd.s32 s3, s5;
	[dreg:$0x0] =	wrdreg $0x0  }
0xa8: {  	s5 =	sshll.u32 s28, $0x1;
	[dreg:$0x2] =	wrdreg s3  }
0xa9: {  	[dreg:$0x3] =	wrdreg s5  }
0xaa: {  	[dreg:$0x4] =	wrdreg $0xC0  }
0xab: {  	_ =	task [dreg:s7], $0x5FFFF  }
0xac: {  	[dreg:$0x1] =	wrdreg $0xFFFFFFFF  }
0xad: {  	[dreg:$0x0] =	wrdreg $0x60  }
0xae: {  	[dreg:$0x2] =	wrdreg s24  }
0xaf: {  	[dreg:$0x3] =	wrdreg s2  }
0xb0: {  	[dreg:$0x4] =	wrdreg $0xF7800  }
0xb1: {  	[dreg:$0x5] =	wrdreg $0xD0000  }
0xb2: {  	[dreg:$0x6] =	wrdreg $0x9  }
0xb3: {  	_ =	task.clear_ibuf [dreg:s7], $0x7FFFF;
	_ =	strace $0x90000049  }
0xb4: {  	s29 =	simm.s32 $0x9;
	_ =	strace $0x8000004B  }
0xb5: {  	_ =	swait.ge [sflag:s29], $0x1  }
0xb6: {  	[sflag:s29] =	ssyncadd.s32 $0xFFFFFFFF  }
0xb7: {  	_ =	strace $0x9000004B  }
0xb8: {  	_ =	sfence  }
0xb9: {  	s30 =	sld [smem:$0x0];
	_ =	sdelay $0x2  }
0xba: {  	s31 =	sshll.u32 s1, $0xD;
	s1 =	sshrl.u32 s1, $0x2  }
0xbb: {  	s3 =	sand.u32 $0x4000, s31;
	s1 =	sadd.s32 s1, s30  }
0xbc: {  	s0 =	sor.u32 s3, s0;
	s1 =	sshll.u32 s1, $0x11  }
0xbd: {  	s0 =	sor.u32 s1, s0  }
0xbe: {  	s0 =	sadd.s32 $0x8F2B, s0  }
0xbf: {  	[sflag:s0] =	ssyncadd.remote.s32 $0x1  }
0xc0: {  	_ =	sfence.sel $0xFFFF  }
0xc1: {  	[dreg:$0x0] =	wrdreg $0xFFFFFFFF;
	(pc) =	sbr.abs _section_cstart, $3  }
0xc2: {  	[dreg:$0x1] =	wrdreg $0xFFFFFFFF  }
0xc3: {  	_ =	task.clear_ibuf [dreg:s7], $0x2FFFF;
	_ =	strace $0x9FFFFFFF  }
0xc4: {  	(tm) =	ssettm $0x7FFFFFFF  }
0xc5: {  	_ =	shalt  }
tec
execute0_lowered:
.L_overlay_start_1:
0x0: {  	(tag) =	ssettag $0x1  }
0x1: {  	s0 =	rddreg [dreg:$0x0]  }
0x2: {  	s1 =	rddreg [dreg:$0x1]  }
0x3: {  	s3 =	rddreg [dreg:$0x2]  }
0x4: {  	s2 =	rddreg [dreg:$0x3]  }
0x5: {  	s4 =	srdreg.scid;
	s11 =	stileid.u32  }
0x6: {  	s18 =	simm.s32 $0x0;
	s31 =	simm.s32 $0x2800;
	s12 =	simm.s32 $0x1  }
0x7: {  	s25 =	simm.s32 $0x800;
	s13 =	simm.s32 $0x2;
	s26 =	simm.s32 $0x2C00  }
0x8: {  	s30 =	simm.s32 $0xC00;
	s29 =	simm.s32 $0x3000;
	s28 =	simm.s32 $0x1000  }
0x9: {  	p0 =	por $0x0, $0x0;
	s15 =	simm.s32 $0x4800;
	s4 =	sand.u32 $0x1, s4  }
0xa: {  	s5 =	sshll.u32 s11, $0x1;
	s6 =	smul.u32 $0x2780, s11;
	[smem:$0x7FF] =	sst s18  }
0xb: {  	s22 =	sshll.u32 s11, $0x6;
	s11 =	simm.s32 $0x5000;
	s5 =	sor.u32 s4, s5  }
0xc: {  	s7 =	smul.u32 $0x27800, s4;
	_ =	strace $0x8000004A;
	[dreg:$0xb] =	wrdreg s25  }
0xd: {  	s4 =	ssub.s32 $0x2, s4;
	[dreg:$0xc] =	wrdreg s26;
	s26 =	simm.s32 $0x3400  }
0xe: {  	s25 =	simm.s32 $0x1400;
	s5 =	smul.u32 $0x500, s5;
	s8 =	sshrl.u32 s6, $0x3  }
0xf: {  	s10 =	sshrl.u32 s4, $0x1;
	s20 =	sadd.s32 s6, s3;
	s24 =	sadd.s32 s6, s2  }
0x10: {  	s7 =	sadd.s32 s6, s7;
	s8 =	sadd.s32 s8, s0;
	s19 =	ssub.s32 s4, s10  }
0x11: {  	s4 =	sor.u32 $0x1C05, s22;
	s23 =	sshrl.u32 s20, $0x3;
	s6 =	sshrl.u32 s24, $0x3  }
0x12: {  	s10 =	simm.s32 $0x4;
	s24 =	simm.s32 $0x3800;
	s22 =	simm.s32 $0x3C00  }
0x13: {  	s20 =	simm.s32 $0x1C00;
	s9 =	sadd.s32 s5, s0;
	s7 =	sshrl.u32 s7, $0x3  }
0x14: {  	s16 =	sadd.s32 $0x2C00, s8;
	s17 =	sadd.s32 $0x2FC00, s8;
	s1 =	sadd.s32 s1, s5  }
0x15: {  	s14 =	smax.u32 s19, $0x1;
	[dreg:$0xa] =	wrdreg s23;
	s5 =	simm.s32 $0x5  }
0x16: {  	s8 =	simm.s32 $0x3;
	s23 =	simm.s32 $0x1800;
	[dreg:$0x5] =	wrdreg s16  }
0x17: {  	s19 =	simm.s32 $0x2000;
	[dreg:$0x6] =	wrdreg s17;
	p1 =	sne.s32 s14, $0x1  }
.Ltmp0:
0x18: {  	s0 =	sadd.s32 s7, s0;
	[dreg:$0x7] =	wrdreg s1;
	(pc) =	sbr.rel @!p1 .LBB2_3-.Ltmp0, $4  }
0x19: {  	s21 =	sadd.s32 $0x25C00, s9;
	s7 =	simm.s32 $0x400;
	s9 =	simm.s32 $0x9000  }
0x1a: {  	s17 =	simm.s32 $0x4400;
	s16 =	simm.s32 $0x2400;
	[dreg:$0x8] =	wrdreg s21  }
0x1b: {  	s0 =	sadd.s32 $0x7C00, s0;
	s21 =	simm.s32 $0x4000;
	s1 =	rddreg [dreg:$0x5]  }
0x1c: {  	[dreg:$0x9] =	wrdreg s0;
	s0 =	sadd.s32 $0xFFFFFFFF, s14;
	s14 =	simm.s32 $0x4C00  }
0x1d: {  	[dreg:$0xd] =	wrdreg s0  }
0x1e: {  	s0 =	rddreg [dreg:$0xa]  }
0x1f: {  	[spmem:s0], [sflag:s4] =	dma.local [hbm:s1], $0x4F0  }
0x20: {  	_ =	swait.ge [sflag:s5], $0x4F0  }
0x21: {  	[sflag:s5] =	ssyncset.done $0x0  }
0x22: {  	s1 =	rddreg [dreg:$0x6];
	[sflag:s5] =	ssyncadd.s32 $0xFFFFFB10  }
0x23: {  	[spmem:s6], [sflag:s4] =	dma.local [hbm:s1], $0x4F0  }
0x24: {  	_ =	swait.ge [sflag:s5], $0x4F0  }
0x25: {  	[sflag:s5] =	ssyncset.done $0x0  }
0x26: {  	[sflag:s5] =	ssyncadd.s32 $0xFFFFFB10  }
0x27: {  	[bflag:$0x0] =	sbarrier.arrive $0xFFFF  }
0x28: {  	s1 =	rddreg [dreg:$0x7]  }
0x29: {  	[tilespmem:s18], [sflag:$0x5] =	stream.linear.gather [hbm4b:s1+s18], $0x2800, $0x38;
	[tilespmem:$0x11F00] =	vst v63  }
0x2a: {  	_ =	swait.ge [sflag:s5], $0x2800  }
0x2b: {  	[sflag:s5] =	ssyncset.done $0x0  }
0x2c: {  	s1 =	rddreg [dreg:$0x8];
	[sflag:s5] =	ssyncadd.s32 $0xFFFFD800  }
0x2d: {  	[tilespmem:s31], [sflag:$0x5] =	stream.linear.gather [hbm4b:s1+s18], $0x2800, $0x38;
	[tilespmem:$0x11F00] =	vst v63  }
0x2e: {  	_ =	swait.ge [sflag:s5], $0x2800  }
0x2f: {  	[sflag:s5] =	ssyncset.done $0x0  }
0x30: {  	[sflag:s5] =	ssyncadd.s32 $0xFFFFD800  }
0x31: {  	[tilespmem:s11], [sflag:$0x1] =	stream.indirect.gather [spmem:s3], $0x10, s18, s7, $0xb8;
	[tilespmem:$0x11F00] =	vst v63  }
0x32: {  	_ = 	snop  }
0x33: {  	[tilespmem:s9], [sflag:$0x2] =	stream.indirect.gather [spmem:s3], $0x10, s7, s7, $0xb8;
	[tilespmem:$0x11F00] =	vst v63  }
0x34: {  	_ =	swait.ge [sflag:s12], $0x4000  }
0x35: {  	[sflag:s12] =	ssyncset.done $0x0  }
0x36: {  	[sflag:s12] =	ssyncadd.s32 $0xFFFFC000  }
0x37: {  	[spmem:s2] =	stream.indirect.scatter.add.f32 [tilespmem:s11], [sflag:$0x3], $0x10, s31, s7, $0xb8;
	[tilespmem:$0x11F00] =	vst v63  }
0x38: {  	_ =	swait.ge [sflag:s8], $0x4000  }
0x39: {  	[sflag:s8] =	ssyncset.done $0x0  }
0x3a: {  	s1 =	rddreg [dreg:$0xb];
	[sflag:s8] =	ssyncadd.s32 $0xFFFFC000  }
0x3b: {  	[tilespmem:s11], [sflag:$0x1] =	stream.indirect.gather [spmem:s3], $0x10, s1, s7, $0xb8;
	[tilespmem:$0x11F00] =	vst v63  }
0x3c: {  	_ =	swait.ge [sflag:s13], $0x4000  }
0x3d: {  	[sflag:s13] =	ssyncset.done $0x0  }
0x3e: {  	s1 =	rddreg [dreg:$0xc];
	[sflag:s13] =	ssyncadd.s32 $0xFFFFC000  }
0x3f: {  	[spmem:s2] =	stream.indirect.scatter.add.f32 [tilespmem:s9], [sflag:$0x4], $0x10, s1, s7, $0xb8;
	[tilespmem:$0x11F00] =	vst v63  }
0x40: {  	_ =	swait.ge [sflag:s10], $0x4000  }
0x41: {  	[sflag:s10] =	ssyncset.done $0x0  }
0x42: {  	[sflag:s10] =	ssyncadd.s32 $0xFFFFC000  }
0x43: {  	[tilespmem:s9], [sflag:$0x2] =	stream.indirect.gather [spmem:s3], $0x10, s30, s7, $0xb8;
	[tilespmem:$0x11F00] =	vst v63  }
0x44: {  	_ =	swait.ge [sflag:s12], $0x4000  }
0x45: {  	[sflag:s12] =	ssyncset.done $0x0  }
0x46: {  	[sflag:s12] =	ssyncadd.s32 $0xFFFFC000  }
0x47: {  	[spmem:s2] =	stream.indirect.scatter.add.f32 [tilespmem:s11], [sflag:$0x3], $0x10, s29, s7, $0xb8;
	[tilespmem:$0x11F00] =	vst v63  }
0x48: {  	_ =	swait.ge [sflag:s8], $0x4000  }
0x49: {  	[sflag:s8] =	ssyncset.done $0x0  }
0x4a: {  	[sflag:s8] =	ssyncadd.s32 $0xFFFFC000  }
0x4b: {  	[tilespmem:s11], [sflag:$0x1] =	stream.indirect.gather [spmem:s3], $0x10, s28, s7, $0xb8;
	[tilespmem:$0x11F00] =	vst v63  }
0x4c: {  	_ =	swait.ge [sflag:s13], $0x4000  }
0x4d: {  	[sflag:s13] =	ssyncset.done $0x0  }
0x4e: {  	[sflag:s13] =	ssyncadd.s32 $0xFFFFC000  }
0x4f: {  	[spmem:s2] =	stream.indirect.scatter.add.f32 [tilespmem:s9], [sflag:$0x4], $0x10, s26, s7, $0xb8;
	[tilespmem:$0x11F00] =	vst v63  }
0x50: {  	_ =	swait.ge [sflag:s10], $0x4000  }
0x51: {  	[sflag:s10] =	ssyncset.done $0x0  }
0x52: {  	[sflag:s10] =	ssyncadd.s32 $0xFFFFC000  }
0x53: {  	[tilespmem:s9], [sflag:$0x2] =	stream.indirect.gather [spmem:s3], $0x10, s25, s7, $0xb8;
	[tilespmem:$0x11F00] =	vst v63  }
0x54: {  	_ =	swait.ge [sflag:s12], $0x4000  }
0x55: {  	[sflag:s12] =	ssyncset.done $0x0  }
0x56: {  	[sflag:s12] =	ssyncadd.s32 $0xFFFFC000  }
0x57: {  	[spmem:s2] =	stream.indirect.scatter.add.f32 [tilespmem:s11], [sflag:$0x3], $0x10, s24, s7, $0xb8;
	[tilespmem:$0x11F00] =	vst v63  }
0x58: {  	_ =	swait.ge [sflag:s8], $0x4000  }
0x59: {  	[sflag:s8] =	ssyncset.done $0x0  }
0x5a: {  	[sflag:s8] =	ssyncadd.s32 $0xFFFFC000  }
0x5b: {  	[tilespmem:s11], [sflag:$0x1] =	stream.indirect.gather [spmem:s3], $0x10, s23, s7, $0xb8;
	[tilespmem:$0x11F00] =	vst v63  }
0x5c: {  	_ =	swait.ge [sflag:s13], $0x4000  }
0x5d: {  	[sflag:s13] =	ssyncset.done $0x0  }
0x5e: {  	[sflag:s13] =	ssyncadd.s32 $0xFFFFC000  }
0x5f: {  	[spmem:s2] =	stream.indirect.scatter.add.f32 [tilespmem:s9], [sflag:$0x4], $0x10, s22, s7, $0xb8;
	[tilespmem:$0x11F00] =	vst v63  }
0x60: {  	_ =	swait.ge [sflag:s10], $0x4000  }
0x61: {  	[sflag:s10] =	ssyncset.done $0x0  }
0x62: {  	[sflag:s10] =	ssyncadd.s32 $0xFFFFC000  }
0x63: {  	[tilespmem:s9], [sflag:$0x2] =	stream.indirect.gather [spmem:s3], $0x10, s20, s7, $0xb8;
	[tilespmem:$0x11F00] =	vst v63  }
0x64: {  	_ =	swait.ge [sflag:s12], $0x4000  }
0x65: {  	[sflag:s12] =	ssyncset.done $0x0  }
0x66: {  	[sflag:s12] =	ssyncadd.s32 $0xFFFFC000  }
0x67: {  	[spmem:s2] =	stream.indirect.scatter.add.f32 [tilespmem:s11], [sflag:$0x3], $0x10, s21, s7, $0xb8;
	[tilespmem:$0x11F00] =	vst v63  }
0x68: {  	_ =	swait.ge [sflag:s8], $0x4000  }
0x69: {  	[sflag:s8] =	ssyncset.done $0x0  }
0x6a: {  	[sflag:s8] =	ssyncadd.s32 $0xFFFFC000  }
0x6b: {  	[tilespmem:s11], [sflag:$0x1] =	stream.indirect.gather [spmem:s3], $0x10, s19, s7, $0xb8;
	[tilespmem:$0x11F00] =	vst v63  }
0x6c: {  	_ =	swait.ge [sflag:s13], $0x4000  }
0x6d: {  	[sflag:s13] =	ssyncset.done $0x0  }
0x6e: {  	[sflag:s13] =	ssyncadd.s32 $0xFFFFC000  }
0x6f: {  	[spmem:s2] =	stream.indirect.scatter.add.f32 [tilespmem:s9], [sflag:$0x4], $0x10, s17, s7, $0xb8;
	[tilespmem:$0x11F00] =	vst v63  }
0x70: {  	_ =	swait.ge [sflag:s10], $0x4000  }
0x71: {  	[sflag:s10] =	ssyncset.done $0x0  }
0x72: {  	[sflag:s10] =	ssyncadd.s32 $0xFFFFC000  }
0x73: {  	[tilespmem:s9], [sflag:$0x2] =	stream.indirect.gather [spmem:s3], $0x10, s16, s7, $0xb8;
	[tilespmem:$0x11F00] =	vst v63  }
0x74: {  	_ =	swait.ge [sflag:s12], $0x4000  }
0x75: {  	[sflag:s12] =	ssyncset.done $0x0  }
0x76: {  	[sflag:s12] =	ssyncadd.s32 $0xFFFFC000  }
0x77: {  	[spmem:s2] =	stream.indirect.scatter.add.f32 [tilespmem:s11], [sflag:$0x3], $0x10, s15, s7, $0xb8;
	[tilespmem:$0x11F00] =	vst v63  }
0x78: {  	_ =	swait.ge [sflag:s13], $0x4000  }
0x79: {  	[sflag:s13] =	ssyncset.done $0x0  }
0x7a: {  	[sflag:s13] =	ssyncadd.s32 $0xFFFFC000  }
0x7b: {  	[spmem:s2] =	stream.indirect.scatter.add.f32 [tilespmem:s9], [sflag:$0x4], $0x10, s14, s7, $0xb8;
	[tilespmem:$0x11F00] =	vst v63  }
0x7c: {  	_ =	swait.ge [sflag:s8], $0x4000  }
0x7d: {  	[sflag:s8] =	ssyncset.done $0x0  }
0x7e: {  	[sflag:s8] =	ssyncadd.s32 $0xFFFFC000  }
0x7f: {  	_ =	swait.ge [sflag:s10], $0x4000  }
0x80: {  	[sflag:s10] =	ssyncset.done $0x0  }
0x81: {  	[sflag:s10] =	ssyncadd.s32 $0xFFFFC000  }
0x82: {  	[bflag:$0x0] =	sbarrier.arrive $0xFFFF  }
0x83: {  	s1 =	rddreg [dreg:$0x9]  }
0x84: {  	[hbm:s1], [sflag:s4] =	dma.local [spmem:s6], $0x4F0  }
0x85: {  	s0 =	rddreg [dreg:$0xd]  }
0x86: {  	p1 =	sne.s32 s0, $0x1  }
.Ltmp1:
0x87: {  	_ = 	snop;
	(pc) =	sbr.rel @!p1 .LBB2_3-.Ltmp1, $3  }
0x88: {  	_ =	sdelay $0x1  }
0x89: {  	p0 =	por $0x1, $0x1;
	_ =	swait.ge [sflag:s5], $0x4F0  }
0x8a: {  	s0 =	sadd.s32 $0xFFFFFFFF, s0;
	s1 =	rddreg [dreg:$0x5];
	[sflag:s5] =	ssyncset.done $0x0  }
.LBB2_2:
0x8b: {  	s14 =	rddreg [dreg:$0xa];
	[sflag:s5] =	ssyncadd.s32 $0xFFFFFB10  }
0x8c: {  	[spmem:s14], [sflag:s4] =	dma.local [hbm:s1], $0x4F0  }
0x8d: {  	_ =	swait.ge [sflag:s5], $0x4F0  }
0x8e: {  	[sflag:s5] =	ssyncset.done $0x0  }
0x8f: {  	s1 =	rddreg [dreg:$0x6];
	[sflag:s5] =	ssyncadd.s32 $0xFFFFFB10  }
0x90: {  	[spmem:s6], [sflag:s4] =	dma.local [hbm:s1], $0x4F0  }
0x91: {  	_ =	swait.ge [sflag:s5], $0x4F0  }
0x92: {  	[sflag:s5] =	ssyncset.done $0x0  }
0x93: {  	[sflag:s5] =	ssyncadd.s32 $0xFFFFFB10  }
0x94: {  	[bflag:$0x0] =	sbarrier.arrive $0xFFFF  }
0x95: {  	s1 =	rddreg [dreg:$0x7]  }
0x96: {  	[tilespmem:s18], [sflag:$0x5] =	stream.linear.gather [hbm4b:s1+s18], $0x2800, $0x38;
	[tilespmem:$0x11F00] =	vst v63  }
0x97: {  	_ =	swait.ge [sflag:s5], $0x2800  }
0x98: {  	[sflag:s5] =	ssyncset.done $0x0  }
0x99: {  	s1 =	rddreg [dreg:$0x8];
	[sflag:s5] =	ssyncadd.s32 $0xFFFFD800  }
0x9a: {  	[tilespmem:s31], [sflag:$0x5] =	stream.linear.gather [hbm4b:s1+s18], $0x2800, $0x38;
	[tilespmem:$0x11F00] =	vst v63  }
0x9b: {  	_ =	swait.ge [sflag:s5], $0x2800  }
0x9c: {  	[sflag:s5] =	ssyncset.done $0x0  }
0x9d: {  	[sflag:s5] =	ssyncadd.s32 $0xFFFFD800  }
0x9e: {  	[tilespmem:s11], [sflag:$0x1] =	stream.indirect.gather [spmem:s3], $0x10, s18, s7, $0xb8;
	[tilespmem:$0x11F00] =	vst v63  }
0x9f: {  	_ = 	snop  }
0xa0: {  	[tilespmem:s9], [sflag:$0x2] =	stream.indirect.gather [spmem:s3], $0x10, s7, s7, $0xb8;
	[tilespmem:$0x11F00] =	vst v63  }
0xa1: {  	_ =	swait.ge [sflag:s12], $0x4000  }
0xa2: {  	[sflag:s12] =	ssyncset.done $0x0  }
0xa3: {  	[sflag:s12] =	ssyncadd.s32 $0xFFFFC000  }
0xa4: {  	[spmem:s2] =	stream.indirect.scatter.add.f32 [tilespmem:s11], [sflag:$0x3], $0x10, s31, s7, $0xb8;
	[tilespmem:$0x11F00] =	vst v63  }
0xa5: {  	_ =	swait.ge [sflag:s8], $0x4000  }
0xa6: {  	[sflag:s8] =	ssyncset.done $0x0  }
0xa7: {  	s1 =	rddreg [dreg:$0xb];
	[sflag:s8] =	ssyncadd.s32 $0xFFFFC000  }
0xa8: {  	[tilespmem:s11], [sflag:$0x1] =	stream.indirect.gather [spmem:s3], $0x10, s1, s7, $0xb8;
	[tilespmem:$0x11F00] =	vst v63  }
0xa9: {  	_ =	swait.ge [sflag:s13], $0x4000  }
0xaa: {  	[sflag:s13] =	ssyncset.done $0x0  }
0xab: {  	s1 =	rddreg [dreg:$0xc];
	[sflag:s13] =	ssyncadd.s32 $0xFFFFC000  }
0xac: {  	[spmem:s2] =	stream.indirect.scatter.add.f32 [tilespmem:s9], [sflag:$0x4], $0x10, s1, s7, $0xb8;
	[tilespmem:$0x11F00] =	vst v63  }
0xad: {  	_ =	swait.ge [sflag:s10], $0x4000  }
0xae: {  	[sflag:s10] =	ssyncset.done $0x0  }
0xaf: {  	[sflag:s10] =	ssyncadd.s32 $0xFFFFC000  }
0xb0: {  	[tilespmem:s9], [sflag:$0x2] =	stream.indirect.gather [spmem:s3], $0x10, s30, s7, $0xb8;
	[tilespmem:$0x11F00] =	vst v63  }
0xb1: {  	_ =	swait.ge [sflag:s12], $0x4000  }
0xb2: {  	[sflag:s12] =	ssyncset.done $0x0  }
0xb3: {  	[sflag:s12] =	ssyncadd.s32 $0xFFFFC000  }
0xb4: {  	[spmem:s2] =	stream.indirect.scatter.add.f32 [tilespmem:s11], [sflag:$0x3], $0x10, s29, s7, $0xb8;
	[tilespmem:$0x11F00] =	vst v63  }
0xb5: {  	_ =	swait.ge [sflag:s8], $0x4000  }
0xb6: {  	[sflag:s8] =	ssyncset.done $0x0  }
0xb7: {  	[sflag:s8] =	ssyncadd.s32 $0xFFFFC000  }
0xb8: {  	[tilespmem:s11], [sflag:$0x1] =	stream.indirect.gather [spmem:s3], $0x10, s28, s7, $0xb8;
	[tilespmem:$0x11F00] =	vst v63  }
0xb9: {  	_ =	swait.ge [sflag:s13], $0x4000  }
0xba: {  	[sflag:s13] =	ssyncset.done $0x0  }
0xbb: {  	[sflag:s13] =	ssyncadd.s32 $0xFFFFC000  }
0xbc: {  	[spmem:s2] =	stream.indirect.scatter.add.f32 [tilespmem:s9], [sflag:$0x4], $0x10, s26, s7, $0xb8;
	[tilespmem:$0x11F00] =	vst v63  }
0xbd: {  	_ =	swait.ge [sflag:s10], $0x4000  }
0xbe: {  	[sflag:s10] =	ssyncset.done $0x0  }
0xbf: {  	[sflag:s10] =	ssyncadd.s32 $0xFFFFC000  }
0xc0: {  	[tilespmem:s9], [sflag:$0x2] =	stream.indirect.gather [spmem:s3], $0x10, s25, s7, $0xb8;
	[tilespmem:$0x11F00] =	vst v63  }
0xc1: {  	_ =	swait.ge [sflag:s12], $0x4000  }
0xc2: {  	[sflag:s12] =	ssyncset.done $0x0  }
0xc3: {  	[sflag:s12] =	ssyncadd.s32 $0xFFFFC000  }
0xc4: {  	[spmem:s2] =	stream.indirect.scatter.add.f32 [tilespmem:s11], [sflag:$0x3], $0x10, s24, s7, $0xb8;
	[tilespmem:$0x11F00] =	vst v63  }
0xc5: {  	_ =	swait.ge [sflag:s8], $0x4000  }
0xc6: {  	[sflag:s8] =	ssyncset.done $0x0  }
0xc7: {  	[sflag:s8] =	ssyncadd.s32 $0xFFFFC000  }
0xc8: {  	[tilespmem:s11], [sflag:$0x1] =	stream.indirect.gather [spmem:s3], $0x10, s23, s7, $0xb8;
	[tilespmem:$0x11F00] =	vst v63  }
0xc9: {  	_ =	swait.ge [sflag:s13], $0x4000  }
0xca: {  	[sflag:s13] =	ssyncset.done $0x0  }
0xcb: {  	[sflag:s13] =	ssyncadd.s32 $0xFFFFC000  }
0xcc: {  	[spmem:s2] =	stream.indirect.scatter.add.f32 [tilespmem:s9], [sflag:$0x4], $0x10, s22, s7, $0xb8;
	[tilespmem:$0x11F00] =	vst v63  }
0xcd: {  	_ =	swait.ge [sflag:s10], $0x4000  }
0xce: {  	[sflag:s10] =	ssyncset.done $0x0  }
0xcf: {  	[sflag:s10] =	ssyncadd.s32 $0xFFFFC000  }
0xd0: {  	[tilespmem:s9], [sflag:$0x2] =	stream.indirect.gather [spmem:s3], $0x10, s20, s7, $0xb8;
	[tilespmem:$0x11F00] =	vst v63  }
0xd1: {  	_ =	swait.ge [sflag:s12], $0x4000  }
0xd2: {  	[sflag:s12] =	ssyncset.done $0x0  }
0xd3: {  	[sflag:s12] =	ssyncadd.s32 $0xFFFFC000  }
0xd4: {  	[spmem:s2] =	stream.indirect.scatter.add.f32 [tilespmem:s11], [sflag:$0x3], $0x10, s21, s7, $0xb8;
	[tilespmem:$0x11F00] =	vst v63  }
0xd5: {  	_ =	swait.ge [sflag:s8], $0x4000  }
0xd6: {  	[sflag:s8] =	ssyncset.done $0x0  }
0xd7: {  	[sflag:s8] =	ssyncadd.s32 $0xFFFFC000  }
0xd8: {  	[tilespmem:s11], [sflag:$0x1] =	stream.indirect.gather [spmem:s3], $0x10, s19, s7, $0xb8;
	[tilespmem:$0x11F00] =	vst v63  }
0xd9: {  	_ =	swait.ge [sflag:s13], $0x4000  }
0xda: {  	[sflag:s13] =	ssyncset.done $0x0  }
0xdb: {  	[sflag:s13] =	ssyncadd.s32 $0xFFFFC000  }
0xdc: {  	[spmem:s2] =	stream.indirect.scatter.add.f32 [tilespmem:s9], [sflag:$0x4], $0x10, s17, s7, $0xb8;
	[tilespmem:$0x11F00] =	vst v63  }
0xdd: {  	_ =	swait.ge [sflag:s10], $0x4000  }
0xde: {  	[sflag:s10] =	ssyncset.done $0x0  }
0xdf: {  	[sflag:s10] =	ssyncadd.s32 $0xFFFFC000  }
0xe0: {  	[tilespmem:s9], [sflag:$0x2] =	stream.indirect.gather [spmem:s3], $0x10, s16, s7, $0xb8;
	[tilespmem:$0x11F00] =	vst v63  }
0xe1: {  	_ =	swait.ge [sflag:s12], $0x4000  }
0xe2: {  	[sflag:s12] =	ssyncset.done $0x0  }
0xe3: {  	[sflag:s12] =	ssyncadd.s32 $0xFFFFC000  }
0xe4: {  	[spmem:s2] =	stream.indirect.scatter.add.f32 [tilespmem:s11], [sflag:$0x3], $0x10, s15, s7, $0xb8;
	[tilespmem:$0x11F00] =	vst v63  }
0xe5: {  	_ =	swait.ge [sflag:s13], $0x4000  }
0xe6: {  	[sflag:s13] =	ssyncset.done $0x0  }
0xe7: {  	s14 =	simm.s32 $0x4C00;
	[sflag:s13] =	ssyncadd.s32 $0xFFFFC000  }
0xe8: {  	[spmem:s2] =	stream.indirect.scatter.add.f32 [tilespmem:s9], [sflag:$0x4], $0x10, s14, s7, $0xb8;
	[tilespmem:$0x11F00] =	vst v63  }
0xe9: {  	_ =	swait.ge [sflag:s8], $0x4000  }
0xea: {  	[sflag:s8] =	ssyncset.done $0x0  }
0xeb: {  	[sflag:s8] =	ssyncadd.s32 $0xFFFFC000  }
0xec: {  	_ =	swait.ge [sflag:s10], $0x4000  }
0xed: {  	[sflag:s10] =	ssyncset.done $0x0  }
0xee: {  	p1 =	sne.s32 s0, $0x1;
	[sflag:s10] =	ssyncadd.s32 $0xFFFFC000  }
.Ltmp2:
0xef: {  	[bflag:$0x0] =	sbarrier.arrive $0xFFFF;
	(pc) =	sbr.rel @p1 .LBB2_2-.Ltmp2, $4  }
0xf0: {  	s1 =	rddreg [dreg:$0x9]  }
0xf1: {  	[hbm:s1], [sflag:s4] =	dma.local [spmem:s6], $0x4F0  }
0xf2: {  	_ =	swait.ge [sflag:s5], $0x4F0  }
0xf3: {  	s0 =	sadd.s32 $0xFFFFFFFF, s0;
	s1 =	rddreg [dreg:$0x5];
	[sflag:s5] =	ssyncset.done $0x0  }
.LBB2_3:
0xf4: {  	s0 =	rddreg [dreg:$0xa];
	[sflag:s5] =	ssyncadd.s32 @p0 $0xFFFFFB10  }
0xf5: {  	[spmem:s0], [sflag:s4] =	dma.local [hbm:s1], $0x4F0  }
0xf6: {  	_ =	swait.ge [sflag:s5], $0x4F0  }
0xf7: {  	[sflag:s5] =	ssyncset.done $0x0  }
0xf8: {  	s1 =	rddreg [dreg:$0x6];
	[sflag:s5] =	ssyncadd.s32 $0xFFFFFB10  }
0xf9: {  	[spmem:s6], [sflag:s4] =	dma.local [hbm:s1], $0x4F0  }
0xfa: {  	_ =	swait.ge [sflag:s5], $0x4F0  }
0xfb: {  	[sflag:s5] =	ssyncset.done $0x0  }
0xfc: {  	[sflag:s5] =	ssyncadd.s32 $0xFFFFFB10  }
0xfd: {  	[bflag:$0x0] =	sbarrier.arrive $0xFFFF  }
0xfe: {  	s1 =	rddreg [dreg:$0x7]  }
0xff: {  	[tilespmem:s18], [sflag:$0x5] =	stream.linear.gather [hbm4b:s1+s18], $0x2800, $0x38;
	[tilespmem:$0x11F00] =	vst v63  }
0x100: {  	_ =	swait.ge [sflag:s5], $0x2800  }
0x101: {  	[sflag:s5] =	ssyncset.done $0x0  }
0x102: {  	s1 =	rddreg [dreg:$0x8];
	[sflag:s5] =	ssyncadd.s32 $0xFFFFD800  }
0x103: {  	[tilespmem:s31], [sflag:$0x5] =	stream.linear.gather [hbm4b:s1+s18], $0x2800, $0x38;
	[tilespmem:$0x11F00] =	vst v63  }
0x104: {  	_ =	swait.ge [sflag:s5], $0x2800  }
0x105: {  	[sflag:s5] =	ssyncset.done $0x0  }
0x106: {  	[sflag:s5] =	ssyncadd.s32 $0xFFFFD800  }
0x107: {  	[tilespmem:s11], [sflag:$0x1] =	stream.indirect.gather [spmem:s3], $0x10, s18, s7, $0xb8;
	[tilespmem:$0x11F00] =	vst v63  }
0x108: {  	_ = 	snop  }
0x109: {  	[tilespmem:s9], [sflag:$0x2] =	stream.indirect.gather [spmem:s3], $0x10, s7, s7, $0xb8;
	[tilespmem:$0x11F00] =	vst v63  }
0x10a: {  	_ =	swait.ge [sflag:s12], $0x4000  }
0x10b: {  	[sflag:s12] =	ssyncset.done $0x0  }
0x10c: {  	[sflag:s12] =	ssyncadd.s32 $0xFFFFC000  }
0x10d: {  	[spmem:s2] =	stream.indirect.scatter.add.f32 [tilespmem:s11], [sflag:$0x3], $0x10, s31, s7, $0xb8;
	[tilespmem:$0x11F00] =	vst v63  }
0x10e: {  	_ =	swait.ge [sflag:s8], $0x4000  }
0x10f: {  	[sflag:s8] =	ssyncset.done $0x0  }
0x110: {  	s1 =	rddreg [dreg:$0xb];
	[sflag:s8] =	ssyncadd.s32 $0xFFFFC000  }
0x111: {  	[tilespmem:s11], [sflag:$0x1] =	stream.indirect.gather [spmem:s3], $0x10, s1, s7, $0xb8;
	[tilespmem:$0x11F00] =	vst v63  }
0x112: {  	_ =	swait.ge [sflag:s13], $0x4000  }
0x113: {  	[sflag:s13] =	ssyncset.done $0x0  }
0x114: {  	s18 =	rddreg [dreg:$0xc];
	[sflag:s13] =	ssyncadd.s32 $0xFFFFC000  }
0x115: {  	[spmem:s2] =	stream.indirect.scatter.add.f32 [tilespmem:s9], [sflag:$0x4], $0x10, s18, s7, $0xb8;
	[tilespmem:$0x11F00] =	vst v63  }
0x116: {  	_ =	swait.ge [sflag:s10], $0x4000  }
0x117: {  	[sflag:s10] =	ssyncset.done $0x0  }
0x118: {  	[sflag:s10] =	ssyncadd.s32 $0xFFFFC000  }
0x119: {  	[tilespmem:s9], [sflag:$0x2] =	stream.indirect.gather [spmem:s3], $0x10, s30, s7, $0xb8;
	[tilespmem:$0x11F00] =	vst v63  }
0x11a: {  	_ =	swait.ge [sflag:s12], $0x4000  }
0x11b: {  	[sflag:s12] =	ssyncset.done $0x0  }
0x11c: {  	[sflag:s12] =	ssyncadd.s32 $0xFFFFC000  }
0x11d: {  	[spmem:s2] =	stream.indirect.scatter.add.f32 [tilespmem:s11], [sflag:$0x3], $0x10, s29, s7, $0xb8;
	[tilespmem:$0x11F00] =	vst v63  }
0x11e: {  	_ =	swait.ge [sflag:s8], $0x4000  }
0x11f: {  	[sflag:s8] =	ssyncset.done $0x0  }
0x120: {  	[sflag:s8] =	ssyncadd.s32 $0xFFFFC000  }
0x121: {  	[tilespmem:s11], [sflag:$0x1] =	stream.indirect.gather [spmem:s3], $0x10, s28, s7, $0xb8;
	[tilespmem:$0x11F00] =	vst v63  }
0x122: {  	_ =	swait.ge [sflag:s13], $0x4000  }
0x123: {  	[sflag:s13] =	ssyncset.done $0x0  }
0x124: {  	[sflag:s13] =	ssyncadd.s32 $0xFFFFC000  }
0x125: {  	[spmem:s2] =	stream.indirect.scatter.add.f32 [tilespmem:s9], [sflag:$0x4], $0x10, s26, s7, $0xb8;
	[tilespmem:$0x11F00] =	vst v63  }
0x126: {  	_ =	swait.ge [sflag:s10], $0x4000  }
0x127: {  	[sflag:s10] =	ssyncset.done $0x0  }
0x128: {  	[sflag:s10] =	ssyncadd.s32 $0xFFFFC000  }
0x129: {  	[tilespmem:s9], [sflag:$0x2] =	stream.indirect.gather [spmem:s3], $0x10, s25, s7, $0xb8;
	[tilespmem:$0x11F00] =	vst v63  }
0x12a: {  	_ =	swait.ge [sflag:s12], $0x4000  }
0x12b: {  	[sflag:s12] =	ssyncset.done $0x0  }
0x12c: {  	[sflag:s12] =	ssyncadd.s32 $0xFFFFC000  }
0x12d: {  	[spmem:s2] =	stream.indirect.scatter.add.f32 [tilespmem:s11], [sflag:$0x3], $0x10, s24, s7, $0xb8;
	[tilespmem:$0x11F00] =	vst v63  }
0x12e: {  	_ =	swait.ge [sflag:s8], $0x4000  }
0x12f: {  	[sflag:s8] =	ssyncset.done $0x0  }
0x130: {  	[sflag:s8] =	ssyncadd.s32 $0xFFFFC000  }
0x131: {  	[tilespmem:s11], [sflag:$0x1] =	stream.indirect.gather [spmem:s3], $0x10, s23, s7, $0xb8;
	[tilespmem:$0x11F00] =	vst v63  }
0x132: {  	_ =	swait.ge [sflag:s13], $0x4000  }
0x133: {  	[sflag:s13] =	ssyncset.done $0x0  }
0x134: {  	[sflag:s13] =	ssyncadd.s32 $0xFFFFC000  }
0x135: {  	[spmem:s2] =	stream.indirect.scatter.add.f32 [tilespmem:s9], [sflag:$0x4], $0x10, s22, s7, $0xb8;
	[tilespmem:$0x11F00] =	vst v63  }
0x136: {  	_ =	swait.ge [sflag:s10], $0x4000  }
0x137: {  	[sflag:s10] =	ssyncset.done $0x0  }
0x138: {  	[sflag:s10] =	ssyncadd.s32 $0xFFFFC000  }
0x139: {  	[tilespmem:s9], [sflag:$0x2] =	stream.indirect.gather [spmem:s3], $0x10, s20, s7, $0xb8;
	[tilespmem:$0x11F00] =	vst v63  }
0x13a: {  	_ =	swait.ge [sflag:s12], $0x4000  }
0x13b: {  	[sflag:s12] =	ssyncset.done $0x0  }
0x13c: {  	[sflag:s12] =	ssyncadd.s32 $0xFFFFC000  }
0x13d: {  	[spmem:s2] =	stream.indirect.scatter.add.f32 [tilespmem:s11], [sflag:$0x3], $0x10, s21, s7, $0xb8;
	[tilespmem:$0x11F00] =	vst v63  }
0x13e: {  	_ =	swait.ge [sflag:s8], $0x4000  }
0x13f: {  	[sflag:s8] =	ssyncset.done $0x0  }
0x140: {  	[sflag:s8] =	ssyncadd.s32 $0xFFFFC000  }
0x141: {  	[tilespmem:s11], [sflag:$0x1] =	stream.indirect.gather [spmem:s3], $0x10, s19, s7, $0xb8;
	[tilespmem:$0x11F00] =	vst v63  }
0x142: {  	_ =	swait.ge [sflag:s13], $0x4000  }
0x143: {  	[sflag:s13] =	ssyncset.done $0x0  }
0x144: {  	[sflag:s13] =	ssyncadd.s32 $0xFFFFC000  }
0x145: {  	[spmem:s2] =	stream.indirect.scatter.add.f32 [tilespmem:s9], [sflag:$0x4], $0x10, s17, s7, $0xb8;
	[tilespmem:$0x11F00] =	vst v63  }
0x146: {  	_ =	swait.ge [sflag:s10], $0x4000  }
0x147: {  	[sflag:s10] =	ssyncset.done $0x0  }
0x148: {  	[sflag:s10] =	ssyncadd.s32 $0xFFFFC000  }
0x149: {  	[tilespmem:s9], [sflag:$0x2] =	stream.indirect.gather [spmem:s3], $0x10, s16, s7, $0xb8;
	[tilespmem:$0x11F00] =	vst v63  }
0x14a: {  	_ =	swait.ge [sflag:s12], $0x4000  }
0x14b: {  	[sflag:s12] =	ssyncset.done $0x0  }
0x14c: {  	[sflag:s12] =	ssyncadd.s32 $0xFFFFC000  }
0x14d: {  	[spmem:s2] =	stream.indirect.scatter.add.f32 [tilespmem:s11], [sflag:$0x3], $0x10, s15, s7, $0xb8;
	[tilespmem:$0x11F00] =	vst v63  }
0x14e: {  	_ =	swait.ge [sflag:s13], $0x4000  }
0x14f: {  	[sflag:s13] =	ssyncset.done $0x0  }
0x150: {  	[sflag:s13] =	ssyncadd.s32 $0xFFFFC000  }
0x151: {  	[spmem:s2] =	stream.indirect.scatter.add.f32 [tilespmem:s9], [sflag:$0x4], $0x10, s14, s7, $0xb8;
	[tilespmem:$0x11F00] =	vst v63  }
0x152: {  	_ =	swait.ge [sflag:s8], $0x4000  }
0x153: {  	[sflag:s8] =	ssyncset.done $0x0  }
0x154: {  	[sflag:s8] =	ssyncadd.s32 $0xFFFFC000  }
0x155: {  	_ =	swait.ge [sflag:s10], $0x4000  }
0x156: {  	[sflag:s10] =	ssyncset.done $0x0  }
0x157: {  	[sflag:s10] =	ssyncadd.s32 $0xFFFFC000  }
0x158: {  	[bflag:$0x0] =	sbarrier.arrive $0xFFFF  }
0x159: {  	s30 =	rddreg [dreg:$0x9]  }
0x15a: {  	[hbm:s30], [sflag:s4] =	dma.local [spmem:s6], $0x4F0  }
0x15b: {  	_ =	swait.ge [sflag:s5], $0x4F0  }
0x15c: {  	[sflag:s5] =	ssyncset.done $0x0  }
0x15d: {  	[sflag:s5] =	ssyncadd.s32 $0xFFFFFB10  }
0x15e: {  	_ =	sfence.sel $0x180000  }
0x15f: {  	[bflag:$0x0] =	sbarrier.arrive $0xFFFF  }
0x160: {  	_ =	strace $0x9000004A  }
0x161: {  	s31 =	stileid.u32;
	[bflag:$0x2] =	sbarrier.arrive $0xFFFF  }
0x162: {  	p0 =	sne.s32 s31, $0x0;
	s0 =	rddreg [dreg:$0x4]  }
0x163: {  	s0 =	sadd.s32 @!p0 $0x100000, s0  }
0x164: {  	[sflag:s0] =	ssyncadd.tile.s32 @!p0 $0x1;
	_ =	shalt  }
.Lfunc_end2:
_tile_overlayer_lowered:
.L_overlay_start_2:
0x165: {  	(tag) =	ssettag $0x2  }
0x166: {  	s0 =	rddreg [dreg:$0x0];
	s2 =	stileid.u32  }
0x167: {  	s1 =	rddreg [dreg:$0x1];
	p0 =	sne.s32 s2, $0x0  }
0x168: {  	s3 =	rddreg [dreg:$0x2];
	[bflag:$0x3] =	sbarrier.arrive $0xFFFF;
	s2 =	simm.s32 @!p0 $0x1C05  }
0x169: {  	[timem:s3], [sflag:s2] =	dma.local @!p0 [hbm:s0], s1  }
0x16a: {  	s0 =	simm.s32 @!p0 $0x5  }
0x16b: {  	_ =	swait.ge @!p0 [sflag:s0], s1  }
0x16c: {  	s1 =	ssub.s32 @!p0 $0x0, s1;
	[sflag:s0] =	ssyncset.done @!p0 $0x0  }
0x16d: {  	[sflag:s0] =	ssyncadd.s32 @!p0 s1  }
0x16e: {  	[bflag:$0x3] =	sbarrier.arrive $0xFFFF  }
0x16f: {  	_ =	shalt  }

// kernel: kernel.7.cloned.1.call-start
scs
__scs_entry_jumppad:
0x0: {  	(pc) =	sbr.rel $0x88, $3  }
0x1: {  	(tag) =	ssettag $0x0;
	lr =	simm.s32 $0x1  }
0x2: {  	[smem:$0x3F92] =	sst lr;
	_ =	strace $0xD0000000  }
0x3: {  	_ = 	snop  }
0x4: {  	_ = 	snop  }
0x5: {  	_ = 	snop  }
0x6: {  	_ = 	snop  }
0x7: {  	_ = 	snop  }
__scs_overlays_trampoline_lowered:
0x8: {  	[smem:$0x3FA1] =	sst s0  }
0x9: {  	[smem:$0x3FA2] =	sst s1  }
0xa: {  	[smem:$0x3FA3] =	sst s2  }
0xb: {  	[smem:$0x3FA4] =	sst s3  }
0xc: {  	[smem:$0x3FA5] =	sst s4  }
0xd: {  	[smem:$0x3FA6] =	sst s5  }
0xe: {  	[smem:$0x3FA7] =	sst s6  }
0xf: {  	[smem:$0x3FA8] =	sst s7  }
0x10: {  	[smem:$0x3FA9] =	sst s8  }
0x11: {  	[smem:$0x3FAA] =	sst s9;
	s0 =	simm.s32 @!p0 $0x0  }
0x12: {  	s1 =	sld [smem:$0x3F90];
	s0 =	simm.s32 @p0 $0x1  }
0x13: {  	[smem:$0x3FAB] =	sst s0;
	s0 =	simm.s32 @!p1 $0x0  }
0x14: {  	s2 =	sld [smem:$0x3F8F];
	s0 =	simm.s32 @p1 $0x1  }
0x15: {  	[smem:$0x3FAC] =	sst s0;
	s0 =	simm.s32 @!p2 $0x0  }
0x16: {  	s3 =	sld [smem:$0x3FDB];
	s0 =	simm.s32 @p2 $0x1  }
0x17: {  	s4 =	simm.s32 $0x1BF5;
	[smem:$0x3FAE] =	sst s0  }
0x18: {  	s0 =	sld [smem:$0x3F91];
	_ =	swait.ge [sflag:s4], $0x0  }
0x19: {  	s7 =	sld [smem:$0x3F92]  }
0x1a: {  	s8 =	sadd.s32 $0xFFFFE003, lr  }
0x1b: {  	s9 =	sadd.s32 $0xFFFFFEF7, lr;
	s5 =	simm.s32 $0xFFFFFFFF;
	p2 =	slt.u32 s8, $0xFFFFF086  }
0x1c: {  	p1 =	slt.u32 s9, $0xF7A;
	s5 =	simm.s32 @!p2 $0x0  }
0x1d: {  	s5 =	simm.s32 @p1 $0x1;
	p0 =	seq.s32 s7, s2  }
0x1e: {  	s7 =	smul.u32 @!p0 $0xF7A, s2;
	p2 =	seq.s32 @!p0 s5, $0x0  }
0x1f: {  	s9 =	smul.u32 $0xF7A, s1;
	s8 =	simm.s32 @!p0 $0x1BF5;
	p2 =	por !p2, p0  }
0x20: {  	[sflag:s8] =	ssyncset.s32 @!p0 $0xFFFFF086;
	s6 =	sadd.s32 @!p0 s3, s7;
	s7 =	simm.s32 @!p0 $0x108  }
0x21: {  	s3 =	sadd.s32 s3, s9;
	s6 =	sadd.s32 @!p0 $0x88, s6;
	s7 =	simm.s32 @p2 $0x1082  }
0x22: {  	[simem:s7], [sflag:s8] =	dma.local @!p0 [hbm:s6], $0xF7A  }
0x23: {  	s9 =	sor.u32 $0xD0000000, s2;
	s6 =	simm.s32 $0x108;
	_ =	swait.ge @!p0 [sflag:s8], $0x0  }
0x24: {  	s3 =	sadd.s32 $0x88, s3;
	s6 =	simm.s32 @!p1 $0x1082;
	[sflag:s4] =	ssyncset.s32 $0xFFFFF086  }
0x25: {  	[simem:s6], [sflag:s4] =	dma.local [hbm:s3], $0xF7A  }
0x26: {  	[smem:$0x3F92] =	sst s1;
	(tag) =	ssettag s2;
	_ =	strace s9  }
0x27: {  	s1 =	sld [smem:$0x3FA2]  }
0x28: {  	s2 =	sld [smem:$0x3FA3]  }
0x29: {  	s4 =	sld [smem:$0x3FA5]  }
0x2a: {  	p0 =	seq.s32 s5, $0x0;
	s5 =	sld [smem:$0x3FA6]  }
0x2b: {  	s6 =	sld [smem:$0x3FA7]  }
0x2c: {  	s7 =	sld [smem:$0x3FA8]  }
0x2d: {  	s3 =	simm.s32 $0x108;
	s8 =	sld [smem:$0x3FA9]  }
0x2e: {  	s3 =	simm.s32 @!p0 $0x1082;
	s9 =	sld [smem:$0x3FAA]  }
0x2f: {  	lr =	sadd.s32 s0, s3;
	s0 =	sld [smem:$0x3FA1]  }
0x30: {  	s3 =	sld [smem:$0x3FA4]  }
0x31: {  	[smem:$0x3FAD] =	sst s10  }
0x32: {  	s10 =	sld [smem:$0x3FAB];
	_ =	sdelay $0x3  }
0x33: {  	p0 =	seq.s32 s10, $0x1;
	s10 =	sld [smem:$0x3FAD];
	_ =	sdelay $0x3  }
0x34: {  	[smem:$0x3FAD] =	sst s10  }
0x35: {  	s10 =	sld [smem:$0x3FAC];
	_ =	sdelay $0x3  }
0x36: {  	p1 =	seq.s32 s10, $0x1;
	s10 =	sld [smem:$0x3FAD];
	_ =	sdelay $0x3  }
0x37: {  	[smem:$0x3FAD] =	sst s10  }
0x38: {  	s10 =	sld [smem:$0x3FAE]  }
0x39: {  	_ = 	snop;
	(pc) =	sbr.ind lr, $3  }
0x3a: {  	_ = 	snop  }
0x3b: {  	_ = 	snop  }
0x3c: {  	p2 =	seq.s32 s10, $0x1;
	s10 =	sld [smem:$0x3FAD]  }
0x3d: {  	_ =	shalt  }
0x3e: {  	_ =	shalt  }
0x3f: {  	_ =	shalt  }
0x40: {  	_ =	shalt  }
0x41: {  	_ =	shalt  }
0x42: {  	_ =	shalt  }
0x43: {  	_ =	shalt  }
0x44: {  	_ =	shalt  }
0x45: {  	_ =	shalt  }
0x46: {  	_ =	shalt  }
0x47: {  	_ =	shalt  }
0x48: {  	_ =	shalt  }
0x49: {  	_ =	shalt  }
0x4a: {  	_ =	shalt  }
0x4b: {  	_ =	shalt  }
0x4c: {  	_ =	shalt  }
0x4d: {  	_ =	shalt  }
0x4e: {  	_ =	shalt  }
0x4f: {  	_ =	shalt  }
0x50: {  	_ =	shalt  }
0x51: {  	_ =	shalt  }
0x52: {  	_ =	shalt  }
0x53: {  	_ =	shalt  }
0x54: {  	_ =	shalt  }
0x55: {  	_ =	shalt  }
0x56: {  	_ =	shalt  }
0x57: {  	_ =	shalt  }
0x58: {  	_ =	shalt  }
0x59: {  	_ =	shalt  }
0x5a: {  	_ =	shalt  }
0x5b: {  	_ =	shalt  }
0x5c: {  	_ =	shalt  }
0x5d: {  	_ =	shalt  }
0x5e: {  	_ =	shalt  }
0x5f: {  	_ =	shalt  }
0x60: {  	_ =	shalt  }
0x61: {  	_ =	shalt  }
0x62: {  	_ =	shalt  }
0x63: {  	_ =	shalt  }
0x64: {  	_ =	shalt  }
0x65: {  	_ =	shalt  }
0x66: {  	_ =	shalt  }
0x67: {  	_ =	shalt  }
0x68: {  	_ =	shalt  }
0x69: {  	_ =	shalt  }
0x6a: {  	_ =	shalt  }
0x6b: {  	_ =	shalt  }
0x6c: {  	_ =	shalt  }
0x6d: {  	_ =	shalt  }
0x6e: {  	_ =	shalt  }
0x6f: {  	_ =	shalt  }
0x70: {  	_ =	shalt  }
0x71: {  	_ =	shalt  }
0x72: {  	_ =	shalt  }
0x73: {  	_ =	shalt  }
0x74: {  	_ =	shalt  }
0x75: {  	_ =	shalt  }
0x76: {  	_ =	shalt  }
0x77: {  	_ =	shalt  }
0x78: {  	_ =	shalt  }
0x79: {  	_ =	shalt  }
0x7a: {  	_ =	shalt  }
0x7b: {  	_ =	shalt  }
0x7c: {  	_ =	shalt  }
0x7d: {  	_ =	shalt  }
0x7e: {  	_ =	shalt  }
0x7f: {  	_ =	shalt  }
0x80: {  	_ =	shalt  }
0x81: {  	_ =	shalt  }
0x82: {  	_ =	shalt  }
0x83: {  	_ =	shalt  }
0x84: {  	_ =	shalt  }
0x85: {  	_ =	shalt  }
0x86: {  	_ =	shalt  }
0x87: {  	_ =	shalt  }
.Lfunc_end0:
.L_simem_size_0:
called_computation_lowered:
.L_overlay_start_0:
0x88: {  	s2 =	sld [smem:$0x3FD9]  }
0x89: {  	s3 =	sld [smem:$0x3FFE];
	_ =	sdelay $0x1  }
0x8a: {  	s1 =	srdreg.scid  }
0x8b: {  	s0 =	sand.u32 $0x1, s1  }
0x8c: {  	s17 =	sshll.u32 s0, $0xA;
	s2 =	sadd.s32 s3, s2  }
0x8d: {  	s2 =	sadd.s32 s2, s17  }
0x8e: {  	[smem:$0x3FB9] =	sst s2  }
0x8f: {  	_ = 	snop  }
0x90: {  	s2 =	sld [smem:$0x3FD0];
	(tm) =	ssettm $0x1  }
0x91: {  	s18 =	sld [smem:$0x3FFB];
	_ =	sdelay $0x3  }
0x92: {  	_ =	strace s18  }
0x93: {  	s3 =	sld [smem:$0x3FFC];
	_ =	sdelay $0x3  }
0x94: {  	_ =	strace s3  }
0x95: {  	s3 =	sld [smem:$0x3FFD];
	_ =	sdelay $0x3  }
0x96: {  	_ =	strace s3  }
0x97: {  	_ =	strace $0x8FFFFFFF  }
0x98: {  	s19 =	sld [smem:$0x3FDB];
	_ =	sdelay $0x1  }
0x99: {  	s4 =	simm.s32 $_scs_section_size  }
0x9a: {  	s5 =	simm.s32 $_size__tile_overlayer_lowered;
	s6 =	simm.s32 $_tile_overlayer_lowered  }
0x9b: {  	s22 =	simm.s32 $0x1BFF;
	s21 =	sshll.u32 s6, $0x1;
	s3 =	sadd.s32 s4, s19  }
0x9c: {  	s7 =	simm.s32 $0x0;
	s20 =	sshll.u32 s5, $0x1;
	s5 =	sadd.s32 s21, s3  }
0x9d: {  	[timem:s7], [sflag:s22] =	dma.local [hbm:s5], s20  }
0x9e: {  	_ =	swait.ge [sflag:s22], s20  }
0x9f: {  	s4 =	ssub.s32 $0x0, s20;
	[sflag:s22] =	ssyncset.done $0x0  }
0xa0: {  	[sflag:s22] =	ssyncadd.s32 s4;
	_ =	sdelay $0x1  }
0xa1: {  	s23 =	simm.s32 $0x1B8B  }
0xa2: {  	_ =	swait.ge [sflag:s23], $0x1  }
0xa3: {  	[sflag:s23] =	ssyncset.done $0x0  }
0xa4: {  	s25 =	simm.s32 $0x1B8E;
	s24 =	sld [smem:$0x3FFE];
	[sflag:s23] =	ssyncadd.s32 $0xFFFFFFFF  }
0xa5: {  	s26 =	simm.s32 $execute0_lowered;
	[smem:$0x3FD2] =	sst s25  }
0xa6: {  	s5 =	sshll.u32 s26, $0x1;
	_ =	strace $0x80000046;
	[dreg:$0x1] =	wrdreg $0xFFFFFFFF  }
0xa7: {  	s28 =	simm.s32 $_size_execute0_lowered;
	s3 =	sadd.s32 s3, s5;
	[dreg:$0x0] =	wrdreg $0x0  }
0xa8: {  	s5 =	sshll.u32 s28, $0x1;
	[dreg:$0x2] =	wrdreg s3  }
0xa9: {  	[dreg:$0x3] =	wrdreg s5  }
0xaa: {  	[dreg:$0x4] =	wrdreg $0xC0  }
0xab: {  	_ =	task [dreg:s7], $0x5FFFF  }
0xac: {  	[dreg:$0x1] =	wrdreg $0xFFFFFFFF  }
0xad: {  	[dreg:$0x0] =	wrdreg $0x60  }
0xae: {  	[dreg:$0x2] =	wrdreg s24  }
0xaf: {  	[dreg:$0x3] =	wrdreg s2  }
0xb0: {  	[dreg:$0x4] =	wrdreg $0xF7800  }
0xb1: {  	[dreg:$0x5] =	wrdreg $0xD0000  }
0xb2: {  	[dreg:$0x6] =	wrdreg $0x1B7000  }
0xb3: {  	[dreg:$0x7] =	wrdreg $0x9  }
0xb4: {  	_ =	task.clear_ibuf [dreg:s7], $0x8FFFF;
	_ =	strace $0x90000046  }
0xb5: {  	s29 =	simm.s32 $0x9;
	_ =	strace $0x80000048  }
0xb6: {  	_ =	swait.ge [sflag:s29], $0x1  }
0xb7: {  	[sflag:s29] =	ssyncadd.s32 $0xFFFFFFFF  }
0xb8: {  	_ =	strace $0x90000048  }
0xb9: {  	_ =	sfence  }
0xba: {  	s30 =	sld [smem:$0x0];
	_ =	sdelay $0x2  }
0xbb: {  	s31 =	sshll.u32 s1, $0xD;
	s1 =	sshrl.u32 s1, $0x2  }
0xbc: {  	s3 =	sand.u32 $0x4000, s31;
	s1 =	sadd.s32 s1, s30  }
0xbd: {  	s0 =	sor.u32 s3, s0;
	s1 =	sshll.u32 s1, $0x11  }
0xbe: {  	s0 =	sor.u32 s1, s0  }
0xbf: {  	s0 =	sadd.s32 $0x8F2B, s0  }
0xc0: {  	[sflag:s0] =	ssyncadd.remote.s32 $0x1  }
0xc1: {  	_ =	sfence.sel $0xFFFF  }
0xc2: {  	[dreg:$0x0] =	wrdreg $0xFFFFFFFF;
	(pc) =	sbr.abs _section_cstart, $3  }
0xc3: {  	[dreg:$0x1] =	wrdreg $0xFFFFFFFF  }
0xc4: {  	_ =	task.clear_ibuf [dreg:s7], $0x2FFFF;
	_ =	strace $0x9FFFFFFF  }
0xc5: {  	(tm) =	ssettm $0x7FFFFFFF  }
tec
execute0_lowered:
.L_overlay_start_1:
0x0: {  	(tag) =	ssettag $0x1  }
0x1: {  	s0 =	srdreg.scid  }
0x2: {  	s12 =	stileid.u32;
	s4 =	rddreg [dreg:$0x0]  }
0x3: {  	s5 =	rddreg [dreg:$0x1];
	s3 =	sand.u32 $0x1, s0;
	s15 =	sshll.u32 s12, $0x1  }
0x4: {  	s28 =	rddreg [dreg:$0x2];
	s0 =	sor.u32 s3, s15;
	s7 =	smul.u32 $0x27800, s3  }
0x5: {  	s1 =	simm.s32 $0x0;
	s29 =	rddreg [dreg:$0x3];
	s2 =	smul.u32 $0x2800, s0  }
0x6: {  	[smem:$0x7FF] =	sst s1;
	s8 =	sadd.s32 $0x7C00, s4;
	s0 =	smul.u32 $0x2780, s12  }
0x7: {  	s9 =	sadd.s32 $0x11C00, s4;
	s10 =	sadd.s32 $0x1BC00, s4;
	s3 =	ssub.s32 $0x2, s3  }
0x8: {  	s16 =	sshrl.u32 s3, $0x1;
	s6 =	sshrl.u32 s2, $0x3;
	s7 =	sadd.s32 s0, s7  }
0x9: {  	s11 =	sshrl.u32 s0, $0x3;
	s2 =	sadd.s32 s6, s4;
	s7 =	sshrl.u32 s7, $0x3  }
0xa: {  	s11 =	sadd.s32 s11, s4;
	s17 =	sadd.s32 s5, s6;
	s18 =	sor.u32 $0x80, s6  }
0xb: {  	s21 =	sadd.s32 $0x100, s6;
	[dreg:$0x6] =	wrdreg s17;
	s19 =	sadd.s32 s8, s18  }
0xc: {  	s4 =	sadd.s32 s7, s4;
	s20 =	sadd.s32 s9, s18;
	[dreg:$0x7] =	wrdreg s19  }
0xd: {  	s7 =	ssub.s32 s3, s16;
	s3 =	sadd.s32 s10, s18;
	[dreg:$0x8] =	wrdreg s20  }
0xe: {  	s22 =	sadd.s32 s8, s21;
	[dreg:$0x9] =	wrdreg s3  }
0xf: {  	s13 =	sadd.s32 s9, s21;
	[dreg:$0xa] =	wrdreg s22  }
0x10: {  	s23 =	sadd.s32 $0x180, s6;
	s5 =	sadd.s32 s10, s21;
	[dreg:$0xb] =	wrdreg s13  }
0x11: {  	s24 =	sadd.s32 s8, s23;
	[dreg:$0xc] =	wrdreg s5  }
0x12: {  	s26 =	sadd.s32 $0x200, s6;
	s25 =	sadd.s32 s9, s23;
	[dreg:$0xd] =	wrdreg s24  }
0x13: {  	s15 =	sadd.s32 $0x280, s6;
	s14 =	sadd.s32 s9, s26;
	[dreg:$0xe] =	wrdreg s25  }
0x14: {  	s16 =	sadd.s32 s8, s15;
	[dreg:$0x11] =	wrdreg s14  }
0x15: {  	s18 =	sadd.s32 s9, s15;
	[dreg:$0x13] =	wrdreg s16  }
0x16: {  	s3 =	sadd.s32 s10, s23;
	[dreg:$0x14] =	wrdreg s18  }
0x17: {  	s13 =	sadd.s32 s8, s26;
	[dreg:$0xf] =	wrdreg s3  }
0x18: {  	s17 =	sadd.s32 $0x300, s6;
	s5 =	sadd.s32 s10, s15;
	[dreg:$0x10] =	wrdreg s13  }
0x19: {  	s19 =	sadd.s32 s8, s17;
	[dreg:$0x15] =	wrdreg s5  }
0x1a: {  	s21 =	sadd.s32 $0x380, s6;
	s20 =	sadd.s32 s9, s17;
	[dreg:$0x16] =	wrdreg s19  }
0x1b: {  	s22 =	sadd.s32 s8, s21;
	[dreg:$0x17] =	wrdreg s20  }
0x1c: {  	s23 =	sadd.s32 s9, s21;
	[dreg:$0x19] =	wrdreg s22  }
0x1d: {  	s24 =	sadd.s32 s8, s6;
	[dreg:$0x1a] =	wrdreg s23  }
0x1e: {  	s25 =	sadd.s32 s9, s6;
	[dreg:$0x1c] =	wrdreg s24  }
0x1f: {  	s31 =	simm.s32 $0x5;
	s3 =	sadd.s32 s10, s26;
	[dreg:$0x1d] =	wrdreg s25  }
0x20: {  	s30 =	simm.s32 $0x11F00;
	s26 =	sadd.s32 s10, s6;
	[dreg:$0x12] =	wrdreg s3  }
0x21: {  	s5 =	sadd.s32 $0x400, s6;
	s3 =	sadd.s32 s10, s17;
	[dreg:$0x1e] =	wrdreg s26  }
0x22: {  	s18 =	sshll.u32 s12, $0x6;
	s14 =	sadd.s32 s8, s5;
	[dreg:$0x18] =	wrdreg s3  }
0x23: {  	s13 =	sadd.s32 $0x480, s6;
	s15 =	sadd.s32 s9, s5;
	[dreg:$0x1f] =	wrdreg s14  }
0x24: {  	s12 =	simm.s32 $0x8;
	s16 =	sadd.s32 s8, s13;
	[smem:$0x7F1] =	sst s15  }
0x25: {  	s6 =	sor.u32 $0x1C09, s18;
	s17 =	sadd.s32 s9, s13;
	[smem:$0x7F3] =	sst s16  }
0x26: {  	s19 =	sadd.s32 $0x2C00, s11;
	s3 =	sadd.s32 s10, s21;
	[smem:$0x7F4] =	sst s17  }
0x27: {  	s20 =	sadd.s32 s0, s28;
	[dreg:$0x1b] =	wrdreg s3;
	s3 =	sadd.s32 s10, s5  }
0x28: {  	s22 =	sadd.s32 $0x25C00, s2;
	s23 =	sadd.s32 $0x3EA00, s4;
	[smem:$0x7F2] =	sst s3  }
0x29: {  	s24 =	sadd.s32 $0x34C00, s4;
	s5 =	sadd.s32 s10, s13;
	s3 =	rddreg [dreg:$0x4]  }
0x2a: {  	s25 =	smax.u32 s7, $0x1;
	s18 =	simm.s32 $0x400;
	[smem:$0x7F5] =	sst s5  }
0x2b: {  	s21 =	sadd.s32 s0, s29;
	_ =	strace $0x80000047;
	[smem:$0x7F6] =	sst s19  }
0x2c: {  	s2 =	simm.s32 $0x7;
	s4 =	simm.s32 $0x1AF00;
	[smem:$0x7F7] =	sst s21  }
0x2d: {  	s8 =	sadd.s32 $0x2FC00, s11;
	s26 =	sshrl.u32 s20, $0x3;
	[smem:$0x7F9] =	sst s22  }
0x2e: {  	s20 =	simm.s32 $0x19F00;
	s9 =	simm.s32 $0x6;
	[smem:$0x7FA] =	sst s23  }
0x2f: {  	s11 =	simm.s32 $0x4;
	s16 =	simm.s32 $0x9;
	[smem:$0x7FB] =	sst s24  }
0x30: {  	s17 =	simm.s32 $0x2800;
	s10 =	simm.s32 $0x15F00;
	[smem:$0x7FC] =	sst s25  }
0x31: {  	s5 =	simm.s32 $0x2;
	s0 =	sadd.s32 s0, s3;
	[smem:$0x7FD] =	sst s26  }
0x32: {  	s19 =	simm.s32 $0x5000;
	s21 =	simm.s32 $0x1A700;
	s22 =	simm.s32 $0x9000  }
0x33: {  	v0 =	vimm.f32 $0.0e+00;
	vm0 =	vcmask $0xF0C;
	v1 =	vlaneseq.u32;
	s23 =	simm.s32 $0x1A300;
	s24 =	simm.s32 $0x1AB00;
	s25 =	simm.s32 $0x1B300  }
0x34: {  	v0 =	vsel vm0, $0x3F800000, v0;
	v1 =	vmul.u32 $0x10, v1;
	s26 =	simm.s32 $0x1;
	[smem:$0x7F8] =	sst s0;
	s0 =	simm.s32 $0x3  }
.LBB2_1:
0x35: {  	s7 =	sld [smem:$0x7F6]  }
0x36: {  	s13 =	sld [smem:$0x7FD];
	_ =	sdelay $0x2  }
0x37: {  	[spmem:s13], [sflag:s6] =	dma.local [hbm:s7], $0x4F0  }
0x38: {  	_ =	swait.ge [sflag:s16], $0x4F0  }
0x39: {  	s14 =	sld [smem:$0x7F7];
	_ =	sdelay $0x1  }
0x3a: {  	[sflag:s16] =	ssyncset.done $0x0  }
0x3b: {  	[sflag:s16] =	ssyncadd.s32 $0xFFFFFB10;
	s13 =	sshrl.u32 s14, $0x3  }
0x3c: {  	[spmem:s13], [sflag:s6] =	dma.local [hbm:s8], $0x4F0  }
0x3d: {  	_ =	swait.ge [sflag:s16], $0x4F0  }
0x3e: {  	s15 =	sld [smem:$0x7F8];
	_ =	sdelay $0x1  }
0x3f: {  	[sflag:s16] =	ssyncset.done $0x0  }
0x40: {  	[sflag:s16] =	ssyncadd.s32 $0xFFFFFB10;
	s14 =	sshrl.u32 s15, $0x3  }
0x41: {  	[spmem:s14], [sflag:s6] =	dma.local [hbm:s8], $0x4F0  }
0x42: {  	_ =	swait.ge [sflag:s16], $0x4F0  }
0x43: {  	[sflag:s16] =	ssyncset.done $0x0  }
0x44: {  	s7 =	simm.s32 $0x0;
	[sflag:s16] =	ssyncadd.s32 $0xFFFFFB10  }
.LBB2_2:
0x45: {  	p0 =	sne.s32 s7, $0xFFC0  }
.Ltmp0:
0x46: {  	_ = 	snop;
	(pc) =	sbr.rel @p0 .LBB2_2-.Ltmp0, $3  }
0x47: {  	_ =	sdelay $0x1  }
0x48: {  	s15 =	sshra.s32 s7, $0x2  }
0x49: {  	s7 =	sadd.s32 $0x40, s7;
	[tilespmem:s15+$0x11F00] =	vst v0  }
0x4a: {  	s7 =	simm.s32 $0x40;
	s15 =	simm.s32 $0x0  }
.LBB2_4:
0x4b: {  	p0 =	sne.s32 s7, $0xFFC0;
	[tilespmem:s15+$0x15F00] =	vst v0;
	s15 =	smov.u32 s7;
	s7 =	sadd.s32 $0x40, s7  }
.Ltmp1:
0x4c: {  	(pc) =	sbr.rel @p0 .LBB2_4-.Ltmp1, $2  }
0x4d: {  	_ =	sdelay $0x2  }
0x4e: {  	s15 =	sshra.s32 s15, $0x2  }
0x4f: {  	[tilespmem:s15+$0x15F00] =	vst v0  }
0x50: {  	[bflag:$0x0] =	sbarrier.arrive $0xFFFF  }
0x51: {  	s7 =	simm.s32 $0x0;
	s15 =	rddreg [dreg:$0x6]  }
0x52: {  	[tilespmem:s7], [sflag:$0x9] =	stream.linear.gather [hbm4b:s15+s7], $0x2800, $0x38;
	[tilespmem:$0x1DE80] =	vst v63  }
0x53: {  	_ =	swait.ge [sflag:s16], $0x2800  }
0x54: {  	s15 =	sld [smem:$0x7F9]  }
0x55: {  	[sflag:s16] =	ssyncset.done $0x0  }
0x56: {  	[sflag:s16] =	ssyncadd.s32 $0xFFFFD800  }
0x57: {  	[tilespmem:s17], [sflag:$0x9] =	stream.linear.gather [hbm4b:s15+s7], $0x2800, $0x38;
	[tilespmem:$0x1DE80] =	vst v63  }
0x58: {  	_ =	swait.ge [sflag:s16], $0x2800  }
0x59: {  	[sflag:s16] =	ssyncset.done $0x0  }
0x5a: {  	[sflag:s16] =	ssyncadd.s32 $0xFFFFD800  }
0x5b: {  	[tilespmem:s19], [sflag:$0x1] =	stream.indirect.gather [spmem:s28], $0x10, s7, s18, $0xb8;
	[tilespmem:$0x1DE80] =	vst v63  }
0x5c: {  	s17 =	rddreg [dreg:$0x1c]  }
0x5d: {  	[tilespmem:s20], [sflag:$0x5] =	stream.linear.gather [hbm4b:s17+s7], $0x400, $0x38;
	[tilespmem:$0x1DE80] =	vst v63  }
0x5e: {  	s17 =	rddreg [dreg:$0x1d]  }
0x5f: {  	[tilespmem:s21], [sflag:$0x5] =	stream.linear.gather [hbm4b:s17+s7], $0x400, $0x38;
	[tilespmem:$0x1DE80] =	vst v63  }
0x60: {  	s15 =	simm.s32 $0x1AF00;
	s17 =	rddreg [dreg:$0x1e]  }
0x61: {  	[tilespmem:s15], [sflag:$0x5] =	stream.linear.gather [hbm4b:s17+s7], $0x400, $0x38;
	[tilespmem:$0x1DE80] =	vst v63  }
0x62: {  	_ = 	snop  }
0x63: {  	[tilespmem:s22], [sflag:$0x2] =	stream.indirect.gather [spmem:s28], $0x10, s18, s18, $0xb8;
	[tilespmem:$0x1DE80] =	vst v63  }
0x64: {  	s17 =	rddreg [dreg:$0x7]  }
0x65: {  	[tilespmem:s23], [sflag:$0x6] =	stream.linear.gather [hbm4b:s17+s7], $0x400, $0x38;
	[tilespmem:$0x1DE80] =	vst v63  }
0x66: {  	s17 =	rddreg [dreg:$0x8]  }
0x67: {  	[tilespmem:s24], [sflag:$0x6] =	stream.linear.gather [hbm4b:s17+s7], $0x400, $0x38;
	[tilespmem:$0x1DE80] =	vst v63  }
0x68: {  	s17 =	rddreg [dreg:$0x9]  }
0x69: {  	[tilespmem:s25], [sflag:$0x6] =	stream.linear.gather [hbm4b:s17+s7], $0x400, $0x38;
	[tilespmem:$0x1DE80] =	vst v63  }
0x6a: {  	_ =	swait.ge [sflag:s26], $0x4000  }
0x6b: {  	[sflag:s26] =	ssyncset.done $0x0  }
0x6c: {  	s17 =	simm.s32 $0x2800;
	[sflag:s26] =	ssyncadd.s32 $0xFFFFC000  }
0x6d: {  	[spmem:s29] =	stream.indirect.scatter.add.f32 [tilespmem:s19], [sflag:$0x3], $0x10, s17, s18, $0xb8;
	[tilespmem:$0x1DE80] =	vst v63  }
0x6e: {  	_ =	swait.ge [sflag:s31], $0x400  }
0x6f: {  	[sflag:s31] =	ssyncset.done $0x0  }
0x70: {  	[sflag:s31] =	ssyncadd.s32 $0xFFFFFC00  }
0x71: {  	_ =	swait.ge [sflag:s31], $0x400  }
0x72: {  	[sflag:s31] =	ssyncset.done $0x0  }
0x73: {  	[sflag:s31] =	ssyncadd.s32 $0xFFFFFC00  }
0x74: {  	_ =	swait.ge [sflag:s31], $0x400  }
0x75: {  	v2 =	vmov s7;
	[sflag:s31] =	ssyncset.done $0x0  }
0x76: {  	v2 =	vshll.u32 v2, $0x4;
	[sflag:s31] =	ssyncadd.s32 $0xFFFFFC00  }
0x77: {  	v4 =	vor.u32 v1, v2;
	v3 =	vld [tilespmem:s15+$0xFFFFF000];
	_ =	sdelay $0x4  }
0x78: {  	[tilespmem:v4+s30+$0x0] =	vst.idx.msk $0xffff, v3  }
0x79: {  	v3 =	vor.u32 $0x1, v4;
	v2 =	vld [tilespmem:s15+$0xFFFFF800];
	_ =	sdelay $0x4  }
0x7a: {  	[tilespmem:v3+s30+$0x0] =	vst.idx.msk $0xffff, v2  }
0x7b: {  	v3 =	vor.u32 $0x2, v4;
	v2 =	vld [tilespmem:s15+$0x0];
	_ =	sdelay $0x2  }
0x7c: {  	s7 =	simm.s32 $0x10  }
0x7d: {  	v4 =	vmov s7;
	s7 =	simm.s32 $0x20  }
.LBB2_6:
0x7e: {  	p0 =	sne.s32 s7, $0x3F0;
	v4 =	vshll.u32 v4, $0x4;
	[tilespmem:v3+s30+$0x0] =	vst.idx.msk $0xffff, v2;
	s15 =	sadd.s32 $0x10, s15  }
0x7f: {  	v2 =	vld [tilespmem:s15+$0xFFFFF000];
	v3 =	vor.u32 v1, v4;
	_ =	sdelay $0x4  }
0x80: {  	[tilespmem:v3+s30+$0x0] =	vst.idx.msk $0xffff, v2  }
0x81: {  	v4 =	vor.u32 $0x1, v3;
	v2 =	vld [tilespmem:s15+$0xFFFFF800];
	_ =	sdelay $0x4  }
0x82: {  	[tilespmem:v4+s30+$0x0] =	vst.idx.msk $0xffff, v2  }
.Ltmp2:
0x83: {  	v3 =	vor.u32 $0x2, v3;
	v2 =	vld [tilespmem:s15+$0x0];
	(pc) =	sbr.rel @p0 .LBB2_6-.Ltmp2, $2  }
0x84: {  	_ =	sdelay $0x2  }
0x85: {  	v4 =	vmov s7;
	s7 =	sadd.s32 $0x10, s7  }
0x86: {  	_ =	sdelay $0x3  }
0x87: {  	v4 =	vshll.u32 v4, $0x4;
	[tilespmem:v3+s30+$0x0] =	vst.idx.msk $0xffff, v2;
	s7 =	sadd.s32 $0x10, s15  }
0x88: {  	v2 =	vld [tilespmem:s7+$0xFFFFF000];
	v3 =	vor.u32 v1, v4;
	_ =	sdelay $0x4  }
0x89: {  	[tilespmem:v3+s30+$0x0] =	vst.idx.msk $0xffff, v2  }
0x8a: {  	v4 =	vor.u32 $0x1, v3;
	v2 =	vld [tilespmem:s7+$0xFFFFF800];
	_ =	sdelay $0x4  }
0x8b: {  	[tilespmem:v4+s30+$0x0] =	vst.idx.msk $0xffff, v2  }
0x8c: {  	v3 =	vor.u32 $0x2, v3;
	v2 =	vld [tilespmem:s7+$0x0];
	_ =	sdelay $0x4  }
0x8d: {  	[tilespmem:v3+s30+$0x0] =	vst.idx.msk $0xffff, v2  }
0x8e: {  	[spmem:s3] =	stream.indirect.scatter.add.f32 [tilespmem:s30], [sflag:$0x7], $0x10, s17, s18, $0xb8;
	[tilespmem:$0x1DE80] =	vst v63  }
0x8f: {  	_ =	swait.ge [sflag:s0], $0x4000  }
0x90: {  	[sflag:s0] =	ssyncset.done $0x0  }
0x91: {  	[sflag:s0] =	ssyncadd.s32 $0xFFFFC000  }
0x92: {  	_ =	swait.ge [sflag:s2], $0x4000  }
0x93: {  	[sflag:s2] =	ssyncset.done $0x0  }
0x94: {  	s15 =	simm.s32 $0x800;
	[sflag:s2] =	ssyncadd.s32 $0xFFFFC000  }
0x95: {  	[tilespmem:s19], [sflag:$0x1] =	stream.indirect.gather [spmem:s28], $0x10, s15, s18, $0xb8;
	[tilespmem:$0x1DE80] =	vst v63  }
0x96: {  	s7 =	simm.s32 $0x0;
	s15 =	rddreg [dreg:$0xa]  }
0x97: {  	[tilespmem:s20], [sflag:$0x5] =	stream.linear.gather [hbm4b:s15+s7], $0x400, $0x38;
	[tilespmem:$0x1DE80] =	vst v63  }
0x98: {  	s15 =	rddreg [dreg:$0xb]  }
0x99: {  	[tilespmem:s21], [sflag:$0x5] =	stream.linear.gather [hbm4b:s15+s7], $0x400, $0x38;
	[tilespmem:$0x1DE80] =	vst v63  }
0x9a: {  	s15 =	rddreg [dreg:$0xc]  }
0x9b: {  	[tilespmem:s4], [sflag:$0x5] =	stream.linear.gather [hbm4b:s15+s7], $0x400, $0x38;
	[tilespmem:$0x1DE80] =	vst v63  }
0x9c: {  	_ =	swait.ge [sflag:s5], $0x4000  }
0x9d: {  	[sflag:s5] =	ssyncset.done $0x0  }
0x9e: {  	s15 =	simm.s32 $0x2C00;
	[sflag:s5] =	ssyncadd.s32 $0xFFFFC000  }
0x9f: {  	[spmem:s29] =	stream.indirect.scatter.add.f32 [tilespmem:s22], [sflag:$0x4], $0x10, s15, s18, $0xb8;
	[tilespmem:$0x1DE80] =	vst v63  }
0xa0: {  	_ =	swait.ge [sflag:s9], $0x400  }
0xa1: {  	[sflag:s9] =	ssyncset.done $0x0  }
0xa2: {  	[sflag:s9] =	ssyncadd.s32 $0xFFFFFC00  }
0xa3: {  	_ =	swait.ge [sflag:s9], $0x400  }
0xa4: {  	[sflag:s9] =	ssyncset.done $0x0  }
0xa5: {  	[sflag:s9] =	ssyncadd.s32 $0xFFFFFC00  }
0xa6: {  	v2 =	vmov s7;
	_ =	swait.ge [sflag:s9], $0x400  }
0xa7: {  	v2 =	vshll.u32 v2, $0x4;
	[sflag:s9] =	ssyncset.done $0x0  }
0xa8: {  	v3 =	vor.u32 v1, v2;
	s15 =	simm.s32 $0x1B300;
	[sflag:s9] =	ssyncadd.s32 $0xFFFFFC00  }
0xa9: {  	v4 =	vor.u32 $0x4000, v3;
	v2 =	vld [tilespmem:s15+$0xFFFFF000];
	_ =	sdelay $0x4  }
0xaa: {  	[tilespmem:v4+s30+$0x0] =	vst.idx.msk $0xffff, v2  }
0xab: {  	v4 =	vor.u32 $0x4001, v3;
	v2 =	vld [tilespmem:s15+$0xFFFFF800];
	_ =	sdelay $0x4  }
0xac: {  	[tilespmem:v4+s30+$0x0] =	vst.idx.msk $0xffff, v2  }
0xad: {  	v3 =	vor.u32 $0x4002, v3;
	v2 =	vld [tilespmem:s15+$0x0];
	_ =	sdelay $0x1  }
0xae: {  	s7 =	simm.s32 $0x10  }
0xaf: {  	v4 =	vmov s7;
	s7 =	simm.s32 $0x20  }
.LBB2_8:
0xb0: {  	p0 =	sne.s32 s7, $0x3F0;
	v4 =	vshll.u32 v4, $0x4  }
0xb1: {  	s15 =	sadd.s32 $0x10, s15;
	v4 =	vor.u32 v1, v4;
	[tilespmem:v3+s30+$0x0] =	vst.idx.msk $0xffff, v2  }
0xb2: {  	v2 =	vld [tilespmem:s15+$0xFFFFF000];
	v3 =	vor.u32 $0x4000, v4;
	_ =	sdelay $0x4  }
0xb3: {  	[tilespmem:v3+s30+$0x0] =	vst.idx.msk $0xffff, v2  }
0xb4: {  	v3 =	vor.u32 $0x4001, v4;
	v2 =	vld [tilespmem:s15+$0xFFFFF800];
	_ =	sdelay $0x4  }
.Ltmp3:
0xb5: {  	[tilespmem:v3+s30+$0x0] =	vst.idx.msk $0xffff, v2;
	(pc) =	sbr.rel @p0 .LBB2_8-.Ltmp3, $2  }
0xb6: {  	v3 =	vor.u32 $0x4002, v4;
	v2 =	vld [tilespmem:s15+$0x0];
	_ =	sdelay $0x2  }
0xb7: {  	v4 =	vmov s7;
	s7 =	sadd.s32 $0x10, s7  }
0xb8: {  	_ =	sdelay $0x2  }
0xb9: {  	v4 =	vshll.u32 v4, $0x4  }
0xba: {  	s7 =	sadd.s32 $0x10, s15;
	v4 =	vor.u32 v1, v4;
	[tilespmem:v3+s30+$0x0] =	vst.idx.msk $0xffff, v2  }
0xbb: {  	v2 =	vld [tilespmem:s7+$0xFFFFF000];
	v3 =	vor.u32 $0x4000, v4;
	_ =	sdelay $0x4  }
0xbc: {  	[tilespmem:v3+s30+$0x0] =	vst.idx.msk $0xffff, v2  }
0xbd: {  	v3 =	vor.u32 $0x4001, v4;
	v2 =	vld [tilespmem:s7+$0xFFFFF800];
	_ =	sdelay $0x4  }
0xbe: {  	[tilespmem:v3+s30+$0x0] =	vst.idx.msk $0xffff, v2  }
0xbf: {  	v3 =	vor.u32 $0x4002, v4;
	v2 =	vld [tilespmem:s7+$0x0];
	_ =	sdelay $0x4  }
0xc0: {  	s15 =	simm.s32 $0x2C00;
	[tilespmem:v3+s30+$0x0] =	vst.idx.msk $0xffff, v2  }
0xc1: {  	[spmem:s3] =	stream.indirect.scatter.add.f32 [tilespmem:s10], [sflag:$0x8], $0x10, s15, s18, $0xb8;
	[tilespmem:$0x1DE80] =	vst v63  }
0xc2: {  	_ =	swait.ge [sflag:s11], $0x4000  }
0xc3: {  	[sflag:s11] =	ssyncset.done $0x0  }
0xc4: {  	[sflag:s11] =	ssyncadd.s32 $0xFFFFC000  }
0xc5: {  	_ =	swait.ge [sflag:s12], $0x4000  }
0xc6: {  	[sflag:s12] =	ssyncset.done $0x0  }
0xc7: {  	s15 =	simm.s32 $0xC00;
	[sflag:s12] =	ssyncadd.s32 $0xFFFFC000  }
0xc8: {  	[tilespmem:s22], [sflag:$0x2] =	stream.indirect.gather [spmem:s28], $0x10, s15, s18, $0xb8;
	[tilespmem:$0x1DE80] =	vst v63  }
0xc9: {  	s7 =	simm.s32 $0x0;
	s15 =	rddreg [dreg:$0xd]  }
0xca: {  	[tilespmem:s23], [sflag:$0x6] =	stream.linear.gather [hbm4b:s15+s7], $0x400, $0x38;
	[tilespmem:$0x1DE80] =	vst v63  }
0xcb: {  	s15 =	rddreg [dreg:$0xe]  }
0xcc: {  	[tilespmem:s24], [sflag:$0x6] =	stream.linear.gather [hbm4b:s15+s7], $0x400, $0x38;
	[tilespmem:$0x1DE80] =	vst v63  }
0xcd: {  	s15 =	rddreg [dreg:$0xf]  }
0xce: {  	[tilespmem:s25], [sflag:$0x6] =	stream.linear.gather [hbm4b:s15+s7], $0x400, $0x38;
	[tilespmem:$0x1DE80] =	vst v63  }
0xcf: {  	_ =	swait.ge [sflag:s26], $0x4000  }
0xd0: {  	[sflag:s26] =	ssyncset.done $0x0  }
0xd1: {  	s15 =	simm.s32 $0x3000;
	[sflag:s26] =	ssyncadd.s32 $0xFFFFC000  }
0xd2: {  	[spmem:s29] =	stream.indirect.scatter.add.f32 [tilespmem:s19], [sflag:$0x3], $0x10, s15, s18, $0xb8;
	[tilespmem:$0x1DE80] =	vst v63  }
0xd3: {  	_ =	swait.ge [sflag:s31], $0x400  }
0xd4: {  	[sflag:s31] =	ssyncset.done $0x0  }
0xd5: {  	[sflag:s31] =	ssyncadd.s32 $0xFFFFFC00  }
0xd6: {  	_ =	swait.ge [sflag:s31], $0x400  }
0xd7: {  	[sflag:s31] =	ssyncset.done $0x0  }
0xd8: {  	[sflag:s31] =	ssyncadd.s32 $0xFFFFFC00  }
0xd9: {  	_ =	swait.ge [sflag:s31], $0x400  }
0xda: {  	v2 =	vmov s7;
	[sflag:s31] =	ssyncset.done $0x0  }
0xdb: {  	v2 =	vshll.u32 v2, $0x4;
	s15 =	simm.s32 $0x1AF00;
	[sflag:s31] =	ssyncadd.s32 $0xFFFFFC00  }
0xdc: {  	v4 =	vor.u32 v1, v2;
	v3 =	vld [tilespmem:s15+$0xFFFFF000];
	_ =	sdelay $0x4  }
0xdd: {  	[tilespmem:v4+s30+$0x0] =	vst.idx.msk $0xffff, v3  }
0xde: {  	v3 =	vor.u32 $0x1, v4;
	v2 =	vld [tilespmem:s15+$0xFFFFF800];
	_ =	sdelay $0x4  }
0xdf: {  	[tilespmem:v3+s30+$0x0] =	vst.idx.msk $0xffff, v2  }
0xe0: {  	v3 =	vor.u32 $0x2, v4;
	v2 =	vld [tilespmem:s15+$0x0];
	_ =	sdelay $0x2  }
0xe1: {  	s7 =	simm.s32 $0x10  }
0xe2: {  	v4 =	vmov s7;
	s7 =	simm.s32 $0x20  }
.LBB2_10:
0xe3: {  	p0 =	sne.s32 s7, $0x3F0;
	v4 =	vshll.u32 v4, $0x4;
	[tilespmem:v3+s30+$0x0] =	vst.idx.msk $0xffff, v2;
	s15 =	sadd.s32 $0x10, s15  }
0xe4: {  	v2 =	vld [tilespmem:s15+$0xFFFFF000];
	v3 =	vor.u32 v1, v4;
	_ =	sdelay $0x4  }
0xe5: {  	[tilespmem:v3+s30+$0x0] =	vst.idx.msk $0xffff, v2  }
0xe6: {  	v4 =	vor.u32 $0x1, v3;
	v2 =	vld [tilespmem:s15+$0xFFFFF800];
	_ =	sdelay $0x4  }
0xe7: {  	[tilespmem:v4+s30+$0x0] =	vst.idx.msk $0xffff, v2  }
.Ltmp4:
0xe8: {  	v3 =	vor.u32 $0x2, v3;
	v2 =	vld [tilespmem:s15+$0x0];
	(pc) =	sbr.rel @p0 .LBB2_10-.Ltmp4, $2  }
0xe9: {  	_ =	sdelay $0x2  }
0xea: {  	v4 =	vmov s7;
	s7 =	sadd.s32 $0x10, s7  }
0xeb: {  	_ =	sdelay $0x3  }
0xec: {  	v4 =	vshll.u32 v4, $0x4;
	[tilespmem:v3+s30+$0x0] =	vst.idx.msk $0xffff, v2;
	s7 =	sadd.s32 $0x10, s15  }
0xed: {  	v2 =	vld [tilespmem:s7+$0xFFFFF000];
	v3 =	vor.u32 v1, v4;
	_ =	sdelay $0x4  }
0xee: {  	[tilespmem:v3+s30+$0x0] =	vst.idx.msk $0xffff, v2  }
0xef: {  	v4 =	vor.u32 $0x1, v3;
	v2 =	vld [tilespmem:s7+$0xFFFFF800];
	_ =	sdelay $0x4  }
0xf0: {  	[tilespmem:v4+s30+$0x0] =	vst.idx.msk $0xffff, v2  }
0xf1: {  	v3 =	vor.u32 $0x2, v3;
	v2 =	vld [tilespmem:s7+$0x0];
	_ =	sdelay $0x4  }
0xf2: {  	s15 =	simm.s32 $0x3000;
	[tilespmem:v3+s30+$0x0] =	vst.idx.msk $0xffff, v2  }
0xf3: {  	[spmem:s3] =	stream.indirect.scatter.add.f32 [tilespmem:s30], [sflag:$0x7], $0x10, s15, s18, $0xb8;
	[tilespmem:$0x1DE80] =	vst v63  }
0xf4: {  	_ =	swait.ge [sflag:s0], $0x4000  }
0xf5: {  	[sflag:s0] =	ssyncset.done $0x0  }
0xf6: {  	[sflag:s0] =	ssyncadd.s32 $0xFFFFC000  }
0xf7: {  	_ =	swait.ge [sflag:s2], $0x4000  }
0xf8: {  	[sflag:s2] =	ssyncset.done $0x0  }
0xf9: {  	s15 =	simm.s32 $0x1000;
	[sflag:s2] =	ssyncadd.s32 $0xFFFFC000  }
0xfa: {  	[tilespmem:s19], [sflag:$0x1] =	stream.indirect.gather [spmem:s28], $0x10, s15, s18, $0xb8;
	[tilespmem:$0x1DE80] =	vst v63  }
0xfb: {  	s7 =	simm.s32 $0x0;
	s15 =	rddreg [dreg:$0x10]  }
0xfc: {  	[tilespmem:s20], [sflag:$0x5] =	stream.linear.gather [hbm4b:s15+s7], $0x400, $0x38;
	[tilespmem:$0x1DE80] =	vst v63  }
0xfd: {  	s15 =	rddreg [dreg:$0x11]  }
0xfe: {  	[tilespmem:s21], [sflag:$0x5] =	stream.linear.gather [hbm4b:s15+s7], $0x400, $0x38;
	[tilespmem:$0x1DE80] =	vst v63  }
0xff: {  	s15 =	rddreg [dreg:$0x12]  }
0x100: {  	[tilespmem:s4], [sflag:$0x5] =	stream.linear.gather [hbm4b:s15+s7], $0x400, $0x38;
	[tilespmem:$0x1DE80] =	vst v63  }
0x101: {  	_ =	swait.ge [sflag:s5], $0x4000  }
0x102: {  	[sflag:s5] =	ssyncset.done $0x0  }
0x103: {  	s15 =	simm.s32 $0x3400;
	[sflag:s5] =	ssyncadd.s32 $0xFFFFC000  }
0x104: {  	[spmem:s29] =	stream.indirect.scatter.add.f32 [tilespmem:s22], [sflag:$0x4], $0x10, s15, s18, $0xb8;
	[tilespmem:$0x1DE80] =	vst v63  }
0x105: {  	_ =	swait.ge [sflag:s9], $0x400  }
0x106: {  	[sflag:s9] =	ssyncset.done $0x0  }
0x107: {  	[sflag:s9] =	ssyncadd.s32 $0xFFFFFC00  }
0x108: {  	_ =	swait.ge [sflag:s9], $0x400  }
0x109: {  	[sflag:s9] =	ssyncset.done $0x0  }
0x10a: {  	[sflag:s9] =	ssyncadd.s32 $0xFFFFFC00  }
0x10b: {  	v2 =	vmov s7;
	_ =	swait.ge [sflag:s9], $0x400  }
0x10c: {  	v2 =	vshll.u32 v2, $0x4;
	[sflag:s9] =	ssyncset.done $0x0  }
0x10d: {  	v3 =	vor.u32 v1, v2;
	s15 =	simm.s32 $0x1B300;
	[sflag:s9] =	ssyncadd.s32 $0xFFFFFC00  }
0x10e: {  	v4 =	vor.u32 $0x4000, v3;
	v2 =	vld [tilespmem:s15+$0xFFFFF000];
	_ =	sdelay $0x4  }
0x10f: {  	[tilespmem:v4+s30+$0x0] =	vst.idx.msk $0xffff, v2  }
0x110: {  	v4 =	vor.u32 $0x4001, v3;
	v2 =	vld [tilespmem:s15+$0xFFFFF800];
	_ =	sdelay $0x4  }
0x111: {  	[tilespmem:v4+s30+$0x0] =	vst.idx.msk $0xffff, v2  }
0x112: {  	v3 =	vor.u32 $0x4002, v3;
	v2 =	vld [tilespmem:s15+$0x0];
	_ =	sdelay $0x1  }
0x113: {  	s7 =	simm.s32 $0x10  }
0x114: {  	v4 =	vmov s7;
	s7 =	simm.s32 $0x20  }
.LBB2_12:
0x115: {  	p0 =	sne.s32 s7, $0x3F0;
	v4 =	vshll.u32 v4, $0x4  }
0x116: {  	s15 =	sadd.s32 $0x10, s15;
	v4 =	vor.u32 v1, v4;
	[tilespmem:v3+s30+$0x0] =	vst.idx.msk $0xffff, v2  }
0x117: {  	v2 =	vld [tilespmem:s15+$0xFFFFF000];
	v3 =	vor.u32 $0x4000, v4;
	_ =	sdelay $0x4  }
0x118: {  	[tilespmem:v3+s30+$0x0] =	vst.idx.msk $0xffff, v2  }
0x119: {  	v3 =	vor.u32 $0x4001, v4;
	v2 =	vld [tilespmem:s15+$0xFFFFF800];
	_ =	sdelay $0x4  }
.Ltmp5:
0x11a: {  	[tilespmem:v3+s30+$0x0] =	vst.idx.msk $0xffff, v2;
	(pc) =	sbr.rel @p0 .LBB2_12-.Ltmp5, $2  }
0x11b: {  	v3 =	vor.u32 $0x4002, v4;
	v2 =	vld [tilespmem:s15+$0x0];
	_ =	sdelay $0x2  }
0x11c: {  	v4 =	vmov s7;
	s7 =	sadd.s32 $0x10, s7  }
0x11d: {  	_ =	sdelay $0x2  }
0x11e: {  	v4 =	vshll.u32 v4, $0x4  }
0x11f: {  	s7 =	sadd.s32 $0x10, s15;
	v4 =	vor.u32 v1, v4;
	[tilespmem:v3+s30+$0x0] =	vst.idx.msk $0xffff, v2  }
0x120: {  	v2 =	vld [tilespmem:s7+$0xFFFFF000];
	v3 =	vor.u32 $0x4000, v4;
	_ =	sdelay $0x4  }
0x121: {  	[tilespmem:v3+s30+$0x0] =	vst.idx.msk $0xffff, v2  }
0x122: {  	v3 =	vor.u32 $0x4001, v4;
	v2 =	vld [tilespmem:s7+$0xFFFFF800];
	_ =	sdelay $0x4  }
0x123: {  	[tilespmem:v3+s30+$0x0] =	vst.idx.msk $0xffff, v2  }
0x124: {  	v3 =	vor.u32 $0x4002, v4;
	v2 =	vld [tilespmem:s7+$0x0];
	_ =	sdelay $0x4  }
0x125: {  	s15 =	simm.s32 $0x3400;
	[tilespmem:v3+s30+$0x0] =	vst.idx.msk $0xffff, v2  }
0x126: {  	[spmem:s3] =	stream.indirect.scatter.add.f32 [tilespmem:s10], [sflag:$0x8], $0x10, s15, s18, $0xb8;
	[tilespmem:$0x1DE80] =	vst v63  }
0x127: {  	_ =	swait.ge [sflag:s11], $0x4000  }
0x128: {  	[sflag:s11] =	ssyncset.done $0x0  }
0x129: {  	[sflag:s11] =	ssyncadd.s32 $0xFFFFC000  }
0x12a: {  	_ =	swait.ge [sflag:s12], $0x4000  }
0x12b: {  	[sflag:s12] =	ssyncset.done $0x0  }
0x12c: {  	s15 =	simm.s32 $0x1400;
	[sflag:s12] =	ssyncadd.s32 $0xFFFFC000  }
0x12d: {  	[tilespmem:s22], [sflag:$0x2] =	stream.indirect.gather [spmem:s28], $0x10, s15, s18, $0xb8;
	[tilespmem:$0x1DE80] =	vst v63  }
0x12e: {  	s7 =	simm.s32 $0x0;
	s15 =	rddreg [dreg:$0x13]  }
0x12f: {  	[tilespmem:s23], [sflag:$0x6] =	stream.linear.gather [hbm4b:s15+s7], $0x400, $0x38;
	[tilespmem:$0x1DE80] =	vst v63  }
0x130: {  	s15 =	rddreg [dreg:$0x14]  }
0x131: {  	[tilespmem:s24], [sflag:$0x6] =	stream.linear.gather [hbm4b:s15+s7], $0x400, $0x38;
	[tilespmem:$0x1DE80] =	vst v63  }
0x132: {  	s15 =	rddreg [dreg:$0x15]  }
0x133: {  	[tilespmem:s25], [sflag:$0x6] =	stream.linear.gather [hbm4b:s15+s7], $0x400, $0x38;
	[tilespmem:$0x1DE80] =	vst v63  }
0x134: {  	_ =	swait.ge [sflag:s26], $0x4000  }
0x135: {  	[sflag:s26] =	ssyncset.done $0x0  }
0x136: {  	s15 =	simm.s32 $0x3800;
	[sflag:s26] =	ssyncadd.s32 $0xFFFFC000  }
0x137: {  	[spmem:s29] =	stream.indirect.scatter.add.f32 [tilespmem:s19], [sflag:$0x3], $0x10, s15, s18, $0xb8;
	[tilespmem:$0x1DE80] =	vst v63  }
0x138: {  	_ =	swait.ge [sflag:s31], $0x400  }
0x139: {  	[sflag:s31] =	ssyncset.done $0x0  }
0x13a: {  	[sflag:s31] =	ssyncadd.s32 $0xFFFFFC00  }
0x13b: {  	_ =	swait.ge [sflag:s31], $0x400  }
0x13c: {  	[sflag:s31] =	ssyncset.done $0x0  }
0x13d: {  	[sflag:s31] =	ssyncadd.s32 $0xFFFFFC00  }
0x13e: {  	_ =	swait.ge [sflag:s31], $0x400  }
0x13f: {  	v2 =	vmov s7;
	[sflag:s31] =	ssyncset.done $0x0  }
0x140: {  	v2 =	vshll.u32 v2, $0x4;
	s15 =	simm.s32 $0x1AF00;
	[sflag:s31] =	ssyncadd.s32 $0xFFFFFC00  }
0x141: {  	v4 =	vor.u32 v1, v2;
	v3 =	vld [tilespmem:s15+$0xFFFFF000];
	_ =	sdelay $0x4  }
0x142: {  	[tilespmem:v4+s30+$0x0] =	vst.idx.msk $0xffff, v3  }
0x143: {  	v3 =	vor.u32 $0x1, v4;
	v2 =	vld [tilespmem:s15+$0xFFFFF800];
	_ =	sdelay $0x4  }
0x144: {  	[tilespmem:v3+s30+$0x0] =	vst.idx.msk $0xffff, v2  }
0x145: {  	v3 =	vor.u32 $0x2, v4;
	v2 =	vld [tilespmem:s15+$0x0];
	_ =	sdelay $0x2  }
0x146: {  	s7 =	simm.s32 $0x10  }
0x147: {  	v4 =	vmov s7;
	s7 =	simm.s32 $0x20  }
.LBB2_14:
0x148: {  	p0 =	sne.s32 s7, $0x3F0;
	v4 =	vshll.u32 v4, $0x4;
	[tilespmem:v3+s30+$0x0] =	vst.idx.msk $0xffff, v2;
	s15 =	sadd.s32 $0x10, s15  }
0x149: {  	v2 =	vld [tilespmem:s15+$0xFFFFF000];
	v3 =	vor.u32 v1, v4;
	_ =	sdelay $0x4  }
0x14a: {  	[tilespmem:v3+s30+$0x0] =	vst.idx.msk $0xffff, v2  }
0x14b: {  	v4 =	vor.u32 $0x1, v3;
	v2 =	vld [tilespmem:s15+$0xFFFFF800];
	_ =	sdelay $0x4  }
0x14c: {  	[tilespmem:v4+s30+$0x0] =	vst.idx.msk $0xffff, v2  }
.Ltmp6:
0x14d: {  	v3 =	vor.u32 $0x2, v3;
	v2 =	vld [tilespmem:s15+$0x0];
	(pc) =	sbr.rel @p0 .LBB2_14-.Ltmp6, $2  }
0x14e: {  	_ =	sdelay $0x2  }
0x14f: {  	v4 =	vmov s7;
	s7 =	sadd.s32 $0x10, s7  }
0x150: {  	_ =	sdelay $0x3  }
0x151: {  	v4 =	vshll.u32 v4, $0x4;
	[tilespmem:v3+s30+$0x0] =	vst.idx.msk $0xffff, v2;
	s7 =	sadd.s32 $0x10, s15  }
0x152: {  	v2 =	vld [tilespmem:s7+$0xFFFFF000];
	v3 =	vor.u32 v1, v4;
	_ =	sdelay $0x4  }
0x153: {  	[tilespmem:v3+s30+$0x0] =	vst.idx.msk $0xffff, v2  }
0x154: {  	v4 =	vor.u32 $0x1, v3;
	v2 =	vld [tilespmem:s7+$0xFFFFF800];
	_ =	sdelay $0x4  }
0x155: {  	[tilespmem:v4+s30+$0x0] =	vst.idx.msk $0xffff, v2  }
0x156: {  	v3 =	vor.u32 $0x2, v3;
	v2 =	vld [tilespmem:s7+$0x0];
	_ =	sdelay $0x4  }
0x157: {  	s15 =	simm.s32 $0x3800;
	[tilespmem:v3+s30+$0x0] =	vst.idx.msk $0xffff, v2  }
0x158: {  	[spmem:s3] =	stream.indirect.scatter.add.f32 [tilespmem:s30], [sflag:$0x7], $0x10, s15, s18, $0xb8;
	[tilespmem:$0x1DE80] =	vst v63  }
0x159: {  	_ =	swait.ge [sflag:s0], $0x4000  }
0x15a: {  	[sflag:s0] =	ssyncset.done $0x0  }
0x15b: {  	[sflag:s0] =	ssyncadd.s32 $0xFFFFC000  }
0x15c: {  	_ =	swait.ge [sflag:s2], $0x4000  }
0x15d: {  	[sflag:s2] =	ssyncset.done $0x0  }
0x15e: {  	s15 =	simm.s32 $0x1800;
	[sflag:s2] =	ssyncadd.s32 $0xFFFFC000  }
0x15f: {  	[tilespmem:s19], [sflag:$0x1] =	stream.indirect.gather [spmem:s28], $0x10, s15, s18, $0xb8;
	[tilespmem:$0x1DE80] =	vst v63  }
0x160: {  	s7 =	simm.s32 $0x0;
	s15 =	rddreg [dreg:$0x16]  }
0x161: {  	[tilespmem:s20], [sflag:$0x5] =	stream.linear.gather [hbm4b:s15+s7], $0x400, $0x38;
	[tilespmem:$0x1DE80] =	vst v63  }
0x162: {  	s15 =	rddreg [dreg:$0x17]  }
0x163: {  	[tilespmem:s21], [sflag:$0x5] =	stream.linear.gather [hbm4b:s15+s7], $0x400, $0x38;
	[tilespmem:$0x1DE80] =	vst v63  }
0x164: {  	s15 =	rddreg [dreg:$0x18]  }
0x165: {  	[tilespmem:s4], [sflag:$0x5] =	stream.linear.gather [hbm4b:s15+s7], $0x400, $0x38;
	[tilespmem:$0x1DE80] =	vst v63  }
0x166: {  	_ =	swait.ge [sflag:s5], $0x4000  }
0x167: {  	[sflag:s5] =	ssyncset.done $0x0  }
0x168: {  	s15 =	simm.s32 $0x3C00;
	[sflag:s5] =	ssyncadd.s32 $0xFFFFC000  }
0x169: {  	[spmem:s29] =	stream.indirect.scatter.add.f32 [tilespmem:s22], [sflag:$0x4], $0x10, s15, s18, $0xb8;
	[tilespmem:$0x1DE80] =	vst v63  }
0x16a: {  	_ =	swait.ge [sflag:s9], $0x400  }
0x16b: {  	[sflag:s9] =	ssyncset.done $0x0  }
0x16c: {  	[sflag:s9] =	ssyncadd.s32 $0xFFFFFC00  }
0x16d: {  	_ =	swait.ge [sflag:s9], $0x400  }
0x16e: {  	[sflag:s9] =	ssyncset.done $0x0  }
0x16f: {  	[sflag:s9] =	ssyncadd.s32 $0xFFFFFC00  }
0x170: {  	v2 =	vmov s7;
	_ =	swait.ge [sflag:s9], $0x400  }
0x171: {  	v2 =	vshll.u32 v2, $0x4;
	[sflag:s9] =	ssyncset.done $0x0  }
0x172: {  	v3 =	vor.u32 v1, v2;
	s15 =	simm.s32 $0x1B300;
	[sflag:s9] =	ssyncadd.s32 $0xFFFFFC00  }
0x173: {  	v4 =	vor.u32 $0x4000, v3;
	v2 =	vld [tilespmem:s15+$0xFFFFF000];
	_ =	sdelay $0x4  }
0x174: {  	[tilespmem:v4+s30+$0x0] =	vst.idx.msk $0xffff, v2  }
0x175: {  	v4 =	vor.u32 $0x4001, v3;
	v2 =	vld [tilespmem:s15+$0xFFFFF800];
	_ =	sdelay $0x4  }
0x176: {  	[tilespmem:v4+s30+$0x0] =	vst.idx.msk $0xffff, v2  }
0x177: {  	v3 =	vor.u32 $0x4002, v3;
	v2 =	vld [tilespmem:s15+$0x0];
	_ =	sdelay $0x1  }
0x178: {  	s7 =	simm.s32 $0x10  }
0x179: {  	v4 =	vmov s7;
	s7 =	simm.s32 $0x20  }
.LBB2_16:
0x17a: {  	p0 =	sne.s32 s7, $0x3F0;
	v4 =	vshll.u32 v4, $0x4  }
0x17b: {  	s15 =	sadd.s32 $0x10, s15;
	v4 =	vor.u32 v1, v4;
	[tilespmem:v3+s30+$0x0] =	vst.idx.msk $0xffff, v2  }
0x17c: {  	v2 =	vld [tilespmem:s15+$0xFFFFF000];
	v3 =	vor.u32 $0x4000, v4;
	_ =	sdelay $0x4  }
0x17d: {  	[tilespmem:v3+s30+$0x0] =	vst.idx.msk $0xffff, v2  }
0x17e: {  	v3 =	vor.u32 $0x4001, v4;
	v2 =	vld [tilespmem:s15+$0xFFFFF800];
	_ =	sdelay $0x4  }
.Ltmp7:
0x17f: {  	[tilespmem:v3+s30+$0x0] =	vst.idx.msk $0xffff, v2;
	(pc) =	sbr.rel @p0 .LBB2_16-.Ltmp7, $2  }
0x180: {  	v3 =	vor.u32 $0x4002, v4;
	v2 =	vld [tilespmem:s15+$0x0];
	_ =	sdelay $0x2  }
0x181: {  	v4 =	vmov s7;
	s7 =	sadd.s32 $0x10, s7  }
0x182: {  	_ =	sdelay $0x2  }
0x183: {  	v4 =	vshll.u32 v4, $0x4  }
0x184: {  	s7 =	sadd.s32 $0x10, s15;
	v4 =	vor.u32 v1, v4;
	[tilespmem:v3+s30+$0x0] =	vst.idx.msk $0xffff, v2  }
0x185: {  	v2 =	vld [tilespmem:s7+$0xFFFFF000];
	v3 =	vor.u32 $0x4000, v4;
	_ =	sdelay $0x4  }
0x186: {  	[tilespmem:v3+s30+$0x0] =	vst.idx.msk $0xffff, v2  }
0x187: {  	v3 =	vor.u32 $0x4001, v4;
	v2 =	vld [tilespmem:s7+$0xFFFFF800];
	_ =	sdelay $0x4  }
0x188: {  	[tilespmem:v3+s30+$0x0] =	vst.idx.msk $0xffff, v2  }
0x189: {  	v3 =	vor.u32 $0x4002, v4;
	v2 =	vld [tilespmem:s7+$0x0];
	_ =	sdelay $0x4  }
0x18a: {  	s15 =	simm.s32 $0x3C00;
	[tilespmem:v3+s30+$0x0] =	vst.idx.msk $0xffff, v2  }
0x18b: {  	[spmem:s3] =	stream.indirect.scatter.add.f32 [tilespmem:s10], [sflag:$0x8], $0x10, s15, s18, $0xb8;
	[tilespmem:$0x1DE80] =	vst v63  }
0x18c: {  	_ =	swait.ge [sflag:s11], $0x4000  }
0x18d: {  	[sflag:s11] =	ssyncset.done $0x0  }
0x18e: {  	[sflag:s11] =	ssyncadd.s32 $0xFFFFC000  }
0x18f: {  	_ =	swait.ge [sflag:s12], $0x4000  }
0x190: {  	[sflag:s12] =	ssyncset.done $0x0  }
0x191: {  	s15 =	simm.s32 $0x1C00;
	[sflag:s12] =	ssyncadd.s32 $0xFFFFC000  }
0x192: {  	[tilespmem:s22], [sflag:$0x2] =	stream.indirect.gather [spmem:s28], $0x10, s15, s18, $0xb8;
	[tilespmem:$0x1DE80] =	vst v63  }
0x193: {  	s7 =	simm.s32 $0x0;
	s15 =	rddreg [dreg:$0x19]  }
0x194: {  	[tilespmem:s23], [sflag:$0x6] =	stream.linear.gather [hbm4b:s15+s7], $0x400, $0x38;
	[tilespmem:$0x1DE80] =	vst v63  }
0x195: {  	s15 =	rddreg [dreg:$0x1a]  }
0x196: {  	[tilespmem:s24], [sflag:$0x6] =	stream.linear.gather [hbm4b:s15+s7], $0x400, $0x38;
	[tilespmem:$0x1DE80] =	vst v63  }
0x197: {  	s15 =	rddreg [dreg:$0x1b]  }
0x198: {  	[tilespmem:s25], [sflag:$0x6] =	stream.linear.gather [hbm4b:s15+s7], $0x400, $0x38;
	[tilespmem:$0x1DE80] =	vst v63  }
0x199: {  	_ =	swait.ge [sflag:s26], $0x4000  }
0x19a: {  	[sflag:s26] =	ssyncset.done $0x0  }
0x19b: {  	s15 =	simm.s32 $0x4000;
	[sflag:s26] =	ssyncadd.s32 $0xFFFFC000  }
0x19c: {  	[spmem:s29] =	stream.indirect.scatter.add.f32 [tilespmem:s19], [sflag:$0x3], $0x10, s15, s18, $0xb8;
	[tilespmem:$0x1DE80] =	vst v63  }
0x19d: {  	_ =	swait.ge [sflag:s31], $0x400  }
0x19e: {  	[sflag:s31] =	ssyncset.done $0x0  }
0x19f: {  	[sflag:s31] =	ssyncadd.s32 $0xFFFFFC00  }
0x1a0: {  	_ =	swait.ge [sflag:s31], $0x400  }
0x1a1: {  	[sflag:s31] =	ssyncset.done $0x0  }
0x1a2: {  	[sflag:s31] =	ssyncadd.s32 $0xFFFFFC00  }
0x1a3: {  	_ =	swait.ge [sflag:s31], $0x400  }
0x1a4: {  	v2 =	vmov s7;
	[sflag:s31] =	ssyncset.done $0x0  }
0x1a5: {  	v2 =	vshll.u32 v2, $0x4;
	s15 =	simm.s32 $0x1AF00;
	[sflag:s31] =	ssyncadd.s32 $0xFFFFFC00  }
0x1a6: {  	v4 =	vor.u32 v1, v2;
	v3 =	vld [tilespmem:s15+$0xFFFFF000];
	_ =	sdelay $0x4  }
0x1a7: {  	[tilespmem:v4+s30+$0x0] =	vst.idx.msk $0xffff, v3  }
0x1a8: {  	v3 =	vor.u32 $0x1, v4;
	v2 =	vld [tilespmem:s15+$0xFFFFF800];
	_ =	sdelay $0x4  }
0x1a9: {  	[tilespmem:v3+s30+$0x0] =	vst.idx.msk $0xffff, v2  }
0x1aa: {  	v3 =	vor.u32 $0x2, v4;
	v2 =	vld [tilespmem:s15+$0x0];
	_ =	sdelay $0x2  }
0x1ab: {  	s7 =	simm.s32 $0x10  }
0x1ac: {  	v4 =	vmov s7;
	s7 =	simm.s32 $0x20  }
.LBB2_18:
0x1ad: {  	p0 =	sne.s32 s7, $0x3F0;
	v4 =	vshll.u32 v4, $0x4;
	[tilespmem:v3+s30+$0x0] =	vst.idx.msk $0xffff, v2;
	s15 =	sadd.s32 $0x10, s15  }
0x1ae: {  	v2 =	vld [tilespmem:s15+$0xFFFFF000];
	v3 =	vor.u32 v1, v4;
	_ =	sdelay $0x4  }
0x1af: {  	[tilespmem:v3+s30+$0x0] =	vst.idx.msk $0xffff, v2  }
0x1b0: {  	v4 =	vor.u32 $0x1, v3;
	v2 =	vld [tilespmem:s15+$0xFFFFF800];
	_ =	sdelay $0x4  }
0x1b1: {  	[tilespmem:v4+s30+$0x0] =	vst.idx.msk $0xffff, v2  }
.Ltmp8:
0x1b2: {  	v3 =	vor.u32 $0x2, v3;
	v2 =	vld [tilespmem:s15+$0x0];
	(pc) =	sbr.rel @p0 .LBB2_18-.Ltmp8, $2  }
0x1b3: {  	_ =	sdelay $0x2  }
0x1b4: {  	v4 =	vmov s7;
	s7 =	sadd.s32 $0x10, s7  }
0x1b5: {  	_ =	sdelay $0x3  }
0x1b6: {  	v4 =	vshll.u32 v4, $0x4;
	[tilespmem:v3+s30+$0x0] =	vst.idx.msk $0xffff, v2;
	s7 =	sadd.s32 $0x10, s15  }
0x1b7: {  	v2 =	vld [tilespmem:s7+$0xFFFFF000];
	v3 =	vor.u32 v1, v4;
	_ =	sdelay $0x4  }
0x1b8: {  	[tilespmem:v3+s30+$0x0] =	vst.idx.msk $0xffff, v2  }
0x1b9: {  	v4 =	vor.u32 $0x1, v3;
	v2 =	vld [tilespmem:s7+$0xFFFFF800];
	_ =	sdelay $0x4  }
0x1ba: {  	[tilespmem:v4+s30+$0x0] =	vst.idx.msk $0xffff, v2  }
0x1bb: {  	v3 =	vor.u32 $0x2, v3;
	v2 =	vld [tilespmem:s7+$0x0];
	_ =	sdelay $0x4  }
0x1bc: {  	s15 =	simm.s32 $0x4000;
	[tilespmem:v3+s30+$0x0] =	vst.idx.msk $0xffff, v2  }
0x1bd: {  	[spmem:s3] =	stream.indirect.scatter.add.f32 [tilespmem:s30], [sflag:$0x7], $0x10, s15, s18, $0xb8;
	[tilespmem:$0x1DE80] =	vst v63  }
0x1be: {  	_ =	swait.ge [sflag:s0], $0x4000  }
0x1bf: {  	[sflag:s0] =	ssyncset.done $0x0  }
0x1c0: {  	[sflag:s0] =	ssyncadd.s32 $0xFFFFC000  }
0x1c1: {  	_ =	swait.ge [sflag:s2], $0x4000  }
0x1c2: {  	[sflag:s2] =	ssyncset.done $0x0  }
0x1c3: {  	s15 =	simm.s32 $0x2000;
	[sflag:s2] =	ssyncadd.s32 $0xFFFFC000  }
0x1c4: {  	[tilespmem:s19], [sflag:$0x1] =	stream.indirect.gather [spmem:s28], $0x10, s15, s18, $0xb8;
	[tilespmem:$0x1DE80] =	vst v63  }
0x1c5: {  	s7 =	simm.s32 $0x0;
	s15 =	rddreg [dreg:$0x1f]  }
0x1c6: {  	[tilespmem:s20], [sflag:$0x5] =	stream.linear.gather [hbm4b:s15+s7], $0x400, $0x38;
	[tilespmem:$0x1DE80] =	vst v63  }
0x1c7: {  	s15 =	sld [smem:$0x7F1];
	_ =	sdelay $0x2  }
0x1c8: {  	[tilespmem:s21], [sflag:$0x5] =	stream.linear.gather [hbm4b:s15+s7], $0x400, $0x38;
	[tilespmem:$0x1DE80] =	vst v63  }
0x1c9: {  	s15 =	sld [smem:$0x7F2];
	_ =	sdelay $0x2  }
0x1ca: {  	[tilespmem:s4], [sflag:$0x5] =	stream.linear.gather [hbm4b:s15+s7], $0x400, $0x38;
	[tilespmem:$0x1DE80] =	vst v63  }
0x1cb: {  	_ =	swait.ge [sflag:s5], $0x4000  }
0x1cc: {  	[sflag:s5] =	ssyncset.done $0x0  }
0x1cd: {  	s15 =	simm.s32 $0x4400;
	[sflag:s5] =	ssyncadd.s32 $0xFFFFC000  }
0x1ce: {  	[spmem:s29] =	stream.indirect.scatter.add.f32 [tilespmem:s22], [sflag:$0x4], $0x10, s15, s18, $0xb8;
	[tilespmem:$0x1DE80] =	vst v63  }
0x1cf: {  	_ =	swait.ge [sflag:s9], $0x400  }
0x1d0: {  	[sflag:s9] =	ssyncset.done $0x0  }
0x1d1: {  	[sflag:s9] =	ssyncadd.s32 $0xFFFFFC00  }
0x1d2: {  	_ =	swait.ge [sflag:s9], $0x400  }
0x1d3: {  	[sflag:s9] =	ssyncset.done $0x0  }
0x1d4: {  	[sflag:s9] =	ssyncadd.s32 $0xFFFFFC00  }
0x1d5: {  	v2 =	vmov s7;
	_ =	swait.ge [sflag:s9], $0x400  }
0x1d6: {  	v2 =	vshll.u32 v2, $0x4;
	[sflag:s9] =	ssyncset.done $0x0  }
0x1d7: {  	v3 =	vor.u32 v1, v2;
	s15 =	simm.s32 $0x1B300;
	[sflag:s9] =	ssyncadd.s32 $0xFFFFFC00  }
0x1d8: {  	v4 =	vor.u32 $0x4000, v3;
	v2 =	vld [tilespmem:s15+$0xFFFFF000];
	_ =	sdelay $0x4  }
0x1d9: {  	[tilespmem:v4+s30+$0x0] =	vst.idx.msk $0xffff, v2  }
0x1da: {  	v4 =	vor.u32 $0x4001, v3;
	v2 =	vld [tilespmem:s15+$0xFFFFF800];
	_ =	sdelay $0x4  }
0x1db: {  	[tilespmem:v4+s30+$0x0] =	vst.idx.msk $0xffff, v2  }
0x1dc: {  	v3 =	vor.u32 $0x4002, v3;
	v2 =	vld [tilespmem:s15+$0x0];
	_ =	sdelay $0x1  }
0x1dd: {  	s7 =	simm.s32 $0x10  }
0x1de: {  	v4 =	vmov s7;
	s7 =	simm.s32 $0x20  }
.LBB2_20:
0x1df: {  	p0 =	sne.s32 s7, $0x3F0;
	v4 =	vshll.u32 v4, $0x4  }
0x1e0: {  	s15 =	sadd.s32 $0x10, s15;
	v4 =	vor.u32 v1, v4;
	[tilespmem:v3+s30+$0x0] =	vst.idx.msk $0xffff, v2  }
0x1e1: {  	v2 =	vld [tilespmem:s15+$0xFFFFF000];
	v3 =	vor.u32 $0x4000, v4;
	_ =	sdelay $0x4  }
0x1e2: {  	[tilespmem:v3+s30+$0x0] =	vst.idx.msk $0xffff, v2  }
0x1e3: {  	v3 =	vor.u32 $0x4001, v4;
	v2 =	vld [tilespmem:s15+$0xFFFFF800];
	_ =	sdelay $0x4  }
.Ltmp9:
0x1e4: {  	[tilespmem:v3+s30+$0x0] =	vst.idx.msk $0xffff, v2;
	(pc) =	sbr.rel @p0 .LBB2_20-.Ltmp9, $2  }
0x1e5: {  	v3 =	vor.u32 $0x4002, v4;
	v2 =	vld [tilespmem:s15+$0x0];
	_ =	sdelay $0x2  }
0x1e6: {  	v4 =	vmov s7;
	s7 =	sadd.s32 $0x10, s7  }
0x1e7: {  	_ =	sdelay $0x2  }
0x1e8: {  	v4 =	vshll.u32 v4, $0x4  }
0x1e9: {  	s7 =	sadd.s32 $0x10, s15;
	v4 =	vor.u32 v1, v4;
	[tilespmem:v3+s30+$0x0] =	vst.idx.msk $0xffff, v2  }
0x1ea: {  	v2 =	vld [tilespmem:s7+$0xFFFFF000];
	v3 =	vor.u32 $0x4000, v4;
	_ =	sdelay $0x4  }
0x1eb: {  	[tilespmem:v3+s30+$0x0] =	vst.idx.msk $0xffff, v2  }
0x1ec: {  	v3 =	vor.u32 $0x4001, v4;
	v2 =	vld [tilespmem:s7+$0xFFFFF800];
	_ =	sdelay $0x4  }
0x1ed: {  	[tilespmem:v3+s30+$0x0] =	vst.idx.msk $0xffff, v2  }
0x1ee: {  	v3 =	vor.u32 $0x4002, v4;
	v2 =	vld [tilespmem:s7+$0x0];
	_ =	sdelay $0x4  }
0x1ef: {  	s15 =	simm.s32 $0x4400;
	[tilespmem:v3+s30+$0x0] =	vst.idx.msk $0xffff, v2  }
0x1f0: {  	[spmem:s3] =	stream.indirect.scatter.add.f32 [tilespmem:s10], [sflag:$0x8], $0x10, s15, s18, $0xb8;
	[tilespmem:$0x1DE80] =	vst v63  }
0x1f1: {  	_ =	swait.ge [sflag:s11], $0x4000  }
0x1f2: {  	[sflag:s11] =	ssyncset.done $0x0  }
0x1f3: {  	[sflag:s11] =	ssyncadd.s32 $0xFFFFC000  }
0x1f4: {  	_ =	swait.ge [sflag:s12], $0x4000  }
0x1f5: {  	[sflag:s12] =	ssyncset.done $0x0  }
0x1f6: {  	s15 =	simm.s32 $0x2400;
	[sflag:s12] =	ssyncadd.s32 $0xFFFFC000  }
0x1f7: {  	[tilespmem:s22], [sflag:$0x2] =	stream.indirect.gather [spmem:s28], $0x10, s15, s18, $0xb8;
	[tilespmem:$0x1DE80] =	vst v63  }
0x1f8: {  	s15 =	sld [smem:$0x7F3];
	_ =	sdelay $0x1  }
0x1f9: {  	s7 =	simm.s32 $0x0  }
0x1fa: {  	[tilespmem:s23], [sflag:$0x6] =	stream.linear.gather [hbm4b:s15+s7], $0x400, $0x38;
	[tilespmem:$0x1DE80] =	vst v63  }
0x1fb: {  	s15 =	sld [smem:$0x7F4];
	_ =	sdelay $0x2  }
0x1fc: {  	[tilespmem:s24], [sflag:$0x6] =	stream.linear.gather [hbm4b:s15+s7], $0x400, $0x38;
	[tilespmem:$0x1DE80] =	vst v63  }
0x1fd: {  	s15 =	sld [smem:$0x7F5];
	_ =	sdelay $0x2  }
0x1fe: {  	[tilespmem:s25], [sflag:$0x6] =	stream.linear.gather [hbm4b:s15+s7], $0x400, $0x38;
	[tilespmem:$0x1DE80] =	vst v63  }
0x1ff: {  	_ =	swait.ge [sflag:s26], $0x4000  }
0x200: {  	[sflag:s26] =	ssyncset.done $0x0  }
0x201: {  	s15 =	simm.s32 $0x4800;
	[sflag:s26] =	ssyncadd.s32 $0xFFFFC000  }
0x202: {  	[spmem:s29] =	stream.indirect.scatter.add.f32 [tilespmem:s19], [sflag:$0x3], $0x10, s15, s18, $0xb8;
	[tilespmem:$0x1DE80] =	vst v63  }
0x203: {  	_ =	swait.ge [sflag:s31], $0x400  }
0x204: {  	[sflag:s31] =	ssyncset.done $0x0  }
0x205: {  	[sflag:s31] =	ssyncadd.s32 $0xFFFFFC00  }
0x206: {  	_ =	swait.ge [sflag:s31], $0x400  }
0x207: {  	[sflag:s31] =	ssyncset.done $0x0  }
0x208: {  	[sflag:s31] =	ssyncadd.s32 $0xFFFFFC00  }
0x209: {  	_ =	swait.ge [sflag:s31], $0x400  }
0x20a: {  	v2 =	vmov s7;
	[sflag:s31] =	ssyncset.done $0x0  }
0x20b: {  	v2 =	vshll.u32 v2, $0x4;
	s15 =	simm.s32 $0x1AF00;
	[sflag:s31] =	ssyncadd.s32 $0xFFFFFC00  }
0x20c: {  	v4 =	vor.u32 v1, v2;
	v3 =	vld [tilespmem:s15+$0xFFFFF000];
	_ =	sdelay $0x4  }
0x20d: {  	[tilespmem:v4+s30+$0x0] =	vst.idx.msk $0xffff, v3  }
0x20e: {  	v3 =	vor.u32 $0x1, v4;
	v2 =	vld [tilespmem:s15+$0xFFFFF800];
	_ =	sdelay $0x4  }
0x20f: {  	[tilespmem:v3+s30+$0x0] =	vst.idx.msk $0xffff, v2  }
0x210: {  	v3 =	vor.u32 $0x2, v4;
	v2 =	vld [tilespmem:s15+$0x0];
	_ =	sdelay $0x2  }
0x211: {  	s7 =	simm.s32 $0x10  }
0x212: {  	v4 =	vmov s7;
	s7 =	simm.s32 $0x20  }
.LBB2_22:
0x213: {  	p0 =	sne.s32 s7, $0x3F0;
	v4 =	vshll.u32 v4, $0x4;
	[tilespmem:v3+s30+$0x0] =	vst.idx.msk $0xffff, v2;
	s15 =	sadd.s32 $0x10, s15  }
0x214: {  	v2 =	vld [tilespmem:s15+$0xFFFFF000];
	v3 =	vor.u32 v1, v4;
	_ =	sdelay $0x4  }
0x215: {  	[tilespmem:v3+s30+$0x0] =	vst.idx.msk $0xffff, v2  }
0x216: {  	v4 =	vor.u32 $0x1, v3;
	v2 =	vld [tilespmem:s15+$0xFFFFF800];
	_ =	sdelay $0x4  }
0x217: {  	[tilespmem:v4+s30+$0x0] =	vst.idx.msk $0xffff, v2  }
.Ltmp10:
0x218: {  	v3 =	vor.u32 $0x2, v3;
	v2 =	vld [tilespmem:s15+$0x0];
	(pc) =	sbr.rel @p0 .LBB2_22-.Ltmp10, $2  }
0x219: {  	_ =	sdelay $0x2  }
0x21a: {  	v4 =	vmov s7;
	s7 =	sadd.s32 $0x10, s7  }
0x21b: {  	_ =	sdelay $0x3  }
0x21c: {  	v4 =	vshll.u32 v4, $0x4;
	[tilespmem:v3+s30+$0x0] =	vst.idx.msk $0xffff, v2;
	s7 =	sadd.s32 $0x10, s15  }
0x21d: {  	v2 =	vld [tilespmem:s7+$0xFFFFF000];
	v3 =	vor.u32 v1, v4;
	_ =	sdelay $0x4  }
0x21e: {  	[tilespmem:v3+s30+$0x0] =	vst.idx.msk $0xffff, v2  }
0x21f: {  	v4 =	vor.u32 $0x1, v3;
	v2 =	vld [tilespmem:s7+$0xFFFFF800];
	_ =	sdelay $0x4  }
0x220: {  	[tilespmem:v4+s30+$0x0] =	vst.idx.msk $0xffff, v2  }
0x221: {  	v3 =	vor.u32 $0x2, v3;
	v2 =	vld [tilespmem:s7+$0x0];
	_ =	sdelay $0x4  }
0x222: {  	s15 =	simm.s32 $0x4800;
	[tilespmem:v3+s30+$0x0] =	vst.idx.msk $0xffff, v2  }
0x223: {  	[spmem:s3] =	stream.indirect.scatter.add.f32 [tilespmem:s30], [sflag:$0x7], $0x10, s15, s18, $0xb8;
	[tilespmem:$0x1DE80] =	vst v63  }
0x224: {  	_ =	swait.ge [sflag:s5], $0x4000  }
0x225: {  	[sflag:s5] =	ssyncset.done $0x0  }
0x226: {  	s15 =	simm.s32 $0x4C00;
	[sflag:s5] =	ssyncadd.s32 $0xFFFFC000  }
0x227: {  	[spmem:s29] =	stream.indirect.scatter.add.f32 [tilespmem:s22], [sflag:$0x4], $0x10, s15, s18, $0xb8;
	[tilespmem:$0x1DE80] =	vst v63  }
0x228: {  	_ =	swait.ge [sflag:s9], $0x400  }
0x229: {  	[sflag:s9] =	ssyncset.done $0x0  }
0x22a: {  	[sflag:s9] =	ssyncadd.s32 $0xFFFFFC00  }
0x22b: {  	_ =	swait.ge [sflag:s9], $0x400  }
0x22c: {  	[sflag:s9] =	ssyncset.done $0x0  }
0x22d: {  	s15 =	simm.s32 $0x0;
	[sflag:s9] =	ssyncadd.s32 $0xFFFFFC00  }
0x22e: {  	v2 =	vmov s15;
	_ =	swait.ge [sflag:s9], $0x400  }
0x22f: {  	v2 =	vshll.u32 v2, $0x4;
	[sflag:s9] =	ssyncset.done $0x0  }
0x230: {  	s15 =	simm.s32 $0x1B300;
	v3 =	vor.u32 v1, v2;
	[sflag:s9] =	ssyncadd.s32 $0xFFFFFC00  }
0x231: {  	v4 =	vor.u32 $0x4000, v3;
	v2 =	vld [tilespmem:s15+$0xFFFFF000];
	_ =	sdelay $0x4  }
0x232: {  	[tilespmem:v4+s30+$0x0] =	vst.idx.msk $0xffff, v2  }
0x233: {  	v4 =	vor.u32 $0x4001, v3;
	v2 =	vld [tilespmem:s15+$0xFFFFF800];
	_ =	sdelay $0x4  }
0x234: {  	[tilespmem:v4+s30+$0x0] =	vst.idx.msk $0xffff, v2  }
0x235: {  	v3 =	vor.u32 $0x4002, v3;
	v2 =	vld [tilespmem:s15+$0x0];
	_ =	sdelay $0x1  }
0x236: {  	s7 =	simm.s32 $0x10  }
0x237: {  	v4 =	vmov s7;
	s7 =	simm.s32 $0x20  }
.LBB2_24:
0x238: {  	p0 =	sne.s32 s7, $0x3F0;
	v4 =	vshll.u32 v4, $0x4  }
0x239: {  	s15 =	sadd.s32 $0x10, s15;
	v4 =	vor.u32 v1, v4;
	[tilespmem:v3+s30+$0x0] =	vst.idx.msk $0xffff, v2  }
0x23a: {  	v2 =	vld [tilespmem:s15+$0xFFFFF000];
	v3 =	vor.u32 $0x4000, v4;
	_ =	sdelay $0x4  }
0x23b: {  	[tilespmem:v3+s30+$0x0] =	vst.idx.msk $0xffff, v2  }
0x23c: {  	v3 =	vor.u32 $0x4001, v4;
	v2 =	vld [tilespmem:s15+$0xFFFFF800];
	_ =	sdelay $0x4  }
.Ltmp11:
0x23d: {  	[tilespmem:v3+s30+$0x0] =	vst.idx.msk $0xffff, v2;
	(pc) =	sbr.rel @p0 .LBB2_24-.Ltmp11, $2  }
0x23e: {  	v3 =	vor.u32 $0x4002, v4;
	v2 =	vld [tilespmem:s15+$0x0];
	_ =	sdelay $0x2  }
0x23f: {  	v4 =	vmov s7;
	s7 =	sadd.s32 $0x10, s7  }
0x240: {  	_ =	sdelay $0x2  }
0x241: {  	v4 =	vshll.u32 v4, $0x4  }
0x242: {  	s7 =	sadd.s32 $0x10, s15;
	v4 =	vor.u32 v1, v4;
	[tilespmem:v3+s30+$0x0] =	vst.idx.msk $0xffff, v2  }
0x243: {  	v2 =	vld [tilespmem:s7+$0xFFFFF000];
	v3 =	vor.u32 $0x4000, v4;
	_ =	sdelay $0x4  }
0x244: {  	[tilespmem:v3+s30+$0x0] =	vst.idx.msk $0xffff, v2  }
0x245: {  	v3 =	vor.u32 $0x4001, v4;
	v2 =	vld [tilespmem:s7+$0xFFFFF800];
	_ =	sdelay $0x4  }
0x246: {  	[tilespmem:v3+s30+$0x0] =	vst.idx.msk $0xffff, v2  }
0x247: {  	v3 =	vor.u32 $0x4002, v4;
	v2 =	vld [tilespmem:s7+$0x0];
	_ =	sdelay $0x4  }
0x248: {  	s15 =	simm.s32 $0x4C00;
	[tilespmem:v3+s30+$0x0] =	vst.idx.msk $0xffff, v2  }
0x249: {  	[spmem:s3] =	stream.indirect.scatter.add.f32 [tilespmem:s10], [sflag:$0x8], $0x10, s15, s18, $0xb8;
	[tilespmem:$0x1DE80] =	vst v63  }
0x24a: {  	_ =	swait.ge [sflag:s0], $0x4000  }
0x24b: {  	[sflag:s0] =	ssyncset.done $0x0  }
0x24c: {  	[sflag:s0] =	ssyncadd.s32 $0xFFFFC000  }
0x24d: {  	_ =	swait.ge [sflag:s2], $0x4000  }
0x24e: {  	[sflag:s2] =	ssyncset.done $0x0  }
0x24f: {  	[sflag:s2] =	ssyncadd.s32 $0xFFFFC000  }
0x250: {  	_ =	swait.ge [sflag:s11], $0x4000  }
0x251: {  	[sflag:s11] =	ssyncset.done $0x0  }
0x252: {  	[sflag:s11] =	ssyncadd.s32 $0xFFFFC000  }
0x253: {  	_ =	swait.ge [sflag:s12], $0x4000  }
0x254: {  	[sflag:s12] =	ssyncset.done $0x0  }
0x255: {  	[sflag:s12] =	ssyncadd.s32 $0xFFFFC000  }
0x256: {  	[bflag:$0x0] =	sbarrier.arrive $0xFFFF  }
0x257: {  	s15 =	sld [smem:$0x7FA];
	_ =	sdelay $0x2  }
0x258: {  	[hbm:s15], [sflag:s6] =	dma.local [spmem:s13], $0x4F0  }
0x259: {  	_ =	swait.ge [sflag:s16], $0x4F0  }
0x25a: {  	s13 =	sld [smem:$0x7FB]  }
0x25b: {  	[sflag:s16] =	ssyncset.done $0x0  }
0x25c: {  	[sflag:s16] =	ssyncadd.s32 $0xFFFFFB10  }
0x25d: {  	[hbm:s13], [sflag:s6] =	dma.local [spmem:s14], $0x4F0  }
0x25e: {  	_ =	swait.ge [sflag:s16], $0x4F0  }
0x25f: {  	s15 =	sld [smem:$0x7FC];
	_ =	sdelay $0x1  }
0x260: {  	s1 =	sadd.s32 $0x1, s1  }
0x261: {  	p0 =	sne.s32 s1, s15  }
.Ltmp12:
0x262: {  	_ = 	snop;
	(pc) =	sbr.rel @p0 .LBB2_1-.Ltmp12, $3  }
0x263: {  	_ =	sdelay $0x1  }
0x264: {  	[sflag:s16] =	ssyncset.done $0x0  }
0x265: {  	[sflag:s16] =	ssyncadd.s32 $0xFFFFFB10  }
0x266: {  	_ =	sfence.sel $0x180000  }
0x267: {  	[bflag:$0x0] =	sbarrier.arrive $0xFFFF  }
0x268: {  	_ =	strace $0x90000047  }
0x269: {  	s0 =	stileid.u32;
	[bflag:$0x2] =	sbarrier.arrive $0xFFFF  }
0x26a: {  	p0 =	sne.s32 s0, $0x0;
	s0 =	rddreg [dreg:$0x5]  }
0x26b: {  	s0 =	sadd.s32 @!p0 $0x100000, s0  }
0x26c: {  	[sflag:s0] =	ssyncadd.tile.s32 @!p0 $0x1;
	_ =	shalt  }
.Lfunc_end2:
_tile_overlayer_lowered:
.L_overlay_start_2:
0x26d: {  	(tag) =	ssettag $0x2  }
0x26e: {  	s0 =	rddreg [dreg:$0x0];
	s2 =	stileid.u32  }
0x26f: {  	s1 =	rddreg [dreg:$0x1];
	p0 =	sne.s32 s2, $0x0  }
0x270: {  	s3 =	rddreg [dreg:$0x2];
	[bflag:$0x3] =	sbarrier.arrive $0xFFFF;
	s2 =	simm.s32 @!p0 $0x1C09  }
0x271: {  	[timem:s3], [sflag:s2] =	dma.local @!p0 [hbm:s0], s1  }
0x272: {  	s0 =	simm.s32 @!p0 $0x9  }
0x273: {  	_ =	swait.ge @!p0 [sflag:s0], s1  }
0x274: {  	s1 =	ssub.s32 @!p0 $0x0, s1;
	[sflag:s0] =	ssyncset.done @!p0 $0x0  }
0x275: {  	[sflag:s0] =	ssyncadd.s32 @!p0 s1  }
0x276: {  	[bflag:$0x3] =	sbarrier.arrive $0xFFFF  }
0x277: {  	_ =	shalt  }

</sc_bundles>
